<compile_context>
chip_gen: v7x
topology: tpu7x:2x2x1
jax: 0.10.2.dev20260603
libtpu: 0.0.44.dev20260713+nightly
codegen_flags: <defaults>
</compile_context>

<pallas_src>
import functools

import jax
import jax.numpy as jnp
from jax import lax
from jax.experimental import pallas as pl
from jax.experimental.pallas import tpu as pltpu
from jax.experimental.pallas import tpu_sc as plsc

N_CORES = 2
N_SUBCORES = 16
NW = N_CORES * N_SUBCORES
LANES = 16
CHUNK = 128
BATCH = 16
_AGG_SPLIT = (9, 1)


def _pad_edges(src, dst, sink):
    e = src.shape[0]
    unit = NW * BATCH * CHUNK
    e_pad = -(-e // unit) * unit
    if e_pad != e:
        src = jnp.concatenate(
            [src, jnp.zeros((e_pad - e,), jnp.int32)])
        dst = jnp.concatenate(
            [dst, jnp.full((e_pad - e,), sink, jnp.int32)])
    return src.reshape(-1, CHUNK), dst.reshape(-1, CHUNK)


def _acc_rows(n_nodes):
    return -(-(n_nodes + 1) // (N_SUBCORES * 128)) * (N_SUBCORES * 128)


@functools.lru_cache(maxsize=None)
def _make_agg(n_nodes, n_chunks, d, split=None, with_counts=False):
    assert n_chunks % (NW * BATCH) == 0
    n_batches = n_chunks // (NW * BATCH)
    b0, b1 = split if split is not None else (n_batches, n_batches)
    assert b0 + b1 == 2 * n_batches
    n_acc = _acc_rows(n_nodes)
    rps = n_acc // N_SUBCORES
    zb = 32
    assert rps % zb == 0

    mesh = plsc.VectorSubcoreMesh(core_axis_name="c", subcore_axis_name="s")

    out_type = jax.ShapeDtypeStruct((N_CORES, n_acc, d), jnp.float32)
    if with_counts:
        out_type = [out_type,
                    jax.ShapeDtypeStruct((N_CORES * n_acc,), jnp.float32)]
    scratch = [
        pltpu.VMEM_SHARED((n_acc, d), jnp.float32),
        pltpu.VMEM((BATCH, CHUNK), jnp.int32),
        pltpu.VMEM((BATCH, CHUNK), jnp.int32),
        pltpu.VMEM((CHUNK, d), jnp.float32),
        pltpu.VMEM((CHUNK, d), jnp.float32),
        pltpu.VMEM((zb, d), jnp.float32),
        pltpu.SemaphoreType.DMA,
        pltpu.SemaphoreType.DMA,
        pltpu.SemaphoreType.DMA,
        pltpu.SemaphoreType.DMA,
    ]
    if with_counts:
        scratch += [
            pltpu.VMEM_SHARED((n_acc,), jnp.float32),
            pltpu.VMEM((CHUNK,), jnp.float32),
            pltpu.SemaphoreType.DMA,
        ]

    def body(x_hbm, src_hbm, dst_hbm, *refs):
        if with_counts:
            (sum_hbm, cnt_hbm, acc_sh, srcb_v, dstb_v, rows0_v, rows1_v,
             zrow_v, gsem0, gsem1, ssem0, ssem1, cnt_sh, ones_v, csem) = refs
        else:
            (sum_hbm, acc_sh, srcb_v, dstb_v, rows0_v, rows1_v,
             zrow_v, gsem0, gsem1, ssem0, ssem1) = refs
        cid = lax.axis_index("c")
        sid = lax.axis_index("s")
        wid = cid * N_SUBCORES + sid
        r0 = sid * rps
        rows = (rows0_v, rows1_v)
        gsem = (gsem0, gsem1)
        ssem = (ssem0, ssem1)

        @pl.loop(0, zb)
        def _(r):
            @pl.loop(0, d, step=LANES)
            def _(c):
                zrow_v[r, pl.ds(c, LANES)] = jnp.zeros((LANES,), jnp.float32)

        @pl.loop(0, rps, step=zb)
        def _(rr):
            pltpu.sync_copy(zrow_v, acc_sh.at[pl.ds(r0 + rr, zb)])

        if with_counts:
            @pl.loop(0, CHUNK, step=LANES)
            def _(r):
                ones_v[pl.ds(r, LANES)] = jnp.zeros((LANES,), jnp.float32)

            @pl.loop(0, rps, step=CHUNK)
            def _(rr):
                pltpu.sync_copy(ones_v, cnt_sh.at[pl.ds(r0 + rr, CHUNK)])

            @pl.loop(0, CHUNK, step=LANES)
            def _(r):
                ones_v[pl.ds(r, LANES)] = jnp.ones((LANES,), jnp.float32)

        plsc.subcore_barrier()

        nb = jnp.where(cid == 0, b0, b1)
        chunk0 = jnp.where(cid == 0, sid * b0,
                           N_SUBCORES * b0 + sid * b1) * BATCH

        @pl.loop(0, nb)
        def _(t):
            cbase = chunk0 + t * BATCH
            pltpu.sync_copy(src_hbm.at[pl.ds(cbase, BATCH)], srcb_v)
            pltpu.sync_copy(dst_hbm.at[pl.ds(cbase, BATCH)], dstb_v)
            ga = [
                pltpu.async_copy(x_hbm.at[srcb_v.at[0]], rows[0], gsem[0]),
                pltpu.async_copy(x_hbm.at[srcb_v.at[1]], rows[1], gsem[1]),
            ]
            sc = [None, None]
            cc = []
            for j in range(BATCH):
                b = j % 2
                ga[b].wait()
                sc[b] = pltpu.async_copy(rows[b], acc_sh.at[dstb_v.at[j]],
                                         ssem[b], add=True)
                if with_counts:
                    cc.append(pltpu.async_copy(
                        ones_v, cnt_sh.at[dstb_v.at[j]], csem, add=True))
                if 1 <= j < BATCH - 1:
                    sc[1 - b].wait()
                    ga[1 - b] = pltpu.async_copy(
                        x_hbm.at[srcb_v.at[j + 1]], rows[1 - b], gsem[1 - b])
            sc[0].wait()
            sc[1].wait()
            for h in cc:
                h.wait()

        plsc.subcore_barrier()

        pltpu.sync_copy(acc_sh.at[pl.ds(r0, rps)],
                        sum_hbm.at[cid, pl.ds(r0, rps)])
        if with_counts:
            pltpu.sync_copy(cnt_sh.at[pl.ds(r0, rps)],
                            cnt_hbm.at[pl.ds(cid * n_acc + r0, rps)])

    return pl.kernel(body, out_type=out_type, mesh=mesh,
                     scratch_types=scratch)


@functools.lru_cache(maxsize=None)
def _make_layer(n_acc, d, relu, bn):
    assert n_acc % bn == 0
    grid = (n_acc // bn,)

    def body(s_ref, c_ref, x_ref, wl_ref, wr_ref, b_ref, o_ref):
        s = s_ref[0] + s_ref[1]
        cnt = c_ref[:, 0:1] + c_ref[:, 1:2]
        mean = s / jnp.maximum(cnt, 1.0)
        acc = jnp.dot(mean, wl_ref[...], preferred_element_type=jnp.float32)
        acc = acc + jnp.dot(x_ref[...], wr_ref[...],
                            preferred_element_type=jnp.float32)
        acc = acc + b_ref[...]
        if relu:
            acc = jnp.maximum(acc, 0.0)
        o_ref[...] = acc

    return pl.pallas_call(
        body,
        grid=grid,
        in_specs=[
            pl.BlockSpec((N_CORES, bn, d), lambda i: (0, i, 0)),
            pl.BlockSpec((bn, N_CORES), lambda i: (i, 0)),
            pl.BlockSpec((bn, d), lambda i: (i, 0)),
            pl.BlockSpec((d, d), lambda i: (0, 0)),
            pl.BlockSpec((d, d), lambda i: (0, 0)),
            pl.BlockSpec((1, d), lambda i: (0, 0)),
        ],
        out_specs=pl.BlockSpec((bn, d), lambda i: (i, 0)),
        out_shape=jax.ShapeDtypeStruct((n_acc, d), jnp.float32),
    )


def kernel(x, edge_index, W1_l, b1_l, W1_r, b1_r, W2_l, b2_l, W2_r, b2_r):
    n, d = x.shape
    src = edge_index[0].astype(jnp.int32)
    dst = edge_index[1].astype(jnp.int32)
    n_acc = _acc_rows(n)
    src2d, dst2d = _pad_edges(src, dst, n)
    n_chunks = src2d.shape[0]
    x_p = jnp.pad(x, ((0, n_acc - n), (0, 0)))

    agg = _make_agg(n, n_chunks, d, _AGG_SPLIT)
    sums1, cnts = _make_agg(n, n_chunks, d, _AGG_SPLIT, True)(
        x, src2d, dst2d)
    cpair = cnts.reshape(N_CORES, n_acc).T
    h = _make_layer(n_acc, d, True, 1024)(
        sums1, cpair, x_p, W1_l, W1_r, (b1_l + b1_r).reshape(1, d))
    sums2 = agg(h, src2d, dst2d)
    out = _make_layer(n_acc, d, False, 1024)(
        sums2, cpair, h, W2_l, W2_r, (b2_l + b2_r).reshape(1, d))
    return out[:n]

# --- scband reference (transcript-rebuilt; emitter-appended) ---
"""Pipeline reference for scband-graph-sage-56100862820583 (READ-ONLY COPY).

The authoritative reference and input builder live on the scoring server;
editing this copy changes nothing except your own understanding.
"""

import jax, jax.numpy as jnp
import numpy as np

N_NODES = 10000
N_EDGES = 320000
D_IN = 128
D_HID = 128
D_OUT = 128


def setup_inputs(seed: int = 0) -> dict:
    key = jax.random.key(seed)
    ks = jax.random.split(key, 12)
    x = jax.random.normal(ks[0], (N_NODES, D_IN), dtype=jnp.float32)
    edge_index = jax.random.randint(ks[1], (2, N_EDGES), 0, N_NODES, dtype=jnp.int64 if jax.config.jax_enable_x64 else jnp.int32)
    s = 1.0 / np.sqrt(D_IN)
    W1_l = jax.random.uniform(ks[2], (D_IN, D_HID), minval=-s, maxval=s, dtype=jnp.float32)
    b1_l = jax.random.uniform(ks[3], (D_HID,), minval=-s, maxval=s, dtype=jnp.float32)
    W1_r = jax.random.uniform(ks[4], (D_IN, D_HID), minval=-s, maxval=s, dtype=jnp.float32)
    b1_r = jax.random.uniform(ks[5], (D_HID,), minval=-s, maxval=s, dtype=jnp.float32)
    s2 = 1.0 / np.sqrt(D_HID)
    W2_l = jax.random.uniform(ks[6], (D_HID, D_OUT), minval=-s2, maxval=s2, dtype=jnp.float32)
    b2_l = jax.random.uniform(ks[7], (D_OUT,), minval=-s2, maxval=s2, dtype=jnp.float32)
    W2_r = jax.random.uniform(ks[8], (D_HID, D_OUT), minval=-s2, maxval=s2, dtype=jnp.float32)
    b2_r = jax.random.uniform(ks[9], (D_OUT,), minval=-s2, maxval=s2, dtype=jnp.float32)
    return {"x": x, "edge_index": edge_index, "W1_l": W1_l, "b1_l": b1_l, "W1_r": W1_r, "b1_r": b1_r, "W2_l": W2_l, "b2_l": b2_l, "W2_r": W2_r, "b2_r": b2_r}


def _sage_conv(x, src, dst, W_l, b_l, W_r, b_r):
    # mean aggregation over incoming edges (messages from src gathered, scattered to dst)
    msgs = jnp.take(x, src, axis=0)
    summed = jax.ops.segment_sum(msgs, dst, num_segments=N_NODES)
    counts = jax.ops.segment_sum(jnp.ones((msgs.shape[0],), dtype=x.dtype), dst, num_segments=N_NODES)
    mean = summed / jnp.clip(counts, 1.0, None)[:, None]
    return mean @ W_l + b_l + x @ W_r + b_r


def reference(x, edge_index, W1_l, b1_l, W1_r, b1_r, W2_l, b2_l, W2_r, b2_r):
    src = edge_index[0]
    dst = edge_index[1]
    h = _sage_conv(x, src, dst, W1_l, b1_l, W1_r, b1_r)
    h = jax.nn.relu(h)
    # dropout is identity in eval mode
    out = _sage_conv(h, src, dst, W2_l, b2_l, W2_r, b2_r)
    return out

if __name__ == "__main__":
    import jax
    _d = setup_inputs()
    print(jax.jit(kernel)(*tuple(_d.values())))

</pallas_src>

<mosaic_0001>
#map = affine_map<(d0, d1) -> (0, 0)>
#map1 = affine_map<(d0, d1) -> (0, 0, 0)>
#map2 = affine_map<(d0, d1) -> (0)>
module attributes {stable_mosaic.version = 14 : i64} {
  func.func @body(%arg0: i32, %arg1: i32, %arg2: memref<10000x128xf32, #tpu.memory_space<hbm>>, %arg3: memref<2560x128xi32, #tpu.memory_space<hbm>>, %arg4: memref<2560x128xi32, #tpu.memory_space<hbm>>, %arg5: memref<2x10240x128xf32, #tpu.memory_space<hbm>>, %arg6: memref<20480xf32, #tpu.memory_space<hbm>>, %arg7: memref<10240x128xf32, #tpu.memory_space<vmem_shared>>, %arg8: memref<16x128xi32, #tpu.memory_space<vmem>>, %arg9: memref<16x128xi32, #tpu.memory_space<vmem>>, %arg10: memref<128x128xf32, #tpu.memory_space<vmem>>, %arg11: memref<128x128xf32, #tpu.memory_space<vmem>>, %arg12: memref<32x128xf32, #tpu.memory_space<vmem>>, %arg13: memref<!tpu.dma_semaphore, #tpu.memory_space<semaphore_mem>>, %arg14: memref<!tpu.dma_semaphore, #tpu.memory_space<semaphore_mem>>, %arg15: memref<!tpu.dma_semaphore, #tpu.memory_space<semaphore_mem>>, %arg16: memref<!tpu.dma_semaphore, #tpu.memory_space<semaphore_mem>>, %arg17: memref<10240xf32, #tpu.memory_space<vmem_shared>>, %arg18: memref<128xf32, #tpu.memory_space<vmem>>, %arg19: memref<!tpu.dma_semaphore, #tpu.memory_space<semaphore_mem>>) attributes {dimension_semantics = [#tpu.dimension_semantics<core_parallel>, #tpu.dimension_semantics<subcore_parallel>], iteration_bounds = array<i64: 2, 16>, scalar_prefetch = 0 : i64, scratch_operands = 13 : i64, tpu.core_type = #tpu.core_type<sc_vector_subcore>, window_params = [{transform_indices = #map}, {transform_indices = #map}, {transform_indices = #map}, {transform_indices = #map1}, {transform_indices = #map2}]} {
    %mul3A = arith.constant 16 : i32
    %mul3A_0 = arith.muli %arg0, %mul3A : i32
    %add3A = arith.addi %mul3A_0, %arg1 : i32
    %mul3A_1 = arith.constant 640 : i32
    %mul3A_2 = arith.muli %arg1, %mul3A_1 : i32
    %scan3A = arith.constant 0 : i32
    %scan3A_3 = arith.constant 32 : i32
    %scan3A_4 = arith.addi %scan3A, %scan3A_3 : i32
    %scan3A_5 = arith.constant 1 : i32
    scf.for %scan3A_60 = %scan3A to %scan3A_4 step %scan3A_5  : i32 {
      %mul3A_61 = arith.constant 1 : i32
      %mul3A_62 = arith.muli %scan3A_60, %mul3A_61 : i32
      %add3A_63 = arith.constant 0 : i32
      %add3A_64 = arith.addi %add3A_63, %mul3A_62 : i32
      %scan3A_65 = arith.constant 0 : i32
      %scan3A_66 = arith.constant 8 : i32
      %scan3A_67 = arith.addi %scan3A_65, %scan3A_66 : i32
      %scan3A_68 = arith.constant 1 : i32
      scf.for %scan3A_70 = %scan3A_65 to %scan3A_67 step %scan3A_68  : i32 {
        %mul3A_71 = arith.constant 16 : i32
        %mul3A_72 = arith.muli %scan3A_70, %mul3A_71 : i32
        %add3A_73 = arith.constant 0 : i32
        %add3A_74 = arith.addi %add3A_73, %mul3A_72 : i32
        %broadcast_in_dim3A = arith.constant 0.000000e+00 : f32
        %broadcast_in_dim3A_75 = vector.broadcast %broadcast_in_dim3A : f32 to vector<16xf32>
        %swap3A = arith.index_cast %add3A_64 : i32 to index
        %swap3A_76 = arith.index_cast %add3A_74 : i32 to index
        %swap3A_77 = tpu.vector_load %arg12[%swap3A, %swap3A_76] {strides = array<i32>} : memref<32x128xf32, #tpu.memory_space<vmem>>, vector<1x16xf32>,
        %swap3A_78 = vector.shape_cast %swap3A_77 : vector<1x16xf32> to vector<16xf32>
        %swap3A_79 = vector.shape_cast %broadcast_in_dim3A_75 : vector<16xf32> to vector<1x16xf32>
        tpu.vector_store %arg12[%swap3A, %swap3A_76], %swap3A_79 {strides = array<i32>} : memref<32x128xf32, #tpu.memory_space<vmem>>, vector<1x16xf32>,
      }
      %scan3A_69 = arith.constant 8 : i32
    }
    %scan3A_6 = arith.constant 32 : i32
    %scan3A_7 = arith.constant 0 : i32
    %scan3A_8 = arith.constant 20 : i32
    %scan3A_9 = arith.addi %scan3A_7, %scan3A_8 : i32
    %scan3A_10 = arith.constant 1 : i32
    scf.for %scan3A_60 = %scan3A_7 to %scan3A_9 step %scan3A_10  : i32 {
      %mul3A_61 = arith.constant 32 : i32
      %mul3A_62 = arith.muli %scan3A_60, %mul3A_61 : i32
      %add3A_63 = arith.constant 0 : i32
      %add3A_64 = arith.addi %add3A_63, %mul3A_62 : i32
      %add3A_65 = arith.addi %mul3A_2, %add3A_64 : i32
      "tpu.region"() ({
        %run_scoped3A = tpu.sem_alloc : memref<!tpu.dma_semaphore, #tpu.memory_space<semaphore_mem>>
        %dma_start3A = arith.constant 0 : i32
        %dma_start3A_66 = tpu.memref_slice %arg7[%add3A_65, %dma_start3A] : memref<10240x128xf32, #tpu.memory_space<vmem_shared>> -> memref<32x128xf32, #tpu.memory_space<vmem_shared>>
        %dma_start3A_67 = arith.constant 0 : i32
        %dma_start3A_68 = tpu.memref_slice %arg7[%add3A_65, %dma_start3A_67] : memref<10240x128xf32, #tpu.memory_space<vmem_shared>> -> memref<32x128xf32, #tpu.memory_space<vmem_shared>>
        tpu.enqueue_dma source(%arg12 : memref<32x128xf32, #tpu.memory_space<vmem>>) target(%dma_start3A_68 : memref<32x128xf32, #tpu.memory_space<vmem_shared>>) target_semaphore(%run_scoped3A : memref<!tpu.dma_semaphore, #tpu.memory_space<semaphore_mem>>)
        %dma_wait3A = arith.constant 0 : i32
        %dma_wait3A_69 = tpu.memref_slice %arg7[%add3A_65, %dma_wait3A] : memref<10240x128xf32, #tpu.memory_space<vmem_shared>> -> memref<32x128xf32, #tpu.memory_space<vmem_shared>>
        %dma_wait3A_70 = arith.constant 0 : i32
        %dma_wait3A_71 = tpu.memref_slice %arg7[%add3A_65, %dma_wait3A_70] : memref<10240x128xf32, #tpu.memory_space<vmem_shared>> -> memref<32x128xf32, #tpu.memory_space<vmem_shared>>
        tpu.wait_dma2 semaphore(%run_scoped3A : memref<!tpu.dma_semaphore, #tpu.memory_space<semaphore_mem>>) src(%arg12 : memref<32x128xf32, #tpu.memory_space<vmem>>) dst(%dma_wait3A_71 : memref<32x128xf32, #tpu.memory_space<vmem_shared>>)
        tpu.yield
      }) : () -> ()
    }
    %scan3A_11 = arith.constant 20 : i32
    %scan3A_12 = arith.constant 0 : i32
    %scan3A_13 = arith.constant 8 : i32
    %scan3A_14 = arith.addi %scan3A_12, %scan3A_13 : i32
    %scan3A_15 = arith.constant 1 : i32
    scf.for %scan3A_60 = %scan3A_12 to %scan3A_14 step %scan3A_15  : i32 {
      %mul3A_61 = arith.constant 16 : i32
      %mul3A_62 = arith.muli %scan3A_60, %mul3A_61 : i32
      %add3A_63 = arith.constant 0 : i32
      %add3A_64 = arith.addi %add3A_63, %mul3A_62 : i32
      %broadcast_in_dim3A = arith.constant 0.000000e+00 : f32
      %broadcast_in_dim3A_65 = vector.broadcast %broadcast_in_dim3A : f32 to vector<16xf32>
      %swap3A = arith.index_cast %add3A_64 : i32 to index
      %swap3A_66 = tpu.vector_load %arg18[%swap3A] {strides = array<i32>} : memref<128xf32, #tpu.memory_space<vmem>>, vector<16xf32>,
      %swap3A_67 = vector.shape_cast %swap3A_66 : vector<16xf32> to vector<16xf32>
      %swap3A_68 = vector.shape_cast %broadcast_in_dim3A_65 : vector<16xf32> to vector<16xf32>
      tpu.vector_store %arg18[%swap3A], %swap3A_68 {strides = array<i32>} : memref<128xf32, #tpu.memory_space<vmem>>, vector<16xf32>,
    }
    %scan3A_16 = arith.constant 8 : i32
    %scan3A_17 = arith.constant 0 : i32
    %scan3A_18 = arith.constant 5 : i32
    %scan3A_19 = arith.addi %scan3A_17, %scan3A_18 : i32
    %scan3A_20 = arith.constant 1 : i32
    scf.for %scan3A_60 = %scan3A_17 to %scan3A_19 step %scan3A_20  : i32 {
      %mul3A_61 = arith.constant 128 : i32
      %mul3A_62 = arith.muli %scan3A_60, %mul3A_61 : i32
      %add3A_63 = arith.constant 0 : i32
      %add3A_64 = arith.addi %add3A_63, %mul3A_62 : i32
      %add3A_65 = arith.addi %mul3A_2, %add3A_64 : i32
      "tpu.region"() ({
        %run_scoped3A = tpu.sem_alloc : memref<!tpu.dma_semaphore, #tpu.memory_space<semaphore_mem>>
        %dma_start3A = tpu.memref_slice %arg17[%add3A_65] : memref<10240xf32, #tpu.memory_space<vmem_shared>> -> memref<128xf32, #tpu.memory_space<vmem_shared>>
        %dma_start3A_66 = tpu.memref_slice %arg17[%add3A_65] : memref<10240xf32, #tpu.memory_space<vmem_shared>> -> memref<128xf32, #tpu.memory_space<vmem_shared>>
        tpu.enqueue_dma source(%arg18 : memref<128xf32, #tpu.memory_space<vmem>>) target(%dma_start3A_66 : memref<128xf32, #tpu.memory_space<vmem_shared>>) target_semaphore(%run_scoped3A : memref<!tpu.dma_semaphore, #tpu.memory_space<semaphore_mem>>)
        %dma_wait3A = tpu.memref_slice %arg17[%add3A_65] : memref<10240xf32, #tpu.memory_space<vmem_shared>> -> memref<128xf32, #tpu.memory_space<vmem_shared>>
        %dma_wait3A_67 = tpu.memref_slice %arg17[%add3A_65] : memref<10240xf32, #tpu.memory_space<vmem_shared>> -> memref<128xf32, #tpu.memory_space<vmem_shared>>
        tpu.wait_dma2 semaphore(%run_scoped3A : memref<!tpu.dma_semaphore, #tpu.memory_space<semaphore_mem>>) src(%arg18 : memref<128xf32, #tpu.memory_space<vmem>>) dst(%dma_wait3A_67 : memref<128xf32, #tpu.memory_space<vmem_shared>>)
        tpu.yield
      }) : () -> ()
    }
    %scan3A_21 = arith.constant 5 : i32
    %scan3A_22 = arith.constant 0 : i32
    %scan3A_23 = arith.constant 8 : i32
    %scan3A_24 = arith.addi %scan3A_22, %scan3A_23 : i32
    %scan3A_25 = arith.constant 1 : i32
    scf.for %scan3A_60 = %scan3A_22 to %scan3A_24 step %scan3A_25  : i32 {
      %mul3A_61 = arith.constant 16 : i32
      %mul3A_62 = arith.muli %scan3A_60, %mul3A_61 : i32
      %add3A_63 = arith.constant 0 : i32
      %add3A_64 = arith.addi %add3A_63, %mul3A_62 : i32
      %broadcast_in_dim3A = arith.constant 1.000000e+00 : f32
      %broadcast_in_dim3A_65 = vector.broadcast %broadcast_in_dim3A : f32 to vector<16xf32>
      %swap3A = arith.index_cast %add3A_64 : i32 to index
      %swap3A_66 = tpu.vector_load %arg18[%swap3A] {strides = array<i32>} : memref<128xf32, #tpu.memory_space<vmem>>, vector<16xf32>,
      %swap3A_67 = vector.shape_cast %swap3A_66 : vector<16xf32> to vector<16xf32>
      %swap3A_68 = vector.shape_cast %broadcast_in_dim3A_65 : vector<16xf32> to vector<16xf32>
      tpu.vector_store %arg18[%swap3A], %swap3A_68 {strides = array<i32>} : memref<128xf32, #tpu.memory_space<vmem>>, vector<16xf32>,
    }
    %scan3A_26 = arith.constant 8 : i32
    %barrier3A = arith.constant 0 : index
    tpu.barrier barrier_id(%barrier3A)
    %eq3A = arith.constant 0 : i32
    %eq3A_27 = arith.cmpi eq, %arg0, %eq3A : i32
    %jit3A = arith.constant 9 : i32
    %jit3A_28 = arith.constant 1 : i32
    %select_n3A = arith.select %eq3A_27, %jit3A, %jit3A_28 : i32
    %eq3A_29 = arith.constant 0 : i32
    %eq3A_30 = arith.cmpi eq, %arg0, %eq3A_29 : i32
    %mul3A_31 = arith.constant 9 : i32
    %mul3A_32 = arith.muli %arg1, %mul3A_31 : i32
    %mul3A_33 = arith.constant 1 : i32
    %mul3A_34 = arith.muli %arg1, %mul3A_33 : i32
    %add3A_35 = arith.constant 144 : i32
    %add3A_36 = arith.addi %add3A_35, %mul3A_34 : i32
    %select_n3A_37 = arith.select %eq3A_30, %mul3A_32, %add3A_36 : i32
    %mul3A_38 = arith.constant 16 : i32
    %mul3A_39 = arith.muli %select_n3A_37, %mul3A_38 : i32
    %sub3A = arith.constant 0 : i32
    %sub3A_40 = arith.subi %select_n3A, %sub3A : i32
    %sub3A_41 = arith.constant 1 : i32
    %sub3A_42 = arith.constant 1 : i32
    %sub3A_43 = arith.subi %sub3A_41, %sub3A_42 : i32
    %add3A_44 = arith.addi %sub3A_40, %sub3A_43 : i32
    %div3A = arith.constant 1 : i32
    %div3A_45 = arith.divsi %add3A_44, %div3A : i32
    %while3A = arith.constant 1 : i32
    %while3A_46 = arith.constant 0 : i32
    %while3A_47 = arith.constant 0 : i32
    %while3A_48 = arith.subi %div3A_45, %while3A_47 : i32
    %while3A_49 = arith.addi %while3A_47, %while3A_48 : i32
    %while3A_50 = arith.constant 1 : i32
    %while3A_51 = arith.divsi %while3A_48, %while3A_50 : i32
    %while3A_52 = arith.muli %while3A_51, %while3A_50 : i32
    %while3A_53 = arith.addi %while3A_47, %while3A_52 : i32
    %while3A_54 = arith.constant 1 : i32
    scf.for %while3A_60 = %while3A_47 to %while3A_53 step %while3A_54  : i32 {
      %mul3A_61 = arith.muli %while3A_60, %while3A : i32
      %add3A_62 = arith.addi %while3A_46, %mul3A_61 : i32
      %mul3A_63 = arith.constant 16 : i32
      %mul3A_64 = arith.muli %add3A_62, %mul3A_63 : i32
      %add3A_65 = arith.addi %mul3A_39, %mul3A_64 : i32
      "tpu.region"() ({
        %run_scoped3A = tpu.sem_alloc : memref<!tpu.dma_semaphore, #tpu.memory_space<semaphore_mem>>
        %dma_start3A_704 = arith.constant 0 : i32
        %dma_start3A_705 = tpu.memref_slice %arg3[%add3A_65, %dma_start3A_704] : memref<2560x128xi32, #tpu.memory_space<hbm>> -> memref<16x128xi32, #tpu.memory_space<hbm>>
        %dma_start3A_706 = arith.constant 0 : i32
        %dma_start3A_707 = tpu.memref_slice %arg3[%add3A_65, %dma_start3A_706] : memref<2560x128xi32, #tpu.memory_space<hbm>> -> memref<16x128xi32, #tpu.memory_space<hbm>>
        tpu.enqueue_dma source(%dma_start3A_707 : memref<16x128xi32, #tpu.memory_space<hbm>>) target(%arg8 : memref<16x128xi32, #tpu.memory_space<vmem>>) target_semaphore(%run_scoped3A : memref<!tpu.dma_semaphore, #tpu.memory_space<semaphore_mem>>)
        %dma_wait3A_708 = arith.constant 0 : i32
        %dma_wait3A_709 = tpu.memref_slice %arg3[%add3A_65, %dma_wait3A_708] : memref<2560x128xi32, #tpu.memory_space<hbm>> -> memref<16x128xi32, #tpu.memory_space<hbm>>
        %dma_wait3A_710 = arith.constant 0 : i32
        %dma_wait3A_711 = tpu.memref_slice %arg3[%add3A_65, %dma_wait3A_710] : memref<2560x128xi32, #tpu.memory_space<hbm>> -> memref<16x128xi32, #tpu.memory_space<hbm>>
        tpu.wait_dma2 semaphore(%run_scoped3A : memref<!tpu.dma_semaphore, #tpu.memory_space<semaphore_mem>>) src(%dma_wait3A_711 : memref<16x128xi32, #tpu.memory_space<hbm>>) dst(%arg8 : memref<16x128xi32, #tpu.memory_space<vmem>>)
        tpu.yield
      }) : () -> ()
      "tpu.region"() ({
        %run_scoped3A = tpu.sem_alloc : memref<!tpu.dma_semaphore, #tpu.memory_space<semaphore_mem>>
        %dma_start3A_704 = arith.constant 0 : i32
        %dma_start3A_705 = tpu.memref_slice %arg4[%add3A_65, %dma_start3A_704] : memref<2560x128xi32, #tpu.memory_space<hbm>> -> memref<16x128xi32, #tpu.memory_space<hbm>>
        %dma_start3A_706 = arith.constant 0 : i32
        %dma_start3A_707 = tpu.memref_slice %arg4[%add3A_65, %dma_start3A_706] : memref<2560x128xi32, #tpu.memory_space<hbm>> -> memref<16x128xi32, #tpu.memory_space<hbm>>
        tpu.enqueue_dma source(%dma_start3A_707 : memref<16x128xi32, #tpu.memory_space<hbm>>) target(%arg9 : memref<16x128xi32, #tpu.memory_space<vmem>>) target_semaphore(%run_scoped3A : memref<!tpu.dma_semaphore, #tpu.memory_space<semaphore_mem>>)
        %dma_wait3A_708 = arith.constant 0 : i32
        %dma_wait3A_709 = tpu.memref_slice %arg4[%add3A_65, %dma_wait3A_708] : memref<2560x128xi32, #tpu.memory_space<hbm>> -> memref<16x128xi32, #tpu.memory_space<hbm>>
        %dma_wait3A_710 = arith.constant 0 : i32
        %dma_wait3A_711 = tpu.memref_slice %arg4[%add3A_65, %dma_wait3A_710] : memref<2560x128xi32, #tpu.memory_space<hbm>> -> memref<16x128xi32, #tpu.memory_space<hbm>>
        tpu.wait_dma2 semaphore(%run_scoped3A : memref<!tpu.dma_semaphore, #tpu.memory_space<semaphore_mem>>) src(%dma_wait3A_711 : memref<16x128xi32, #tpu.memory_space<hbm>>) dst(%arg9 : memref<16x128xi32, #tpu.memory_space<vmem>>)
        tpu.yield
      }) : () -> ()
      %dma_start3A = arith.constant 0 : i32
      %dma_start3A_66 = arith.constant 0 : i32
      %dma_start3A_67 = tpu.memref_slice %arg8[%dma_start3A, %dma_start3A_66] : memref<16x128xi32, #tpu.memory_space<vmem>> -> memref<1x128xi32, #tpu.memory_space<vmem>>
      %dma_start3A_68 = tpu.memref_squeeze %dma_start3A_67 : memref<1x128xi32, #tpu.memory_space<vmem>> -> memref<128xi32, #tpu.memory_space<vmem>>
      %dma_start3A_69 = arith.constant 0 : i32
      %dma_start3A_70 = arith.constant 0 : i32
      %dma_start3A_71 = tpu.memref_slice %arg2[%dma_start3A_69, %dma_start3A_70] : memref<10000x128xf32, #tpu.memory_space<hbm>> -> memref<10000x128xf32, #tpu.memory_space<hbm>>
      tpu.enqueue_indirect_dma source(%dma_start3A_71 : memref<10000x128xf32, #tpu.memory_space<hbm>>) target(%arg10 : memref<128x128xf32, #tpu.memory_space<vmem>>) offsets(%dma_start3A_68 : memref<128xi32, #tpu.memory_space<vmem>>) semaphore(%arg13 : memref<!tpu.dma_semaphore, #tpu.memory_space<semaphore_mem>>)
      %dma_start3A_72 = arith.constant 1 : i32
      %dma_start3A_73 = arith.constant 0 : i32
      %dma_start3A_74 = tpu.memref_slice %arg8[%dma_start3A_72, %dma_start3A_73] : memref<16x128xi32, #tpu.memory_space<vmem>> -> memref<1x128xi32, #tpu.memory_space<vmem>>
      %dma_start3A_75 = tpu.memref_squeeze %dma_start3A_74 : memref<1x128xi32, #tpu.memory_space<vmem>> -> memref<128xi32, #tpu.memory_space<vmem>>
      %dma_start3A_76 = arith.constant 0 : i32
      %dma_start3A_77 = arith.constant 0 : i32
      %dma_start3A_78 = tpu.memref_slice %arg2[%dma_start3A_76, %dma_start3A_77] : memref<10000x128xf32, #tpu.memory_space<hbm>> -> memref<10000x128xf32, #tpu.memory_space<hbm>>
      tpu.enqueue_indirect_dma source(%dma_start3A_78 : memref<10000x128xf32, #tpu.memory_space<hbm>>) target(%arg11 : memref<128x128xf32, #tpu.memory_space<vmem>>) offsets(%dma_start3A_75 : memref<128xi32, #tpu.memory_space<vmem>>) semaphore(%arg14 : memref<!tpu.dma_semaphore, #tpu.memory_space<semaphore_mem>>)
      %dma_wait3A = arith.constant 0 : i32
      %dma_wait3A_79 = arith.constant 0 : i32
      %dma_wait3A_80 = tpu.memref_slice %arg8[%dma_wait3A, %dma_wait3A_79] : memref<16x128xi32, #tpu.memory_space<vmem>> -> memref<1x128xi32, #tpu.memory_space<vmem>>
      %dma_wait3A_81 = tpu.memref_squeeze %dma_wait3A_80 : memref<1x128xi32, #tpu.memory_space<vmem>> -> memref<128xi32, #tpu.memory_space<vmem>>
      %dma_wait3A_82 = arith.constant 0 : i32
      %dma_wait3A_83 = arith.constant 0 : i32
      %dma_wait3A_84 = tpu.memref_slice %arg2[%dma_wait3A_82, %dma_wait3A_83] : memref<10000x128xf32, #tpu.memory_space<hbm>> -> memref<10000x128xf32, #tpu.memory_space<hbm>>
      tpu.wait_indirect_dma semaphore(%arg13 : memref<!tpu.dma_semaphore, #tpu.memory_space<semaphore_mem>>) src(%dma_wait3A_84 : memref<10000x128xf32, #tpu.memory_space<hbm>>) dst(%arg10 : memref<128x128xf32, #tpu.memory_space<vmem>>)
      %dma_start3A_85 = arith.constant 0 : i32
      %dma_start3A_86 = arith.constant 0 : i32
      %dma_start3A_87 = tpu.memref_slice %arg9[%dma_start3A_85, %dma_start3A_86] : memref<16x128xi32, #tpu.memory_space<vmem>> -> memref<1x128xi32, #tpu.memory_space<vmem>>
      %dma_start3A_88 = tpu.memref_squeeze %dma_start3A_87 : memref<1x128xi32, #tpu.memory_space<vmem>> -> memref<128xi32, #tpu.memory_space<vmem>>
      %dma_start3A_89 = arith.constant 0 : i32
      %dma_start3A_90 = arith.constant 0 : i32
      %dma_start3A_91 = tpu.memref_slice %arg7[%dma_start3A_89, %dma_start3A_90] : memref<10240x128xf32, #tpu.memory_space<vmem_shared>> -> memref<10240x128xf32, #tpu.memory_space<vmem_shared>>
      tpu.enqueue_indirect_dma source(%arg10 : memref<128x128xf32, #tpu.memory_space<vmem>>) target(%dma_start3A_91 : memref<10240x128xf32, #tpu.memory_space<vmem_shared>>) offsets(%dma_start3A_88 : memref<128xi32, #tpu.memory_space<vmem>>) semaphore(%arg15 : memref<!tpu.dma_semaphore, #tpu.memory_space<semaphore_mem>>) {add = true}
      %dma_start3A_92 = arith.constant 0 : i32
      %dma_start3A_93 = arith.constant 0 : i32
      %dma_start3A_94 = tpu.memref_slice %arg9[%dma_start3A_92, %dma_start3A_93] : memref<16x128xi32, #tpu.memory_space<vmem>> -> memref<1x128xi32, #tpu.memory_space<vmem>>
      %dma_start3A_95 = tpu.memref_squeeze %dma_start3A_94 : memref<1x128xi32, #tpu.memory_space<vmem>> -> memref<128xi32, #tpu.memory_space<vmem>>
      %dma_start3A_96 = arith.constant 0 : i32
      %dma_start3A_97 = tpu.memref_slice %arg17[%dma_start3A_96] : memref<10240xf32, #tpu.memory_space<vmem_shared>> -> memref<10240xf32, #tpu.memory_space<vmem_shared>>
      tpu.enqueue_indirect_dma source(%arg18 : memref<128xf32, #tpu.memory_space<vmem>>) target(%dma_start3A_97 : memref<10240xf32, #tpu.memory_space<vmem_shared>>) offsets(%dma_start3A_95 : memref<128xi32, #tpu.memory_space<vmem>>) semaphore(%arg19 : memref<!tpu.dma_semaphore, #tpu.memory_space<semaphore_mem>>) {add = true}
      %dma_wait3A_98 = arith.constant 1 : i32
      %dma_wait3A_99 = arith.constant 0 : i32
      %dma_wait3A_100 = tpu.memref_slice %arg8[%dma_wait3A_98, %dma_wait3A_99] : memref<16x128xi32, #tpu.memory_space<vmem>> -> memref<1x128xi32, #tpu.memory_space<vmem>>
      %dma_wait3A_101 = tpu.memref_squeeze %dma_wait3A_100 : memref<1x128xi32, #tpu.memory_space<vmem>> -> memref<128xi32, #tpu.memory_space<vmem>>
      %dma_wait3A_102 = arith.constant 0 : i32
      %dma_wait3A_103 = arith.constant 0 : i32
      %dma_wait3A_104 = tpu.memref_slice %arg2[%dma_wait3A_102, %dma_wait3A_103] : memref<10000x128xf32, #tpu.memory_space<hbm>> -> memref<10000x128xf32, #tpu.memory_space<hbm>>
      tpu.wait_indirect_dma semaphore(%arg14 : memref<!tpu.dma_semaphore, #tpu.memory_space<semaphore_mem>>) src(%dma_wait3A_104 : memref<10000x128xf32, #tpu.memory_space<hbm>>) dst(%arg11 : memref<128x128xf32, #tpu.memory_space<vmem>>)
      %dma_start3A_105 = arith.constant 1 : i32
      %dma_start3A_106 = arith.constant 0 : i32
      %dma_start3A_107 = tpu.memref_slice %arg9[%dma_start3A_105, %dma_start3A_106] : memref<16x128xi32, #tpu.memory_space<vmem>> -> memref<1x128xi32, #tpu.memory_space<vmem>>
      %dma_start3A_108 = tpu.memref_squeeze %dma_start3A_107 : memref<1x128xi32, #tpu.memory_space<vmem>> -> memref<128xi32, #tpu.memory_space<vmem>>
      %dma_start3A_109 = arith.constant 0 : i32
      %dma_start3A_110 = arith.constant 0 : i32
      %dma_start3A_111 = tpu.memref_slice %arg7[%dma_start3A_109, %dma_start3A_110] : memref<10240x128xf32, #tpu.memory_space<vmem_shared>> -> memref<10240x128xf32, #tpu.memory_space<vmem_shared>>
      tpu.enqueue_indirect_dma source(%arg11 : memref<128x128xf32, #tpu.memory_space<vmem>>) target(%dma_start3A_111 : memref<10240x128xf32, #tpu.memory_space<vmem_shared>>) offsets(%dma_start3A_108 : memref<128xi32, #tpu.memory_space<vmem>>) semaphore(%arg16 : memref<!tpu.dma_semaphore, #tpu.memory_space<semaphore_mem>>) {add = true}
      %dma_start3A_112 = arith.constant 1 : i32
      %dma_start3A_113 = arith.constant 0 : i32
      %dma_start3A_114 = tpu.memref_slice %arg9[%dma_start3A_112, %dma_start3A_113] : memref<16x128xi32, #tpu.memory_space<vmem>> -> memref<1x128xi32, #tpu.memory_space<vmem>>
      %dma_start3A_115 = tpu.memref_squeeze %dma_start3A_114 : memref<1x128xi32, #tpu.memory_space<vmem>> -> memref<128xi32, #tpu.memory_space<vmem>>
      %dma_start3A_116 = arith.constant 0 : i32
      %dma_start3A_117 = tpu.memref_slice %arg17[%dma_start3A_116] : memref<10240xf32, #tpu.memory_space<vmem_shared>> -> memref<10240xf32, #tpu.memory_space<vmem_shared>>
      tpu.enqueue_indirect_dma source(%arg18 : memref<128xf32, #tpu.memory_space<vmem>>) target(%dma_start3A_117 : memref<10240xf32, #tpu.memory_space<vmem_shared>>) offsets(%dma_start3A_115 : memref<128xi32, #tpu.memory_space<vmem>>) semaphore(%arg19 : memref<!tpu.dma_semaphore, #tpu.memory_space<semaphore_mem>>) {add = true}
      %dma_wait3A_118 = arith.constant 0 : i32
      %dma_wait3A_119 = arith.constant 0 : i32
      %dma_wait3A_120 = tpu.memref_slice %arg9[%dma_wait3A_118, %dma_wait3A_119] : memref<16x128xi32, #tpu.memory_space<vmem>> -> memref<1x128xi32, #tpu.memory_space<vmem>>
      %dma_wait3A_121 = tpu.memref_squeeze %dma_wait3A_120 : memref<1x128xi32, #tpu.memory_space<vmem>> -> memref<128xi32, #tpu.memory_space<vmem>>
      %dma_wait3A_122 = arith.constant 0 : i32
      %dma_wait3A_123 = arith.constant 0 : i32
      %dma_wait3A_124 = tpu.memref_slice %arg7[%dma_wait3A_122, %dma_wait3A_123] : memref<10240x128xf32, #tpu.memory_space<vmem_shared>> -> memref<10240x128xf32, #tpu.memory_space<vmem_shared>>
      tpu.wait_indirect_dma semaphore(%arg15 : memref<!tpu.dma_semaphore, #tpu.memory_space<semaphore_mem>>) src(%arg10 : memref<128x128xf32, #tpu.memory_space<vmem>>) dst(%dma_wait3A_124 : memref<10240x128xf32, #tpu.memory_space<vmem_shared>>)
      %dma_start3A_125 = arith.constant 2 : i32
      %dma_start3A_126 = arith.constant 0 : i32
      %dma_start3A_127 = tpu.memref_slice %arg8[%dma_start3A_125, %dma_start3A_126] : memref<16x128xi32, #tpu.memory_space<vmem>> -> memref<1x128xi32, #tpu.memory_space<vmem>>
      %dma_start3A_128 = tpu.memref_squeeze %dma_start3A_127 : memref<1x128xi32, #tpu.memory_space<vmem>> -> memref<128xi32, #tpu.memory_space<vmem>>
      %dma_start3A_129 = arith.constant 0 : i32
      %dma_start3A_130 = arith.constant 0 : i32
      %dma_start3A_131 = tpu.memref_slice %arg2[%dma_start3A_129, %dma_start3A_130] : memref<10000x128xf32, #tpu.memory_space<hbm>> -> memref<10000x128xf32, #tpu.memory_space<hbm>>
      tpu.enqueue_indirect_dma source(%dma_start3A_131 : memref<10000x128xf32, #tpu.memory_space<hbm>>) target(%arg10 : memref<128x128xf32, #tpu.memory_space<vmem>>) offsets(%dma_start3A_128 : memref<128xi32, #tpu.memory_space<vmem>>) semaphore(%arg13 : memref<!tpu.dma_semaphore, #tpu.memory_space<semaphore_mem>>)
      %dma_wait3A_132 = arith.constant 2 : i32
      %dma_wait3A_133 = arith.constant 0 : i32
      %dma_wait3A_134 = tpu.memref_slice %arg8[%dma_wait3A_132, %dma_wait3A_133] : memref<16x128xi32, #tpu.memory_space<vmem>> -> memref<1x128xi32, #tpu.memory_space<vmem>>
      %dma_wait3A_135 = tpu.memref_squeeze %dma_wait3A_134 : memref<1x128xi32, #tpu.memory_space<vmem>> -> memref<128xi32, #tpu.memory_space<vmem>>
      %dma_wait3A_136 = arith.constant 0 : i32
      %dma_wait3A_137 = arith.constant 0 : i32
      %dma_wait3A_138 = tpu.memref_slice %arg2[%dma_wait3A_136, %dma_wait3A_137] : memref<10000x128xf32, #tpu.memory_space<hbm>> -> memref<10000x128xf32, #tpu.memory_space<hbm>>
      tpu.wait_indirect_dma semaphore(%arg13 : memref<!tpu.dma_semaphore, #tpu.memory_space<semaphore_mem>>) src(%dma_wait3A_138 : memref<10000x128xf32, #tpu.memory_space<hbm>>) dst(%arg10 : memref<128x128xf32, #tpu.memory_space<vmem>>)
      %dma_start3A_139 = arith.constant 2 : i32
      %dma_start3A_140 = arith.constant 0 : i32
      %dma_start3A_141 = tpu.memref_slice %arg9[%dma_start3A_139, %dma_start3A_140] : memref<16x128xi32, #tpu.memory_space<vmem>> -> memref<1x128xi32, #tpu.memory_space<vmem>>
      %dma_start3A_142 = tpu.memref_squeeze %dma_start3A_141 : memref<1x128xi32, #tpu.memory_space<vmem>> -> memref<128xi32, #tpu.memory_space<vmem>>
      %dma_start3A_143 = arith.constant 0 : i32
      %dma_start3A_144 = arith.constant 0 : i32
      %dma_start3A_145 = tpu.memref_slice %arg7[%dma_start3A_143, %dma_start3A_144] : memref<10240x128xf32, #tpu.memory_space<vmem_shared>> -> memref<10240x128xf32, #tpu.memory_space<vmem_shared>>
      tpu.enqueue_indirect_dma source(%arg10 : memref<128x128xf32, #tpu.memory_space<vmem>>) target(%dma_start3A_145 : memref<10240x128xf32, #tpu.memory_space<vmem_shared>>) offsets(%dma_start3A_142 : memref<128xi32, #tpu.memory_space<vmem>>) semaphore(%arg15 : memref<!tpu.dma_semaphore, #tpu.memory_space<semaphore_mem>>) {add = true}
      %dma_start3A_146 = arith.constant 2 : i32
      %dma_start3A_147 = arith.constant 0 : i32
      %dma_start3A_148 = tpu.memref_slice %arg9[%dma_start3A_146, %dma_start3A_147] : memref<16x128xi32, #tpu.memory_space<vmem>> -> memref<1x128xi32, #tpu.memory_space<vmem>>
      %dma_start3A_149 = tpu.memref_squeeze %dma_start3A_148 : memref<1x128xi32, #tpu.memory_space<vmem>> -> memref<128xi32, #tpu.memory_space<vmem>>
      %dma_start3A_150 = arith.constant 0 : i32
      %dma_start3A_151 = tpu.memref_slice %arg17[%dma_start3A_150] : memref<10240xf32, #tpu.memory_space<vmem_shared>> -> memref<10240xf32, #tpu.memory_space<vmem_shared>>
      tpu.enqueue_indirect_dma source(%arg18 : memref<128xf32, #tpu.memory_space<vmem>>) target(%dma_start3A_151 : memref<10240xf32, #tpu.memory_space<vmem_shared>>) offsets(%dma_start3A_149 : memref<128xi32, #tpu.memory_space<vmem>>) semaphore(%arg19 : memref<!tpu.dma_semaphore, #tpu.memory_space<semaphore_mem>>) {add = true}
      %dma_wait3A_152 = arith.constant 1 : i32
      %dma_wait3A_153 = arith.constant 0 : i32
      %dma_wait3A_154 = tpu.memref_slice %arg9[%dma_wait3A_152, %dma_wait3A_153] : memref<16x128xi32, #tpu.memory_space<vmem>> -> memref<1x128xi32, #tpu.memory_space<vmem>>
      %dma_wait3A_155 = tpu.memref_squeeze %dma_wait3A_154 : memref<1x128xi32, #tpu.memory_space<vmem>> -> memref<128xi32, #tpu.memory_space<vmem>>
      %dma_wait3A_156 = arith.constant 0 : i32
      %dma_wait3A_157 = arith.constant 0 : i32
      %dma_wait3A_158 = tpu.memref_slice %arg7[%dma_wait3A_156, %dma_wait3A_157] : memref<10240x128xf32, #tpu.memory_space<vmem_shared>> -> memref<10240x128xf32, #tpu.memory_space<vmem_shared>>
      tpu.wait_indirect_dma semaphore(%arg16 : memref<!tpu.dma_semaphore, #tpu.memory_space<semaphore_mem>>) src(%arg11 : memref<128x128xf32, #tpu.memory_space<vmem>>) dst(%dma_wait3A_158 : memref<10240x128xf32, #tpu.memory_space<vmem_shared>>)
      %dma_start3A_159 = arith.constant 3 : i32
      %dma_start3A_160 = arith.constant 0 : i32
      %dma_start3A_161 = tpu.memref_slice %arg8[%dma_start3A_159, %dma_start3A_160] : memref<16x128xi32, #tpu.memory_space<vmem>> -> memref<1x128xi32, #tpu.memory_space<vmem>>
      %dma_start3A_162 = tpu.memref_squeeze %dma_start3A_161 : memref<1x128xi32, #tpu.memory_space<vmem>> -> memref<128xi32, #tpu.memory_space<vmem>>
      %dma_start3A_163 = arith.constant 0 : i32
      %dma_start3A_164 = arith.constant 0 : i32
      %dma_start3A_165 = tpu.memref_slice %arg2[%dma_start3A_163, %dma_start3A_164] : memref<10000x128xf32, #tpu.memory_space<hbm>> -> memref<10000x128xf32, #tpu.memory_space<hbm>>
      tpu.enqueue_indirect_dma source(%dma_start3A_165 : memref<10000x128xf32, #tpu.memory_space<hbm>>) target(%arg11 : memref<128x128xf32, #tpu.memory_space<vmem>>) offsets(%dma_start3A_162 : memref<128xi32, #tpu.memory_space<vmem>>) semaphore(%arg14 : memref<!tpu.dma_semaphore, #tpu.memory_space<semaphore_mem>>)
      %dma_wait3A_166 = arith.constant 3 : i32
      %dma_wait3A_167 = arith.constant 0 : i32
      %dma_wait3A_168 = tpu.memref_slice %arg8[%dma_wait3A_166, %dma_wait3A_167] : memref<16x128xi32, #tpu.memory_space<vmem>> -> memref<1x128xi32, #tpu.memory_space<vmem>>
      %dma_wait3A_169 = tpu.memref_squeeze %dma_wait3A_168 : memref<1x128xi32, #tpu.memory_space<vmem>> -> memref<128xi32, #tpu.memory_space<vmem>>
      %dma_wait3A_170 = arith.constant 0 : i32
      %dma_wait3A_171 = arith.constant 0 : i32
      %dma_wait3A_172 = tpu.memref_slice %arg2[%dma_wait3A_170, %dma_wait3A_171] : memref<10000x128xf32, #tpu.memory_space<hbm>> -> memref<10000x128xf32, #tpu.memory_space<hbm>>
      tpu.wait_indirect_dma semaphore(%arg14 : memref<!tpu.dma_semaphore, #tpu.memory_space<semaphore_mem>>) src(%dma_wait3A_172 : memref<10000x128xf32, #tpu.memory_space<hbm>>) dst(%arg11 : memref<128x128xf32, #tpu.memory_space<vmem>>)
      %dma_start3A_173 = arith.constant 3 : i32
      %dma_start3A_174 = arith.constant 0 : i32
      %dma_start3A_175 = tpu.memref_slice %arg9[%dma_start3A_173, %dma_start3A_174] : memref<16x128xi32, #tpu.memory_space<vmem>> -> memref<1x128xi32, #tpu.memory_space<vmem>>
      %dma_start3A_176 = tpu.memref_squeeze %dma_start3A_175 : memref<1x128xi32, #tpu.memory_space<vmem>> -> memref<128xi32, #tpu.memory_space<vmem>>
      %dma_start3A_177 = arith.constant 0 : i32
      %dma_start3A_178 = arith.constant 0 : i32
      %dma_start3A_179 = tpu.memref_slice %arg7[%dma_start3A_177, %dma_start3A_178] : memref<10240x128xf32, #tpu.memory_space<vmem_shared>> -> memref<10240x128xf32, #tpu.memory_space<vmem_shared>>
      tpu.enqueue_indirect_dma source(%arg11 : memref<128x128xf32, #tpu.memory_space<vmem>>) target(%dma_start3A_179 : memref<10240x128xf32, #tpu.memory_space<vmem_shared>>) offsets(%dma_start3A_176 : memref<128xi32, #tpu.memory_space<vmem>>) semaphore(%arg16 : memref<!tpu.dma_semaphore, #tpu.memory_space<semaphore_mem>>) {add = true}
      %dma_start3A_180 = arith.constant 3 : i32
      %dma_start3A_181 = arith.constant 0 : i32
      %dma_start3A_182 = tpu.memref_slice %arg9[%dma_start3A_180, %dma_start3A_181] : memref<16x128xi32, #tpu.memory_space<vmem>> -> memref<1x128xi32, #tpu.memory_space<vmem>>
      %dma_start3A_183 = tpu.memref_squeeze %dma_start3A_182 : memref<1x128xi32, #tpu.memory_space<vmem>> -> memref<128xi32, #tpu.memory_space<vmem>>
      %dma_start3A_184 = arith.constant 0 : i32
      %dma_start3A_185 = tpu.memref_slice %arg17[%dma_start3A_184] : memref<10240xf32, #tpu.memory_space<vmem_shared>> -> memref<10240xf32, #tpu.memory_space<vmem_shared>>
      tpu.enqueue_indirect_dma source(%arg18 : memref<128xf32, #tpu.memory_space<vmem>>) target(%dma_start3A_185 : memref<10240xf32, #tpu.memory_space<vmem_shared>>) offsets(%dma_start3A_183 : memref<128xi32, #tpu.memory_space<vmem>>) semaphore(%arg19 : memref<!tpu.dma_semaphore, #tpu.memory_space<semaphore_mem>>) {add = true}
      %dma_wait3A_186 = arith.constant 2 : i32
      %dma_wait3A_187 = arith.constant 0 : i32
      %dma_wait3A_188 = tpu.memref_slice %arg9[%dma_wait3A_186, %dma_wait3A_187] : memref<16x128xi32, #tpu.memory_space<vmem>> -> memref<1x128xi32, #tpu.memory_space<vmem>>
      %dma_wait3A_189 = tpu.memref_squeeze %dma_wait3A_188 : memref<1x128xi32, #tpu.memory_space<vmem>> -> memref<128xi32, #tpu.memory_space<vmem>>
      %dma_wait3A_190 = arith.constant 0 : i32
      %dma_wait3A_191 = arith.constant 0 : i32
      %dma_wait3A_192 = tpu.memref_slice %arg7[%dma_wait3A_190, %dma_wait3A_191] : memref<10240x128xf32, #tpu.memory_space<vmem_shared>> -> memref<10240x128xf32, #tpu.memory_space<vmem_shared>>
      tpu.wait_indirect_dma semaphore(%arg15 : memref<!tpu.dma_semaphore, #tpu.memory_space<semaphore_mem>>) src(%arg10 : memref<128x128xf32, #tpu.memory_space<vmem>>) dst(%dma_wait3A_192 : memref<10240x128xf32, #tpu.memory_space<vmem_shared>>)
      %dma_start3A_193 = arith.constant 4 : i32
      %dma_start3A_194 = arith.constant 0 : i32
      %dma_start3A_195 = tpu.memref_slice %arg8[%dma_start3A_193, %dma_start3A_194] : memref<16x128xi32, #tpu.memory_space<vmem>> -> memref<1x128xi32, #tpu.memory_space<vmem>>
      %dma_start3A_196 = tpu.memref_squeeze %dma_start3A_195 : memref<1x128xi32, #tpu.memory_space<vmem>> -> memref<128xi32, #tpu.memory_space<vmem>>
      %dma_start3A_197 = arith.constant 0 : i32
      %dma_start3A_198 = arith.constant 0 : i32
      %dma_start3A_199 = tpu.memref_slice %arg2[%dma_start3A_197, %dma_start3A_198] : memref<10000x128xf32, #tpu.memory_space<hbm>> -> memref<10000x128xf32, #tpu.memory_space<hbm>>
      tpu.enqueue_indirect_dma source(%dma_start3A_199 : memref<10000x128xf32, #tpu.memory_space<hbm>>) target(%arg10 : memref<128x128xf32, #tpu.memory_space<vmem>>) offsets(%dma_start3A_196 : memref<128xi32, #tpu.memory_space<vmem>>) semaphore(%arg13 : memref<!tpu.dma_semaphore, #tpu.memory_space<semaphore_mem>>)
      %dma_wait3A_200 = arith.constant 4 : i32
      %dma_wait3A_201 = arith.constant 0 : i32
      %dma_wait3A_202 = tpu.memref_slice %arg8[%dma_wait3A_200, %dma_wait3A_201] : memref<16x128xi32, #tpu.memory_space<vmem>> -> memref<1x128xi32, #tpu.memory_space<vmem>>
      %dma_wait3A_203 = tpu.memref_squeeze %dma_wait3A_202 : memref<1x128xi32, #tpu.memory_space<vmem>> -> memref<128xi32, #tpu.memory_space<vmem>>
      %dma_wait3A_204 = arith.constant 0 : i32
      %dma_wait3A_205 = arith.constant 0 : i32
      %dma_wait3A_206 = tpu.memref_slice %arg2[%dma_wait3A_204, %dma_wait3A_205] : memref<10000x128xf32, #tpu.memory_space<hbm>> -> memref<10000x128xf32, #tpu.memory_space<hbm>>
      tpu.wait_indirect_dma semaphore(%arg13 : memref<!tpu.dma_semaphore, #tpu.memory_space<semaphore_mem>>) src(%dma_wait3A_206 : memref<10000x128xf32, #tpu.memory_space<hbm>>) dst(%arg10 : memref<128x128xf32, #tpu.memory_space<vmem>>)
      %dma_start3A_207 = arith.constant 4 : i32
      %dma_start3A_208 = arith.constant 0 : i32
      %dma_start3A_209 = tpu.memref_slice %arg9[%dma_start3A_207, %dma_start3A_208] : memref<16x128xi32, #tpu.memory_space<vmem>> -> memref<1x128xi32, #tpu.memory_space<vmem>>
      %dma_start3A_210 = tpu.memref_squeeze %dma_start3A_209 : memref<1x128xi32, #tpu.memory_space<vmem>> -> memref<128xi32, #tpu.memory_space<vmem>>
      %dma_start3A_211 = arith.constant 0 : i32
      %dma_start3A_212 = arith.constant 0 : i32
      %dma_start3A_213 = tpu.memref_slice %arg7[%dma_start3A_211, %dma_start3A_212] : memref<10240x128xf32, #tpu.memory_space<vmem_shared>> -> memref<10240x128xf32, #tpu.memory_space<vmem_shared>>
      tpu.enqueue_indirect_dma source(%arg10 : memref<128x128xf32, #tpu.memory_space<vmem>>) target(%dma_start3A_213 : memref<10240x128xf32, #tpu.memory_space<vmem_shared>>) offsets(%dma_start3A_210 : memref<128xi32, #tpu.memory_space<vmem>>) semaphore(%arg15 : memref<!tpu.dma_semaphore, #tpu.memory_space<semaphore_mem>>) {add = true}
      %dma_start3A_214 = arith.constant 4 : i32
      %dma_start3A_215 = arith.constant 0 : i32
      %dma_start3A_216 = tpu.memref_slice %arg9[%dma_start3A_214, %dma_start3A_215] : memref<16x128xi32, #tpu.memory_space<vmem>> -> memref<1x128xi32, #tpu.memory_space<vmem>>
      %dma_start3A_217 = tpu.memref_squeeze %dma_start3A_216 : memref<1x128xi32, #tpu.memory_space<vmem>> -> memref<128xi32, #tpu.memory_space<vmem>>
      %dma_start3A_218 = arith.constant 0 : i32
      %dma_start3A_219 = tpu.memref_slice %arg17[%dma_start3A_218] : memref<10240xf32, #tpu.memory_space<vmem_shared>> -> memref<10240xf32, #tpu.memory_space<vmem_shared>>
      tpu.enqueue_indirect_dma source(%arg18 : memref<128xf32, #tpu.memory_space<vmem>>) target(%dma_start3A_219 : memref<10240xf32, #tpu.memory_space<vmem_shared>>) offsets(%dma_start3A_217 : memref<128xi32, #tpu.memory_space<vmem>>) semaphore(%arg19 : memref<!tpu.dma_semaphore, #tpu.memory_space<semaphore_mem>>) {add = true}
      %dma_wait3A_220 = arith.constant 3 : i32
      %dma_wait3A_221 = arith.constant 0 : i32
      %dma_wait3A_222 = tpu.memref_slice %arg9[%dma_wait3A_220, %dma_wait3A_221] : memref<16x128xi32, #tpu.memory_space<vmem>> -> memref<1x128xi32, #tpu.memory_space<vmem>>
      %dma_wait3A_223 = tpu.memref_squeeze %dma_wait3A_222 : memref<1x128xi32, #tpu.memory_space<vmem>> -> memref<128xi32, #tpu.memory_space<vmem>>
      %dma_wait3A_224 = arith.constant 0 : i32
      %dma_wait3A_225 = arith.constant 0 : i32
      %dma_wait3A_226 = tpu.memref_slice %arg7[%dma_wait3A_224, %dma_wait3A_225] : memref<10240x128xf32, #tpu.memory_space<vmem_shared>> -> memref<10240x128xf32, #tpu.memory_space<vmem_shared>>
      tpu.wait_indirect_dma semaphore(%arg16 : memref<!tpu.dma_semaphore, #tpu.memory_space<semaphore_mem>>) src(%arg11 : memref<128x128xf32, #tpu.memory_space<vmem>>) dst(%dma_wait3A_226 : memref<10240x128xf32, #tpu.memory_space<vmem_shared>>)
      %dma_start3A_227 = arith.constant 5 : i32
      %dma_start3A_228 = arith.constant 0 : i32
      %dma_start3A_229 = tpu.memref_slice %arg8[%dma_start3A_227, %dma_start3A_228] : memref<16x128xi32, #tpu.memory_space<vmem>> -> memref<1x128xi32, #tpu.memory_space<vmem>>
      %dma_start3A_230 = tpu.memref_squeeze %dma_start3A_229 : memref<1x128xi32, #tpu.memory_space<vmem>> -> memref<128xi32, #tpu.memory_space<vmem>>
      %dma_start3A_231 = arith.constant 0 : i32
      %dma_start3A_232 = arith.constant 0 : i32
      %dma_start3A_233 = tpu.memref_slice %arg2[%dma_start3A_231, %dma_start3A_232] : memref<10000x128xf32, #tpu.memory_space<hbm>> -> memref<10000x128xf32, #tpu.memory_space<hbm>>
      tpu.enqueue_indirect_dma source(%dma_start3A_233 : memref<10000x128xf32, #tpu.memory_space<hbm>>) target(%arg11 : memref<128x128xf32, #tpu.memory_space<vmem>>) offsets(%dma_start3A_230 : memref<128xi32, #tpu.memory_space<vmem>>) semaphore(%arg14 : memref<!tpu.dma_semaphore, #tpu.memory_space<semaphore_mem>>)
      %dma_wait3A_234 = arith.constant 5 : i32
      %dma_wait3A_235 = arith.constant 0 : i32
      %dma_wait3A_236 = tpu.memref_slice %arg8[%dma_wait3A_234, %dma_wait3A_235] : memref<16x128xi32, #tpu.memory_space<vmem>> -> memref<1x128xi32, #tpu.memory_space<vmem>>
      %dma_wait3A_237 = tpu.memref_squeeze %dma_wait3A_236 : memref<1x128xi32, #tpu.memory_space<vmem>> -> memref<128xi32, #tpu.memory_space<vmem>>
      %dma_wait3A_238 = arith.constant 0 : i32
      %dma_wait3A_239 = arith.constant 0 : i32
      %dma_wait3A_240 = tpu.memref_slice %arg2[%dma_wait3A_238, %dma_wait3A_239] : memref<10000x128xf32, #tpu.memory_space<hbm>> -> memref<10000x128xf32, #tpu.memory_space<hbm>>
      tpu.wait_indirect_dma semaphore(%arg14 : memref<!tpu.dma_semaphore, #tpu.memory_space<semaphore_mem>>) src(%dma_wait3A_240 : memref<10000x128xf32, #tpu.memory_space<hbm>>) dst(%arg11 : memref<128x128xf32, #tpu.memory_space<vmem>>)
      %dma_start3A_241 = arith.constant 5 : i32
      %dma_start3A_242 = arith.constant 0 : i32
      %dma_start3A_243 = tpu.memref_slice %arg9[%dma_start3A_241, %dma_start3A_242] : memref<16x128xi32, #tpu.memory_space<vmem>> -> memref<1x128xi32, #tpu.memory_space<vmem>>
      %dma_start3A_244 = tpu.memref_squeeze %dma_start3A_243 : memref<1x128xi32, #tpu.memory_space<vmem>> -> memref<128xi32, #tpu.memory_space<vmem>>
      %dma_start3A_245 = arith.constant 0 : i32
      %dma_start3A_246 = arith.constant 0 : i32
      %dma_start3A_247 = tpu.memref_slice %arg7[%dma_start3A_245, %dma_start3A_246] : memref<10240x128xf32, #tpu.memory_space<vmem_shared>> -> memref<10240x128xf32, #tpu.memory_space<vmem_shared>>
      tpu.enqueue_indirect_dma source(%arg11 : memref<128x128xf32, #tpu.memory_space<vmem>>) target(%dma_start3A_247 : memref<10240x128xf32, #tpu.memory_space<vmem_shared>>) offsets(%dma_start3A_244 : memref<128xi32, #tpu.memory_space<vmem>>) semaphore(%arg16 : memref<!tpu.dma_semaphore, #tpu.memory_space<semaphore_mem>>) {add = true}
      %dma_start3A_248 = arith.constant 5 : i32
      %dma_start3A_249 = arith.constant 0 : i32
      %dma_start3A_250 = tpu.memref_slice %arg9[%dma_start3A_248, %dma_start3A_249] : memref<16x128xi32, #tpu.memory_space<vmem>> -> memref<1x128xi32, #tpu.memory_space<vmem>>
      %dma_start3A_251 = tpu.memref_squeeze %dma_start3A_250 : memref<1x128xi32, #tpu.memory_space<vmem>> -> memref<128xi32, #tpu.memory_space<vmem>>
      %dma_start3A_252 = arith.constant 0 : i32
      %dma_start3A_253 = tpu.memref_slice %arg17[%dma_start3A_252] : memref<10240xf32, #tpu.memory_space<vmem_shared>> -> memref<10240xf32, #tpu.memory_space<vmem_shared>>
      tpu.enqueue_indirect_dma source(%arg18 : memref<128xf32, #tpu.memory_space<vmem>>) target(%dma_start3A_253 : memref<10240xf32, #tpu.memory_space<vmem_shared>>) offsets(%dma_start3A_251 : memref<128xi32, #tpu.memory_space<vmem>>) semaphore(%arg19 : memref<!tpu.dma_semaphore, #tpu.memory_space<semaphore_mem>>) {add = true}
      %dma_wait3A_254 = arith.constant 4 : i32
      %dma_wait3A_255 = arith.constant 0 : i32
      %dma_wait3A_256 = tpu.memref_slice %arg9[%dma_wait3A_254, %dma_wait3A_255] : memref<16x128xi32, #tpu.memory_space<vmem>> -> memref<1x128xi32, #tpu.memory_space<vmem>>
      %dma_wait3A_257 = tpu.memref_squeeze %dma_wait3A_256 : memref<1x128xi32, #tpu.memory_space<vmem>> -> memref<128xi32, #tpu.memory_space<vmem>>
      %dma_wait3A_258 = arith.constant 0 : i32
      %dma_wait3A_259 = arith.constant 0 : i32
      %dma_wait3A_260 = tpu.memref_slice %arg7[%dma_wait3A_258, %dma_wait3A_259] : memref<10240x128xf32, #tpu.memory_space<vmem_shared>> -> memref<10240x128xf32, #tpu.memory_space<vmem_shared>>
      tpu.wait_indirect_dma semaphore(%arg15 : memref<!tpu.dma_semaphore, #tpu.memory_space<semaphore_mem>>) src(%arg10 : memref<128x128xf32, #tpu.memory_space<vmem>>) dst(%dma_wait3A_260 : memref<10240x128xf32, #tpu.memory_space<vmem_shared>>)
      %dma_start3A_261 = arith.constant 6 : i32
      %dma_start3A_262 = arith.constant 0 : i32
      %dma_start3A_263 = tpu.memref_slice %arg8[%dma_start3A_261, %dma_start3A_262] : memref<16x128xi32, #tpu.memory_space<vmem>> -> memref<1x128xi32, #tpu.memory_space<vmem>>
      %dma_start3A_264 = tpu.memref_squeeze %dma_start3A_263 : memref<1x128xi32, #tpu.memory_space<vmem>> -> memref<128xi32, #tpu.memory_space<vmem>>
      %dma_start3A_265 = arith.constant 0 : i32
      %dma_start3A_266 = arith.constant 0 : i32
      %dma_start3A_267 = tpu.memref_slice %arg2[%dma_start3A_265, %dma_start3A_266] : memref<10000x128xf32, #tpu.memory_space<hbm>> -> memref<10000x128xf32, #tpu.memory_space<hbm>>
      tpu.enqueue_indirect_dma source(%dma_start3A_267 : memref<10000x128xf32, #tpu.memory_space<hbm>>) target(%arg10 : memref<128x128xf32, #tpu.memory_space<vmem>>) offsets(%dma_start3A_264 : memref<128xi32, #tpu.memory_space<vmem>>) semaphore(%arg13 : memref<!tpu.dma_semaphore, #tpu.memory_space<semaphore_mem>>)
      %dma_wait3A_268 = arith.constant 6 : i32
      %dma_wait3A_269 = arith.constant 0 : i32
      %dma_wait3A_270 = tpu.memref_slice %arg8[%dma_wait3A_268, %dma_wait3A_269] : memref<16x128xi32, #tpu.memory_space<vmem>> -> memref<1x128xi32, #tpu.memory_space<vmem>>
      %dma_wait3A_271 = tpu.memref_squeeze %dma_wait3A_270 : memref<1x128xi32, #tpu.memory_space<vmem>> -> memref<128xi32, #tpu.memory_space<vmem>>
      %dma_wait3A_272 = arith.constant 0 : i32
      %dma_wait3A_273 = arith.constant 0 : i32
      %dma_wait3A_274 = tpu.memref_slice %arg2[%dma_wait3A_272, %dma_wait3A_273] : memref<10000x128xf32, #tpu.memory_space<hbm>> -> memref<10000x128xf32, #tpu.memory_space<hbm>>
      tpu.wait_indirect_dma semaphore(%arg13 : memref<!tpu.dma_semaphore, #tpu.memory_space<semaphore_mem>>) src(%dma_wait3A_274 : memref<10000x128xf32, #tpu.memory_space<hbm>>) dst(%arg10 : memref<128x128xf32, #tpu.memory_space<vmem>>)
      %dma_start3A_275 = arith.constant 6 : i32
      %dma_start3A_276 = arith.constant 0 : i32
      %dma_start3A_277 = tpu.memref_slice %arg9[%dma_start3A_275, %dma_start3A_276] : memref<16x128xi32, #tpu.memory_space<vmem>> -> memref<1x128xi32, #tpu.memory_space<vmem>>
      %dma_start3A_278 = tpu.memref_squeeze %dma_start3A_277 : memref<1x128xi32, #tpu.memory_space<vmem>> -> memref<128xi32, #tpu.memory_space<vmem>>
      %dma_start3A_279 = arith.constant 0 : i32
      %dma_start3A_280 = arith.constant 0 : i32
      %dma_start3A_281 = tpu.memref_slice %arg7[%dma_start3A_279, %dma_start3A_280] : memref<10240x128xf32, #tpu.memory_space<vmem_shared>> -> memref<10240x128xf32, #tpu.memory_space<vmem_shared>>
      tpu.enqueue_indirect_dma source(%arg10 : memref<128x128xf32, #tpu.memory_space<vmem>>) target(%dma_start3A_281 : memref<10240x128xf32, #tpu.memory_space<vmem_shared>>) offsets(%dma_start3A_278 : memref<128xi32, #tpu.memory_space<vmem>>) semaphore(%arg15 : memref<!tpu.dma_semaphore, #tpu.memory_space<semaphore_mem>>) {add = true}
      %dma_start3A_282 = arith.constant 6 : i32
      %dma_start3A_283 = arith.constant 0 : i32
      %dma_start3A_284 = tpu.memref_slice %arg9[%dma_start3A_282, %dma_start3A_283] : memref<16x128xi32, #tpu.memory_space<vmem>> -> memref<1x128xi32, #tpu.memory_space<vmem>>
      %dma_start3A_285 = tpu.memref_squeeze %dma_start3A_284 : memref<1x128xi32, #tpu.memory_space<vmem>> -> memref<128xi32, #tpu.memory_space<vmem>>
      %dma_start3A_286 = arith.constant 0 : i32
      %dma_start3A_287 = tpu.memref_slice %arg17[%dma_start3A_286] : memref<10240xf32, #tpu.memory_space<vmem_shared>> -> memref<10240xf32, #tpu.memory_space<vmem_shared>>
      tpu.enqueue_indirect_dma source(%arg18 : memref<128xf32, #tpu.memory_space<vmem>>) target(%dma_start3A_287 : memref<10240xf32, #tpu.memory_space<vmem_shared>>) offsets(%dma_start3A_285 : memref<128xi32, #tpu.memory_space<vmem>>) semaphore(%arg19 : memref<!tpu.dma_semaphore, #tpu.memory_space<semaphore_mem>>) {add = true}
      %dma_wait3A_288 = arith.constant 5 : i32
      %dma_wait3A_289 = arith.constant 0 : i32
      %dma_wait3A_290 = tpu.memref_slice %arg9[%dma_wait3A_288, %dma_wait3A_289] : memref<16x128xi32, #tpu.memory_space<vmem>> -> memref<1x128xi32, #tpu.memory_space<vmem>>
      %dma_wait3A_291 = tpu.memref_squeeze %dma_wait3A_290 : memref<1x128xi32, #tpu.memory_space<vmem>> -> memref<128xi32, #tpu.memory_space<vmem>>
      %dma_wait3A_292 = arith.constant 0 : i32
      %dma_wait3A_293 = arith.constant 0 : i32
      %dma_wait3A_294 = tpu.memref_slice %arg7[%dma_wait3A_292, %dma_wait3A_293] : memref<10240x128xf32, #tpu.memory_space<vmem_shared>> -> memref<10240x128xf32, #tpu.memory_space<vmem_shared>>
      tpu.wait_indirect_dma semaphore(%arg16 : memref<!tpu.dma_semaphore, #tpu.memory_space<semaphore_mem>>) src(%arg11 : memref<128x128xf32, #tpu.memory_space<vmem>>) dst(%dma_wait3A_294 : memref<10240x128xf32, #tpu.memory_space<vmem_shared>>)
      %dma_start3A_295 = arith.constant 7 : i32
      %dma_start3A_296 = arith.constant 0 : i32
      %dma_start3A_297 = tpu.memref_slice %arg8[%dma_start3A_295, %dma_start3A_296] : memref<16x128xi32, #tpu.memory_space<vmem>> -> memref<1x128xi32, #tpu.memory_space<vmem>>
      %dma_start3A_298 = tpu.memref_squeeze %dma_start3A_297 : memref<1x128xi32, #tpu.memory_space<vmem>> -> memref<128xi32, #tpu.memory_space<vmem>>
      %dma_start3A_299 = arith.constant 0 : i32
      %dma_start3A_300 = arith.constant 0 : i32
      %dma_start3A_301 = tpu.memref_slice %arg2[%dma_start3A_299, %dma_start3A_300] : memref<10000x128xf32, #tpu.memory_space<hbm>> -> memref<10000x128xf32, #tpu.memory_space<hbm>>
      tpu.enqueue_indirect_dma source(%dma_start3A_301 : memref<10000x128xf32, #tpu.memory_space<hbm>>) target(%arg11 : memref<128x128xf32, #tpu.memory_space<vmem>>) offsets(%dma_start3A_298 : memref<128xi32, #tpu.memory_space<vmem>>) semaphore(%arg14 : memref<!tpu.dma_semaphore, #tpu.memory_space<semaphore_mem>>)
      %dma_wait3A_302 = arith.constant 7 : i32
      %dma_wait3A_303 = arith.constant 0 : i32
      %dma_wait3A_304 = tpu.memref_slice %arg8[%dma_wait3A_302, %dma_wait3A_303] : memref<16x128xi32, #tpu.memory_space<vmem>> -> memref<1x128xi32, #tpu.memory_space<vmem>>
      %dma_wait3A_305 = tpu.memref_squeeze %dma_wait3A_304 : memref<1x128xi32, #tpu.memory_space<vmem>> -> memref<128xi32, #tpu.memory_space<vmem>>
      %dma_wait3A_306 = arith.constant 0 : i32
      %dma_wait3A_307 = arith.constant 0 : i32
      %dma_wait3A_308 = tpu.memref_slice %arg2[%dma_wait3A_306, %dma_wait3A_307] : memref<10000x128xf32, #tpu.memory_space<hbm>> -> memref<10000x128xf32, #tpu.memory_space<hbm>>
      tpu.wait_indirect_dma semaphore(%arg14 : memref<!tpu.dma_semaphore, #tpu.memory_space<semaphore_mem>>) src(%dma_wait3A_308 : memref<10000x128xf32, #tpu.memory_space<hbm>>) dst(%arg11 : memref<128x128xf32, #tpu.memory_space<vmem>>)
      %dma_start3A_309 = arith.constant 7 : i32
      %dma_start3A_310 = arith.constant 0 : i32
      %dma_start3A_311 = tpu.memref_slice %arg9[%dma_start3A_309, %dma_start3A_310] : memref<16x128xi32, #tpu.memory_space<vmem>> -> memref<1x128xi32, #tpu.memory_space<vmem>>
      %dma_start3A_312 = tpu.memref_squeeze %dma_start3A_311 : memref<1x128xi32, #tpu.memory_space<vmem>> -> memref<128xi32, #tpu.memory_space<vmem>>
      %dma_start3A_313 = arith.constant 0 : i32
      %dma_start3A_314 = arith.constant 0 : i32
      %dma_start3A_315 = tpu.memref_slice %arg7[%dma_start3A_313, %dma_start3A_314] : memref<10240x128xf32, #tpu.memory_space<vmem_shared>> -> memref<10240x128xf32, #tpu.memory_space<vmem_shared>>
      tpu.enqueue_indirect_dma source(%arg11 : memref<128x128xf32, #tpu.memory_space<vmem>>) target(%dma_start3A_315 : memref<10240x128xf32, #tpu.memory_space<vmem_shared>>) offsets(%dma_start3A_312 : memref<128xi32, #tpu.memory_space<vmem>>) semaphore(%arg16 : memref<!tpu.dma_semaphore, #tpu.memory_space<semaphore_mem>>) {add = true}
      %dma_start3A_316 = arith.constant 7 : i32
      %dma_start3A_317 = arith.constant 0 : i32
      %dma_start3A_318 = tpu.memref_slice %arg9[%dma_start3A_316, %dma_start3A_317] : memref<16x128xi32, #tpu.memory_space<vmem>> -> memref<1x128xi32, #tpu.memory_space<vmem>>
      %dma_start3A_319 = tpu.memref_squeeze %dma_start3A_318 : memref<1x128xi32, #tpu.memory_space<vmem>> -> memref<128xi32, #tpu.memory_space<vmem>>
      %dma_start3A_320 = arith.constant 0 : i32
      %dma_start3A_321 = tpu.memref_slice %arg17[%dma_start3A_320] : memref<10240xf32, #tpu.memory_space<vmem_shared>> -> memref<10240xf32, #tpu.memory_space<vmem_shared>>
      tpu.enqueue_indirect_dma source(%arg18 : memref<128xf32, #tpu.memory_space<vmem>>) target(%dma_start3A_321 : memref<10240xf32, #tpu.memory_space<vmem_shared>>) offsets(%dma_start3A_319 : memref<128xi32, #tpu.memory_space<vmem>>) semaphore(%arg19 : memref<!tpu.dma_semaphore, #tpu.memory_space<semaphore_mem>>) {add = true}
      %dma_wait3A_322 = arith.constant 6 : i32
      %dma_wait3A_323 = arith.constant 0 : i32
      %dma_wait3A_324 = tpu.memref_slice %arg9[%dma_wait3A_322, %dma_wait3A_323] : memref<16x128xi32, #tpu.memory_space<vmem>> -> memref<1x128xi32, #tpu.memory_space<vmem>>
      %dma_wait3A_325 = tpu.memref_squeeze %dma_wait3A_324 : memref<1x128xi32, #tpu.memory_space<vmem>> -> memref<128xi32, #tpu.memory_space<vmem>>
      %dma_wait3A_326 = arith.constant 0 : i32
      %dma_wait3A_327 = arith.constant 0 : i32
      %dma_wait3A_328 = tpu.memref_slice %arg7[%dma_wait3A_326, %dma_wait3A_327] : memref<10240x128xf32, #tpu.memory_space<vmem_shared>> -> memref<10240x128xf32, #tpu.memory_space<vmem_shared>>
      tpu.wait_indirect_dma semaphore(%arg15 : memref<!tpu.dma_semaphore, #tpu.memory_space<semaphore_mem>>) src(%arg10 : memref<128x128xf32, #tpu.memory_space<vmem>>) dst(%dma_wait3A_328 : memref<10240x128xf32, #tpu.memory_space<vmem_shared>>)
      %dma_start3A_329 = arith.constant 8 : i32
      %dma_start3A_330 = arith.constant 0 : i32
      %dma_start3A_331 = tpu.memref_slice %arg8[%dma_start3A_329, %dma_start3A_330] : memref<16x128xi32, #tpu.memory_space<vmem>> -> memref<1x128xi32, #tpu.memory_space<vmem>>
      %dma_start3A_332 = tpu.memref_squeeze %dma_start3A_331 : memref<1x128xi32, #tpu.memory_space<vmem>> -> memref<128xi32, #tpu.memory_space<vmem>>
      %dma_start3A_333 = arith.constant 0 : i32
      %dma_start3A_334 = arith.constant 0 : i32
      %dma_start3A_335 = tpu.memref_slice %arg2[%dma_start3A_333, %dma_start3A_334] : memref<10000x128xf32, #tpu.memory_space<hbm>> -> memref<10000x128xf32, #tpu.memory_space<hbm>>
      tpu.enqueue_indirect_dma source(%dma_start3A_335 : memref<10000x128xf32, #tpu.memory_space<hbm>>) target(%arg10 : memref<128x128xf32, #tpu.memory_space<vmem>>) offsets(%dma_start3A_332 : memref<128xi32, #tpu.memory_space<vmem>>) semaphore(%arg13 : memref<!tpu.dma_semaphore, #tpu.memory_space<semaphore_mem>>)
      %dma_wait3A_336 = arith.constant 8 : i32
      %dma_wait3A_337 = arith.constant 0 : i32
      %dma_wait3A_338 = tpu.memref_slice %arg8[%dma_wait3A_336, %dma_wait3A_337] : memref<16x128xi32, #tpu.memory_space<vmem>> -> memref<1x128xi32, #tpu.memory_space<vmem>>
      %dma_wait3A_339 = tpu.memref_squeeze %dma_wait3A_338 : memref<1x128xi32, #tpu.memory_space<vmem>> -> memref<128xi32, #tpu.memory_space<vmem>>
      %dma_wait3A_340 = arith.constant 0 : i32
      %dma_wait3A_341 = arith.constant 0 : i32
      %dma_wait3A_342 = tpu.memref_slice %arg2[%dma_wait3A_340, %dma_wait3A_341] : memref<10000x128xf32, #tpu.memory_space<hbm>> -> memref<10000x128xf32, #tpu.memory_space<hbm>>
      tpu.wait_indirect_dma semaphore(%arg13 : memref<!tpu.dma_semaphore, #tpu.memory_space<semaphore_mem>>) src(%dma_wait3A_342 : memref<10000x128xf32, #tpu.memory_space<hbm>>) dst(%arg10 : memref<128x128xf32, #tpu.memory_space<vmem>>)
      %dma_start3A_343 = arith.constant 8 : i32
      %dma_start3A_344 = arith.constant 0 : i32
      %dma_start3A_345 = tpu.memref_slice %arg9[%dma_start3A_343, %dma_start3A_344] : memref<16x128xi32, #tpu.memory_space<vmem>> -> memref<1x128xi32, #tpu.memory_space<vmem>>
      %dma_start3A_346 = tpu.memref_squeeze %dma_start3A_345 : memref<1x128xi32, #tpu.memory_space<vmem>> -> memref<128xi32, #tpu.memory_space<vmem>>
      %dma_start3A_347 = arith.constant 0 : i32
      %dma_start3A_348 = arith.constant 0 : i32
      %dma_start3A_349 = tpu.memref_slice %arg7[%dma_start3A_347, %dma_start3A_348] : memref<10240x128xf32, #tpu.memory_space<vmem_shared>> -> memref<10240x128xf32, #tpu.memory_space<vmem_shared>>
      tpu.enqueue_indirect_dma source(%arg10 : memref<128x128xf32, #tpu.memory_space<vmem>>) target(%dma_start3A_349 : memref<10240x128xf32, #tpu.memory_space<vmem_shared>>) offsets(%dma_start3A_346 : memref<128xi32, #tpu.memory_space<vmem>>) semaphore(%arg15 : memref<!tpu.dma_semaphore, #tpu.memory_space<semaphore_mem>>) {add = true}
      %dma_start3A_350 = arith.constant 8 : i32
      %dma_start3A_351 = arith.constant 0 : i32
      %dma_start3A_352 = tpu.memref_slice %arg9[%dma_start3A_350, %dma_start3A_351] : memref<16x128xi32, #tpu.memory_space<vmem>> -> memref<1x128xi32, #tpu.memory_space<vmem>>
      %dma_start3A_353 = tpu.memref_squeeze %dma_start3A_352 : memref<1x128xi32, #tpu.memory_space<vmem>> -> memref<128xi32, #tpu.memory_space<vmem>>
      %dma_start3A_354 = arith.constant 0 : i32
      %dma_start3A_355 = tpu.memref_slice %arg17[%dma_start3A_354] : memref<10240xf32, #tpu.memory_space<vmem_shared>> -> memref<10240xf32, #tpu.memory_space<vmem_shared>>
      tpu.enqueue_indirect_dma source(%arg18 : memref<128xf32, #tpu.memory_space<vmem>>) target(%dma_start3A_355 : memref<10240xf32, #tpu.memory_space<vmem_shared>>) offsets(%dma_start3A_353 : memref<128xi32, #tpu.memory_space<vmem>>) semaphore(%arg19 : memref<!tpu.dma_semaphore, #tpu.memory_space<semaphore_mem>>) {add = true}
      %dma_wait3A_356 = arith.constant 7 : i32
      %dma_wait3A_357 = arith.constant 0 : i32
      %dma_wait3A_358 = tpu.memref_slice %arg9[%dma_wait3A_356, %dma_wait3A_357] : memref<16x128xi32, #tpu.memory_space<vmem>> -> memref<1x128xi32, #tpu.memory_space<vmem>>
      %dma_wait3A_359 = tpu.memref_squeeze %dma_wait3A_358 : memref<1x128xi32, #tpu.memory_space<vmem>> -> memref<128xi32, #tpu.memory_space<vmem>>
      %dma_wait3A_360 = arith.constant 0 : i32
      %dma_wait3A_361 = arith.constant 0 : i32
      %dma_wait3A_362 = tpu.memref_slice %arg7[%dma_wait3A_360, %dma_wait3A_361] : memref<10240x128xf32, #tpu.memory_space<vmem_shared>> -> memref<10240x128xf32, #tpu.memory_space<vmem_shared>>
      tpu.wait_indirect_dma semaphore(%arg16 : memref<!tpu.dma_semaphore, #tpu.memory_space<semaphore_mem>>) src(%arg11 : memref<128x128xf32, #tpu.memory_space<vmem>>) dst(%dma_wait3A_362 : memref<10240x128xf32, #tpu.memory_space<vmem_shared>>)
      %dma_start3A_363 = arith.constant 9 : i32
      %dma_start3A_364 = arith.constant 0 : i32
      %dma_start3A_365 = tpu.memref_slice %arg8[%dma_start3A_363, %dma_start3A_364] : memref<16x128xi32, #tpu.memory_space<vmem>> -> memref<1x128xi32, #tpu.memory_space<vmem>>
      %dma_start3A_366 = tpu.memref_squeeze %dma_start3A_365 : memref<1x128xi32, #tpu.memory_space<vmem>> -> memref<128xi32, #tpu.memory_space<vmem>>
      %dma_start3A_367 = arith.constant 0 : i32
      %dma_start3A_368 = arith.constant 0 : i32
      %dma_start3A_369 = tpu.memref_slice %arg2[%dma_start3A_367, %dma_start3A_368] : memref<10000x128xf32, #tpu.memory_space<hbm>> -> memref<10000x128xf32, #tpu.memory_space<hbm>>
      tpu.enqueue_indirect_dma source(%dma_start3A_369 : memref<10000x128xf32, #tpu.memory_space<hbm>>) target(%arg11 : memref<128x128xf32, #tpu.memory_space<vmem>>) offsets(%dma_start3A_366 : memref<128xi32, #tpu.memory_space<vmem>>) semaphore(%arg14 : memref<!tpu.dma_semaphore, #tpu.memory_space<semaphore_mem>>)
      %dma_wait3A_370 = arith.constant 9 : i32
      %dma_wait3A_371 = arith.constant 0 : i32
      %dma_wait3A_372 = tpu.memref_slice %arg8[%dma_wait3A_370, %dma_wait3A_371] : memref<16x128xi32, #tpu.memory_space<vmem>> -> memref<1x128xi32, #tpu.memory_space<vmem>>
      %dma_wait3A_373 = tpu.memref_squeeze %dma_wait3A_372 : memref<1x128xi32, #tpu.memory_space<vmem>> -> memref<128xi32, #tpu.memory_space<vmem>>
      %dma_wait3A_374 = arith.constant 0 : i32
      %dma_wait3A_375 = arith.constant 0 : i32
      %dma_wait3A_376 = tpu.memref_slice %arg2[%dma_wait3A_374, %dma_wait3A_375] : memref<10000x128xf32, #tpu.memory_space<hbm>> -> memref<10000x128xf32, #tpu.memory_space<hbm>>
      tpu.wait_indirect_dma semaphore(%arg14 : memref<!tpu.dma_semaphore, #tpu.memory_space<semaphore_mem>>) src(%dma_wait3A_376 : memref<10000x128xf32, #tpu.memory_space<hbm>>) dst(%arg11 : memref<128x128xf32, #tpu.memory_space<vmem>>)
      %dma_start3A_377 = arith.constant 9 : i32
      %dma_start3A_378 = arith.constant 0 : i32
      %dma_start3A_379 = tpu.memref_slice %arg9[%dma_start3A_377, %dma_start3A_378] : memref<16x128xi32, #tpu.memory_space<vmem>> -> memref<1x128xi32, #tpu.memory_space<vmem>>
      %dma_start3A_380 = tpu.memref_squeeze %dma_start3A_379 : memref<1x128xi32, #tpu.memory_space<vmem>> -> memref<128xi32, #tpu.memory_space<vmem>>
      %dma_start3A_381 = arith.constant 0 : i32
      %dma_start3A_382 = arith.constant 0 : i32
      %dma_start3A_383 = tpu.memref_slice %arg7[%dma_start3A_381, %dma_start3A_382] : memref<10240x128xf32, #tpu.memory_space<vmem_shared>> -> memref<10240x128xf32, #tpu.memory_space<vmem_shared>>
      tpu.enqueue_indirect_dma source(%arg11 : memref<128x128xf32, #tpu.memory_space<vmem>>) target(%dma_start3A_383 : memref<10240x128xf32, #tpu.memory_space<vmem_shared>>) offsets(%dma_start3A_380 : memref<128xi32, #tpu.memory_space<vmem>>) semaphore(%arg16 : memref<!tpu.dma_semaphore, #tpu.memory_space<semaphore_mem>>) {add = true}
      %dma_start3A_384 = arith.constant 9 : i32
      %dma_start3A_385 = arith.constant 0 : i32
      %dma_start3A_386 = tpu.memref_slice %arg9[%dma_start3A_384, %dma_start3A_385] : memref<16x128xi32, #tpu.memory_space<vmem>> -> memref<1x128xi32, #tpu.memory_space<vmem>>
      %dma_start3A_387 = tpu.memref_squeeze %dma_start3A_386 : memref<1x128xi32, #tpu.memory_space<vmem>> -> memref<128xi32, #tpu.memory_space<vmem>>
      %dma_start3A_388 = arith.constant 0 : i32
      %dma_start3A_389 = tpu.memref_slice %arg17[%dma_start3A_388] : memref<10240xf32, #tpu.memory_space<vmem_shared>> -> memref<10240xf32, #tpu.memory_space<vmem_shared>>
      tpu.enqueue_indirect_dma source(%arg18 : memref<128xf32, #tpu.memory_space<vmem>>) target(%dma_start3A_389 : memref<10240xf32, #tpu.memory_space<vmem_shared>>) offsets(%dma_start3A_387 : memref<128xi32, #tpu.memory_space<vmem>>) semaphore(%arg19 : memref<!tpu.dma_semaphore, #tpu.memory_space<semaphore_mem>>) {add = true}
      %dma_wait3A_390 = arith.constant 8 : i32
      %dma_wait3A_391 = arith.constant 0 : i32
      %dma_wait3A_392 = tpu.memref_slice %arg9[%dma_wait3A_390, %dma_wait3A_391] : memref<16x128xi32, #tpu.memory_space<vmem>> -> memref<1x128xi32, #tpu.memory_space<vmem>>
      %dma_wait3A_393 = tpu.memref_squeeze %dma_wait3A_392 : memref<1x128xi32, #tpu.memory_space<vmem>> -> memref<128xi32, #tpu.memory_space<vmem>>
      %dma_wait3A_394 = arith.constant 0 : i32
      %dma_wait3A_395 = arith.constant 0 : i32
      %dma_wait3A_396 = tpu.memref_slice %arg7[%dma_wait3A_394, %dma_wait3A_395] : memref<10240x128xf32, #tpu.memory_space<vmem_shared>> -> memref<10240x128xf32, #tpu.memory_space<vmem_shared>>
      tpu.wait_indirect_dma semaphore(%arg15 : memref<!tpu.dma_semaphore, #tpu.memory_space<semaphore_mem>>) src(%arg10 : memref<128x128xf32, #tpu.memory_space<vmem>>) dst(%dma_wait3A_396 : memref<10240x128xf32, #tpu.memory_space<vmem_shared>>)
      %dma_start3A_397 = arith.constant 10 : i32
      %dma_start3A_398 = arith.constant 0 : i32
      %dma_start3A_399 = tpu.memref_slice %arg8[%dma_start3A_397, %dma_start3A_398] : memref<16x128xi32, #tpu.memory_space<vmem>> -> memref<1x128xi32, #tpu.memory_space<vmem>>
      %dma_start3A_400 = tpu.memref_squeeze %dma_start3A_399 : memref<1x128xi32, #tpu.memory_space<vmem>> -> memref<128xi32, #tpu.memory_space<vmem>>
      %dma_start3A_401 = arith.constant 0 : i32
      %dma_start3A_402 = arith.constant 0 : i32
      %dma_start3A_403 = tpu.memref_slice %arg2[%dma_start3A_401, %dma_start3A_402] : memref<10000x128xf32, #tpu.memory_space<hbm>> -> memref<10000x128xf32, #tpu.memory_space<hbm>>
      tpu.enqueue_indirect_dma source(%dma_start3A_403 : memref<10000x128xf32, #tpu.memory_space<hbm>>) target(%arg10 : memref<128x128xf32, #tpu.memory_space<vmem>>) offsets(%dma_start3A_400 : memref<128xi32, #tpu.memory_space<vmem>>) semaphore(%arg13 : memref<!tpu.dma_semaphore, #tpu.memory_space<semaphore_mem>>)
      %dma_wait3A_404 = arith.constant 10 : i32
      %dma_wait3A_405 = arith.constant 0 : i32
      %dma_wait3A_406 = tpu.memref_slice %arg8[%dma_wait3A_404, %dma_wait3A_405] : memref<16x128xi32, #tpu.memory_space<vmem>> -> memref<1x128xi32, #tpu.memory_space<vmem>>
      %dma_wait3A_407 = tpu.memref_squeeze %dma_wait3A_406 : memref<1x128xi32, #tpu.memory_space<vmem>> -> memref<128xi32, #tpu.memory_space<vmem>>
      %dma_wait3A_408 = arith.constant 0 : i32
      %dma_wait3A_409 = arith.constant 0 : i32
      %dma_wait3A_410 = tpu.memref_slice %arg2[%dma_wait3A_408, %dma_wait3A_409] : memref<10000x128xf32, #tpu.memory_space<hbm>> -> memref<10000x128xf32, #tpu.memory_space<hbm>>
      tpu.wait_indirect_dma semaphore(%arg13 : memref<!tpu.dma_semaphore, #tpu.memory_space<semaphore_mem>>) src(%dma_wait3A_410 : memref<10000x128xf32, #tpu.memory_space<hbm>>) dst(%arg10 : memref<128x128xf32, #tpu.memory_space<vmem>>)
      %dma_start3A_411 = arith.constant 10 : i32
      %dma_start3A_412 = arith.constant 0 : i32
      %dma_start3A_413 = tpu.memref_slice %arg9[%dma_start3A_411, %dma_start3A_412] : memref<16x128xi32, #tpu.memory_space<vmem>> -> memref<1x128xi32, #tpu.memory_space<vmem>>
      %dma_start3A_414 = tpu.memref_squeeze %dma_start3A_413 : memref<1x128xi32, #tpu.memory_space<vmem>> -> memref<128xi32, #tpu.memory_space<vmem>>
      %dma_start3A_415 = arith.constant 0 : i32
      %dma_start3A_416 = arith.constant 0 : i32
      %dma_start3A_417 = tpu.memref_slice %arg7[%dma_start3A_415, %dma_start3A_416] : memref<10240x128xf32, #tpu.memory_space<vmem_shared>> -> memref<10240x128xf32, #tpu.memory_space<vmem_shared>>
      tpu.enqueue_indirect_dma source(%arg10 : memref<128x128xf32, #tpu.memory_space<vmem>>) target(%dma_start3A_417 : memref<10240x128xf32, #tpu.memory_space<vmem_shared>>) offsets(%dma_start3A_414 : memref<128xi32, #tpu.memory_space<vmem>>) semaphore(%arg15 : memref<!tpu.dma_semaphore, #tpu.memory_space<semaphore_mem>>) {add = true}
      %dma_start3A_418 = arith.constant 10 : i32
      %dma_start3A_419 = arith.constant 0 : i32
      %dma_start3A_420 = tpu.memref_slice %arg9[%dma_start3A_418, %dma_start3A_419] : memref<16x128xi32, #tpu.memory_space<vmem>> -> memref<1x128xi32, #tpu.memory_space<vmem>>
      %dma_start3A_421 = tpu.memref_squeeze %dma_start3A_420 : memref<1x128xi32, #tpu.memory_space<vmem>> -> memref<128xi32, #tpu.memory_space<vmem>>
      %dma_start3A_422 = arith.constant 0 : i32
      %dma_start3A_423 = tpu.memref_slice %arg17[%dma_start3A_422] : memref<10240xf32, #tpu.memory_space<vmem_shared>> -> memref<10240xf32, #tpu.memory_space<vmem_shared>>
      tpu.enqueue_indirect_dma source(%arg18 : memref<128xf32, #tpu.memory_space<vmem>>) target(%dma_start3A_423 : memref<10240xf32, #tpu.memory_space<vmem_shared>>) offsets(%dma_start3A_421 : memref<128xi32, #tpu.memory_space<vmem>>) semaphore(%arg19 : memref<!tpu.dma_semaphore, #tpu.memory_space<semaphore_mem>>) {add = true}
      %dma_wait3A_424 = arith.constant 9 : i32
      %dma_wait3A_425 = arith.constant 0 : i32
      %dma_wait3A_426 = tpu.memref_slice %arg9[%dma_wait3A_424, %dma_wait3A_425] : memref<16x128xi32, #tpu.memory_space<vmem>> -> memref<1x128xi32, #tpu.memory_space<vmem>>
      %dma_wait3A_427 = tpu.memref_squeeze %dma_wait3A_426 : memref<1x128xi32, #tpu.memory_space<vmem>> -> memref<128xi32, #tpu.memory_space<vmem>>
      %dma_wait3A_428 = arith.constant 0 : i32
      %dma_wait3A_429 = arith.constant 0 : i32
      %dma_wait3A_430 = tpu.memref_slice %arg7[%dma_wait3A_428, %dma_wait3A_429] : memref<10240x128xf32, #tpu.memory_space<vmem_shared>> -> memref<10240x128xf32, #tpu.memory_space<vmem_shared>>
      tpu.wait_indirect_dma semaphore(%arg16 : memref<!tpu.dma_semaphore, #tpu.memory_space<semaphore_mem>>) src(%arg11 : memref<128x128xf32, #tpu.memory_space<vmem>>) dst(%dma_wait3A_430 : memref<10240x128xf32, #tpu.memory_space<vmem_shared>>)
      %dma_start3A_431 = arith.constant 11 : i32
      %dma_start3A_432 = arith.constant 0 : i32
      %dma_start3A_433 = tpu.memref_slice %arg8[%dma_start3A_431, %dma_start3A_432] : memref<16x128xi32, #tpu.memory_space<vmem>> -> memref<1x128xi32, #tpu.memory_space<vmem>>
      %dma_start3A_434 = tpu.memref_squeeze %dma_start3A_433 : memref<1x128xi32, #tpu.memory_space<vmem>> -> memref<128xi32, #tpu.memory_space<vmem>>
      %dma_start3A_435 = arith.constant 0 : i32
      %dma_start3A_436 = arith.constant 0 : i32
      %dma_start3A_437 = tpu.memref_slice %arg2[%dma_start3A_435, %dma_start3A_436] : memref<10000x128xf32, #tpu.memory_space<hbm>> -> memref<10000x128xf32, #tpu.memory_space<hbm>>
      tpu.enqueue_indirect_dma source(%dma_start3A_437 : memref<10000x128xf32, #tpu.memory_space<hbm>>) target(%arg11 : memref<128x128xf32, #tpu.memory_space<vmem>>) offsets(%dma_start3A_434 : memref<128xi32, #tpu.memory_space<vmem>>) semaphore(%arg14 : memref<!tpu.dma_semaphore, #tpu.memory_space<semaphore_mem>>)
      %dma_wait3A_438 = arith.constant 11 : i32
      %dma_wait3A_439 = arith.constant 0 : i32
      %dma_wait3A_440 = tpu.memref_slice %arg8[%dma_wait3A_438, %dma_wait3A_439] : memref<16x128xi32, #tpu.memory_space<vmem>> -> memref<1x128xi32, #tpu.memory_space<vmem>>
      %dma_wait3A_441 = tpu.memref_squeeze %dma_wait3A_440 : memref<1x128xi32, #tpu.memory_space<vmem>> -> memref<128xi32, #tpu.memory_space<vmem>>
      %dma_wait3A_442 = arith.constant 0 : i32
      %dma_wait3A_443 = arith.constant 0 : i32
      %dma_wait3A_444 = tpu.memref_slice %arg2[%dma_wait3A_442, %dma_wait3A_443] : memref<10000x128xf32, #tpu.memory_space<hbm>> -> memref<10000x128xf32, #tpu.memory_space<hbm>>
      tpu.wait_indirect_dma semaphore(%arg14 : memref<!tpu.dma_semaphore, #tpu.memory_space<semaphore_mem>>) src(%dma_wait3A_444 : memref<10000x128xf32, #tpu.memory_space<hbm>>) dst(%arg11 : memref<128x128xf32, #tpu.memory_space<vmem>>)
      %dma_start3A_445 = arith.constant 11 : i32
      %dma_start3A_446 = arith.constant 0 : i32
      %dma_start3A_447 = tpu.memref_slice %arg9[%dma_start3A_445, %dma_start3A_446] : memref<16x128xi32, #tpu.memory_space<vmem>> -> memref<1x128xi32, #tpu.memory_space<vmem>>
      %dma_start3A_448 = tpu.memref_squeeze %dma_start3A_447 : memref<1x128xi32, #tpu.memory_space<vmem>> -> memref<128xi32, #tpu.memory_space<vmem>>
      %dma_start3A_449 = arith.constant 0 : i32
      %dma_start3A_450 = arith.constant 0 : i32
      %dma_start3A_451 = tpu.memref_slice %arg7[%dma_start3A_449, %dma_start3A_450] : memref<10240x128xf32, #tpu.memory_space<vmem_shared>> -> memref<10240x128xf32, #tpu.memory_space<vmem_shared>>
      tpu.enqueue_indirect_dma source(%arg11 : memref<128x128xf32, #tpu.memory_space<vmem>>) target(%dma_start3A_451 : memref<10240x128xf32, #tpu.memory_space<vmem_shared>>) offsets(%dma_start3A_448 : memref<128xi32, #tpu.memory_space<vmem>>) semaphore(%arg16 : memref<!tpu.dma_semaphore, #tpu.memory_space<semaphore_mem>>) {add = true}
      %dma_start3A_452 = arith.constant 11 : i32
      %dma_start3A_453 = arith.constant 0 : i32
      %dma_start3A_454 = tpu.memref_slice %arg9[%dma_start3A_452, %dma_start3A_453] : memref<16x128xi32, #tpu.memory_space<vmem>> -> memref<1x128xi32, #tpu.memory_space<vmem>>
      %dma_start3A_455 = tpu.memref_squeeze %dma_start3A_454 : memref<1x128xi32, #tpu.memory_space<vmem>> -> memref<128xi32, #tpu.memory_space<vmem>>
      %dma_start3A_456 = arith.constant 0 : i32
      %dma_start3A_457 = tpu.memref_slice %arg17[%dma_start3A_456] : memref<10240xf32, #tpu.memory_space<vmem_shared>> -> memref<10240xf32, #tpu.memory_space<vmem_shared>>
      tpu.enqueue_indirect_dma source(%arg18 : memref<128xf32, #tpu.memory_space<vmem>>) target(%dma_start3A_457 : memref<10240xf32, #tpu.memory_space<vmem_shared>>) offsets(%dma_start3A_455 : memref<128xi32, #tpu.memory_space<vmem>>) semaphore(%arg19 : memref<!tpu.dma_semaphore, #tpu.memory_space<semaphore_mem>>) {add = true}
      %dma_wait3A_458 = arith.constant 10 : i32
      %dma_wait3A_459 = arith.constant 0 : i32
      %dma_wait3A_460 = tpu.memref_slice %arg9[%dma_wait3A_458, %dma_wait3A_459] : memref<16x128xi32, #tpu.memory_space<vmem>> -> memref<1x128xi32, #tpu.memory_space<vmem>>
      %dma_wait3A_461 = tpu.memref_squeeze %dma_wait3A_460 : memref<1x128xi32, #tpu.memory_space<vmem>> -> memref<128xi32, #tpu.memory_space<vmem>>
      %dma_wait3A_462 = arith.constant 0 : i32
      %dma_wait3A_463 = arith.constant 0 : i32
      %dma_wait3A_464 = tpu.memref_slice %arg7[%dma_wait3A_462, %dma_wait3A_463] : memref<10240x128xf32, #tpu.memory_space<vmem_shared>> -> memref<10240x128xf32, #tpu.memory_space<vmem_shared>>
      tpu.wait_indirect_dma semaphore(%arg15 : memref<!tpu.dma_semaphore, #tpu.memory_space<semaphore_mem>>) src(%arg10 : memref<128x128xf32, #tpu.memory_space<vmem>>) dst(%dma_wait3A_464 : memref<10240x128xf32, #tpu.memory_space<vmem_shared>>)
      %dma_start3A_465 = arith.constant 12 : i32
      %dma_start3A_466 = arith.constant 0 : i32
      %dma_start3A_467 = tpu.memref_slice %arg8[%dma_start3A_465, %dma_start3A_466] : memref<16x128xi32, #tpu.memory_space<vmem>> -> memref<1x128xi32, #tpu.memory_space<vmem>>
      %dma_start3A_468 = tpu.memref_squeeze %dma_start3A_467 : memref<1x128xi32, #tpu.memory_space<vmem>> -> memref<128xi32, #tpu.memory_space<vmem>>
      %dma_start3A_469 = arith.constant 0 : i32
      %dma_start3A_470 = arith.constant 0 : i32
      %dma_start3A_471 = tpu.memref_slice %arg2[%dma_start3A_469, %dma_start3A_470] : memref<10000x128xf32, #tpu.memory_space<hbm>> -> memref<10000x128xf32, #tpu.memory_space<hbm>>
      tpu.enqueue_indirect_dma source(%dma_start3A_471 : memref<10000x128xf32, #tpu.memory_space<hbm>>) target(%arg10 : memref<128x128xf32, #tpu.memory_space<vmem>>) offsets(%dma_start3A_468 : memref<128xi32, #tpu.memory_space<vmem>>) semaphore(%arg13 : memref<!tpu.dma_semaphore, #tpu.memory_space<semaphore_mem>>)
      %dma_wait3A_472 = arith.constant 12 : i32
      %dma_wait3A_473 = arith.constant 0 : i32
      %dma_wait3A_474 = tpu.memref_slice %arg8[%dma_wait3A_472, %dma_wait3A_473] : memref<16x128xi32, #tpu.memory_space<vmem>> -> memref<1x128xi32, #tpu.memory_space<vmem>>
      %dma_wait3A_475 = tpu.memref_squeeze %dma_wait3A_474 : memref<1x128xi32, #tpu.memory_space<vmem>> -> memref<128xi32, #tpu.memory_space<vmem>>
      %dma_wait3A_476 = arith.constant 0 : i32
      %dma_wait3A_477 = arith.constant 0 : i32
      %dma_wait3A_478 = tpu.memref_slice %arg2[%dma_wait3A_476, %dma_wait3A_477] : memref<10000x128xf32, #tpu.memory_space<hbm>> -> memref<10000x128xf32, #tpu.memory_space<hbm>>
      tpu.wait_indirect_dma semaphore(%arg13 : memref<!tpu.dma_semaphore, #tpu.memory_space<semaphore_mem>>) src(%dma_wait3A_478 : memref<10000x128xf32, #tpu.memory_space<hbm>>) dst(%arg10 : memref<128x128xf32, #tpu.memory_space<vmem>>)
      %dma_start3A_479 = arith.constant 12 : i32
      %dma_start3A_480 = arith.constant 0 : i32
      %dma_start3A_481 = tpu.memref_slice %arg9[%dma_start3A_479, %dma_start3A_480] : memref<16x128xi32, #tpu.memory_space<vmem>> -> memref<1x128xi32, #tpu.memory_space<vmem>>
      %dma_start3A_482 = tpu.memref_squeeze %dma_start3A_481 : memref<1x128xi32, #tpu.memory_space<vmem>> -> memref<128xi32, #tpu.memory_space<vmem>>
      %dma_start3A_483 = arith.constant 0 : i32
      %dma_start3A_484 = arith.constant 0 : i32
      %dma_start3A_485 = tpu.memref_slice %arg7[%dma_start3A_483, %dma_start3A_484] : memref<10240x128xf32, #tpu.memory_space<vmem_shared>> -> memref<10240x128xf32, #tpu.memory_space<vmem_shared>>
      tpu.enqueue_indirect_dma source(%arg10 : memref<128x128xf32, #tpu.memory_space<vmem>>) target(%dma_start3A_485 : memref<10240x128xf32, #tpu.memory_space<vmem_shared>>) offsets(%dma_start3A_482 : memref<128xi32, #tpu.memory_space<vmem>>) semaphore(%arg15 : memref<!tpu.dma_semaphore, #tpu.memory_space<semaphore_mem>>) {add = true}
      %dma_start3A_486 = arith.constant 12 : i32
      %dma_start3A_487 = arith.constant 0 : i32
      %dma_start3A_488 = tpu.memref_slice %arg9[%dma_start3A_486, %dma_start3A_487] : memref<16x128xi32, #tpu.memory_space<vmem>> -> memref<1x128xi32, #tpu.memory_space<vmem>>
      %dma_start3A_489 = tpu.memref_squeeze %dma_start3A_488 : memref<1x128xi32, #tpu.memory_space<vmem>> -> memref<128xi32, #tpu.memory_space<vmem>>
      %dma_start3A_490 = arith.constant 0 : i32
      %dma_start3A_491 = tpu.memref_slice %arg17[%dma_start3A_490] : memref<10240xf32, #tpu.memory_space<vmem_shared>> -> memref<10240xf32, #tpu.memory_space<vmem_shared>>
      tpu.enqueue_indirect_dma source(%arg18 : memref<128xf32, #tpu.memory_space<vmem>>) target(%dma_start3A_491 : memref<10240xf32, #tpu.memory_space<vmem_shared>>) offsets(%dma_start3A_489 : memref<128xi32, #tpu.memory_space<vmem>>) semaphore(%arg19 : memref<!tpu.dma_semaphore, #tpu.memory_space<semaphore_mem>>) {add = true}
      %dma_wait3A_492 = arith.constant 11 : i32
      %dma_wait3A_493 = arith.constant 0 : i32
      %dma_wait3A_494 = tpu.memref_slice %arg9[%dma_wait3A_492, %dma_wait3A_493] : memref<16x128xi32, #tpu.memory_space<vmem>> -> memref<1x128xi32, #tpu.memory_space<vmem>>
      %dma_wait3A_495 = tpu.memref_squeeze %dma_wait3A_494 : memref<1x128xi32, #tpu.memory_space<vmem>> -> memref<128xi32, #tpu.memory_space<vmem>>
      %dma_wait3A_496 = arith.constant 0 : i32
      %dma_wait3A_497 = arith.constant 0 : i32
      %dma_wait3A_498 = tpu.memref_slice %arg7[%dma_wait3A_496, %dma_wait3A_497] : memref<10240x128xf32, #tpu.memory_space<vmem_shared>> -> memref<10240x128xf32, #tpu.memory_space<vmem_shared>>
      tpu.wait_indirect_dma semaphore(%arg16 : memref<!tpu.dma_semaphore, #tpu.memory_space<semaphore_mem>>) src(%arg11 : memref<128x128xf32, #tpu.memory_space<vmem>>) dst(%dma_wait3A_498 : memref<10240x128xf32, #tpu.memory_space<vmem_shared>>)
      %dma_start3A_499 = arith.constant 13 : i32
      %dma_start3A_500 = arith.constant 0 : i32
      %dma_start3A_501 = tpu.memref_slice %arg8[%dma_start3A_499, %dma_start3A_500] : memref<16x128xi32, #tpu.memory_space<vmem>> -> memref<1x128xi32, #tpu.memory_space<vmem>>
      %dma_start3A_502 = tpu.memref_squeeze %dma_start3A_501 : memref<1x128xi32, #tpu.memory_space<vmem>> -> memref<128xi32, #tpu.memory_space<vmem>>
      %dma_start3A_503 = arith.constant 0 : i32
      %dma_start3A_504 = arith.constant 0 : i32
      %dma_start3A_505 = tpu.memref_slice %arg2[%dma_start3A_503, %dma_start3A_504] : memref<10000x128xf32, #tpu.memory_space<hbm>> -> memref<10000x128xf32, #tpu.memory_space<hbm>>
      tpu.enqueue_indirect_dma source(%dma_start3A_505 : memref<10000x128xf32, #tpu.memory_space<hbm>>) target(%arg11 : memref<128x128xf32, #tpu.memory_space<vmem>>) offsets(%dma_start3A_502 : memref<128xi32, #tpu.memory_space<vmem>>) semaphore(%arg14 : memref<!tpu.dma_semaphore, #tpu.memory_space<semaphore_mem>>)
      %dma_wait3A_506 = arith.constant 13 : i32
      %dma_wait3A_507 = arith.constant 0 : i32
      %dma_wait3A_508 = tpu.memref_slice %arg8[%dma_wait3A_506, %dma_wait3A_507] : memref<16x128xi32, #tpu.memory_space<vmem>> -> memref<1x128xi32, #tpu.memory_space<vmem>>
      %dma_wait3A_509 = tpu.memref_squeeze %dma_wait3A_508 : memref<1x128xi32, #tpu.memory_space<vmem>> -> memref<128xi32, #tpu.memory_space<vmem>>
      %dma_wait3A_510 = arith.constant 0 : i32
      %dma_wait3A_511 = arith.constant 0 : i32
      %dma_wait3A_512 = tpu.memref_slice %arg2[%dma_wait3A_510, %dma_wait3A_511] : memref<10000x128xf32, #tpu.memory_space<hbm>> -> memref<10000x128xf32, #tpu.memory_space<hbm>>
      tpu.wait_indirect_dma semaphore(%arg14 : memref<!tpu.dma_semaphore, #tpu.memory_space<semaphore_mem>>) src(%dma_wait3A_512 : memref<10000x128xf32, #tpu.memory_space<hbm>>) dst(%arg11 : memref<128x128xf32, #tpu.memory_space<vmem>>)
      %dma_start3A_513 = arith.constant 13 : i32
      %dma_start3A_514 = arith.constant 0 : i32
      %dma_start3A_515 = tpu.memref_slice %arg9[%dma_start3A_513, %dma_start3A_514] : memref<16x128xi32, #tpu.memory_space<vmem>> -> memref<1x128xi32, #tpu.memory_space<vmem>>
      %dma_start3A_516 = tpu.memref_squeeze %dma_start3A_515 : memref<1x128xi32, #tpu.memory_space<vmem>> -> memref<128xi32, #tpu.memory_space<vmem>>
      %dma_start3A_517 = arith.constant 0 : i32
      %dma_start3A_518 = arith.constant 0 : i32
      %dma_start3A_519 = tpu.memref_slice %arg7[%dma_start3A_517, %dma_start3A_518] : memref<10240x128xf32, #tpu.memory_space<vmem_shared>> -> memref<10240x128xf32, #tpu.memory_space<vmem_shared>>
      tpu.enqueue_indirect_dma source(%arg11 : memref<128x128xf32, #tpu.memory_space<vmem>>) target(%dma_start3A_519 : memref<10240x128xf32, #tpu.memory_space<vmem_shared>>) offsets(%dma_start3A_516 : memref<128xi32, #tpu.memory_space<vmem>>) semaphore(%arg16 : memref<!tpu.dma_semaphore, #tpu.memory_space<semaphore_mem>>) {add = true}
      %dma_start3A_520 = arith.constant 13 : i32
      %dma_start3A_521 = arith.constant 0 : i32
      %dma_start3A_522 = tpu.memref_slice %arg9[%dma_start3A_520, %dma_start3A_521] : memref<16x128xi32, #tpu.memory_space<vmem>> -> memref<1x128xi32, #tpu.memory_space<vmem>>
      %dma_start3A_523 = tpu.memref_squeeze %dma_start3A_522 : memref<1x128xi32, #tpu.memory_space<vmem>> -> memref<128xi32, #tpu.memory_space<vmem>>
      %dma_start3A_524 = arith.constant 0 : i32
      %dma_start3A_525 = tpu.memref_slice %arg17[%dma_start3A_524] : memref<10240xf32, #tpu.memory_space<vmem_shared>> -> memref<10240xf32, #tpu.memory_space<vmem_shared>>
      tpu.enqueue_indirect_dma source(%arg18 : memref<128xf32, #tpu.memory_space<vmem>>) target(%dma_start3A_525 : memref<10240xf32, #tpu.memory_space<vmem_shared>>) offsets(%dma_start3A_523 : memref<128xi32, #tpu.memory_space<vmem>>) semaphore(%arg19 : memref<!tpu.dma_semaphore, #tpu.memory_space<semaphore_mem>>) {add = true}
      %dma_wait3A_526 = arith.constant 12 : i32
      %dma_wait3A_527 = arith.constant 0 : i32
      %dma_wait3A_528 = tpu.memref_slice %arg9[%dma_wait3A_526, %dma_wait3A_527] : memref<16x128xi32, #tpu.memory_space<vmem>> -> memref<1x128xi32, #tpu.memory_space<vmem>>
      %dma_wait3A_529 = tpu.memref_squeeze %dma_wait3A_528 : memref<1x128xi32, #tpu.memory_space<vmem>> -> memref<128xi32, #tpu.memory_space<vmem>>
      %dma_wait3A_530 = arith.constant 0 : i32
      %dma_wait3A_531 = arith.constant 0 : i32
      %dma_wait3A_532 = tpu.memref_slice %arg7[%dma_wait3A_530, %dma_wait3A_531] : memref<10240x128xf32, #tpu.memory_space<vmem_shared>> -> memref<10240x128xf32, #tpu.memory_space<vmem_shared>>
      tpu.wait_indirect_dma semaphore(%arg15 : memref<!tpu.dma_semaphore, #tpu.memory_space<semaphore_mem>>) src(%arg10 : memref<128x128xf32, #tpu.memory_space<vmem>>) dst(%dma_wait3A_532 : memref<10240x128xf32, #tpu.memory_space<vmem_shared>>)
      %dma_start3A_533 = arith.constant 14 : i32
      %dma_start3A_534 = arith.constant 0 : i32
      %dma_start3A_535 = tpu.memref_slice %arg8[%dma_start3A_533, %dma_start3A_534] : memref<16x128xi32, #tpu.memory_space<vmem>> -> memref<1x128xi32, #tpu.memory_space<vmem>>
      %dma_start3A_536 = tpu.memref_squeeze %dma_start3A_535 : memref<1x128xi32, #tpu.memory_space<vmem>> -> memref<128xi32, #tpu.memory_space<vmem>>
      %dma_start3A_537 = arith.constant 0 : i32
      %dma_start3A_538 = arith.constant 0 : i32
      %dma_start3A_539 = tpu.memref_slice %arg2[%dma_start3A_537, %dma_start3A_538] : memref<10000x128xf32, #tpu.memory_space<hbm>> -> memref<10000x128xf32, #tpu.memory_space<hbm>>
      tpu.enqueue_indirect_dma source(%dma_start3A_539 : memref<10000x128xf32, #tpu.memory_space<hbm>>) target(%arg10 : memref<128x128xf32, #tpu.memory_space<vmem>>) offsets(%dma_start3A_536 : memref<128xi32, #tpu.memory_space<vmem>>) semaphore(%arg13 : memref<!tpu.dma_semaphore, #tpu.memory_space<semaphore_mem>>)
      %dma_wait3A_540 = arith.constant 14 : i32
      %dma_wait3A_541 = arith.constant 0 : i32
      %dma_wait3A_542 = tpu.memref_slice %arg8[%dma_wait3A_540, %dma_wait3A_541] : memref<16x128xi32, #tpu.memory_space<vmem>> -> memref<1x128xi32, #tpu.memory_space<vmem>>
      %dma_wait3A_543 = tpu.memref_squeeze %dma_wait3A_542 : memref<1x128xi32, #tpu.memory_space<vmem>> -> memref<128xi32, #tpu.memory_space<vmem>>
      %dma_wait3A_544 = arith.constant 0 : i32
      %dma_wait3A_545 = arith.constant 0 : i32
      %dma_wait3A_546 = tpu.memref_slice %arg2[%dma_wait3A_544, %dma_wait3A_545] : memref<10000x128xf32, #tpu.memory_space<hbm>> -> memref<10000x128xf32, #tpu.memory_space<hbm>>
      tpu.wait_indirect_dma semaphore(%arg13 : memref<!tpu.dma_semaphore, #tpu.memory_space<semaphore_mem>>) src(%dma_wait3A_546 : memref<10000x128xf32, #tpu.memory_space<hbm>>) dst(%arg10 : memref<128x128xf32, #tpu.memory_space<vmem>>)
      %dma_start3A_547 = arith.constant 14 : i32
      %dma_start3A_548 = arith.constant 0 : i32
      %dma_start3A_549 = tpu.memref_slice %arg9[%dma_start3A_547, %dma_start3A_548] : memref<16x128xi32, #tpu.memory_space<vmem>> -> memref<1x128xi32, #tpu.memory_space<vmem>>
      %dma_start3A_550 = tpu.memref_squeeze %dma_start3A_549 : memref<1x128xi32, #tpu.memory_space<vmem>> -> memref<128xi32, #tpu.memory_space<vmem>>
      %dma_start3A_551 = arith.constant 0 : i32
      %dma_start3A_552 = arith.constant 0 : i32
      %dma_start3A_553 = tpu.memref_slice %arg7[%dma_start3A_551, %dma_start3A_552] : memref<10240x128xf32, #tpu.memory_space<vmem_shared>> -> memref<10240x128xf32, #tpu.memory_space<vmem_shared>>
      tpu.enqueue_indirect_dma source(%arg10 : memref<128x128xf32, #tpu.memory_space<vmem>>) target(%dma_start3A_553 : memref<10240x128xf32, #tpu.memory_space<vmem_shared>>) offsets(%dma_start3A_550 : memref<128xi32, #tpu.memory_space<vmem>>) semaphore(%arg15 : memref<!tpu.dma_semaphore, #tpu.memory_space<semaphore_mem>>) {add = true}
      %dma_start3A_554 = arith.constant 14 : i32
      %dma_start3A_555 = arith.constant 0 : i32
      %dma_start3A_556 = tpu.memref_slice %arg9[%dma_start3A_554, %dma_start3A_555] : memref<16x128xi32, #tpu.memory_space<vmem>> -> memref<1x128xi32, #tpu.memory_space<vmem>>
      %dma_start3A_557 = tpu.memref_squeeze %dma_start3A_556 : memref<1x128xi32, #tpu.memory_space<vmem>> -> memref<128xi32, #tpu.memory_space<vmem>>
      %dma_start3A_558 = arith.constant 0 : i32
      %dma_start3A_559 = tpu.memref_slice %arg17[%dma_start3A_558] : memref<10240xf32, #tpu.memory_space<vmem_shared>> -> memref<10240xf32, #tpu.memory_space<vmem_shared>>
      tpu.enqueue_indirect_dma source(%arg18 : memref<128xf32, #tpu.memory_space<vmem>>) target(%dma_start3A_559 : memref<10240xf32, #tpu.memory_space<vmem_shared>>) offsets(%dma_start3A_557 : memref<128xi32, #tpu.memory_space<vmem>>) semaphore(%arg19 : memref<!tpu.dma_semaphore, #tpu.memory_space<semaphore_mem>>) {add = true}
      %dma_wait3A_560 = arith.constant 13 : i32
      %dma_wait3A_561 = arith.constant 0 : i32
      %dma_wait3A_562 = tpu.memref_slice %arg9[%dma_wait3A_560, %dma_wait3A_561] : memref<16x128xi32, #tpu.memory_space<vmem>> -> memref<1x128xi32, #tpu.memory_space<vmem>>
      %dma_wait3A_563 = tpu.memref_squeeze %dma_wait3A_562 : memref<1x128xi32, #tpu.memory_space<vmem>> -> memref<128xi32, #tpu.memory_space<vmem>>
      %dma_wait3A_564 = arith.constant 0 : i32
      %dma_wait3A_565 = arith.constant 0 : i32
      %dma_wait3A_566 = tpu.memref_slice %arg7[%dma_wait3A_564, %dma_wait3A_565] : memref<10240x128xf32, #tpu.memory_space<vmem_shared>> -> memref<10240x128xf32, #tpu.memory_space<vmem_shared>>
      tpu.wait_indirect_dma semaphore(%arg16 : memref<!tpu.dma_semaphore, #tpu.memory_space<semaphore_mem>>) src(%arg11 : memref<128x128xf32, #tpu.memory_space<vmem>>) dst(%dma_wait3A_566 : memref<10240x128xf32, #tpu.memory_space<vmem_shared>>)
      %dma_start3A_567 = arith.constant 15 : i32
      %dma_start3A_568 = arith.constant 0 : i32
      %dma_start3A_569 = tpu.memref_slice %arg8[%dma_start3A_567, %dma_start3A_568] : memref<16x128xi32, #tpu.memory_space<vmem>> -> memref<1x128xi32, #tpu.memory_space<vmem>>
      %dma_start3A_570 = tpu.memref_squeeze %dma_start3A_569 : memref<1x128xi32, #tpu.memory_space<vmem>> -> memref<128xi32, #tpu.memory_space<vmem>>
      %dma_start3A_571 = arith.constant 0 : i32
      %dma_start3A_572 = arith.constant 0 : i32
      %dma_start3A_573 = tpu.memref_slice %arg2[%dma_start3A_571, %dma_start3A_572] : memref<10000x128xf32, #tpu.memory_space<hbm>> -> memref<10000x128xf32, #tpu.memory_space<hbm>>
      tpu.enqueue_indirect_dma source(%dma_start3A_573 : memref<10000x128xf32, #tpu.memory_space<hbm>>) target(%arg11 : memref<128x128xf32, #tpu.memory_space<vmem>>) offsets(%dma_start3A_570 : memref<128xi32, #tpu.memory_space<vmem>>) semaphore(%arg14 : memref<!tpu.dma_semaphore, #tpu.memory_space<semaphore_mem>>)
      %dma_wait3A_574 = arith.constant 15 : i32
      %dma_wait3A_575 = arith.constant 0 : i32
      %dma_wait3A_576 = tpu.memref_slice %arg8[%dma_wait3A_574, %dma_wait3A_575] : memref<16x128xi32, #tpu.memory_space<vmem>> -> memref<1x128xi32, #tpu.memory_space<vmem>>
      %dma_wait3A_577 = tpu.memref_squeeze %dma_wait3A_576 : memref<1x128xi32, #tpu.memory_space<vmem>> -> memref<128xi32, #tpu.memory_space<vmem>>
      %dma_wait3A_578 = arith.constant 0 : i32
      %dma_wait3A_579 = arith.constant 0 : i32
      %dma_wait3A_580 = tpu.memref_slice %arg2[%dma_wait3A_578, %dma_wait3A_579] : memref<10000x128xf32, #tpu.memory_space<hbm>> -> memref<10000x128xf32, #tpu.memory_space<hbm>>
      tpu.wait_indirect_dma semaphore(%arg14 : memref<!tpu.dma_semaphore, #tpu.memory_space<semaphore_mem>>) src(%dma_wait3A_580 : memref<10000x128xf32, #tpu.memory_space<hbm>>) dst(%arg11 : memref<128x128xf32, #tpu.memory_space<vmem>>)
      %dma_start3A_581 = arith.constant 15 : i32
      %dma_start3A_582 = arith.constant 0 : i32
      %dma_start3A_583 = tpu.memref_slice %arg9[%dma_start3A_581, %dma_start3A_582] : memref<16x128xi32, #tpu.memory_space<vmem>> -> memref<1x128xi32, #tpu.memory_space<vmem>>
      %dma_start3A_584 = tpu.memref_squeeze %dma_start3A_583 : memref<1x128xi32, #tpu.memory_space<vmem>> -> memref<128xi32, #tpu.memory_space<vmem>>
      %dma_start3A_585 = arith.constant 0 : i32
      %dma_start3A_586 = arith.constant 0 : i32
      %dma_start3A_587 = tpu.memref_slice %arg7[%dma_start3A_585, %dma_start3A_586] : memref<10240x128xf32, #tpu.memory_space<vmem_shared>> -> memref<10240x128xf32, #tpu.memory_space<vmem_shared>>
      tpu.enqueue_indirect_dma source(%arg11 : memref<128x128xf32, #tpu.memory_space<vmem>>) target(%dma_start3A_587 : memref<10240x128xf32, #tpu.memory_space<vmem_shared>>) offsets(%dma_start3A_584 : memref<128xi32, #tpu.memory_space<vmem>>) semaphore(%arg16 : memref<!tpu.dma_semaphore, #tpu.memory_space<semaphore_mem>>) {add = true}
      %dma_start3A_588 = arith.constant 15 : i32
      %dma_start3A_589 = arith.constant 0 : i32
      %dma_start3A_590 = tpu.memref_slice %arg9[%dma_start3A_588, %dma_start3A_589] : memref<16x128xi32, #tpu.memory_space<vmem>> -> memref<1x128xi32, #tpu.memory_space<vmem>>
      %dma_start3A_591 = tpu.memref_squeeze %dma_start3A_590 : memref<1x128xi32, #tpu.memory_space<vmem>> -> memref<128xi32, #tpu.memory_space<vmem>>
      %dma_start3A_592 = arith.constant 0 : i32
      %dma_start3A_593 = tpu.memref_slice %arg17[%dma_start3A_592] : memref<10240xf32, #tpu.memory_space<vmem_shared>> -> memref<10240xf32, #tpu.memory_space<vmem_shared>>
      tpu.enqueue_indirect_dma source(%arg18 : memref<128xf32, #tpu.memory_space<vmem>>) target(%dma_start3A_593 : memref<10240xf32, #tpu.memory_space<vmem_shared>>) offsets(%dma_start3A_591 : memref<128xi32, #tpu.memory_space<vmem>>) semaphore(%arg19 : memref<!tpu.dma_semaphore, #tpu.memory_space<semaphore_mem>>) {add = true}
      %dma_wait3A_594 = arith.constant 14 : i32
      %dma_wait3A_595 = arith.constant 0 : i32
      %dma_wait3A_596 = tpu.memref_slice %arg9[%dma_wait3A_594, %dma_wait3A_595] : memref<16x128xi32, #tpu.memory_space<vmem>> -> memref<1x128xi32, #tpu.memory_space<vmem>>
      %dma_wait3A_597 = tpu.memref_squeeze %dma_wait3A_596 : memref<1x128xi32, #tpu.memory_space<vmem>> -> memref<128xi32, #tpu.memory_space<vmem>>
      %dma_wait3A_598 = arith.constant 0 : i32
      %dma_wait3A_599 = arith.constant 0 : i32
      %dma_wait3A_600 = tpu.memref_slice %arg7[%dma_wait3A_598, %dma_wait3A_599] : memref<10240x128xf32, #tpu.memory_space<vmem_shared>> -> memref<10240x128xf32, #tpu.memory_space<vmem_shared>>
      tpu.wait_indirect_dma semaphore(%arg15 : memref<!tpu.dma_semaphore, #tpu.memory_space<semaphore_mem>>) src(%arg10 : memref<128x128xf32, #tpu.memory_space<vmem>>) dst(%dma_wait3A_600 : memref<10240x128xf32, #tpu.memory_space<vmem_shared>>)
      %dma_wait3A_601 = arith.constant 15 : i32
      %dma_wait3A_602 = arith.constant 0 : i32
      %dma_wait3A_603 = tpu.memref_slice %arg9[%dma_wait3A_601, %dma_wait3A_602] : memref<16x128xi32, #tpu.memory_space<vmem>> -> memref<1x128xi32, #tpu.memory_space<vmem>>
      %dma_wait3A_604 = tpu.memref_squeeze %dma_wait3A_603 : memref<1x128xi32, #tpu.memory_space<vmem>> -> memref<128xi32, #tpu.memory_space<vmem>>
      %dma_wait3A_605 = arith.constant 0 : i32
      %dma_wait3A_606 = arith.constant 0 : i32
      %dma_wait3A_607 = tpu.memref_slice %arg7[%dma_wait3A_605, %dma_wait3A_606] : memref<10240x128xf32, #tpu.memory_space<vmem_shared>> -> memref<10240x128xf32, #tpu.memory_space<vmem_shared>>
      tpu.wait_indirect_dma semaphore(%arg16 : memref<!tpu.dma_semaphore, #tpu.memory_space<semaphore_mem>>) src(%arg11 : memref<128x128xf32, #tpu.memory_space<vmem>>) dst(%dma_wait3A_607 : memref<10240x128xf32, #tpu.memory_space<vmem_shared>>)
      %dma_wait3A_608 = arith.constant 0 : i32
      %dma_wait3A_609 = arith.constant 0 : i32
      %dma_wait3A_610 = tpu.memref_slice %arg9[%dma_wait3A_608, %dma_wait3A_609] : memref<16x128xi32, #tpu.memory_space<vmem>> -> memref<1x128xi32, #tpu.memory_space<vmem>>
      %dma_wait3A_611 = tpu.memref_squeeze %dma_wait3A_610 : memref<1x128xi32, #tpu.memory_space<vmem>> -> memref<128xi32, #tpu.memory_space<vmem>>
      %dma_wait3A_612 = arith.constant 0 : i32
      %dma_wait3A_613 = tpu.memref_slice %arg17[%dma_wait3A_612] : memref<10240xf32, #tpu.memory_space<vmem_shared>> -> memref<10240xf32, #tpu.memory_space<vmem_shared>>
      tpu.wait_indirect_dma semaphore(%arg19 : memref<!tpu.dma_semaphore, #tpu.memory_space<semaphore_mem>>) src(%arg18 : memref<128xf32, #tpu.memory_space<vmem>>) dst(%dma_wait3A_613 : memref<10240xf32, #tpu.memory_space<vmem_shared>>)
      %dma_wait3A_614 = arith.constant 1 : i32
      %dma_wait3A_615 = arith.constant 0 : i32
      %dma_wait3A_616 = tpu.memref_slice %arg9[%dma_wait3A_614, %dma_wait3A_615] : memref<16x128xi32, #tpu.memory_space<vmem>> -> memref<1x128xi32, #tpu.memory_space<vmem>>
      %dma_wait3A_617 = tpu.memref_squeeze %dma_wait3A_616 : memref<1x128xi32, #tpu.memory_space<vmem>> -> memref<128xi32, #tpu.memory_space<vmem>>
      %dma_wait3A_618 = arith.constant 0 : i32
      %dma_wait3A_619 = tpu.memref_slice %arg17[%dma_wait3A_618] : memref<10240xf32, #tpu.memory_space<vmem_shared>> -> memref<10240xf32, #tpu.memory_space<vmem_shared>>
      tpu.wait_indirect_dma semaphore(%arg19 : memref<!tpu.dma_semaphore, #tpu.memory_space<semaphore_mem>>) src(%arg18 : memref<128xf32, #tpu.memory_space<vmem>>) dst(%dma_wait3A_619 : memref<10240xf32, #tpu.memory_space<vmem_shared>>)
      %dma_wait3A_620 = arith.constant 2 : i32
      %dma_wait3A_621 = arith.constant 0 : i32
      %dma_wait3A_622 = tpu.memref_slice %arg9[%dma_wait3A_620, %dma_wait3A_621] : memref<16x128xi32, #tpu.memory_space<vmem>> -> memref<1x128xi32, #tpu.memory_space<vmem>>
      %dma_wait3A_623 = tpu.memref_squeeze %dma_wait3A_622 : memref<1x128xi32, #tpu.memory_space<vmem>> -> memref<128xi32, #tpu.memory_space<vmem>>
      %dma_wait3A_624 = arith.constant 0 : i32
      %dma_wait3A_625 = tpu.memref_slice %arg17[%dma_wait3A_624] : memref<10240xf32, #tpu.memory_space<vmem_shared>> -> memref<10240xf32, #tpu.memory_space<vmem_shared>>
      tpu.wait_indirect_dma semaphore(%arg19 : memref<!tpu.dma_semaphore, #tpu.memory_space<semaphore_mem>>) src(%arg18 : memref<128xf32, #tpu.memory_space<vmem>>) dst(%dma_wait3A_625 : memref<10240xf32, #tpu.memory_space<vmem_shared>>)
      %dma_wait3A_626 = arith.constant 3 : i32
      %dma_wait3A_627 = arith.constant 0 : i32
      %dma_wait3A_628 = tpu.memref_slice %arg9[%dma_wait3A_626, %dma_wait3A_627] : memref<16x128xi32, #tpu.memory_space<vmem>> -> memref<1x128xi32, #tpu.memory_space<vmem>>
      %dma_wait3A_629 = tpu.memref_squeeze %dma_wait3A_628 : memref<1x128xi32, #tpu.memory_space<vmem>> -> memref<128xi32, #tpu.memory_space<vmem>>
      %dma_wait3A_630 = arith.constant 0 : i32
      %dma_wait3A_631 = tpu.memref_slice %arg17[%dma_wait3A_630] : memref<10240xf32, #tpu.memory_space<vmem_shared>> -> memref<10240xf32, #tpu.memory_space<vmem_shared>>
      tpu.wait_indirect_dma semaphore(%arg19 : memref<!tpu.dma_semaphore, #tpu.memory_space<semaphore_mem>>) src(%arg18 : memref<128xf32, #tpu.memory_space<vmem>>) dst(%dma_wait3A_631 : memref<10240xf32, #tpu.memory_space<vmem_shared>>)
      %dma_wait3A_632 = arith.constant 4 : i32
      %dma_wait3A_633 = arith.constant 0 : i32
      %dma_wait3A_634 = tpu.memref_slice %arg9[%dma_wait3A_632, %dma_wait3A_633] : memref<16x128xi32, #tpu.memory_space<vmem>> -> memref<1x128xi32, #tpu.memory_space<vmem>>
      %dma_wait3A_635 = tpu.memref_squeeze %dma_wait3A_634 : memref<1x128xi32, #tpu.memory_space<vmem>> -> memref<128xi32, #tpu.memory_space<vmem>>
      %dma_wait3A_636 = arith.constant 0 : i32
      %dma_wait3A_637 = tpu.memref_slice %arg17[%dma_wait3A_636] : memref<10240xf32, #tpu.memory_space<vmem_shared>> -> memref<10240xf32, #tpu.memory_space<vmem_shared>>
      tpu.wait_indirect_dma semaphore(%arg19 : memref<!tpu.dma_semaphore, #tpu.memory_space<semaphore_mem>>) src(%arg18 : memref<128xf32, #tpu.memory_space<vmem>>) dst(%dma_wait3A_637 : memref<10240xf32, #tpu.memory_space<vmem_shared>>)
      %dma_wait3A_638 = arith.constant 5 : i32
      %dma_wait3A_639 = arith.constant 0 : i32
      %dma_wait3A_640 = tpu.memref_slice %arg9[%dma_wait3A_638, %dma_wait3A_639] : memref<16x128xi32, #tpu.memory_space<vmem>> -> memref<1x128xi32, #tpu.memory_space<vmem>>
      %dma_wait3A_641 = tpu.memref_squeeze %dma_wait3A_640 : memref<1x128xi32, #tpu.memory_space<vmem>> -> memref<128xi32, #tpu.memory_space<vmem>>
      %dma_wait3A_642 = arith.constant 0 : i32
      %dma_wait3A_643 = tpu.memref_slice %arg17[%dma_wait3A_642] : memref<10240xf32, #tpu.memory_space<vmem_shared>> -> memref<10240xf32, #tpu.memory_space<vmem_shared>>
      tpu.wait_indirect_dma semaphore(%arg19 : memref<!tpu.dma_semaphore, #tpu.memory_space<semaphore_mem>>) src(%arg18 : memref<128xf32, #tpu.memory_space<vmem>>) dst(%dma_wait3A_643 : memref<10240xf32, #tpu.memory_space<vmem_shared>>)
      %dma_wait3A_644 = arith.constant 6 : i32
      %dma_wait3A_645 = arith.constant 0 : i32
      %dma_wait3A_646 = tpu.memref_slice %arg9[%dma_wait3A_644, %dma_wait3A_645] : memref<16x128xi32, #tpu.memory_space<vmem>> -> memref<1x128xi32, #tpu.memory_space<vmem>>
      %dma_wait3A_647 = tpu.memref_squeeze %dma_wait3A_646 : memref<1x128xi32, #tpu.memory_space<vmem>> -> memref<128xi32, #tpu.memory_space<vmem>>
      %dma_wait3A_648 = arith.constant 0 : i32
      %dma_wait3A_649 = tpu.memref_slice %arg17[%dma_wait3A_648] : memref<10240xf32, #tpu.memory_space<vmem_shared>> -> memref<10240xf32, #tpu.memory_space<vmem_shared>>
      tpu.wait_indirect_dma semaphore(%arg19 : memref<!tpu.dma_semaphore, #tpu.memory_space<semaphore_mem>>) src(%arg18 : memref<128xf32, #tpu.memory_space<vmem>>) dst(%dma_wait3A_649 : memref<10240xf32, #tpu.memory_space<vmem_shared>>)
      %dma_wait3A_650 = arith.constant 7 : i32
      %dma_wait3A_651 = arith.constant 0 : i32
      %dma_wait3A_652 = tpu.memref_slice %arg9[%dma_wait3A_650, %dma_wait3A_651] : memref<16x128xi32, #tpu.memory_space<vmem>> -> memref<1x128xi32, #tpu.memory_space<vmem>>
      %dma_wait3A_653 = tpu.memref_squeeze %dma_wait3A_652 : memref<1x128xi32, #tpu.memory_space<vmem>> -> memref<128xi32, #tpu.memory_space<vmem>>
      %dma_wait3A_654 = arith.constant 0 : i32
      %dma_wait3A_655 = tpu.memref_slice %arg17[%dma_wait3A_654] : memref<10240xf32, #tpu.memory_space<vmem_shared>> -> memref<10240xf32, #tpu.memory_space<vmem_shared>>
      tpu.wait_indirect_dma semaphore(%arg19 : memref<!tpu.dma_semaphore, #tpu.memory_space<semaphore_mem>>) src(%arg18 : memref<128xf32, #tpu.memory_space<vmem>>) dst(%dma_wait3A_655 : memref<10240xf32, #tpu.memory_space<vmem_shared>>)
      %dma_wait3A_656 = arith.constant 8 : i32
      %dma_wait3A_657 = arith.constant 0 : i32
      %dma_wait3A_658 = tpu.memref_slice %arg9[%dma_wait3A_656, %dma_wait3A_657] : memref<16x128xi32, #tpu.memory_space<vmem>> -> memref<1x128xi32, #tpu.memory_space<vmem>>
      %dma_wait3A_659 = tpu.memref_squeeze %dma_wait3A_658 : memref<1x128xi32, #tpu.memory_space<vmem>> -> memref<128xi32, #tpu.memory_space<vmem>>
      %dma_wait3A_660 = arith.constant 0 : i32
      %dma_wait3A_661 = tpu.memref_slice %arg17[%dma_wait3A_660] : memref<10240xf32, #tpu.memory_space<vmem_shared>> -> memref<10240xf32, #tpu.memory_space<vmem_shared>>
      tpu.wait_indirect_dma semaphore(%arg19 : memref<!tpu.dma_semaphore, #tpu.memory_space<semaphore_mem>>) src(%arg18 : memref<128xf32, #tpu.memory_space<vmem>>) dst(%dma_wait3A_661 : memref<10240xf32, #tpu.memory_space<vmem_shared>>)
      %dma_wait3A_662 = arith.constant 9 : i32
      %dma_wait3A_663 = arith.constant 0 : i32
      %dma_wait3A_664 = tpu.memref_slice %arg9[%dma_wait3A_662, %dma_wait3A_663] : memref<16x128xi32, #tpu.memory_space<vmem>> -> memref<1x128xi32, #tpu.memory_space<vmem>>
      %dma_wait3A_665 = tpu.memref_squeeze %dma_wait3A_664 : memref<1x128xi32, #tpu.memory_space<vmem>> -> memref<128xi32, #tpu.memory_space<vmem>>
      %dma_wait3A_666 = arith.constant 0 : i32
      %dma_wait3A_667 = tpu.memref_slice %arg17[%dma_wait3A_666] : memref<10240xf32, #tpu.memory_space<vmem_shared>> -> memref<10240xf32, #tpu.memory_space<vmem_shared>>
      tpu.wait_indirect_dma semaphore(%arg19 : memref<!tpu.dma_semaphore, #tpu.memory_space<semaphore_mem>>) src(%arg18 : memref<128xf32, #tpu.memory_space<vmem>>) dst(%dma_wait3A_667 : memref<10240xf32, #tpu.memory_space<vmem_shared>>)
      %dma_wait3A_668 = arith.constant 10 : i32
      %dma_wait3A_669 = arith.constant 0 : i32
      %dma_wait3A_670 = tpu.memref_slice %arg9[%dma_wait3A_668, %dma_wait3A_669] : memref<16x128xi32, #tpu.memory_space<vmem>> -> memref<1x128xi32, #tpu.memory_space<vmem>>
      %dma_wait3A_671 = tpu.memref_squeeze %dma_wait3A_670 : memref<1x128xi32, #tpu.memory_space<vmem>> -> memref<128xi32, #tpu.memory_space<vmem>>
      %dma_wait3A_672 = arith.constant 0 : i32
      %dma_wait3A_673 = tpu.memref_slice %arg17[%dma_wait3A_672] : memref<10240xf32, #tpu.memory_space<vmem_shared>> -> memref<10240xf32, #tpu.memory_space<vmem_shared>>
      tpu.wait_indirect_dma semaphore(%arg19 : memref<!tpu.dma_semaphore, #tpu.memory_space<semaphore_mem>>) src(%arg18 : memref<128xf32, #tpu.memory_space<vmem>>) dst(%dma_wait3A_673 : memref<10240xf32, #tpu.memory_space<vmem_shared>>)
      %dma_wait3A_674 = arith.constant 11 : i32
      %dma_wait3A_675 = arith.constant 0 : i32
      %dma_wait3A_676 = tpu.memref_slice %arg9[%dma_wait3A_674, %dma_wait3A_675] : memref<16x128xi32, #tpu.memory_space<vmem>> -> memref<1x128xi32, #tpu.memory_space<vmem>>
      %dma_wait3A_677 = tpu.memref_squeeze %dma_wait3A_676 : memref<1x128xi32, #tpu.memory_space<vmem>> -> memref<128xi32, #tpu.memory_space<vmem>>
      %dma_wait3A_678 = arith.constant 0 : i32
      %dma_wait3A_679 = tpu.memref_slice %arg17[%dma_wait3A_678] : memref<10240xf32, #tpu.memory_space<vmem_shared>> -> memref<10240xf32, #tpu.memory_space<vmem_shared>>
      tpu.wait_indirect_dma semaphore(%arg19 : memref<!tpu.dma_semaphore, #tpu.memory_space<semaphore_mem>>) src(%arg18 : memref<128xf32, #tpu.memory_space<vmem>>) dst(%dma_wait3A_679 : memref<10240xf32, #tpu.memory_space<vmem_shared>>)
      %dma_wait3A_680 = arith.constant 12 : i32
      %dma_wait3A_681 = arith.constant 0 : i32
      %dma_wait3A_682 = tpu.memref_slice %arg9[%dma_wait3A_680, %dma_wait3A_681] : memref<16x128xi32, #tpu.memory_space<vmem>> -> memref<1x128xi32, #tpu.memory_space<vmem>>
      %dma_wait3A_683 = tpu.memref_squeeze %dma_wait3A_682 : memref<1x128xi32, #tpu.memory_space<vmem>> -> memref<128xi32, #tpu.memory_space<vmem>>
      %dma_wait3A_684 = arith.constant 0 : i32
      %dma_wait3A_685 = tpu.memref_slice %arg17[%dma_wait3A_684] : memref<10240xf32, #tpu.memory_space<vmem_shared>> -> memref<10240xf32, #tpu.memory_space<vmem_shared>>
      tpu.wait_indirect_dma semaphore(%arg19 : memref<!tpu.dma_semaphore, #tpu.memory_space<semaphore_mem>>) src(%arg18 : memref<128xf32, #tpu.memory_space<vmem>>) dst(%dma_wait3A_685 : memref<10240xf32, #tpu.memory_space<vmem_shared>>)
      %dma_wait3A_686 = arith.constant 13 : i32
      %dma_wait3A_687 = arith.constant 0 : i32
      %dma_wait3A_688 = tpu.memref_slice %arg9[%dma_wait3A_686, %dma_wait3A_687] : memref<16x128xi32, #tpu.memory_space<vmem>> -> memref<1x128xi32, #tpu.memory_space<vmem>>
      %dma_wait3A_689 = tpu.memref_squeeze %dma_wait3A_688 : memref<1x128xi32, #tpu.memory_space<vmem>> -> memref<128xi32, #tpu.memory_space<vmem>>
      %dma_wait3A_690 = arith.constant 0 : i32
      %dma_wait3A_691 = tpu.memref_slice %arg17[%dma_wait3A_690] : memref<10240xf32, #tpu.memory_space<vmem_shared>> -> memref<10240xf32, #tpu.memory_space<vmem_shared>>
      tpu.wait_indirect_dma semaphore(%arg19 : memref<!tpu.dma_semaphore, #tpu.memory_space<semaphore_mem>>) src(%arg18 : memref<128xf32, #tpu.memory_space<vmem>>) dst(%dma_wait3A_691 : memref<10240xf32, #tpu.memory_space<vmem_shared>>)
      %dma_wait3A_692 = arith.constant 14 : i32
      %dma_wait3A_693 = arith.constant 0 : i32
      %dma_wait3A_694 = tpu.memref_slice %arg9[%dma_wait3A_692, %dma_wait3A_693] : memref<16x128xi32, #tpu.memory_space<vmem>> -> memref<1x128xi32, #tpu.memory_space<vmem>>
      %dma_wait3A_695 = tpu.memref_squeeze %dma_wait3A_694 : memref<1x128xi32, #tpu.memory_space<vmem>> -> memref<128xi32, #tpu.memory_space<vmem>>
      %dma_wait3A_696 = arith.constant 0 : i32
      %dma_wait3A_697 = tpu.memref_slice %arg17[%dma_wait3A_696] : memref<10240xf32, #tpu.memory_space<vmem_shared>> -> memref<10240xf32, #tpu.memory_space<vmem_shared>>
      tpu.wait_indirect_dma semaphore(%arg19 : memref<!tpu.dma_semaphore, #tpu.memory_space<semaphore_mem>>) src(%arg18 : memref<128xf32, #tpu.memory_space<vmem>>) dst(%dma_wait3A_697 : memref<10240xf32, #tpu.memory_space<vmem_shared>>)
      %dma_wait3A_698 = arith.constant 15 : i32
      %dma_wait3A_699 = arith.constant 0 : i32
      %dma_wait3A_700 = tpu.memref_slice %arg9[%dma_wait3A_698, %dma_wait3A_699] : memref<16x128xi32, #tpu.memory_space<vmem>> -> memref<1x128xi32, #tpu.memory_space<vmem>>
      %dma_wait3A_701 = tpu.memref_squeeze %dma_wait3A_700 : memref<1x128xi32, #tpu.memory_space<vmem>> -> memref<128xi32, #tpu.memory_space<vmem>>
      %dma_wait3A_702 = arith.constant 0 : i32
      %dma_wait3A_703 = tpu.memref_slice %arg17[%dma_wait3A_702] : memref<10240xf32, #tpu.memory_space<vmem_shared>> -> memref<10240xf32, #tpu.memory_space<vmem_shared>>
      tpu.wait_indirect_dma semaphore(%arg19 : memref<!tpu.dma_semaphore, #tpu.memory_space<semaphore_mem>>) src(%arg18 : memref<128xf32, #tpu.memory_space<vmem>>) dst(%dma_wait3A_703 : memref<10240xf32, #tpu.memory_space<vmem_shared>>)
    }
    %while3A_55 = arith.constant 1 : i32
    scf.for %while3A_60 = %while3A_53 to %while3A_49 step %while3A_55  : i32 {
      %mul3A_61 = arith.muli %while3A_60, %while3A : i32
      %add3A_62 = arith.addi %while3A_46, %mul3A_61 : i32
      %mul3A_63 = arith.constant 16 : i32
      %mul3A_64 = arith.muli %add3A_62, %mul3A_63 : i32
      %add3A_65 = arith.addi %mul3A_39, %mul3A_64 : i32
      "tpu.region"() ({
        %run_scoped3A = tpu.sem_alloc : memref<!tpu.dma_semaphore, #tpu.memory_space<semaphore_mem>>
        %dma_start3A_704 = arith.constant 0 : i32
        %dma_start3A_705 = tpu.memref_slice %arg3[%add3A_65, %dma_start3A_704] : memref<2560x128xi32, #tpu.memory_space<hbm>> -> memref<16x128xi32, #tpu.memory_space<hbm>>
        %dma_start3A_706 = arith.constant 0 : i32
        %dma_start3A_707 = tpu.memref_slice %arg3[%add3A_65, %dma_start3A_706] : memref<2560x128xi32, #tpu.memory_space<hbm>> -> memref<16x128xi32, #tpu.memory_space<hbm>>
        tpu.enqueue_dma source(%dma_start3A_707 : memref<16x128xi32, #tpu.memory_space<hbm>>) target(%arg8 : memref<16x128xi32, #tpu.memory_space<vmem>>) target_semaphore(%run_scoped3A : memref<!tpu.dma_semaphore, #tpu.memory_space<semaphore_mem>>)
        %dma_wait3A_708 = arith.constant 0 : i32
        %dma_wait3A_709 = tpu.memref_slice %arg3[%add3A_65, %dma_wait3A_708] : memref<2560x128xi32, #tpu.memory_space<hbm>> -> memref<16x128xi32, #tpu.memory_space<hbm>>
        %dma_wait3A_710 = arith.constant 0 : i32
        %dma_wait3A_711 = tpu.memref_slice %arg3[%add3A_65, %dma_wait3A_710] : memref<2560x128xi32, #tpu.memory_space<hbm>> -> memref<16x128xi32, #tpu.memory_space<hbm>>
        tpu.wait_dma2 semaphore(%run_scoped3A : memref<!tpu.dma_semaphore, #tpu.memory_space<semaphore_mem>>) src(%dma_wait3A_711 : memref<16x128xi32, #tpu.memory_space<hbm>>) dst(%arg8 : memref<16x128xi32, #tpu.memory_space<vmem>>)
        tpu.yield
      }) : () -> ()
      "tpu.region"() ({
        %run_scoped3A = tpu.sem_alloc : memref<!tpu.dma_semaphore, #tpu.memory_space<semaphore_mem>>
        %dma_start3A_704 = arith.constant 0 : i32
        %dma_start3A_705 = tpu.memref_slice %arg4[%add3A_65, %dma_start3A_704] : memref<2560x128xi32, #tpu.memory_space<hbm>> -> memref<16x128xi32, #tpu.memory_space<hbm>>
        %dma_start3A_706 = arith.constant 0 : i32
        %dma_start3A_707 = tpu.memref_slice %arg4[%add3A_65, %dma_start3A_706] : memref<2560x128xi32, #tpu.memory_space<hbm>> -> memref<16x128xi32, #tpu.memory_space<hbm>>
        tpu.enqueue_dma source(%dma_start3A_707 : memref<16x128xi32, #tpu.memory_space<hbm>>) target(%arg9 : memref<16x128xi32, #tpu.memory_space<vmem>>) target_semaphore(%run_scoped3A : memref<!tpu.dma_semaphore, #tpu.memory_space<semaphore_mem>>)
        %dma_wait3A_708 = arith.constant 0 : i32
        %dma_wait3A_709 = tpu.memref_slice %arg4[%add3A_65, %dma_wait3A_708] : memref<2560x128xi32, #tpu.memory_space<hbm>> -> memref<16x128xi32, #tpu.memory_space<hbm>>
        %dma_wait3A_710 = arith.constant 0 : i32
        %dma_wait3A_711 = tpu.memref_slice %arg4[%add3A_65, %dma_wait3A_710] : memref<2560x128xi32, #tpu.memory_space<hbm>> -> memref<16x128xi32, #tpu.memory_space<hbm>>
        tpu.wait_dma2 semaphore(%run_scoped3A : memref<!tpu.dma_semaphore, #tpu.memory_space<semaphore_mem>>) src(%dma_wait3A_711 : memref<16x128xi32, #tpu.memory_space<hbm>>) dst(%arg9 : memref<16x128xi32, #tpu.memory_space<vmem>>)
        tpu.yield
      }) : () -> ()
      %dma_start3A = arith.constant 0 : i32
      %dma_start3A_66 = arith.constant 0 : i32
      %dma_start3A_67 = tpu.memref_slice %arg8[%dma_start3A, %dma_start3A_66] : memref<16x128xi32, #tpu.memory_space<vmem>> -> memref<1x128xi32, #tpu.memory_space<vmem>>
      %dma_start3A_68 = tpu.memref_squeeze %dma_start3A_67 : memref<1x128xi32, #tpu.memory_space<vmem>> -> memref<128xi32, #tpu.memory_space<vmem>>
      %dma_start3A_69 = arith.constant 0 : i32
      %dma_start3A_70 = arith.constant 0 : i32
      %dma_start3A_71 = tpu.memref_slice %arg2[%dma_start3A_69, %dma_start3A_70] : memref<10000x128xf32, #tpu.memory_space<hbm>> -> memref<10000x128xf32, #tpu.memory_space<hbm>>
      tpu.enqueue_indirect_dma source(%dma_start3A_71 : memref<10000x128xf32, #tpu.memory_space<hbm>>) target(%arg10 : memref<128x128xf32, #tpu.memory_space<vmem>>) offsets(%dma_start3A_68 : memref<128xi32, #tpu.memory_space<vmem>>) semaphore(%arg13 : memref<!tpu.dma_semaphore, #tpu.memory_space<semaphore_mem>>)
      %dma_start3A_72 = arith.constant 1 : i32
      %dma_start3A_73 = arith.constant 0 : i32
      %dma_start3A_74 = tpu.memref_slice %arg8[%dma_start3A_72, %dma_start3A_73] : memref<16x128xi32, #tpu.memory_space<vmem>> -> memref<1x128xi32, #tpu.memory_space<vmem>>
      %dma_start3A_75 = tpu.memref_squeeze %dma_start3A_74 : memref<1x128xi32, #tpu.memory_space<vmem>> -> memref<128xi32, #tpu.memory_space<vmem>>
      %dma_start3A_76 = arith.constant 0 : i32
      %dma_start3A_77 = arith.constant 0 : i32
      %dma_start3A_78 = tpu.memref_slice %arg2[%dma_start3A_76, %dma_start3A_77] : memref<10000x128xf32, #tpu.memory_space<hbm>> -> memref<10000x128xf32, #tpu.memory_space<hbm>>
      tpu.enqueue_indirect_dma source(%dma_start3A_78 : memref<10000x128xf32, #tpu.memory_space<hbm>>) target(%arg11 : memref<128x128xf32, #tpu.memory_space<vmem>>) offsets(%dma_start3A_75 : memref<128xi32, #tpu.memory_space<vmem>>) semaphore(%arg14 : memref<!tpu.dma_semaphore, #tpu.memory_space<semaphore_mem>>)
      %dma_wait3A = arith.constant 0 : i32
      %dma_wait3A_79 = arith.constant 0 : i32
      %dma_wait3A_80 = tpu.memref_slice %arg8[%dma_wait3A, %dma_wait3A_79] : memref<16x128xi32, #tpu.memory_space<vmem>> -> memref<1x128xi32, #tpu.memory_space<vmem>>
      %dma_wait3A_81 = tpu.memref_squeeze %dma_wait3A_80 : memref<1x128xi32, #tpu.memory_space<vmem>> -> memref<128xi32, #tpu.memory_space<vmem>>
      %dma_wait3A_82 = arith.constant 0 : i32
      %dma_wait3A_83 = arith.constant 0 : i32
      %dma_wait3A_84 = tpu.memref_slice %arg2[%dma_wait3A_82, %dma_wait3A_83] : memref<10000x128xf32, #tpu.memory_space<hbm>> -> memref<10000x128xf32, #tpu.memory_space<hbm>>
      tpu.wait_indirect_dma semaphore(%arg13 : memref<!tpu.dma_semaphore, #tpu.memory_space<semaphore_mem>>) src(%dma_wait3A_84 : memref<10000x128xf32, #tpu.memory_space<hbm>>) dst(%arg10 : memref<128x128xf32, #tpu.memory_space<vmem>>)
      %dma_start3A_85 = arith.constant 0 : i32
      %dma_start3A_86 = arith.constant 0 : i32
      %dma_start3A_87 = tpu.memref_slice %arg9[%dma_start3A_85, %dma_start3A_86] : memref<16x128xi32, #tpu.memory_space<vmem>> -> memref<1x128xi32, #tpu.memory_space<vmem>>
      %dma_start3A_88 = tpu.memref_squeeze %dma_start3A_87 : memref<1x128xi32, #tpu.memory_space<vmem>> -> memref<128xi32, #tpu.memory_space<vmem>>
      %dma_start3A_89 = arith.constant 0 : i32
      %dma_start3A_90 = arith.constant 0 : i32
      %dma_start3A_91 = tpu.memref_slice %arg7[%dma_start3A_89, %dma_start3A_90] : memref<10240x128xf32, #tpu.memory_space<vmem_shared>> -> memref<10240x128xf32, #tpu.memory_space<vmem_shared>>
      tpu.enqueue_indirect_dma source(%arg10 : memref<128x128xf32, #tpu.memory_space<vmem>>) target(%dma_start3A_91 : memref<10240x128xf32, #tpu.memory_space<vmem_shared>>) offsets(%dma_start3A_88 : memref<128xi32, #tpu.memory_space<vmem>>) semaphore(%arg15 : memref<!tpu.dma_semaphore, #tpu.memory_space<semaphore_mem>>) {add = true}
      %dma_start3A_92 = arith.constant 0 : i32
      %dma_start3A_93 = arith.constant 0 : i32
      %dma_start3A_94 = tpu.memref_slice %arg9[%dma_start3A_92, %dma_start3A_93] : memref<16x128xi32, #tpu.memory_space<vmem>> -> memref<1x128xi32, #tpu.memory_space<vmem>>
      %dma_start3A_95 = tpu.memref_squeeze %dma_start3A_94 : memref<1x128xi32, #tpu.memory_space<vmem>> -> memref<128xi32, #tpu.memory_space<vmem>>
      %dma_start3A_96 = arith.constant 0 : i32
      %dma_start3A_97 = tpu.memref_slice %arg17[%dma_start3A_96] : memref<10240xf32, #tpu.memory_space<vmem_shared>> -> memref<10240xf32, #tpu.memory_space<vmem_shared>>
      tpu.enqueue_indirect_dma source(%arg18 : memref<128xf32, #tpu.memory_space<vmem>>) target(%dma_start3A_97 : memref<10240xf32, #tpu.memory_space<vmem_shared>>) offsets(%dma_start3A_95 : memref<128xi32, #tpu.memory_space<vmem>>) semaphore(%arg19 : memref<!tpu.dma_semaphore, #tpu.memory_space<semaphore_mem>>) {add = true}
      %dma_wait3A_98 = arith.constant 1 : i32
      %dma_wait3A_99 = arith.constant 0 : i32
      %dma_wait3A_100 = tpu.memref_slice %arg8[%dma_wait3A_98, %dma_wait3A_99] : memref<16x128xi32, #tpu.memory_space<vmem>> -> memref<1x128xi32, #tpu.memory_space<vmem>>
      %dma_wait3A_101 = tpu.memref_squeeze %dma_wait3A_100 : memref<1x128xi32, #tpu.memory_space<vmem>> -> memref<128xi32, #tpu.memory_space<vmem>>
      %dma_wait3A_102 = arith.constant 0 : i32
      %dma_wait3A_103 = arith.constant 0 : i32
      %dma_wait3A_104 = tpu.memref_slice %arg2[%dma_wait3A_102, %dma_wait3A_103] : memref<10000x128xf32, #tpu.memory_space<hbm>> -> memref<10000x128xf32, #tpu.memory_space<hbm>>
      tpu.wait_indirect_dma semaphore(%arg14 : memref<!tpu.dma_semaphore, #tpu.memory_space<semaphore_mem>>) src(%dma_wait3A_104 : memref<10000x128xf32, #tpu.memory_space<hbm>>) dst(%arg11 : memref<128x128xf32, #tpu.memory_space<vmem>>)
      %dma_start3A_105 = arith.constant 1 : i32
      %dma_start3A_106 = arith.constant 0 : i32
      %dma_start3A_107 = tpu.memref_slice %arg9[%dma_start3A_105, %dma_start3A_106] : memref<16x128xi32, #tpu.memory_space<vmem>> -> memref<1x128xi32, #tpu.memory_space<vmem>>
      %dma_start3A_108 = tpu.memref_squeeze %dma_start3A_107 : memref<1x128xi32, #tpu.memory_space<vmem>> -> memref<128xi32, #tpu.memory_space<vmem>>
      %dma_start3A_109 = arith.constant 0 : i32
      %dma_start3A_110 = arith.constant 0 : i32
      %dma_start3A_111 = tpu.memref_slice %arg7[%dma_start3A_109, %dma_start3A_110] : memref<10240x128xf32, #tpu.memory_space<vmem_shared>> -> memref<10240x128xf32, #tpu.memory_space<vmem_shared>>
      tpu.enqueue_indirect_dma source(%arg11 : memref<128x128xf32, #tpu.memory_space<vmem>>) target(%dma_start3A_111 : memref<10240x128xf32, #tpu.memory_space<vmem_shared>>) offsets(%dma_start3A_108 : memref<128xi32, #tpu.memory_space<vmem>>) semaphore(%arg16 : memref<!tpu.dma_semaphore, #tpu.memory_space<semaphore_mem>>) {add = true}
      %dma_start3A_112 = arith.constant 1 : i32
      %dma_start3A_113 = arith.constant 0 : i32
      %dma_start3A_114 = tpu.memref_slice %arg9[%dma_start3A_112, %dma_start3A_113] : memref<16x128xi32, #tpu.memory_space<vmem>> -> memref<1x128xi32, #tpu.memory_space<vmem>>
      %dma_start3A_115 = tpu.memref_squeeze %dma_start3A_114 : memref<1x128xi32, #tpu.memory_space<vmem>> -> memref<128xi32, #tpu.memory_space<vmem>>
      %dma_start3A_116 = arith.constant 0 : i32
      %dma_start3A_117 = tpu.memref_slice %arg17[%dma_start3A_116] : memref<10240xf32, #tpu.memory_space<vmem_shared>> -> memref<10240xf32, #tpu.memory_space<vmem_shared>>
      tpu.enqueue_indirect_dma source(%arg18 : memref<128xf32, #tpu.memory_space<vmem>>) target(%dma_start3A_117 : memref<10240xf32, #tpu.memory_space<vmem_shared>>) offsets(%dma_start3A_115 : memref<128xi32, #tpu.memory_space<vmem>>) semaphore(%arg19 : memref<!tpu.dma_semaphore, #tpu.memory_space<semaphore_mem>>) {add = true}
      %dma_wait3A_118 = arith.constant 0 : i32
      %dma_wait3A_119 = arith.constant 0 : i32
      %dma_wait3A_120 = tpu.memref_slice %arg9[%dma_wait3A_118, %dma_wait3A_119] : memref<16x128xi32, #tpu.memory_space<vmem>> -> memref<1x128xi32, #tpu.memory_space<vmem>>
      %dma_wait3A_121 = tpu.memref_squeeze %dma_wait3A_120 : memref<1x128xi32, #tpu.memory_space<vmem>> -> memref<128xi32, #tpu.memory_space<vmem>>
      %dma_wait3A_122 = arith.constant 0 : i32
      %dma_wait3A_123 = arith.constant 0 : i32
      %dma_wait3A_124 = tpu.memref_slice %arg7[%dma_wait3A_122, %dma_wait3A_123] : memref<10240x128xf32, #tpu.memory_space<vmem_shared>> -> memref<10240x128xf32, #tpu.memory_space<vmem_shared>>
      tpu.wait_indirect_dma semaphore(%arg15 : memref<!tpu.dma_semaphore, #tpu.memory_space<semaphore_mem>>) src(%arg10 : memref<128x128xf32, #tpu.memory_space<vmem>>) dst(%dma_wait3A_124 : memref<10240x128xf32, #tpu.memory_space<vmem_shared>>)
      %dma_start3A_125 = arith.constant 2 : i32
      %dma_start3A_126 = arith.constant 0 : i32
      %dma_start3A_127 = tpu.memref_slice %arg8[%dma_start3A_125, %dma_start3A_126] : memref<16x128xi32, #tpu.memory_space<vmem>> -> memref<1x128xi32, #tpu.memory_space<vmem>>
      %dma_start3A_128 = tpu.memref_squeeze %dma_start3A_127 : memref<1x128xi32, #tpu.memory_space<vmem>> -> memref<128xi32, #tpu.memory_space<vmem>>
      %dma_start3A_129 = arith.constant 0 : i32
      %dma_start3A_130 = arith.constant 0 : i32
      %dma_start3A_131 = tpu.memref_slice %arg2[%dma_start3A_129, %dma_start3A_130] : memref<10000x128xf32, #tpu.memory_space<hbm>> -> memref<10000x128xf32, #tpu.memory_space<hbm>>
      tpu.enqueue_indirect_dma source(%dma_start3A_131 : memref<10000x128xf32, #tpu.memory_space<hbm>>) target(%arg10 : memref<128x128xf32, #tpu.memory_space<vmem>>) offsets(%dma_start3A_128 : memref<128xi32, #tpu.memory_space<vmem>>) semaphore(%arg13 : memref<!tpu.dma_semaphore, #tpu.memory_space<semaphore_mem>>)
      %dma_wait3A_132 = arith.constant 2 : i32
      %dma_wait3A_133 = arith.constant 0 : i32
      %dma_wait3A_134 = tpu.memref_slice %arg8[%dma_wait3A_132, %dma_wait3A_133] : memref<16x128xi32, #tpu.memory_space<vmem>> -> memref<1x128xi32, #tpu.memory_space<vmem>>
      %dma_wait3A_135 = tpu.memref_squeeze %dma_wait3A_134 : memref<1x128xi32, #tpu.memory_space<vmem>> -> memref<128xi32, #tpu.memory_space<vmem>>
      %dma_wait3A_136 = arith.constant 0 : i32
      %dma_wait3A_137 = arith.constant 0 : i32
      %dma_wait3A_138 = tpu.memref_slice %arg2[%dma_wait3A_136, %dma_wait3A_137] : memref<10000x128xf32, #tpu.memory_space<hbm>> -> memref<10000x128xf32, #tpu.memory_space<hbm>>
      tpu.wait_indirect_dma semaphore(%arg13 : memref<!tpu.dma_semaphore, #tpu.memory_space<semaphore_mem>>) src(%dma_wait3A_138 : memref<10000x128xf32, #tpu.memory_space<hbm>>) dst(%arg10 : memref<128x128xf32, #tpu.memory_space<vmem>>)
      %dma_start3A_139 = arith.constant 2 : i32
      %dma_start3A_140 = arith.constant 0 : i32
      %dma_start3A_141 = tpu.memref_slice %arg9[%dma_start3A_139, %dma_start3A_140] : memref<16x128xi32, #tpu.memory_space<vmem>> -> memref<1x128xi32, #tpu.memory_space<vmem>>
      %dma_start3A_142 = tpu.memref_squeeze %dma_start3A_141 : memref<1x128xi32, #tpu.memory_space<vmem>> -> memref<128xi32, #tpu.memory_space<vmem>>
      %dma_start3A_143 = arith.constant 0 : i32
      %dma_start3A_144 = arith.constant 0 : i32
      %dma_start3A_145 = tpu.memref_slice %arg7[%dma_start3A_143, %dma_start3A_144] : memref<10240x128xf32, #tpu.memory_space<vmem_shared>> -> memref<10240x128xf32, #tpu.memory_space<vmem_shared>>
      tpu.enqueue_indirect_dma source(%arg10 : memref<128x128xf32, #tpu.memory_space<vmem>>) target(%dma_start3A_145 : memref<10240x128xf32, #tpu.memory_space<vmem_shared>>) offsets(%dma_start3A_142 : memref<128xi32, #tpu.memory_space<vmem>>) semaphore(%arg15 : memref<!tpu.dma_semaphore, #tpu.memory_space<semaphore_mem>>) {add = true}
      %dma_start3A_146 = arith.constant 2 : i32
      %dma_start3A_147 = arith.constant 0 : i32
      %dma_start3A_148 = tpu.memref_slice %arg9[%dma_start3A_146, %dma_start3A_147] : memref<16x128xi32, #tpu.memory_space<vmem>> -> memref<1x128xi32, #tpu.memory_space<vmem>>
      %dma_start3A_149 = tpu.memref_squeeze %dma_start3A_148 : memref<1x128xi32, #tpu.memory_space<vmem>> -> memref<128xi32, #tpu.memory_space<vmem>>
      %dma_start3A_150 = arith.constant 0 : i32
      %dma_start3A_151 = tpu.memref_slice %arg17[%dma_start3A_150] : memref<10240xf32, #tpu.memory_space<vmem_shared>> -> memref<10240xf32, #tpu.memory_space<vmem_shared>>
      tpu.enqueue_indirect_dma source(%arg18 : memref<128xf32, #tpu.memory_space<vmem>>) target(%dma_start3A_151 : memref<10240xf32, #tpu.memory_space<vmem_shared>>) offsets(%dma_start3A_149 : memref<128xi32, #tpu.memory_space<vmem>>) semaphore(%arg19 : memref<!tpu.dma_semaphore, #tpu.memory_space<semaphore_mem>>) {add = true}
      %dma_wait3A_152 = arith.constant 1 : i32
      %dma_wait3A_153 = arith.constant 0 : i32
      %dma_wait3A_154 = tpu.memref_slice %arg9[%dma_wait3A_152, %dma_wait3A_153] : memref<16x128xi32, #tpu.memory_space<vmem>> -> memref<1x128xi32, #tpu.memory_space<vmem>>
      %dma_wait3A_155 = tpu.memref_squeeze %dma_wait3A_154 : memref<1x128xi32, #tpu.memory_space<vmem>> -> memref<128xi32, #tpu.memory_space<vmem>>
      %dma_wait3A_156 = arith.constant 0 : i32
      %dma_wait3A_157 = arith.constant 0 : i32
      %dma_wait3A_158 = tpu.memref_slice %arg7[%dma_wait3A_156, %dma_wait3A_157] : memref<10240x128xf32, #tpu.memory_space<vmem_shared>> -> memref<10240x128xf32, #tpu.memory_space<vmem_shared>>
      tpu.wait_indirect_dma semaphore(%arg16 : memref<!tpu.dma_semaphore, #tpu.memory_space<semaphore_mem>>) src(%arg11 : memref<128x128xf32, #tpu.memory_space<vmem>>) dst(%dma_wait3A_158 : memref<10240x128xf32, #tpu.memory_space<vmem_shared>>)
      %dma_start3A_159 = arith.constant 3 : i32
      %dma_start3A_160 = arith.constant 0 : i32
      %dma_start3A_161 = tpu.memref_slice %arg8[%dma_start3A_159, %dma_start3A_160] : memref<16x128xi32, #tpu.memory_space<vmem>> -> memref<1x128xi32, #tpu.memory_space<vmem>>
      %dma_start3A_162 = tpu.memref_squeeze %dma_start3A_161 : memref<1x128xi32, #tpu.memory_space<vmem>> -> memref<128xi32, #tpu.memory_space<vmem>>
      %dma_start3A_163 = arith.constant 0 : i32
      %dma_start3A_164 = arith.constant 0 : i32
      %dma_start3A_165 = tpu.memref_slice %arg2[%dma_start3A_163, %dma_start3A_164] : memref<10000x128xf32, #tpu.memory_space<hbm>> -> memref<10000x128xf32, #tpu.memory_space<hbm>>
      tpu.enqueue_indirect_dma source(%dma_start3A_165 : memref<10000x128xf32, #tpu.memory_space<hbm>>) target(%arg11 : memref<128x128xf32, #tpu.memory_space<vmem>>) offsets(%dma_start3A_162 : memref<128xi32, #tpu.memory_space<vmem>>) semaphore(%arg14 : memref<!tpu.dma_semaphore, #tpu.memory_space<semaphore_mem>>)
      %dma_wait3A_166 = arith.constant 3 : i32
      %dma_wait3A_167 = arith.constant 0 : i32
      %dma_wait3A_168 = tpu.memref_slice %arg8[%dma_wait3A_166, %dma_wait3A_167] : memref<16x128xi32, #tpu.memory_space<vmem>> -> memref<1x128xi32, #tpu.memory_space<vmem>>
      %dma_wait3A_169 = tpu.memref_squeeze %dma_wait3A_168 : memref<1x128xi32, #tpu.memory_space<vmem>> -> memref<128xi32, #tpu.memory_space<vmem>>
      %dma_wait3A_170 = arith.constant 0 : i32
      %dma_wait3A_171 = arith.constant 0 : i32
      %dma_wait3A_172 = tpu.memref_slice %arg2[%dma_wait3A_170, %dma_wait3A_171] : memref<10000x128xf32, #tpu.memory_space<hbm>> -> memref<10000x128xf32, #tpu.memory_space<hbm>>
      tpu.wait_indirect_dma semaphore(%arg14 : memref<!tpu.dma_semaphore, #tpu.memory_space<semaphore_mem>>) src(%dma_wait3A_172 : memref<10000x128xf32, #tpu.memory_space<hbm>>) dst(%arg11 : memref<128x128xf32, #tpu.memory_space<vmem>>)
      %dma_start3A_173 = arith.constant 3 : i32
      %dma_start3A_174 = arith.constant 0 : i32
      %dma_start3A_175 = tpu.memref_slice %arg9[%dma_start3A_173, %dma_start3A_174] : memref<16x128xi32, #tpu.memory_space<vmem>> -> memref<1x128xi32, #tpu.memory_space<vmem>>
      %dma_start3A_176 = tpu.memref_squeeze %dma_start3A_175 : memref<1x128xi32, #tpu.memory_space<vmem>> -> memref<128xi32, #tpu.memory_space<vmem>>
      %dma_start3A_177 = arith.constant 0 : i32
      %dma_start3A_178 = arith.constant 0 : i32
      %dma_start3A_179 = tpu.memref_slice %arg7[%dma_start3A_177, %dma_start3A_178] : memref<10240x128xf32, #tpu.memory_space<vmem_shared>> -> memref<10240x128xf32, #tpu.memory_space<vmem_shared>>
      tpu.enqueue_indirect_dma source(%arg11 : memref<128x128xf32, #tpu.memory_space<vmem>>) target(%dma_start3A_179 : memref<10240x128xf32, #tpu.memory_space<vmem_shared>>) offsets(%dma_start3A_176 : memref<128xi32, #tpu.memory_space<vmem>>) semaphore(%arg16 : memref<!tpu.dma_semaphore, #tpu.memory_space<semaphore_mem>>) {add = true}
      %dma_start3A_180 = arith.constant 3 : i32
      %dma_start3A_181 = arith.constant 0 : i32
      %dma_start3A_182 = tpu.memref_slice %arg9[%dma_start3A_180, %dma_start3A_181] : memref<16x128xi32, #tpu.memory_space<vmem>> -> memref<1x128xi32, #tpu.memory_space<vmem>>
      %dma_start3A_183 = tpu.memref_squeeze %dma_start3A_182 : memref<1x128xi32, #tpu.memory_space<vmem>> -> memref<128xi32, #tpu.memory_space<vmem>>
      %dma_start3A_184 = arith.constant 0 : i32
      %dma_start3A_185 = tpu.memref_slice %arg17[%dma_start3A_184] : memref<10240xf32, #tpu.memory_space<vmem_shared>> -> memref<10240xf32, #tpu.memory_space<vmem_shared>>
      tpu.enqueue_indirect_dma source(%arg18 : memref<128xf32, #tpu.memory_space<vmem>>) target(%dma_start3A_185 : memref<10240xf32, #tpu.memory_space<vmem_shared>>) offsets(%dma_start3A_183 : memref<128xi32, #tpu.memory_space<vmem>>) semaphore(%arg19 : memref<!tpu.dma_semaphore, #tpu.memory_space<semaphore_mem>>) {add = true}
      %dma_wait3A_186 = arith.constant 2 : i32
      %dma_wait3A_187 = arith.constant 0 : i32
      %dma_wait3A_188 = tpu.memref_slice %arg9[%dma_wait3A_186, %dma_wait3A_187] : memref<16x128xi32, #tpu.memory_space<vmem>> -> memref<1x128xi32, #tpu.memory_space<vmem>>
      %dma_wait3A_189 = tpu.memref_squeeze %dma_wait3A_188 : memref<1x128xi32, #tpu.memory_space<vmem>> -> memref<128xi32, #tpu.memory_space<vmem>>
      %dma_wait3A_190 = arith.constant 0 : i32
      %dma_wait3A_191 = arith.constant 0 : i32
      %dma_wait3A_192 = tpu.memref_slice %arg7[%dma_wait3A_190, %dma_wait3A_191] : memref<10240x128xf32, #tpu.memory_space<vmem_shared>> -> memref<10240x128xf32, #tpu.memory_space<vmem_shared>>
      tpu.wait_indirect_dma semaphore(%arg15 : memref<!tpu.dma_semaphore, #tpu.memory_space<semaphore_mem>>) src(%arg10 : memref<128x128xf32, #tpu.memory_space<vmem>>) dst(%dma_wait3A_192 : memref<10240x128xf32, #tpu.memory_space<vmem_shared>>)
      %dma_start3A_193 = arith.constant 4 : i32
      %dma_start3A_194 = arith.constant 0 : i32
      %dma_start3A_195 = tpu.memref_slice %arg8[%dma_start3A_193, %dma_start3A_194] : memref<16x128xi32, #tpu.memory_space<vmem>> -> memref<1x128xi32, #tpu.memory_space<vmem>>
      %dma_start3A_196 = tpu.memref_squeeze %dma_start3A_195 : memref<1x128xi32, #tpu.memory_space<vmem>> -> memref<128xi32, #tpu.memory_space<vmem>>
      %dma_start3A_197 = arith.constant 0 : i32
      %dma_start3A_198 = arith.constant 0 : i32
      %dma_start3A_199 = tpu.memref_slice %arg2[%dma_start3A_197, %dma_start3A_198] : memref<10000x128xf32, #tpu.memory_space<hbm>> -> memref<10000x128xf32, #tpu.memory_space<hbm>>
      tpu.enqueue_indirect_dma source(%dma_start3A_199 : memref<10000x128xf32, #tpu.memory_space<hbm>>) target(%arg10 : memref<128x128xf32, #tpu.memory_space<vmem>>) offsets(%dma_start3A_196 : memref<128xi32, #tpu.memory_space<vmem>>) semaphore(%arg13 : memref<!tpu.dma_semaphore, #tpu.memory_space<semaphore_mem>>)
      %dma_wait3A_200 = arith.constant 4 : i32
      %dma_wait3A_201 = arith.constant 0 : i32
      %dma_wait3A_202 = tpu.memref_slice %arg8[%dma_wait3A_200, %dma_wait3A_201] : memref<16x128xi32, #tpu.memory_space<vmem>> -> memref<1x128xi32, #tpu.memory_space<vmem>>
      %dma_wait3A_203 = tpu.memref_squeeze %dma_wait3A_202 : memref<1x128xi32, #tpu.memory_space<vmem>> -> memref<128xi32, #tpu.memory_space<vmem>>
      %dma_wait3A_204 = arith.constant 0 : i32
      %dma_wait3A_205 = arith.constant 0 : i32
      %dma_wait3A_206 = tpu.memref_slice %arg2[%dma_wait3A_204, %dma_wait3A_205] : memref<10000x128xf32, #tpu.memory_space<hbm>> -> memref<10000x128xf32, #tpu.memory_space<hbm>>
      tpu.wait_indirect_dma semaphore(%arg13 : memref<!tpu.dma_semaphore, #tpu.memory_space<semaphore_mem>>) src(%dma_wait3A_206 : memref<10000x128xf32, #tpu.memory_space<hbm>>) dst(%arg10 : memref<128x128xf32, #tpu.memory_space<vmem>>)
      %dma_start3A_207 = arith.constant 4 : i32
      %dma_start3A_208 = arith.constant 0 : i32
      %dma_start3A_209 = tpu.memref_slice %arg9[%dma_start3A_207, %dma_start3A_208] : memref<16x128xi32, #tpu.memory_space<vmem>> -> memref<1x128xi32, #tpu.memory_space<vmem>>
      %dma_start3A_210 = tpu.memref_squeeze %dma_start3A_209 : memref<1x128xi32, #tpu.memory_space<vmem>> -> memref<128xi32, #tpu.memory_space<vmem>>
      %dma_start3A_211 = arith.constant 0 : i32
      %dma_start3A_212 = arith.constant 0 : i32
      %dma_start3A_213 = tpu.memref_slice %arg7[%dma_start3A_211, %dma_start3A_212] : memref<10240x128xf32, #tpu.memory_space<vmem_shared>> -> memref<10240x128xf32, #tpu.memory_space<vmem_shared>>
      tpu.enqueue_indirect_dma source(%arg10 : memref<128x128xf32, #tpu.memory_space<vmem>>) target(%dma_start3A_213 : memref<10240x128xf32, #tpu.memory_space<vmem_shared>>) offsets(%dma_start3A_210 : memref<128xi32, #tpu.memory_space<vmem>>) semaphore(%arg15 : memref<!tpu.dma_semaphore, #tpu.memory_space<semaphore_mem>>) {add = true}
      %dma_start3A_214 = arith.constant 4 : i32
      %dma_start3A_215 = arith.constant 0 : i32
      %dma_start3A_216 = tpu.memref_slice %arg9[%dma_start3A_214, %dma_start3A_215] : memref<16x128xi32, #tpu.memory_space<vmem>> -> memref<1x128xi32, #tpu.memory_space<vmem>>
      %dma_start3A_217 = tpu.memref_squeeze %dma_start3A_216 : memref<1x128xi32, #tpu.memory_space<vmem>> -> memref<128xi32, #tpu.memory_space<vmem>>
      %dma_start3A_218 = arith.constant 0 : i32
      %dma_start3A_219 = tpu.memref_slice %arg17[%dma_start3A_218] : memref<10240xf32, #tpu.memory_space<vmem_shared>> -> memref<10240xf32, #tpu.memory_space<vmem_shared>>
      tpu.enqueue_indirect_dma source(%arg18 : memref<128xf32, #tpu.memory_space<vmem>>) target(%dma_start3A_219 : memref<10240xf32, #tpu.memory_space<vmem_shared>>) offsets(%dma_start3A_217 : memref<128xi32, #tpu.memory_space<vmem>>) semaphore(%arg19 : memref<!tpu.dma_semaphore, #tpu.memory_space<semaphore_mem>>) {add = true}
      %dma_wait3A_220 = arith.constant 3 : i32
      %dma_wait3A_221 = arith.constant 0 : i32
      %dma_wait3A_222 = tpu.memref_slice %arg9[%dma_wait3A_220, %dma_wait3A_221] : memref<16x128xi32, #tpu.memory_space<vmem>> -> memref<1x128xi32, #tpu.memory_space<vmem>>
      %dma_wait3A_223 = tpu.memref_squeeze %dma_wait3A_222 : memref<1x128xi32, #tpu.memory_space<vmem>> -> memref<128xi32, #tpu.memory_space<vmem>>
      %dma_wait3A_224 = arith.constant 0 : i32
      %dma_wait3A_225 = arith.constant 0 : i32
      %dma_wait3A_226 = tpu.memref_slice %arg7[%dma_wait3A_224, %dma_wait3A_225] : memref<10240x128xf32, #tpu.memory_space<vmem_shared>> -> memref<10240x128xf32, #tpu.memory_space<vmem_shared>>
      tpu.wait_indirect_dma semaphore(%arg16 : memref<!tpu.dma_semaphore, #tpu.memory_space<semaphore_mem>>) src(%arg11 : memref<128x128xf32, #tpu.memory_space<vmem>>) dst(%dma_wait3A_226 : memref<10240x128xf32, #tpu.memory_space<vmem_shared>>)
      %dma_start3A_227 = arith.constant 5 : i32
      %dma_start3A_228 = arith.constant 0 : i32
      %dma_start3A_229 = tpu.memref_slice %arg8[%dma_start3A_227, %dma_start3A_228] : memref<16x128xi32, #tpu.memory_space<vmem>> -> memref<1x128xi32, #tpu.memory_space<vmem>>
      %dma_start3A_230 = tpu.memref_squeeze %dma_start3A_229 : memref<1x128xi32, #tpu.memory_space<vmem>> -> memref<128xi32, #tpu.memory_space<vmem>>
      %dma_start3A_231 = arith.constant 0 : i32
      %dma_start3A_232 = arith.constant 0 : i32
      %dma_start3A_233 = tpu.memref_slice %arg2[%dma_start3A_231, %dma_start3A_232] : memref<10000x128xf32, #tpu.memory_space<hbm>> -> memref<10000x128xf32, #tpu.memory_space<hbm>>
      tpu.enqueue_indirect_dma source(%dma_start3A_233 : memref<10000x128xf32, #tpu.memory_space<hbm>>) target(%arg11 : memref<128x128xf32, #tpu.memory_space<vmem>>) offsets(%dma_start3A_230 : memref<128xi32, #tpu.memory_space<vmem>>) semaphore(%arg14 : memref<!tpu.dma_semaphore, #tpu.memory_space<semaphore_mem>>)
      %dma_wait3A_234 = arith.constant 5 : i32
      %dma_wait3A_235 = arith.constant 0 : i32
      %dma_wait3A_236 = tpu.memref_slice %arg8[%dma_wait3A_234, %dma_wait3A_235] : memref<16x128xi32, #tpu.memory_space<vmem>> -> memref<1x128xi32, #tpu.memory_space<vmem>>
      %dma_wait3A_237 = tpu.memref_squeeze %dma_wait3A_236 : memref<1x128xi32, #tpu.memory_space<vmem>> -> memref<128xi32, #tpu.memory_space<vmem>>
      %dma_wait3A_238 = arith.constant 0 : i32
      %dma_wait3A_239 = arith.constant 0 : i32
      %dma_wait3A_240 = tpu.memref_slice %arg2[%dma_wait3A_238, %dma_wait3A_239] : memref<10000x128xf32, #tpu.memory_space<hbm>> -> memref<10000x128xf32, #tpu.memory_space<hbm>>
      tpu.wait_indirect_dma semaphore(%arg14 : memref<!tpu.dma_semaphore, #tpu.memory_space<semaphore_mem>>) src(%dma_wait3A_240 : memref<10000x128xf32, #tpu.memory_space<hbm>>) dst(%arg11 : memref<128x128xf32, #tpu.memory_space<vmem>>)
      %dma_start3A_241 = arith.constant 5 : i32
      %dma_start3A_242 = arith.constant 0 : i32
      %dma_start3A_243 = tpu.memref_slice %arg9[%dma_start3A_241, %dma_start3A_242] : memref<16x128xi32, #tpu.memory_space<vmem>> -> memref<1x128xi32, #tpu.memory_space<vmem>>
      %dma_start3A_244 = tpu.memref_squeeze %dma_start3A_243 : memref<1x128xi32, #tpu.memory_space<vmem>> -> memref<128xi32, #tpu.memory_space<vmem>>
      %dma_start3A_245 = arith.constant 0 : i32
      %dma_start3A_246 = arith.constant 0 : i32
      %dma_start3A_247 = tpu.memref_slice %arg7[%dma_start3A_245, %dma_start3A_246] : memref<10240x128xf32, #tpu.memory_space<vmem_shared>> -> memref<10240x128xf32, #tpu.memory_space<vmem_shared>>
      tpu.enqueue_indirect_dma source(%arg11 : memref<128x128xf32, #tpu.memory_space<vmem>>) target(%dma_start3A_247 : memref<10240x128xf32, #tpu.memory_space<vmem_shared>>) offsets(%dma_start3A_244 : memref<128xi32, #tpu.memory_space<vmem>>) semaphore(%arg16 : memref<!tpu.dma_semaphore, #tpu.memory_space<semaphore_mem>>) {add = true}
      %dma_start3A_248 = arith.constant 5 : i32
      %dma_start3A_249 = arith.constant 0 : i32
      %dma_start3A_250 = tpu.memref_slice %arg9[%dma_start3A_248, %dma_start3A_249] : memref<16x128xi32, #tpu.memory_space<vmem>> -> memref<1x128xi32, #tpu.memory_space<vmem>>
      %dma_start3A_251 = tpu.memref_squeeze %dma_start3A_250 : memref<1x128xi32, #tpu.memory_space<vmem>> -> memref<128xi32, #tpu.memory_space<vmem>>
      %dma_start3A_252 = arith.constant 0 : i32
      %dma_start3A_253 = tpu.memref_slice %arg17[%dma_start3A_252] : memref<10240xf32, #tpu.memory_space<vmem_shared>> -> memref<10240xf32, #tpu.memory_space<vmem_shared>>
      tpu.enqueue_indirect_dma source(%arg18 : memref<128xf32, #tpu.memory_space<vmem>>) target(%dma_start3A_253 : memref<10240xf32, #tpu.memory_space<vmem_shared>>) offsets(%dma_start3A_251 : memref<128xi32, #tpu.memory_space<vmem>>) semaphore(%arg19 : memref<!tpu.dma_semaphore, #tpu.memory_space<semaphore_mem>>) {add = true}
      %dma_wait3A_254 = arith.constant 4 : i32
      %dma_wait3A_255 = arith.constant 0 : i32
      %dma_wait3A_256 = tpu.memref_slice %arg9[%dma_wait3A_254, %dma_wait3A_255] : memref<16x128xi32, #tpu.memory_space<vmem>> -> memref<1x128xi32, #tpu.memory_space<vmem>>
      %dma_wait3A_257 = tpu.memref_squeeze %dma_wait3A_256 : memref<1x128xi32, #tpu.memory_space<vmem>> -> memref<128xi32, #tpu.memory_space<vmem>>
      %dma_wait3A_258 = arith.constant 0 : i32
      %dma_wait3A_259 = arith.constant 0 : i32
      %dma_wait3A_260 = tpu.memref_slice %arg7[%dma_wait3A_258, %dma_wait3A_259] : memref<10240x128xf32, #tpu.memory_space<vmem_shared>> -> memref<10240x128xf32, #tpu.memory_space<vmem_shared>>
      tpu.wait_indirect_dma semaphore(%arg15 : memref<!tpu.dma_semaphore, #tpu.memory_space<semaphore_mem>>) src(%arg10 : memref<128x128xf32, #tpu.memory_space<vmem>>) dst(%dma_wait3A_260 : memref<10240x128xf32, #tpu.memory_space<vmem_shared>>)
      %dma_start3A_261 = arith.constant 6 : i32
      %dma_start3A_262 = arith.constant 0 : i32
      %dma_start3A_263 = tpu.memref_slice %arg8[%dma_start3A_261, %dma_start3A_262] : memref<16x128xi32, #tpu.memory_space<vmem>> -> memref<1x128xi32, #tpu.memory_space<vmem>>
      %dma_start3A_264 = tpu.memref_squeeze %dma_start3A_263 : memref<1x128xi32, #tpu.memory_space<vmem>> -> memref<128xi32, #tpu.memory_space<vmem>>
      %dma_start3A_265 = arith.constant 0 : i32
      %dma_start3A_266 = arith.constant 0 : i32
      %dma_start3A_267 = tpu.memref_slice %arg2[%dma_start3A_265, %dma_start3A_266] : memref<10000x128xf32, #tpu.memory_space<hbm>> -> memref<10000x128xf32, #tpu.memory_space<hbm>>
      tpu.enqueue_indirect_dma source(%dma_start3A_267 : memref<10000x128xf32, #tpu.memory_space<hbm>>) target(%arg10 : memref<128x128xf32, #tpu.memory_space<vmem>>) offsets(%dma_start3A_264 : memref<128xi32, #tpu.memory_space<vmem>>) semaphore(%arg13 : memref<!tpu.dma_semaphore, #tpu.memory_space<semaphore_mem>>)
      %dma_wait3A_268 = arith.constant 6 : i32
      %dma_wait3A_269 = arith.constant 0 : i32
      %dma_wait3A_270 = tpu.memref_slice %arg8[%dma_wait3A_268, %dma_wait3A_269] : memref<16x128xi32, #tpu.memory_space<vmem>> -> memref<1x128xi32, #tpu.memory_space<vmem>>
      %dma_wait3A_271 = tpu.memref_squeeze %dma_wait3A_270 : memref<1x128xi32, #tpu.memory_space<vmem>> -> memref<128xi32, #tpu.memory_space<vmem>>
      %dma_wait3A_272 = arith.constant 0 : i32
      %dma_wait3A_273 = arith.constant 0 : i32
      %dma_wait3A_274 = tpu.memref_slice %arg2[%dma_wait3A_272, %dma_wait3A_273] : memref<10000x128xf32, #tpu.memory_space<hbm>> -> memref<10000x128xf32, #tpu.memory_space<hbm>>
      tpu.wait_indirect_dma semaphore(%arg13 : memref<!tpu.dma_semaphore, #tpu.memory_space<semaphore_mem>>) src(%dma_wait3A_274 : memref<10000x128xf32, #tpu.memory_space<hbm>>) dst(%arg10 : memref<128x128xf32, #tpu.memory_space<vmem>>)
      %dma_start3A_275 = arith.constant 6 : i32
      %dma_start3A_276 = arith.constant 0 : i32
      %dma_start3A_277 = tpu.memref_slice %arg9[%dma_start3A_275, %dma_start3A_276] : memref<16x128xi32, #tpu.memory_space<vmem>> -> memref<1x128xi32, #tpu.memory_space<vmem>>
      %dma_start3A_278 = tpu.memref_squeeze %dma_start3A_277 : memref<1x128xi32, #tpu.memory_space<vmem>> -> memref<128xi32, #tpu.memory_space<vmem>>
      %dma_start3A_279 = arith.constant 0 : i32
      %dma_start3A_280 = arith.constant 0 : i32
      %dma_start3A_281 = tpu.memref_slice %arg7[%dma_start3A_279, %dma_start3A_280] : memref<10240x128xf32, #tpu.memory_space<vmem_shared>> -> memref<10240x128xf32, #tpu.memory_space<vmem_shared>>
      tpu.enqueue_indirect_dma source(%arg10 : memref<128x128xf32, #tpu.memory_space<vmem>>) target(%dma_start3A_281 : memref<10240x128xf32, #tpu.memory_space<vmem_shared>>) offsets(%dma_start3A_278 : memref<128xi32, #tpu.memory_space<vmem>>) semaphore(%arg15 : memref<!tpu.dma_semaphore, #tpu.memory_space<semaphore_mem>>) {add = true}
      %dma_start3A_282 = arith.constant 6 : i32
      %dma_start3A_283 = arith.constant 0 : i32
      %dma_start3A_284 = tpu.memref_slice %arg9[%dma_start3A_282, %dma_start3A_283] : memref<16x128xi32, #tpu.memory_space<vmem>> -> memref<1x128xi32, #tpu.memory_space<vmem>>
      %dma_start3A_285 = tpu.memref_squeeze %dma_start3A_284 : memref<1x128xi32, #tpu.memory_space<vmem>> -> memref<128xi32, #tpu.memory_space<vmem>>
      %dma_start3A_286 = arith.constant 0 : i32
      %dma_start3A_287 = tpu.memref_slice %arg17[%dma_start3A_286] : memref<10240xf32, #tpu.memory_space<vmem_shared>> -> memref<10240xf32, #tpu.memory_space<vmem_shared>>
      tpu.enqueue_indirect_dma source(%arg18 : memref<128xf32, #tpu.memory_space<vmem>>) target(%dma_start3A_287 : memref<10240xf32, #tpu.memory_space<vmem_shared>>) offsets(%dma_start3A_285 : memref<128xi32, #tpu.memory_space<vmem>>) semaphore(%arg19 : memref<!tpu.dma_semaphore, #tpu.memory_space<semaphore_mem>>) {add = true}
      %dma_wait3A_288 = arith.constant 5 : i32
      %dma_wait3A_289 = arith.constant 0 : i32
      %dma_wait3A_290 = tpu.memref_slice %arg9[%dma_wait3A_288, %dma_wait3A_289] : memref<16x128xi32, #tpu.memory_space<vmem>> -> memref<1x128xi32, #tpu.memory_space<vmem>>
      %dma_wait3A_291 = tpu.memref_squeeze %dma_wait3A_290 : memref<1x128xi32, #tpu.memory_space<vmem>> -> memref<128xi32, #tpu.memory_space<vmem>>
      %dma_wait3A_292 = arith.constant 0 : i32
      %dma_wait3A_293 = arith.constant 0 : i32
      %dma_wait3A_294 = tpu.memref_slice %arg7[%dma_wait3A_292, %dma_wait3A_293] : memref<10240x128xf32, #tpu.memory_space<vmem_shared>> -> memref<10240x128xf32, #tpu.memory_space<vmem_shared>>
      tpu.wait_indirect_dma semaphore(%arg16 : memref<!tpu.dma_semaphore, #tpu.memory_space<semaphore_mem>>) src(%arg11 : memref<128x128xf32, #tpu.memory_space<vmem>>) dst(%dma_wait3A_294 : memref<10240x128xf32, #tpu.memory_space<vmem_shared>>)
      %dma_start3A_295 = arith.constant 7 : i32
      %dma_start3A_296 = arith.constant 0 : i32
      %dma_start3A_297 = tpu.memref_slice %arg8[%dma_start3A_295, %dma_start3A_296] : memref<16x128xi32, #tpu.memory_space<vmem>> -> memref<1x128xi32, #tpu.memory_space<vmem>>
      %dma_start3A_298 = tpu.memref_squeeze %dma_start3A_297 : memref<1x128xi32, #tpu.memory_space<vmem>> -> memref<128xi32, #tpu.memory_space<vmem>>
      %dma_start3A_299 = arith.constant 0 : i32
      %dma_start3A_300 = arith.constant 0 : i32
      %dma_start3A_301 = tpu.memref_slice %arg2[%dma_start3A_299, %dma_start3A_300] : memref<10000x128xf32, #tpu.memory_space<hbm>> -> memref<10000x128xf32, #tpu.memory_space<hbm>>
      tpu.enqueue_indirect_dma source(%dma_start3A_301 : memref<10000x128xf32, #tpu.memory_space<hbm>>) target(%arg11 : memref<128x128xf32, #tpu.memory_space<vmem>>) offsets(%dma_start3A_298 : memref<128xi32, #tpu.memory_space<vmem>>) semaphore(%arg14 : memref<!tpu.dma_semaphore, #tpu.memory_space<semaphore_mem>>)
      %dma_wait3A_302 = arith.constant 7 : i32
      %dma_wait3A_303 = arith.constant 0 : i32
      %dma_wait3A_304 = tpu.memref_slice %arg8[%dma_wait3A_302, %dma_wait3A_303] : memref<16x128xi32, #tpu.memory_space<vmem>> -> memref<1x128xi32, #tpu.memory_space<vmem>>
      %dma_wait3A_305 = tpu.memref_squeeze %dma_wait3A_304 : memref<1x128xi32, #tpu.memory_space<vmem>> -> memref<128xi32, #tpu.memory_space<vmem>>
      %dma_wait3A_306 = arith.constant 0 : i32
      %dma_wait3A_307 = arith.constant 0 : i32
      %dma_wait3A_308 = tpu.memref_slice %arg2[%dma_wait3A_306, %dma_wait3A_307] : memref<10000x128xf32, #tpu.memory_space<hbm>> -> memref<10000x128xf32, #tpu.memory_space<hbm>>
      tpu.wait_indirect_dma semaphore(%arg14 : memref<!tpu.dma_semaphore, #tpu.memory_space<semaphore_mem>>) src(%dma_wait3A_308 : memref<10000x128xf32, #tpu.memory_space<hbm>>) dst(%arg11 : memref<128x128xf32, #tpu.memory_space<vmem>>)
      %dma_start3A_309 = arith.constant 7 : i32
      %dma_start3A_310 = arith.constant 0 : i32
      %dma_start3A_311 = tpu.memref_slice %arg9[%dma_start3A_309, %dma_start3A_310] : memref<16x128xi32, #tpu.memory_space<vmem>> -> memref<1x128xi32, #tpu.memory_space<vmem>>
      %dma_start3A_312 = tpu.memref_squeeze %dma_start3A_311 : memref<1x128xi32, #tpu.memory_space<vmem>> -> memref<128xi32, #tpu.memory_space<vmem>>
      %dma_start3A_313 = arith.constant 0 : i32
      %dma_start3A_314 = arith.constant 0 : i32
      %dma_start3A_315 = tpu.memref_slice %arg7[%dma_start3A_313, %dma_start3A_314] : memref<10240x128xf32, #tpu.memory_space<vmem_shared>> -> memref<10240x128xf32, #tpu.memory_space<vmem_shared>>
      tpu.enqueue_indirect_dma source(%arg11 : memref<128x128xf32, #tpu.memory_space<vmem>>) target(%dma_start3A_315 : memref<10240x128xf32, #tpu.memory_space<vmem_shared>>) offsets(%dma_start3A_312 : memref<128xi32, #tpu.memory_space<vmem>>) semaphore(%arg16 : memref<!tpu.dma_semaphore, #tpu.memory_space<semaphore_mem>>) {add = true}
      %dma_start3A_316 = arith.constant 7 : i32
      %dma_start3A_317 = arith.constant 0 : i32
      %dma_start3A_318 = tpu.memref_slice %arg9[%dma_start3A_316, %dma_start3A_317] : memref<16x128xi32, #tpu.memory_space<vmem>> -> memref<1x128xi32, #tpu.memory_space<vmem>>
      %dma_start3A_319 = tpu.memref_squeeze %dma_start3A_318 : memref<1x128xi32, #tpu.memory_space<vmem>> -> memref<128xi32, #tpu.memory_space<vmem>>
      %dma_start3A_320 = arith.constant 0 : i32
      %dma_start3A_321 = tpu.memref_slice %arg17[%dma_start3A_320] : memref<10240xf32, #tpu.memory_space<vmem_shared>> -> memref<10240xf32, #tpu.memory_space<vmem_shared>>
      tpu.enqueue_indirect_dma source(%arg18 : memref<128xf32, #tpu.memory_space<vmem>>) target(%dma_start3A_321 : memref<10240xf32, #tpu.memory_space<vmem_shared>>) offsets(%dma_start3A_319 : memref<128xi32, #tpu.memory_space<vmem>>) semaphore(%arg19 : memref<!tpu.dma_semaphore, #tpu.memory_space<semaphore_mem>>) {add = true}
      %dma_wait3A_322 = arith.constant 6 : i32
      %dma_wait3A_323 = arith.constant 0 : i32
      %dma_wait3A_324 = tpu.memref_slice %arg9[%dma_wait3A_322, %dma_wait3A_323] : memref<16x128xi32, #tpu.memory_space<vmem>> -> memref<1x128xi32, #tpu.memory_space<vmem>>
      %dma_wait3A_325 = tpu.memref_squeeze %dma_wait3A_324 : memref<1x128xi32, #tpu.memory_space<vmem>> -> memref<128xi32, #tpu.memory_space<vmem>>
      %dma_wait3A_326 = arith.constant 0 : i32
      %dma_wait3A_327 = arith.constant 0 : i32
      %dma_wait3A_328 = tpu.memref_slice %arg7[%dma_wait3A_326, %dma_wait3A_327] : memref<10240x128xf32, #tpu.memory_space<vmem_shared>> -> memref<10240x128xf32, #tpu.memory_space<vmem_shared>>
      tpu.wait_indirect_dma semaphore(%arg15 : memref<!tpu.dma_semaphore, #tpu.memory_space<semaphore_mem>>) src(%arg10 : memref<128x128xf32, #tpu.memory_space<vmem>>) dst(%dma_wait3A_328 : memref<10240x128xf32, #tpu.memory_space<vmem_shared>>)
      %dma_start3A_329 = arith.constant 8 : i32
      %dma_start3A_330 = arith.constant 0 : i32
      %dma_start3A_331 = tpu.memref_slice %arg8[%dma_start3A_329, %dma_start3A_330] : memref<16x128xi32, #tpu.memory_space<vmem>> -> memref<1x128xi32, #tpu.memory_space<vmem>>
      %dma_start3A_332 = tpu.memref_squeeze %dma_start3A_331 : memref<1x128xi32, #tpu.memory_space<vmem>> -> memref<128xi32, #tpu.memory_space<vmem>>
      %dma_start3A_333 = arith.constant 0 : i32
      %dma_start3A_334 = arith.constant 0 : i32
      %dma_start3A_335 = tpu.memref_slice %arg2[%dma_start3A_333, %dma_start3A_334] : memref<10000x128xf32, #tpu.memory_space<hbm>> -> memref<10000x128xf32, #tpu.memory_space<hbm>>
      tpu.enqueue_indirect_dma source(%dma_start3A_335 : memref<10000x128xf32, #tpu.memory_space<hbm>>) target(%arg10 : memref<128x128xf32, #tpu.memory_space<vmem>>) offsets(%dma_start3A_332 : memref<128xi32, #tpu.memory_space<vmem>>) semaphore(%arg13 : memref<!tpu.dma_semaphore, #tpu.memory_space<semaphore_mem>>)
      %dma_wait3A_336 = arith.constant 8 : i32
      %dma_wait3A_337 = arith.constant 0 : i32
      %dma_wait3A_338 = tpu.memref_slice %arg8[%dma_wait3A_336, %dma_wait3A_337] : memref<16x128xi32, #tpu.memory_space<vmem>> -> memref<1x128xi32, #tpu.memory_space<vmem>>
      %dma_wait3A_339 = tpu.memref_squeeze %dma_wait3A_338 : memref<1x128xi32, #tpu.memory_space<vmem>> -> memref<128xi32, #tpu.memory_space<vmem>>
      %dma_wait3A_340 = arith.constant 0 : i32
      %dma_wait3A_341 = arith.constant 0 : i32
      %dma_wait3A_342 = tpu.memref_slice %arg2[%dma_wait3A_340, %dma_wait3A_341] : memref<10000x128xf32, #tpu.memory_space<hbm>> -> memref<10000x128xf32, #tpu.memory_space<hbm>>
      tpu.wait_indirect_dma semaphore(%arg13 : memref<!tpu.dma_semaphore, #tpu.memory_space<semaphore_mem>>) src(%dma_wait3A_342 : memref<10000x128xf32, #tpu.memory_space<hbm>>) dst(%arg10 : memref<128x128xf32, #tpu.memory_space<vmem>>)
      %dma_start3A_343 = arith.constant 8 : i32
      %dma_start3A_344 = arith.constant 0 : i32
      %dma_start3A_345 = tpu.memref_slice %arg9[%dma_start3A_343, %dma_start3A_344] : memref<16x128xi32, #tpu.memory_space<vmem>> -> memref<1x128xi32, #tpu.memory_space<vmem>>
      %dma_start3A_346 = tpu.memref_squeeze %dma_start3A_345 : memref<1x128xi32, #tpu.memory_space<vmem>> -> memref<128xi32, #tpu.memory_space<vmem>>
      %dma_start3A_347 = arith.constant 0 : i32
      %dma_start3A_348 = arith.constant 0 : i32
      %dma_start3A_349 = tpu.memref_slice %arg7[%dma_start3A_347, %dma_start3A_348] : memref<10240x128xf32, #tpu.memory_space<vmem_shared>> -> memref<10240x128xf32, #tpu.memory_space<vmem_shared>>
      tpu.enqueue_indirect_dma source(%arg10 : memref<128x128xf32, #tpu.memory_space<vmem>>) target(%dma_start3A_349 : memref<10240x128xf32, #tpu.memory_space<vmem_shared>>) offsets(%dma_start3A_346 : memref<128xi32, #tpu.memory_space<vmem>>) semaphore(%arg15 : memref<!tpu.dma_semaphore, #tpu.memory_space<semaphore_mem>>) {add = true}
      %dma_start3A_350 = arith.constant 8 : i32
      %dma_start3A_351 = arith.constant 0 : i32
      %dma_start3A_352 = tpu.memref_slice %arg9[%dma_start3A_350, %dma_start3A_351] : memref<16x128xi32, #tpu.memory_space<vmem>> -> memref<1x128xi32, #tpu.memory_space<vmem>>
      %dma_start3A_353 = tpu.memref_squeeze %dma_start3A_352 : memref<1x128xi32, #tpu.memory_space<vmem>> -> memref<128xi32, #tpu.memory_space<vmem>>
      %dma_start3A_354 = arith.constant 0 : i32
      %dma_start3A_355 = tpu.memref_slice %arg17[%dma_start3A_354] : memref<10240xf32, #tpu.memory_space<vmem_shared>> -> memref<10240xf32, #tpu.memory_space<vmem_shared>>
      tpu.enqueue_indirect_dma source(%arg18 : memref<128xf32, #tpu.memory_space<vmem>>) target(%dma_start3A_355 : memref<10240xf32, #tpu.memory_space<vmem_shared>>) offsets(%dma_start3A_353 : memref<128xi32, #tpu.memory_space<vmem>>) semaphore(%arg19 : memref<!tpu.dma_semaphore, #tpu.memory_space<semaphore_mem>>) {add = true}
      %dma_wait3A_356 = arith.constant 7 : i32
      %dma_wait3A_357 = arith.constant 0 : i32
      %dma_wait3A_358 = tpu.memref_slice %arg9[%dma_wait3A_356, %dma_wait3A_357] : memref<16x128xi32, #tpu.memory_space<vmem>> -> memref<1x128xi32, #tpu.memory_space<vmem>>
      %dma_wait3A_359 = tpu.memref_squeeze %dma_wait3A_358 : memref<1x128xi32, #tpu.memory_space<vmem>> -> memref<128xi32, #tpu.memory_space<vmem>>
      %dma_wait3A_360 = arith.constant 0 : i32
      %dma_wait3A_361 = arith.constant 0 : i32
      %dma_wait3A_362 = tpu.memref_slice %arg7[%dma_wait3A_360, %dma_wait3A_361] : memref<10240x128xf32, #tpu.memory_space<vmem_shared>> -> memref<10240x128xf32, #tpu.memory_space<vmem_shared>>
      tpu.wait_indirect_dma semaphore(%arg16 : memref<!tpu.dma_semaphore, #tpu.memory_space<semaphore_mem>>) src(%arg11 : memref<128x128xf32, #tpu.memory_space<vmem>>) dst(%dma_wait3A_362 : memref<10240x128xf32, #tpu.memory_space<vmem_shared>>)
      %dma_start3A_363 = arith.constant 9 : i32
      %dma_start3A_364 = arith.constant 0 : i32
      %dma_start3A_365 = tpu.memref_slice %arg8[%dma_start3A_363, %dma_start3A_364] : memref<16x128xi32, #tpu.memory_space<vmem>> -> memref<1x128xi32, #tpu.memory_space<vmem>>
      %dma_start3A_366 = tpu.memref_squeeze %dma_start3A_365 : memref<1x128xi32, #tpu.memory_space<vmem>> -> memref<128xi32, #tpu.memory_space<vmem>>
      %dma_start3A_367 = arith.constant 0 : i32
      %dma_start3A_368 = arith.constant 0 : i32
      %dma_start3A_369 = tpu.memref_slice %arg2[%dma_start3A_367, %dma_start3A_368] : memref<10000x128xf32, #tpu.memory_space<hbm>> -> memref<10000x128xf32, #tpu.memory_space<hbm>>
      tpu.enqueue_indirect_dma source(%dma_start3A_369 : memref<10000x128xf32, #tpu.memory_space<hbm>>) target(%arg11 : memref<128x128xf32, #tpu.memory_space<vmem>>) offsets(%dma_start3A_366 : memref<128xi32, #tpu.memory_space<vmem>>) semaphore(%arg14 : memref<!tpu.dma_semaphore, #tpu.memory_space<semaphore_mem>>)
      %dma_wait3A_370 = arith.constant 9 : i32
      %dma_wait3A_371 = arith.constant 0 : i32
      %dma_wait3A_372 = tpu.memref_slice %arg8[%dma_wait3A_370, %dma_wait3A_371] : memref<16x128xi32, #tpu.memory_space<vmem>> -> memref<1x128xi32, #tpu.memory_space<vmem>>
      %dma_wait3A_373 = tpu.memref_squeeze %dma_wait3A_372 : memref<1x128xi32, #tpu.memory_space<vmem>> -> memref<128xi32, #tpu.memory_space<vmem>>
      %dma_wait3A_374 = arith.constant 0 : i32
      %dma_wait3A_375 = arith.constant 0 : i32
      %dma_wait3A_376 = tpu.memref_slice %arg2[%dma_wait3A_374, %dma_wait3A_375] : memref<10000x128xf32, #tpu.memory_space<hbm>> -> memref<10000x128xf32, #tpu.memory_space<hbm>>
      tpu.wait_indirect_dma semaphore(%arg14 : memref<!tpu.dma_semaphore, #tpu.memory_space<semaphore_mem>>) src(%dma_wait3A_376 : memref<10000x128xf32, #tpu.memory_space<hbm>>) dst(%arg11 : memref<128x128xf32, #tpu.memory_space<vmem>>)
      %dma_start3A_377 = arith.constant 9 : i32
      %dma_start3A_378 = arith.constant 0 : i32
      %dma_start3A_379 = tpu.memref_slice %arg9[%dma_start3A_377, %dma_start3A_378] : memref<16x128xi32, #tpu.memory_space<vmem>> -> memref<1x128xi32, #tpu.memory_space<vmem>>
      %dma_start3A_380 = tpu.memref_squeeze %dma_start3A_379 : memref<1x128xi32, #tpu.memory_space<vmem>> -> memref<128xi32, #tpu.memory_space<vmem>>
      %dma_start3A_381 = arith.constant 0 : i32
      %dma_start3A_382 = arith.constant 0 : i32
      %dma_start3A_383 = tpu.memref_slice %arg7[%dma_start3A_381, %dma_start3A_382] : memref<10240x128xf32, #tpu.memory_space<vmem_shared>> -> memref<10240x128xf32, #tpu.memory_space<vmem_shared>>
      tpu.enqueue_indirect_dma source(%arg11 : memref<128x128xf32, #tpu.memory_space<vmem>>) target(%dma_start3A_383 : memref<10240x128xf32, #tpu.memory_space<vmem_shared>>) offsets(%dma_start3A_380 : memref<128xi32, #tpu.memory_space<vmem>>) semaphore(%arg16 : memref<!tpu.dma_semaphore, #tpu.memory_space<semaphore_mem>>) {add = true}
      %dma_start3A_384 = arith.constant 9 : i32
      %dma_start3A_385 = arith.constant 0 : i32
      %dma_start3A_386 = tpu.memref_slice %arg9[%dma_start3A_384, %dma_start3A_385] : memref<16x128xi32, #tpu.memory_space<vmem>> -> memref<1x128xi32, #tpu.memory_space<vmem>>
      %dma_start3A_387 = tpu.memref_squeeze %dma_start3A_386 : memref<1x128xi32, #tpu.memory_space<vmem>> -> memref<128xi32, #tpu.memory_space<vmem>>
      %dma_start3A_388 = arith.constant 0 : i32
      %dma_start3A_389 = tpu.memref_slice %arg17[%dma_start3A_388] : memref<10240xf32, #tpu.memory_space<vmem_shared>> -> memref<10240xf32, #tpu.memory_space<vmem_shared>>
      tpu.enqueue_indirect_dma source(%arg18 : memref<128xf32, #tpu.memory_space<vmem>>) target(%dma_start3A_389 : memref<10240xf32, #tpu.memory_space<vmem_shared>>) offsets(%dma_start3A_387 : memref<128xi32, #tpu.memory_space<vmem>>) semaphore(%arg19 : memref<!tpu.dma_semaphore, #tpu.memory_space<semaphore_mem>>) {add = true}
      %dma_wait3A_390 = arith.constant 8 : i32
      %dma_wait3A_391 = arith.constant 0 : i32
      %dma_wait3A_392 = tpu.memref_slice %arg9[%dma_wait3A_390, %dma_wait3A_391] : memref<16x128xi32, #tpu.memory_space<vmem>> -> memref<1x128xi32, #tpu.memory_space<vmem>>
      %dma_wait3A_393 = tpu.memref_squeeze %dma_wait3A_392 : memref<1x128xi32, #tpu.memory_space<vmem>> -> memref<128xi32, #tpu.memory_space<vmem>>
      %dma_wait3A_394 = arith.constant 0 : i32
      %dma_wait3A_395 = arith.constant 0 : i32
      %dma_wait3A_396 = tpu.memref_slice %arg7[%dma_wait3A_394, %dma_wait3A_395] : memref<10240x128xf32, #tpu.memory_space<vmem_shared>> -> memref<10240x128xf32, #tpu.memory_space<vmem_shared>>
      tpu.wait_indirect_dma semaphore(%arg15 : memref<!tpu.dma_semaphore, #tpu.memory_space<semaphore_mem>>) src(%arg10 : memref<128x128xf32, #tpu.memory_space<vmem>>) dst(%dma_wait3A_396 : memref<10240x128xf32, #tpu.memory_space<vmem_shared>>)
      %dma_start3A_397 = arith.constant 10 : i32
      %dma_start3A_398 = arith.constant 0 : i32
      %dma_start3A_399 = tpu.memref_slice %arg8[%dma_start3A_397, %dma_start3A_398] : memref<16x128xi32, #tpu.memory_space<vmem>> -> memref<1x128xi32, #tpu.memory_space<vmem>>
      %dma_start3A_400 = tpu.memref_squeeze %dma_start3A_399 : memref<1x128xi32, #tpu.memory_space<vmem>> -> memref<128xi32, #tpu.memory_space<vmem>>
      %dma_start3A_401 = arith.constant 0 : i32
      %dma_start3A_402 = arith.constant 0 : i32
      %dma_start3A_403 = tpu.memref_slice %arg2[%dma_start3A_401, %dma_start3A_402] : memref<10000x128xf32, #tpu.memory_space<hbm>> -> memref<10000x128xf32, #tpu.memory_space<hbm>>
      tpu.enqueue_indirect_dma source(%dma_start3A_403 : memref<10000x128xf32, #tpu.memory_space<hbm>>) target(%arg10 : memref<128x128xf32, #tpu.memory_space<vmem>>) offsets(%dma_start3A_400 : memref<128xi32, #tpu.memory_space<vmem>>) semaphore(%arg13 : memref<!tpu.dma_semaphore, #tpu.memory_space<semaphore_mem>>)
      %dma_wait3A_404 = arith.constant 10 : i32
      %dma_wait3A_405 = arith.constant 0 : i32
      %dma_wait3A_406 = tpu.memref_slice %arg8[%dma_wait3A_404, %dma_wait3A_405] : memref<16x128xi32, #tpu.memory_space<vmem>> -> memref<1x128xi32, #tpu.memory_space<vmem>>
      %dma_wait3A_407 = tpu.memref_squeeze %dma_wait3A_406 : memref<1x128xi32, #tpu.memory_space<vmem>> -> memref<128xi32, #tpu.memory_space<vmem>>
      %dma_wait3A_408 = arith.constant 0 : i32
      %dma_wait3A_409 = arith.constant 0 : i32
      %dma_wait3A_410 = tpu.memref_slice %arg2[%dma_wait3A_408, %dma_wait3A_409] : memref<10000x128xf32, #tpu.memory_space<hbm>> -> memref<10000x128xf32, #tpu.memory_space<hbm>>
      tpu.wait_indirect_dma semaphore(%arg13 : memref<!tpu.dma_semaphore, #tpu.memory_space<semaphore_mem>>) src(%dma_wait3A_410 : memref<10000x128xf32, #tpu.memory_space<hbm>>) dst(%arg10 : memref<128x128xf32, #tpu.memory_space<vmem>>)
      %dma_start3A_411 = arith.constant 10 : i32
      %dma_start3A_412 = arith.constant 0 : i32
      %dma_start3A_413 = tpu.memref_slice %arg9[%dma_start3A_411, %dma_start3A_412] : memref<16x128xi32, #tpu.memory_space<vmem>> -> memref<1x128xi32, #tpu.memory_space<vmem>>
      %dma_start3A_414 = tpu.memref_squeeze %dma_start3A_413 : memref<1x128xi32, #tpu.memory_space<vmem>> -> memref<128xi32, #tpu.memory_space<vmem>>
      %dma_start3A_415 = arith.constant 0 : i32
      %dma_start3A_416 = arith.constant 0 : i32
      %dma_start3A_417 = tpu.memref_slice %arg7[%dma_start3A_415, %dma_start3A_416] : memref<10240x128xf32, #tpu.memory_space<vmem_shared>> -> memref<10240x128xf32, #tpu.memory_space<vmem_shared>>
      tpu.enqueue_indirect_dma source(%arg10 : memref<128x128xf32, #tpu.memory_space<vmem>>) target(%dma_start3A_417 : memref<10240x128xf32, #tpu.memory_space<vmem_shared>>) offsets(%dma_start3A_414 : memref<128xi32, #tpu.memory_space<vmem>>) semaphore(%arg15 : memref<!tpu.dma_semaphore, #tpu.memory_space<semaphore_mem>>) {add = true}
      %dma_start3A_418 = arith.constant 10 : i32
      %dma_start3A_419 = arith.constant 0 : i32
      %dma_start3A_420 = tpu.memref_slice %arg9[%dma_start3A_418, %dma_start3A_419] : memref<16x128xi32, #tpu.memory_space<vmem>> -> memref<1x128xi32, #tpu.memory_space<vmem>>
      %dma_start3A_421 = tpu.memref_squeeze %dma_start3A_420 : memref<1x128xi32, #tpu.memory_space<vmem>> -> memref<128xi32, #tpu.memory_space<vmem>>
      %dma_start3A_422 = arith.constant 0 : i32
      %dma_start3A_423 = tpu.memref_slice %arg17[%dma_start3A_422] : memref<10240xf32, #tpu.memory_space<vmem_shared>> -> memref<10240xf32, #tpu.memory_space<vmem_shared>>
      tpu.enqueue_indirect_dma source(%arg18 : memref<128xf32, #tpu.memory_space<vmem>>) target(%dma_start3A_423 : memref<10240xf32, #tpu.memory_space<vmem_shared>>) offsets(%dma_start3A_421 : memref<128xi32, #tpu.memory_space<vmem>>) semaphore(%arg19 : memref<!tpu.dma_semaphore, #tpu.memory_space<semaphore_mem>>) {add = true}
      %dma_wait3A_424 = arith.constant 9 : i32
      %dma_wait3A_425 = arith.constant 0 : i32
      %dma_wait3A_426 = tpu.memref_slice %arg9[%dma_wait3A_424, %dma_wait3A_425] : memref<16x128xi32, #tpu.memory_space<vmem>> -> memref<1x128xi32, #tpu.memory_space<vmem>>
      %dma_wait3A_427 = tpu.memref_squeeze %dma_wait3A_426 : memref<1x128xi32, #tpu.memory_space<vmem>> -> memref<128xi32, #tpu.memory_space<vmem>>
      %dma_wait3A_428 = arith.constant 0 : i32
      %dma_wait3A_429 = arith.constant 0 : i32
      %dma_wait3A_430 = tpu.memref_slice %arg7[%dma_wait3A_428, %dma_wait3A_429] : memref<10240x128xf32, #tpu.memory_space<vmem_shared>> -> memref<10240x128xf32, #tpu.memory_space<vmem_shared>>
      tpu.wait_indirect_dma semaphore(%arg16 : memref<!tpu.dma_semaphore, #tpu.memory_space<semaphore_mem>>) src(%arg11 : memref<128x128xf32, #tpu.memory_space<vmem>>) dst(%dma_wait3A_430 : memref<10240x128xf32, #tpu.memory_space<vmem_shared>>)
      %dma_start3A_431 = arith.constant 11 : i32
      %dma_start3A_432 = arith.constant 0 : i32
      %dma_start3A_433 = tpu.memref_slice %arg8[%dma_start3A_431, %dma_start3A_432] : memref<16x128xi32, #tpu.memory_space<vmem>> -> memref<1x128xi32, #tpu.memory_space<vmem>>
      %dma_start3A_434 = tpu.memref_squeeze %dma_start3A_433 : memref<1x128xi32, #tpu.memory_space<vmem>> -> memref<128xi32, #tpu.memory_space<vmem>>
      %dma_start3A_435 = arith.constant 0 : i32
      %dma_start3A_436 = arith.constant 0 : i32
      %dma_start3A_437 = tpu.memref_slice %arg2[%dma_start3A_435, %dma_start3A_436] : memref<10000x128xf32, #tpu.memory_space<hbm>> -> memref<10000x128xf32, #tpu.memory_space<hbm>>
      tpu.enqueue_indirect_dma source(%dma_start3A_437 : memref<10000x128xf32, #tpu.memory_space<hbm>>) target(%arg11 : memref<128x128xf32, #tpu.memory_space<vmem>>) offsets(%dma_start3A_434 : memref<128xi32, #tpu.memory_space<vmem>>) semaphore(%arg14 : memref<!tpu.dma_semaphore, #tpu.memory_space<semaphore_mem>>)
      %dma_wait3A_438 = arith.constant 11 : i32
      %dma_wait3A_439 = arith.constant 0 : i32
      %dma_wait3A_440 = tpu.memref_slice %arg8[%dma_wait3A_438, %dma_wait3A_439] : memref<16x128xi32, #tpu.memory_space<vmem>> -> memref<1x128xi32, #tpu.memory_space<vmem>>
      %dma_wait3A_441 = tpu.memref_squeeze %dma_wait3A_440 : memref<1x128xi32, #tpu.memory_space<vmem>> -> memref<128xi32, #tpu.memory_space<vmem>>
      %dma_wait3A_442 = arith.constant 0 : i32
      %dma_wait3A_443 = arith.constant 0 : i32
      %dma_wait3A_444 = tpu.memref_slice %arg2[%dma_wait3A_442, %dma_wait3A_443] : memref<10000x128xf32, #tpu.memory_space<hbm>> -> memref<10000x128xf32, #tpu.memory_space<hbm>>
      tpu.wait_indirect_dma semaphore(%arg14 : memref<!tpu.dma_semaphore, #tpu.memory_space<semaphore_mem>>) src(%dma_wait3A_444 : memref<10000x128xf32, #tpu.memory_space<hbm>>) dst(%arg11 : memref<128x128xf32, #tpu.memory_space<vmem>>)
      %dma_start3A_445 = arith.constant 11 : i32
      %dma_start3A_446 = arith.constant 0 : i32
      %dma_start3A_447 = tpu.memref_slice %arg9[%dma_start3A_445, %dma_start3A_446] : memref<16x128xi32, #tpu.memory_space<vmem>> -> memref<1x128xi32, #tpu.memory_space<vmem>>
      %dma_start3A_448 = tpu.memref_squeeze %dma_start3A_447 : memref<1x128xi32, #tpu.memory_space<vmem>> -> memref<128xi32, #tpu.memory_space<vmem>>
      %dma_start3A_449 = arith.constant 0 : i32
      %dma_start3A_450 = arith.constant 0 : i32
      %dma_start3A_451 = tpu.memref_slice %arg7[%dma_start3A_449, %dma_start3A_450] : memref<10240x128xf32, #tpu.memory_space<vmem_shared>> -> memref<10240x128xf32, #tpu.memory_space<vmem_shared>>
      tpu.enqueue_indirect_dma source(%arg11 : memref<128x128xf32, #tpu.memory_space<vmem>>) target(%dma_start3A_451 : memref<10240x128xf32, #tpu.memory_space<vmem_shared>>) offsets(%dma_start3A_448 : memref<128xi32, #tpu.memory_space<vmem>>) semaphore(%arg16 : memref<!tpu.dma_semaphore, #tpu.memory_space<semaphore_mem>>) {add = true}
      %dma_start3A_452 = arith.constant 11 : i32
      %dma_start3A_453 = arith.constant 0 : i32
      %dma_start3A_454 = tpu.memref_slice %arg9[%dma_start3A_452, %dma_start3A_453] : memref<16x128xi32, #tpu.memory_space<vmem>> -> memref<1x128xi32, #tpu.memory_space<vmem>>
      %dma_start3A_455 = tpu.memref_squeeze %dma_start3A_454 : memref<1x128xi32, #tpu.memory_space<vmem>> -> memref<128xi32, #tpu.memory_space<vmem>>
      %dma_start3A_456 = arith.constant 0 : i32
      %dma_start3A_457 = tpu.memref_slice %arg17[%dma_start3A_456] : memref<10240xf32, #tpu.memory_space<vmem_shared>> -> memref<10240xf32, #tpu.memory_space<vmem_shared>>
      tpu.enqueue_indirect_dma source(%arg18 : memref<128xf32, #tpu.memory_space<vmem>>) target(%dma_start3A_457 : memref<10240xf32, #tpu.memory_space<vmem_shared>>) offsets(%dma_start3A_455 : memref<128xi32, #tpu.memory_space<vmem>>) semaphore(%arg19 : memref<!tpu.dma_semaphore, #tpu.memory_space<semaphore_mem>>) {add = true}
      %dma_wait3A_458 = arith.constant 10 : i32
      %dma_wait3A_459 = arith.constant 0 : i32
      %dma_wait3A_460 = tpu.memref_slice %arg9[%dma_wait3A_458, %dma_wait3A_459] : memref<16x128xi32, #tpu.memory_space<vmem>> -> memref<1x128xi32, #tpu.memory_space<vmem>>
      %dma_wait3A_461 = tpu.memref_squeeze %dma_wait3A_460 : memref<1x128xi32, #tpu.memory_space<vmem>> -> memref<128xi32, #tpu.memory_space<vmem>>
      %dma_wait3A_462 = arith.constant 0 : i32
      %dma_wait3A_463 = arith.constant 0 : i32
      %dma_wait3A_464 = tpu.memref_slice %arg7[%dma_wait3A_462, %dma_wait3A_463] : memref<10240x128xf32, #tpu.memory_space<vmem_shared>> -> memref<10240x128xf32, #tpu.memory_space<vmem_shared>>
      tpu.wait_indirect_dma semaphore(%arg15 : memref<!tpu.dma_semaphore, #tpu.memory_space<semaphore_mem>>) src(%arg10 : memref<128x128xf32, #tpu.memory_space<vmem>>) dst(%dma_wait3A_464 : memref<10240x128xf32, #tpu.memory_space<vmem_shared>>)
      %dma_start3A_465 = arith.constant 12 : i32
      %dma_start3A_466 = arith.constant 0 : i32
      %dma_start3A_467 = tpu.memref_slice %arg8[%dma_start3A_465, %dma_start3A_466] : memref<16x128xi32, #tpu.memory_space<vmem>> -> memref<1x128xi32, #tpu.memory_space<vmem>>
      %dma_start3A_468 = tpu.memref_squeeze %dma_start3A_467 : memref<1x128xi32, #tpu.memory_space<vmem>> -> memref<128xi32, #tpu.memory_space<vmem>>
      %dma_start3A_469 = arith.constant 0 : i32
      %dma_start3A_470 = arith.constant 0 : i32
      %dma_start3A_471 = tpu.memref_slice %arg2[%dma_start3A_469, %dma_start3A_470] : memref<10000x128xf32, #tpu.memory_space<hbm>> -> memref<10000x128xf32, #tpu.memory_space<hbm>>
      tpu.enqueue_indirect_dma source(%dma_start3A_471 : memref<10000x128xf32, #tpu.memory_space<hbm>>) target(%arg10 : memref<128x128xf32, #tpu.memory_space<vmem>>) offsets(%dma_start3A_468 : memref<128xi32, #tpu.memory_space<vmem>>) semaphore(%arg13 : memref<!tpu.dma_semaphore, #tpu.memory_space<semaphore_mem>>)
      %dma_wait3A_472 = arith.constant 12 : i32
      %dma_wait3A_473 = arith.constant 0 : i32
      %dma_wait3A_474 = tpu.memref_slice %arg8[%dma_wait3A_472, %dma_wait3A_473] : memref<16x128xi32, #tpu.memory_space<vmem>> -> memref<1x128xi32, #tpu.memory_space<vmem>>
      %dma_wait3A_475 = tpu.memref_squeeze %dma_wait3A_474 : memref<1x128xi32, #tpu.memory_space<vmem>> -> memref<128xi32, #tpu.memory_space<vmem>>
      %dma_wait3A_476 = arith.constant 0 : i32
      %dma_wait3A_477 = arith.constant 0 : i32
      %dma_wait3A_478 = tpu.memref_slice %arg2[%dma_wait3A_476, %dma_wait3A_477] : memref<10000x128xf32, #tpu.memory_space<hbm>> -> memref<10000x128xf32, #tpu.memory_space<hbm>>
      tpu.wait_indirect_dma semaphore(%arg13 : memref<!tpu.dma_semaphore, #tpu.memory_space<semaphore_mem>>) src(%dma_wait3A_478 : memref<10000x128xf32, #tpu.memory_space<hbm>>) dst(%arg10 : memref<128x128xf32, #tpu.memory_space<vmem>>)
      %dma_start3A_479 = arith.constant 12 : i32
      %dma_start3A_480 = arith.constant 0 : i32
      %dma_start3A_481 = tpu.memref_slice %arg9[%dma_start3A_479, %dma_start3A_480] : memref<16x128xi32, #tpu.memory_space<vmem>> -> memref<1x128xi32, #tpu.memory_space<vmem>>
      %dma_start3A_482 = tpu.memref_squeeze %dma_start3A_481 : memref<1x128xi32, #tpu.memory_space<vmem>> -> memref<128xi32, #tpu.memory_space<vmem>>
      %dma_start3A_483 = arith.constant 0 : i32
      %dma_start3A_484 = arith.constant 0 : i32
      %dma_start3A_485 = tpu.memref_slice %arg7[%dma_start3A_483, %dma_start3A_484] : memref<10240x128xf32, #tpu.memory_space<vmem_shared>> -> memref<10240x128xf32, #tpu.memory_space<vmem_shared>>
      tpu.enqueue_indirect_dma source(%arg10 : memref<128x128xf32, #tpu.memory_space<vmem>>) target(%dma_start3A_485 : memref<10240x128xf32, #tpu.memory_space<vmem_shared>>) offsets(%dma_start3A_482 : memref<128xi32, #tpu.memory_space<vmem>>) semaphore(%arg15 : memref<!tpu.dma_semaphore, #tpu.memory_space<semaphore_mem>>) {add = true}
      %dma_start3A_486 = arith.constant 12 : i32
      %dma_start3A_487 = arith.constant 0 : i32
      %dma_start3A_488 = tpu.memref_slice %arg9[%dma_start3A_486, %dma_start3A_487] : memref<16x128xi32, #tpu.memory_space<vmem>> -> memref<1x128xi32, #tpu.memory_space<vmem>>
      %dma_start3A_489 = tpu.memref_squeeze %dma_start3A_488 : memref<1x128xi32, #tpu.memory_space<vmem>> -> memref<128xi32, #tpu.memory_space<vmem>>
      %dma_start3A_490 = arith.constant 0 : i32
      %dma_start3A_491 = tpu.memref_slice %arg17[%dma_start3A_490] : memref<10240xf32, #tpu.memory_space<vmem_shared>> -> memref<10240xf32, #tpu.memory_space<vmem_shared>>
      tpu.enqueue_indirect_dma source(%arg18 : memref<128xf32, #tpu.memory_space<vmem>>) target(%dma_start3A_491 : memref<10240xf32, #tpu.memory_space<vmem_shared>>) offsets(%dma_start3A_489 : memref<128xi32, #tpu.memory_space<vmem>>) semaphore(%arg19 : memref<!tpu.dma_semaphore, #tpu.memory_space<semaphore_mem>>) {add = true}
      %dma_wait3A_492 = arith.constant 11 : i32
      %dma_wait3A_493 = arith.constant 0 : i32
      %dma_wait3A_494 = tpu.memref_slice %arg9[%dma_wait3A_492, %dma_wait3A_493] : memref<16x128xi32, #tpu.memory_space<vmem>> -> memref<1x128xi32, #tpu.memory_space<vmem>>
      %dma_wait3A_495 = tpu.memref_squeeze %dma_wait3A_494 : memref<1x128xi32, #tpu.memory_space<vmem>> -> memref<128xi32, #tpu.memory_space<vmem>>
      %dma_wait3A_496 = arith.constant 0 : i32
      %dma_wait3A_497 = arith.constant 0 : i32
      %dma_wait3A_498 = tpu.memref_slice %arg7[%dma_wait3A_496, %dma_wait3A_497] : memref<10240x128xf32, #tpu.memory_space<vmem_shared>> -> memref<10240x128xf32, #tpu.memory_space<vmem_shared>>
      tpu.wait_indirect_dma semaphore(%arg16 : memref<!tpu.dma_semaphore, #tpu.memory_space<semaphore_mem>>) src(%arg11 : memref<128x128xf32, #tpu.memory_space<vmem>>) dst(%dma_wait3A_498 : memref<10240x128xf32, #tpu.memory_space<vmem_shared>>)
      %dma_start3A_499 = arith.constant 13 : i32
      %dma_start3A_500 = arith.constant 0 : i32
      %dma_start3A_501 = tpu.memref_slice %arg8[%dma_start3A_499, %dma_start3A_500] : memref<16x128xi32, #tpu.memory_space<vmem>> -> memref<1x128xi32, #tpu.memory_space<vmem>>
      %dma_start3A_502 = tpu.memref_squeeze %dma_start3A_501 : memref<1x128xi32, #tpu.memory_space<vmem>> -> memref<128xi32, #tpu.memory_space<vmem>>
      %dma_start3A_503 = arith.constant 0 : i32
      %dma_start3A_504 = arith.constant 0 : i32
      %dma_start3A_505 = tpu.memref_slice %arg2[%dma_start3A_503, %dma_start3A_504] : memref<10000x128xf32, #tpu.memory_space<hbm>> -> memref<10000x128xf32, #tpu.memory_space<hbm>>
      tpu.enqueue_indirect_dma source(%dma_start3A_505 : memref<10000x128xf32, #tpu.memory_space<hbm>>) target(%arg11 : memref<128x128xf32, #tpu.memory_space<vmem>>) offsets(%dma_start3A_502 : memref<128xi32, #tpu.memory_space<vmem>>) semaphore(%arg14 : memref<!tpu.dma_semaphore, #tpu.memory_space<semaphore_mem>>)
      %dma_wait3A_506 = arith.constant 13 : i32
      %dma_wait3A_507 = arith.constant 0 : i32
      %dma_wait3A_508 = tpu.memref_slice %arg8[%dma_wait3A_506, %dma_wait3A_507] : memref<16x128xi32, #tpu.memory_space<vmem>> -> memref<1x128xi32, #tpu.memory_space<vmem>>
      %dma_wait3A_509 = tpu.memref_squeeze %dma_wait3A_508 : memref<1x128xi32, #tpu.memory_space<vmem>> -> memref<128xi32, #tpu.memory_space<vmem>>
      %dma_wait3A_510 = arith.constant 0 : i32
      %dma_wait3A_511 = arith.constant 0 : i32
      %dma_wait3A_512 = tpu.memref_slice %arg2[%dma_wait3A_510, %dma_wait3A_511] : memref<10000x128xf32, #tpu.memory_space<hbm>> -> memref<10000x128xf32, #tpu.memory_space<hbm>>
      tpu.wait_indirect_dma semaphore(%arg14 : memref<!tpu.dma_semaphore, #tpu.memory_space<semaphore_mem>>) src(%dma_wait3A_512 : memref<10000x128xf32, #tpu.memory_space<hbm>>) dst(%arg11 : memref<128x128xf32, #tpu.memory_space<vmem>>)
      %dma_start3A_513 = arith.constant 13 : i32
      %dma_start3A_514 = arith.constant 0 : i32
      %dma_start3A_515 = tpu.memref_slice %arg9[%dma_start3A_513, %dma_start3A_514] : memref<16x128xi32, #tpu.memory_space<vmem>> -> memref<1x128xi32, #tpu.memory_space<vmem>>
      %dma_start3A_516 = tpu.memref_squeeze %dma_start3A_515 : memref<1x128xi32, #tpu.memory_space<vmem>> -> memref<128xi32, #tpu.memory_space<vmem>>
      %dma_start3A_517 = arith.constant 0 : i32
      %dma_start3A_518 = arith.constant 0 : i32
      %dma_start3A_519 = tpu.memref_slice %arg7[%dma_start3A_517, %dma_start3A_518] : memref<10240x128xf32, #tpu.memory_space<vmem_shared>> -> memref<10240x128xf32, #tpu.memory_space<vmem_shared>>
      tpu.enqueue_indirect_dma source(%arg11 : memref<128x128xf32, #tpu.memory_space<vmem>>) target(%dma_start3A_519 : memref<10240x128xf32, #tpu.memory_space<vmem_shared>>) offsets(%dma_start3A_516 : memref<128xi32, #tpu.memory_space<vmem>>) semaphore(%arg16 : memref<!tpu.dma_semaphore, #tpu.memory_space<semaphore_mem>>) {add = true}
      %dma_start3A_520 = arith.constant 13 : i32
      %dma_start3A_521 = arith.constant 0 : i32
      %dma_start3A_522 = tpu.memref_slice %arg9[%dma_start3A_520, %dma_start3A_521] : memref<16x128xi32, #tpu.memory_space<vmem>> -> memref<1x128xi32, #tpu.memory_space<vmem>>
      %dma_start3A_523 = tpu.memref_squeeze %dma_start3A_522 : memref<1x128xi32, #tpu.memory_space<vmem>> -> memref<128xi32, #tpu.memory_space<vmem>>
      %dma_start3A_524 = arith.constant 0 : i32
      %dma_start3A_525 = tpu.memref_slice %arg17[%dma_start3A_524] : memref<10240xf32, #tpu.memory_space<vmem_shared>> -> memref<10240xf32, #tpu.memory_space<vmem_shared>>
      tpu.enqueue_indirect_dma source(%arg18 : memref<128xf32, #tpu.memory_space<vmem>>) target(%dma_start3A_525 : memref<10240xf32, #tpu.memory_space<vmem_shared>>) offsets(%dma_start3A_523 : memref<128xi32, #tpu.memory_space<vmem>>) semaphore(%arg19 : memref<!tpu.dma_semaphore, #tpu.memory_space<semaphore_mem>>) {add = true}
      %dma_wait3A_526 = arith.constant 12 : i32
      %dma_wait3A_527 = arith.constant 0 : i32
      %dma_wait3A_528 = tpu.memref_slice %arg9[%dma_wait3A_526, %dma_wait3A_527] : memref<16x128xi32, #tpu.memory_space<vmem>> -> memref<1x128xi32, #tpu.memory_space<vmem>>
      %dma_wait3A_529 = tpu.memref_squeeze %dma_wait3A_528 : memref<1x128xi32, #tpu.memory_space<vmem>> -> memref<128xi32, #tpu.memory_space<vmem>>
      %dma_wait3A_530 = arith.constant 0 : i32
      %dma_wait3A_531 = arith.constant 0 : i32
      %dma_wait3A_532 = tpu.memref_slice %arg7[%dma_wait3A_530, %dma_wait3A_531] : memref<10240x128xf32, #tpu.memory_space<vmem_shared>> -> memref<10240x128xf32, #tpu.memory_space<vmem_shared>>
      tpu.wait_indirect_dma semaphore(%arg15 : memref<!tpu.dma_semaphore, #tpu.memory_space<semaphore_mem>>) src(%arg10 : memref<128x128xf32, #tpu.memory_space<vmem>>) dst(%dma_wait3A_532 : memref<10240x128xf32, #tpu.memory_space<vmem_shared>>)
      %dma_start3A_533 = arith.constant 14 : i32
      %dma_start3A_534 = arith.constant 0 : i32
      %dma_start3A_535 = tpu.memref_slice %arg8[%dma_start3A_533, %dma_start3A_534] : memref<16x128xi32, #tpu.memory_space<vmem>> -> memref<1x128xi32, #tpu.memory_space<vmem>>
      %dma_start3A_536 = tpu.memref_squeeze %dma_start3A_535 : memref<1x128xi32, #tpu.memory_space<vmem>> -> memref<128xi32, #tpu.memory_space<vmem>>
      %dma_start3A_537 = arith.constant 0 : i32
      %dma_start3A_538 = arith.constant 0 : i32
      %dma_start3A_539 = tpu.memref_slice %arg2[%dma_start3A_537, %dma_start3A_538] : memref<10000x128xf32, #tpu.memory_space<hbm>> -> memref<10000x128xf32, #tpu.memory_space<hbm>>
      tpu.enqueue_indirect_dma source(%dma_start3A_539 : memref<10000x128xf32, #tpu.memory_space<hbm>>) target(%arg10 : memref<128x128xf32, #tpu.memory_space<vmem>>) offsets(%dma_start3A_536 : memref<128xi32, #tpu.memory_space<vmem>>) semaphore(%arg13 : memref<!tpu.dma_semaphore, #tpu.memory_space<semaphore_mem>>)
      %dma_wait3A_540 = arith.constant 14 : i32
      %dma_wait3A_541 = arith.constant 0 : i32
      %dma_wait3A_542 = tpu.memref_slice %arg8[%dma_wait3A_540, %dma_wait3A_541] : memref<16x128xi32, #tpu.memory_space<vmem>> -> memref<1x128xi32, #tpu.memory_space<vmem>>
      %dma_wait3A_543 = tpu.memref_squeeze %dma_wait3A_542 : memref<1x128xi32, #tpu.memory_space<vmem>> -> memref<128xi32, #tpu.memory_space<vmem>>
      %dma_wait3A_544 = arith.constant 0 : i32
      %dma_wait3A_545 = arith.constant 0 : i32
      %dma_wait3A_546 = tpu.memref_slice %arg2[%dma_wait3A_544, %dma_wait3A_545] : memref<10000x128xf32, #tpu.memory_space<hbm>> -> memref<10000x128xf32, #tpu.memory_space<hbm>>
      tpu.wait_indirect_dma semaphore(%arg13 : memref<!tpu.dma_semaphore, #tpu.memory_space<semaphore_mem>>) src(%dma_wait3A_546 : memref<10000x128xf32, #tpu.memory_space<hbm>>) dst(%arg10 : memref<128x128xf32, #tpu.memory_space<vmem>>)
      %dma_start3A_547 = arith.constant 14 : i32
      %dma_start3A_548 = arith.constant 0 : i32
      %dma_start3A_549 = tpu.memref_slice %arg9[%dma_start3A_547, %dma_start3A_548] : memref<16x128xi32, #tpu.memory_space<vmem>> -> memref<1x128xi32, #tpu.memory_space<vmem>>
      %dma_start3A_550 = tpu.memref_squeeze %dma_start3A_549 : memref<1x128xi32, #tpu.memory_space<vmem>> -> memref<128xi32, #tpu.memory_space<vmem>>
      %dma_start3A_551 = arith.constant 0 : i32
      %dma_start3A_552 = arith.constant 0 : i32
      %dma_start3A_553 = tpu.memref_slice %arg7[%dma_start3A_551, %dma_start3A_552] : memref<10240x128xf32, #tpu.memory_space<vmem_shared>> -> memref<10240x128xf32, #tpu.memory_space<vmem_shared>>
      tpu.enqueue_indirect_dma source(%arg10 : memref<128x128xf32, #tpu.memory_space<vmem>>) target(%dma_start3A_553 : memref<10240x128xf32, #tpu.memory_space<vmem_shared>>) offsets(%dma_start3A_550 : memref<128xi32, #tpu.memory_space<vmem>>) semaphore(%arg15 : memref<!tpu.dma_semaphore, #tpu.memory_space<semaphore_mem>>) {add = true}
      %dma_start3A_554 = arith.constant 14 : i32
      %dma_start3A_555 = arith.constant 0 : i32
      %dma_start3A_556 = tpu.memref_slice %arg9[%dma_start3A_554, %dma_start3A_555] : memref<16x128xi32, #tpu.memory_space<vmem>> -> memref<1x128xi32, #tpu.memory_space<vmem>>
      %dma_start3A_557 = tpu.memref_squeeze %dma_start3A_556 : memref<1x128xi32, #tpu.memory_space<vmem>> -> memref<128xi32, #tpu.memory_space<vmem>>
      %dma_start3A_558 = arith.constant 0 : i32
      %dma_start3A_559 = tpu.memref_slice %arg17[%dma_start3A_558] : memref<10240xf32, #tpu.memory_space<vmem_shared>> -> memref<10240xf32, #tpu.memory_space<vmem_shared>>
      tpu.enqueue_indirect_dma source(%arg18 : memref<128xf32, #tpu.memory_space<vmem>>) target(%dma_start3A_559 : memref<10240xf32, #tpu.memory_space<vmem_shared>>) offsets(%dma_start3A_557 : memref<128xi32, #tpu.memory_space<vmem>>) semaphore(%arg19 : memref<!tpu.dma_semaphore, #tpu.memory_space<semaphore_mem>>) {add = true}
      %dma_wait3A_560 = arith.constant 13 : i32
      %dma_wait3A_561 = arith.constant 0 : i32
      %dma_wait3A_562 = tpu.memref_slice %arg9[%dma_wait3A_560, %dma_wait3A_561] : memref<16x128xi32, #tpu.memory_space<vmem>> -> memref<1x128xi32, #tpu.memory_space<vmem>>
      %dma_wait3A_563 = tpu.memref_squeeze %dma_wait3A_562 : memref<1x128xi32, #tpu.memory_space<vmem>> -> memref<128xi32, #tpu.memory_space<vmem>>
      %dma_wait3A_564 = arith.constant 0 : i32
      %dma_wait3A_565 = arith.constant 0 : i32
      %dma_wait3A_566 = tpu.memref_slice %arg7[%dma_wait3A_564, %dma_wait3A_565] : memref<10240x128xf32, #tpu.memory_space<vmem_shared>> -> memref<10240x128xf32, #tpu.memory_space<vmem_shared>>
      tpu.wait_indirect_dma semaphore(%arg16 : memref<!tpu.dma_semaphore, #tpu.memory_space<semaphore_mem>>) src(%arg11 : memref<128x128xf32, #tpu.memory_space<vmem>>) dst(%dma_wait3A_566 : memref<10240x128xf32, #tpu.memory_space<vmem_shared>>)
      %dma_start3A_567 = arith.constant 15 : i32
      %dma_start3A_568 = arith.constant 0 : i32
      %dma_start3A_569 = tpu.memref_slice %arg8[%dma_start3A_567, %dma_start3A_568] : memref<16x128xi32, #tpu.memory_space<vmem>> -> memref<1x128xi32, #tpu.memory_space<vmem>>
      %dma_start3A_570 = tpu.memref_squeeze %dma_start3A_569 : memref<1x128xi32, #tpu.memory_space<vmem>> -> memref<128xi32, #tpu.memory_space<vmem>>
      %dma_start3A_571 = arith.constant 0 : i32
      %dma_start3A_572 = arith.constant 0 : i32
      %dma_start3A_573 = tpu.memref_slice %arg2[%dma_start3A_571, %dma_start3A_572] : memref<10000x128xf32, #tpu.memory_space<hbm>> -> memref<10000x128xf32, #tpu.memory_space<hbm>>
      tpu.enqueue_indirect_dma source(%dma_start3A_573 : memref<10000x128xf32, #tpu.memory_space<hbm>>) target(%arg11 : memref<128x128xf32, #tpu.memory_space<vmem>>) offsets(%dma_start3A_570 : memref<128xi32, #tpu.memory_space<vmem>>) semaphore(%arg14 : memref<!tpu.dma_semaphore, #tpu.memory_space<semaphore_mem>>)
      %dma_wait3A_574 = arith.constant 15 : i32
      %dma_wait3A_575 = arith.constant 0 : i32
      %dma_wait3A_576 = tpu.memref_slice %arg8[%dma_wait3A_574, %dma_wait3A_575] : memref<16x128xi32, #tpu.memory_space<vmem>> -> memref<1x128xi32, #tpu.memory_space<vmem>>
      %dma_wait3A_577 = tpu.memref_squeeze %dma_wait3A_576 : memref<1x128xi32, #tpu.memory_space<vmem>> -> memref<128xi32, #tpu.memory_space<vmem>>
      %dma_wait3A_578 = arith.constant 0 : i32
      %dma_wait3A_579 = arith.constant 0 : i32
      %dma_wait3A_580 = tpu.memref_slice %arg2[%dma_wait3A_578, %dma_wait3A_579] : memref<10000x128xf32, #tpu.memory_space<hbm>> -> memref<10000x128xf32, #tpu.memory_space<hbm>>
      tpu.wait_indirect_dma semaphore(%arg14 : memref<!tpu.dma_semaphore, #tpu.memory_space<semaphore_mem>>) src(%dma_wait3A_580 : memref<10000x128xf32, #tpu.memory_space<hbm>>) dst(%arg11 : memref<128x128xf32, #tpu.memory_space<vmem>>)
      %dma_start3A_581 = arith.constant 15 : i32
      %dma_start3A_582 = arith.constant 0 : i32
      %dma_start3A_583 = tpu.memref_slice %arg9[%dma_start3A_581, %dma_start3A_582] : memref<16x128xi32, #tpu.memory_space<vmem>> -> memref<1x128xi32, #tpu.memory_space<vmem>>
      %dma_start3A_584 = tpu.memref_squeeze %dma_start3A_583 : memref<1x128xi32, #tpu.memory_space<vmem>> -> memref<128xi32, #tpu.memory_space<vmem>>
      %dma_start3A_585 = arith.constant 0 : i32
      %dma_start3A_586 = arith.constant 0 : i32
      %dma_start3A_587 = tpu.memref_slice %arg7[%dma_start3A_585, %dma_start3A_586] : memref<10240x128xf32, #tpu.memory_space<vmem_shared>> -> memref<10240x128xf32, #tpu.memory_space<vmem_shared>>
      tpu.enqueue_indirect_dma source(%arg11 : memref<128x128xf32, #tpu.memory_space<vmem>>) target(%dma_start3A_587 : memref<10240x128xf32, #tpu.memory_space<vmem_shared>>) offsets(%dma_start3A_584 : memref<128xi32, #tpu.memory_space<vmem>>) semaphore(%arg16 : memref<!tpu.dma_semaphore, #tpu.memory_space<semaphore_mem>>) {add = true}
      %dma_start3A_588 = arith.constant 15 : i32
      %dma_start3A_589 = arith.constant 0 : i32
      %dma_start3A_590 = tpu.memref_slice %arg9[%dma_start3A_588, %dma_start3A_589] : memref<16x128xi32, #tpu.memory_space<vmem>> -> memref<1x128xi32, #tpu.memory_space<vmem>>
      %dma_start3A_591 = tpu.memref_squeeze %dma_start3A_590 : memref<1x128xi32, #tpu.memory_space<vmem>> -> memref<128xi32, #tpu.memory_space<vmem>>
      %dma_start3A_592 = arith.constant 0 : i32
      %dma_start3A_593 = tpu.memref_slice %arg17[%dma_start3A_592] : memref<10240xf32, #tpu.memory_space<vmem_shared>> -> memref<10240xf32, #tpu.memory_space<vmem_shared>>
      tpu.enqueue_indirect_dma source(%arg18 : memref<128xf32, #tpu.memory_space<vmem>>) target(%dma_start3A_593 : memref<10240xf32, #tpu.memory_space<vmem_shared>>) offsets(%dma_start3A_591 : memref<128xi32, #tpu.memory_space<vmem>>) semaphore(%arg19 : memref<!tpu.dma_semaphore, #tpu.memory_space<semaphore_mem>>) {add = true}
      %dma_wait3A_594 = arith.constant 14 : i32
      %dma_wait3A_595 = arith.constant 0 : i32
      %dma_wait3A_596 = tpu.memref_slice %arg9[%dma_wait3A_594, %dma_wait3A_595] : memref<16x128xi32, #tpu.memory_space<vmem>> -> memref<1x128xi32, #tpu.memory_space<vmem>>
      %dma_wait3A_597 = tpu.memref_squeeze %dma_wait3A_596 : memref<1x128xi32, #tpu.memory_space<vmem>> -> memref<128xi32, #tpu.memory_space<vmem>>
      %dma_wait3A_598 = arith.constant 0 : i32
      %dma_wait3A_599 = arith.constant 0 : i32
      %dma_wait3A_600 = tpu.memref_slice %arg7[%dma_wait3A_598, %dma_wait3A_599] : memref<10240x128xf32, #tpu.memory_space<vmem_shared>> -> memref<10240x128xf32, #tpu.memory_space<vmem_shared>>
      tpu.wait_indirect_dma semaphore(%arg15 : memref<!tpu.dma_semaphore, #tpu.memory_space<semaphore_mem>>) src(%arg10 : memref<128x128xf32, #tpu.memory_space<vmem>>) dst(%dma_wait3A_600 : memref<10240x128xf32, #tpu.memory_space<vmem_shared>>)
      %dma_wait3A_601 = arith.constant 15 : i32
      %dma_wait3A_602 = arith.constant 0 : i32
      %dma_wait3A_603 = tpu.memref_slice %arg9[%dma_wait3A_601, %dma_wait3A_602] : memref<16x128xi32, #tpu.memory_space<vmem>> -> memref<1x128xi32, #tpu.memory_space<vmem>>
      %dma_wait3A_604 = tpu.memref_squeeze %dma_wait3A_603 : memref<1x128xi32, #tpu.memory_space<vmem>> -> memref<128xi32, #tpu.memory_space<vmem>>
      %dma_wait3A_605 = arith.constant 0 : i32
      %dma_wait3A_606 = arith.constant 0 : i32
      %dma_wait3A_607 = tpu.memref_slice %arg7[%dma_wait3A_605, %dma_wait3A_606] : memref<10240x128xf32, #tpu.memory_space<vmem_shared>> -> memref<10240x128xf32, #tpu.memory_space<vmem_shared>>
      tpu.wait_indirect_dma semaphore(%arg16 : memref<!tpu.dma_semaphore, #tpu.memory_space<semaphore_mem>>) src(%arg11 : memref<128x128xf32, #tpu.memory_space<vmem>>) dst(%dma_wait3A_607 : memref<10240x128xf32, #tpu.memory_space<vmem_shared>>)
      %dma_wait3A_608 = arith.constant 0 : i32
      %dma_wait3A_609 = arith.constant 0 : i32
      %dma_wait3A_610 = tpu.memref_slice %arg9[%dma_wait3A_608, %dma_wait3A_609] : memref<16x128xi32, #tpu.memory_space<vmem>> -> memref<1x128xi32, #tpu.memory_space<vmem>>
      %dma_wait3A_611 = tpu.memref_squeeze %dma_wait3A_610 : memref<1x128xi32, #tpu.memory_space<vmem>> -> memref<128xi32, #tpu.memory_space<vmem>>
      %dma_wait3A_612 = arith.constant 0 : i32
      %dma_wait3A_613 = tpu.memref_slice %arg17[%dma_wait3A_612] : memref<10240xf32, #tpu.memory_space<vmem_shared>> -> memref<10240xf32, #tpu.memory_space<vmem_shared>>
      tpu.wait_indirect_dma semaphore(%arg19 : memref<!tpu.dma_semaphore, #tpu.memory_space<semaphore_mem>>) src(%arg18 : memref<128xf32, #tpu.memory_space<vmem>>) dst(%dma_wait3A_613 : memref<10240xf32, #tpu.memory_space<vmem_shared>>)
      %dma_wait3A_614 = arith.constant 1 : i32
      %dma_wait3A_615 = arith.constant 0 : i32
      %dma_wait3A_616 = tpu.memref_slice %arg9[%dma_wait3A_614, %dma_wait3A_615] : memref<16x128xi32, #tpu.memory_space<vmem>> -> memref<1x128xi32, #tpu.memory_space<vmem>>
      %dma_wait3A_617 = tpu.memref_squeeze %dma_wait3A_616 : memref<1x128xi32, #tpu.memory_space<vmem>> -> memref<128xi32, #tpu.memory_space<vmem>>
      %dma_wait3A_618 = arith.constant 0 : i32
      %dma_wait3A_619 = tpu.memref_slice %arg17[%dma_wait3A_618] : memref<10240xf32, #tpu.memory_space<vmem_shared>> -> memref<10240xf32, #tpu.memory_space<vmem_shared>>
      tpu.wait_indirect_dma semaphore(%arg19 : memref<!tpu.dma_semaphore, #tpu.memory_space<semaphore_mem>>) src(%arg18 : memref<128xf32, #tpu.memory_space<vmem>>) dst(%dma_wait3A_619 : memref<10240xf32, #tpu.memory_space<vmem_shared>>)
      %dma_wait3A_620 = arith.constant 2 : i32
      %dma_wait3A_621 = arith.constant 0 : i32
      %dma_wait3A_622 = tpu.memref_slice %arg9[%dma_wait3A_620, %dma_wait3A_621] : memref<16x128xi32, #tpu.memory_space<vmem>> -> memref<1x128xi32, #tpu.memory_space<vmem>>
      %dma_wait3A_623 = tpu.memref_squeeze %dma_wait3A_622 : memref<1x128xi32, #tpu.memory_space<vmem>> -> memref<128xi32, #tpu.memory_space<vmem>>
      %dma_wait3A_624 = arith.constant 0 : i32
      %dma_wait3A_625 = tpu.memref_slice %arg17[%dma_wait3A_624] : memref<10240xf32, #tpu.memory_space<vmem_shared>> -> memref<10240xf32, #tpu.memory_space<vmem_shared>>
      tpu.wait_indirect_dma semaphore(%arg19 : memref<!tpu.dma_semaphore, #tpu.memory_space<semaphore_mem>>) src(%arg18 : memref<128xf32, #tpu.memory_space<vmem>>) dst(%dma_wait3A_625 : memref<10240xf32, #tpu.memory_space<vmem_shared>>)
      %dma_wait3A_626 = arith.constant 3 : i32
      %dma_wait3A_627 = arith.constant 0 : i32
      %dma_wait3A_628 = tpu.memref_slice %arg9[%dma_wait3A_626, %dma_wait3A_627] : memref<16x128xi32, #tpu.memory_space<vmem>> -> memref<1x128xi32, #tpu.memory_space<vmem>>
      %dma_wait3A_629 = tpu.memref_squeeze %dma_wait3A_628 : memref<1x128xi32, #tpu.memory_space<vmem>> -> memref<128xi32, #tpu.memory_space<vmem>>
      %dma_wait3A_630 = arith.constant 0 : i32
      %dma_wait3A_631 = tpu.memref_slice %arg17[%dma_wait3A_630] : memref<10240xf32, #tpu.memory_space<vmem_shared>> -> memref<10240xf32, #tpu.memory_space<vmem_shared>>
      tpu.wait_indirect_dma semaphore(%arg19 : memref<!tpu.dma_semaphore, #tpu.memory_space<semaphore_mem>>) src(%arg18 : memref<128xf32, #tpu.memory_space<vmem>>) dst(%dma_wait3A_631 : memref<10240xf32, #tpu.memory_space<vmem_shared>>)
      %dma_wait3A_632 = arith.constant 4 : i32
      %dma_wait3A_633 = arith.constant 0 : i32
      %dma_wait3A_634 = tpu.memref_slice %arg9[%dma_wait3A_632, %dma_wait3A_633] : memref<16x128xi32, #tpu.memory_space<vmem>> -> memref<1x128xi32, #tpu.memory_space<vmem>>
      %dma_wait3A_635 = tpu.memref_squeeze %dma_wait3A_634 : memref<1x128xi32, #tpu.memory_space<vmem>> -> memref<128xi32, #tpu.memory_space<vmem>>
      %dma_wait3A_636 = arith.constant 0 : i32
      %dma_wait3A_637 = tpu.memref_slice %arg17[%dma_wait3A_636] : memref<10240xf32, #tpu.memory_space<vmem_shared>> -> memref<10240xf32, #tpu.memory_space<vmem_shared>>
      tpu.wait_indirect_dma semaphore(%arg19 : memref<!tpu.dma_semaphore, #tpu.memory_space<semaphore_mem>>) src(%arg18 : memref<128xf32, #tpu.memory_space<vmem>>) dst(%dma_wait3A_637 : memref<10240xf32, #tpu.memory_space<vmem_shared>>)
      %dma_wait3A_638 = arith.constant 5 : i32
      %dma_wait3A_639 = arith.constant 0 : i32
      %dma_wait3A_640 = tpu.memref_slice %arg9[%dma_wait3A_638, %dma_wait3A_639] : memref<16x128xi32, #tpu.memory_space<vmem>> -> memref<1x128xi32, #tpu.memory_space<vmem>>
      %dma_wait3A_641 = tpu.memref_squeeze %dma_wait3A_640 : memref<1x128xi32, #tpu.memory_space<vmem>> -> memref<128xi32, #tpu.memory_space<vmem>>
      %dma_wait3A_642 = arith.constant 0 : i32
      %dma_wait3A_643 = tpu.memref_slice %arg17[%dma_wait3A_642] : memref<10240xf32, #tpu.memory_space<vmem_shared>> -> memref<10240xf32, #tpu.memory_space<vmem_shared>>
      tpu.wait_indirect_dma semaphore(%arg19 : memref<!tpu.dma_semaphore, #tpu.memory_space<semaphore_mem>>) src(%arg18 : memref<128xf32, #tpu.memory_space<vmem>>) dst(%dma_wait3A_643 : memref<10240xf32, #tpu.memory_space<vmem_shared>>)
      %dma_wait3A_644 = arith.constant 6 : i32
      %dma_wait3A_645 = arith.constant 0 : i32
      %dma_wait3A_646 = tpu.memref_slice %arg9[%dma_wait3A_644, %dma_wait3A_645] : memref<16x128xi32, #tpu.memory_space<vmem>> -> memref<1x128xi32, #tpu.memory_space<vmem>>
      %dma_wait3A_647 = tpu.memref_squeeze %dma_wait3A_646 : memref<1x128xi32, #tpu.memory_space<vmem>> -> memref<128xi32, #tpu.memory_space<vmem>>
      %dma_wait3A_648 = arith.constant 0 : i32
      %dma_wait3A_649 = tpu.memref_slice %arg17[%dma_wait3A_648] : memref<10240xf32, #tpu.memory_space<vmem_shared>> -> memref<10240xf32, #tpu.memory_space<vmem_shared>>
      tpu.wait_indirect_dma semaphore(%arg19 : memref<!tpu.dma_semaphore, #tpu.memory_space<semaphore_mem>>) src(%arg18 : memref<128xf32, #tpu.memory_space<vmem>>) dst(%dma_wait3A_649 : memref<10240xf32, #tpu.memory_space<vmem_shared>>)
      %dma_wait3A_650 = arith.constant 7 : i32
      %dma_wait3A_651 = arith.constant 0 : i32
      %dma_wait3A_652 = tpu.memref_slice %arg9[%dma_wait3A_650, %dma_wait3A_651] : memref<16x128xi32, #tpu.memory_space<vmem>> -> memref<1x128xi32, #tpu.memory_space<vmem>>
      %dma_wait3A_653 = tpu.memref_squeeze %dma_wait3A_652 : memref<1x128xi32, #tpu.memory_space<vmem>> -> memref<128xi32, #tpu.memory_space<vmem>>
      %dma_wait3A_654 = arith.constant 0 : i32
      %dma_wait3A_655 = tpu.memref_slice %arg17[%dma_wait3A_654] : memref<10240xf32, #tpu.memory_space<vmem_shared>> -> memref<10240xf32, #tpu.memory_space<vmem_shared>>
      tpu.wait_indirect_dma semaphore(%arg19 : memref<!tpu.dma_semaphore, #tpu.memory_space<semaphore_mem>>) src(%arg18 : memref<128xf32, #tpu.memory_space<vmem>>) dst(%dma_wait3A_655 : memref<10240xf32, #tpu.memory_space<vmem_shared>>)
      %dma_wait3A_656 = arith.constant 8 : i32
      %dma_wait3A_657 = arith.constant 0 : i32
      %dma_wait3A_658 = tpu.memref_slice %arg9[%dma_wait3A_656, %dma_wait3A_657] : memref<16x128xi32, #tpu.memory_space<vmem>> -> memref<1x128xi32, #tpu.memory_space<vmem>>
      %dma_wait3A_659 = tpu.memref_squeeze %dma_wait3A_658 : memref<1x128xi32, #tpu.memory_space<vmem>> -> memref<128xi32, #tpu.memory_space<vmem>>
      %dma_wait3A_660 = arith.constant 0 : i32
      %dma_wait3A_661 = tpu.memref_slice %arg17[%dma_wait3A_660] : memref<10240xf32, #tpu.memory_space<vmem_shared>> -> memref<10240xf32, #tpu.memory_space<vmem_shared>>
      tpu.wait_indirect_dma semaphore(%arg19 : memref<!tpu.dma_semaphore, #tpu.memory_space<semaphore_mem>>) src(%arg18 : memref<128xf32, #tpu.memory_space<vmem>>) dst(%dma_wait3A_661 : memref<10240xf32, #tpu.memory_space<vmem_shared>>)
      %dma_wait3A_662 = arith.constant 9 : i32
      %dma_wait3A_663 = arith.constant 0 : i32
      %dma_wait3A_664 = tpu.memref_slice %arg9[%dma_wait3A_662, %dma_wait3A_663] : memref<16x128xi32, #tpu.memory_space<vmem>> -> memref<1x128xi32, #tpu.memory_space<vmem>>
      %dma_wait3A_665 = tpu.memref_squeeze %dma_wait3A_664 : memref<1x128xi32, #tpu.memory_space<vmem>> -> memref<128xi32, #tpu.memory_space<vmem>>
      %dma_wait3A_666 = arith.constant 0 : i32
      %dma_wait3A_667 = tpu.memref_slice %arg17[%dma_wait3A_666] : memref<10240xf32, #tpu.memory_space<vmem_shared>> -> memref<10240xf32, #tpu.memory_space<vmem_shared>>
      tpu.wait_indirect_dma semaphore(%arg19 : memref<!tpu.dma_semaphore, #tpu.memory_space<semaphore_mem>>) src(%arg18 : memref<128xf32, #tpu.memory_space<vmem>>) dst(%dma_wait3A_667 : memref<10240xf32, #tpu.memory_space<vmem_shared>>)
      %dma_wait3A_668 = arith.constant 10 : i32
      %dma_wait3A_669 = arith.constant 0 : i32
      %dma_wait3A_670 = tpu.memref_slice %arg9[%dma_wait3A_668, %dma_wait3A_669] : memref<16x128xi32, #tpu.memory_space<vmem>> -> memref<1x128xi32, #tpu.memory_space<vmem>>
      %dma_wait3A_671 = tpu.memref_squeeze %dma_wait3A_670 : memref<1x128xi32, #tpu.memory_space<vmem>> -> memref<128xi32, #tpu.memory_space<vmem>>
      %dma_wait3A_672 = arith.constant 0 : i32
      %dma_wait3A_673 = tpu.memref_slice %arg17[%dma_wait3A_672] : memref<10240xf32, #tpu.memory_space<vmem_shared>> -> memref<10240xf32, #tpu.memory_space<vmem_shared>>
      tpu.wait_indirect_dma semaphore(%arg19 : memref<!tpu.dma_semaphore, #tpu.memory_space<semaphore_mem>>) src(%arg18 : memref<128xf32, #tpu.memory_space<vmem>>) dst(%dma_wait3A_673 : memref<10240xf32, #tpu.memory_space<vmem_shared>>)
      %dma_wait3A_674 = arith.constant 11 : i32
      %dma_wait3A_675 = arith.constant 0 : i32
      %dma_wait3A_676 = tpu.memref_slice %arg9[%dma_wait3A_674, %dma_wait3A_675] : memref<16x128xi32, #tpu.memory_space<vmem>> -> memref<1x128xi32, #tpu.memory_space<vmem>>
      %dma_wait3A_677 = tpu.memref_squeeze %dma_wait3A_676 : memref<1x128xi32, #tpu.memory_space<vmem>> -> memref<128xi32, #tpu.memory_space<vmem>>
      %dma_wait3A_678 = arith.constant 0 : i32
      %dma_wait3A_679 = tpu.memref_slice %arg17[%dma_wait3A_678] : memref<10240xf32, #tpu.memory_space<vmem_shared>> -> memref<10240xf32, #tpu.memory_space<vmem_shared>>
      tpu.wait_indirect_dma semaphore(%arg19 : memref<!tpu.dma_semaphore, #tpu.memory_space<semaphore_mem>>) src(%arg18 : memref<128xf32, #tpu.memory_space<vmem>>) dst(%dma_wait3A_679 : memref<10240xf32, #tpu.memory_space<vmem_shared>>)
      %dma_wait3A_680 = arith.constant 12 : i32
      %dma_wait3A_681 = arith.constant 0 : i32
      %dma_wait3A_682 = tpu.memref_slice %arg9[%dma_wait3A_680, %dma_wait3A_681] : memref<16x128xi32, #tpu.memory_space<vmem>> -> memref<1x128xi32, #tpu.memory_space<vmem>>
      %dma_wait3A_683 = tpu.memref_squeeze %dma_wait3A_682 : memref<1x128xi32, #tpu.memory_space<vmem>> -> memref<128xi32, #tpu.memory_space<vmem>>
      %dma_wait3A_684 = arith.constant 0 : i32
      %dma_wait3A_685 = tpu.memref_slice %arg17[%dma_wait3A_684] : memref<10240xf32, #tpu.memory_space<vmem_shared>> -> memref<10240xf32, #tpu.memory_space<vmem_shared>>
      tpu.wait_indirect_dma semaphore(%arg19 : memref<!tpu.dma_semaphore, #tpu.memory_space<semaphore_mem>>) src(%arg18 : memref<128xf32, #tpu.memory_space<vmem>>) dst(%dma_wait3A_685 : memref<10240xf32, #tpu.memory_space<vmem_shared>>)
      %dma_wait3A_686 = arith.constant 13 : i32
      %dma_wait3A_687 = arith.constant 0 : i32
      %dma_wait3A_688 = tpu.memref_slice %arg9[%dma_wait3A_686, %dma_wait3A_687] : memref<16x128xi32, #tpu.memory_space<vmem>> -> memref<1x128xi32, #tpu.memory_space<vmem>>
      %dma_wait3A_689 = tpu.memref_squeeze %dma_wait3A_688 : memref<1x128xi32, #tpu.memory_space<vmem>> -> memref<128xi32, #tpu.memory_space<vmem>>
      %dma_wait3A_690 = arith.constant 0 : i32
      %dma_wait3A_691 = tpu.memref_slice %arg17[%dma_wait3A_690] : memref<10240xf32, #tpu.memory_space<vmem_shared>> -> memref<10240xf32, #tpu.memory_space<vmem_shared>>
      tpu.wait_indirect_dma semaphore(%arg19 : memref<!tpu.dma_semaphore, #tpu.memory_space<semaphore_mem>>) src(%arg18 : memref<128xf32, #tpu.memory_space<vmem>>) dst(%dma_wait3A_691 : memref<10240xf32, #tpu.memory_space<vmem_shared>>)
      %dma_wait3A_692 = arith.constant 14 : i32
      %dma_wait3A_693 = arith.constant 0 : i32
      %dma_wait3A_694 = tpu.memref_slice %arg9[%dma_wait3A_692, %dma_wait3A_693] : memref<16x128xi32, #tpu.memory_space<vmem>> -> memref<1x128xi32, #tpu.memory_space<vmem>>
      %dma_wait3A_695 = tpu.memref_squeeze %dma_wait3A_694 : memref<1x128xi32, #tpu.memory_space<vmem>> -> memref<128xi32, #tpu.memory_space<vmem>>
      %dma_wait3A_696 = arith.constant 0 : i32
      %dma_wait3A_697 = tpu.memref_slice %arg17[%dma_wait3A_696] : memref<10240xf32, #tpu.memory_space<vmem_shared>> -> memref<10240xf32, #tpu.memory_space<vmem_shared>>
      tpu.wait_indirect_dma semaphore(%arg19 : memref<!tpu.dma_semaphore, #tpu.memory_space<semaphore_mem>>) src(%arg18 : memref<128xf32, #tpu.memory_space<vmem>>) dst(%dma_wait3A_697 : memref<10240xf32, #tpu.memory_space<vmem_shared>>)
      %dma_wait3A_698 = arith.constant 15 : i32
      %dma_wait3A_699 = arith.constant 0 : i32
      %dma_wait3A_700 = tpu.memref_slice %arg9[%dma_wait3A_698, %dma_wait3A_699] : memref<16x128xi32, #tpu.memory_space<vmem>> -> memref<1x128xi32, #tpu.memory_space<vmem>>
      %dma_wait3A_701 = tpu.memref_squeeze %dma_wait3A_700 : memref<1x128xi32, #tpu.memory_space<vmem>> -> memref<128xi32, #tpu.memory_space<vmem>>
      %dma_wait3A_702 = arith.constant 0 : i32
      %dma_wait3A_703 = tpu.memref_slice %arg17[%dma_wait3A_702] : memref<10240xf32, #tpu.memory_space<vmem_shared>> -> memref<10240xf32, #tpu.memory_space<vmem_shared>>
      tpu.wait_indirect_dma semaphore(%arg19 : memref<!tpu.dma_semaphore, #tpu.memory_space<semaphore_mem>>) src(%arg18 : memref<128xf32, #tpu.memory_space<vmem>>) dst(%dma_wait3A_703 : memref<10240xf32, #tpu.memory_space<vmem_shared>>)
    }
    %barrier3A_56 = arith.constant 0 : index
    tpu.barrier barrier_id(%barrier3A_56)
    "tpu.region"() ({
      %run_scoped3A = tpu.sem_alloc : memref<!tpu.dma_semaphore, #tpu.memory_space<semaphore_mem>>
      %dma_start3A = arith.constant 0 : i32
      %dma_start3A_60 = tpu.memref_slice %arg5[%arg0, %mul3A_2, %dma_start3A] : memref<2x10240x128xf32, #tpu.memory_space<hbm>> -> memref<1x640x128xf32, #tpu.memory_space<hbm>>
      %dma_start3A_61 = tpu.memref_squeeze %dma_start3A_60 : memref<1x640x128xf32, #tpu.memory_space<hbm>> -> memref<640x128xf32, #tpu.memory_space<hbm>>
      %dma_start3A_62 = arith.constant 0 : i32
      %dma_start3A_63 = tpu.memref_slice %arg7[%mul3A_2, %dma_start3A_62] : memref<10240x128xf32, #tpu.memory_space<vmem_shared>> -> memref<640x128xf32, #tpu.memory_space<vmem_shared>>
      tpu.enqueue_dma source(%dma_start3A_63 : memref<640x128xf32, #tpu.memory_space<vmem_shared>>) target(%dma_start3A_61 : memref<640x128xf32, #tpu.memory_space<hbm>>) target_semaphore(%run_scoped3A : memref<!tpu.dma_semaphore, #tpu.memory_space<semaphore_mem>>)
      %dma_wait3A = arith.constant 0 : i32
      %dma_wait3A_64 = tpu.memref_slice %arg5[%arg0, %mul3A_2, %dma_wait3A] : memref<2x10240x128xf32, #tpu.memory_space<hbm>> -> memref<1x640x128xf32, #tpu.memory_space<hbm>>
      %dma_wait3A_65 = tpu.memref_squeeze %dma_wait3A_64 : memref<1x640x128xf32, #tpu.memory_space<hbm>> -> memref<640x128xf32, #tpu.memory_space<hbm>>
      %dma_wait3A_66 = arith.constant 0 : i32
      %dma_wait3A_67 = tpu.memref_slice %arg7[%mul3A_2, %dma_wait3A_66] : memref<10240x128xf32, #tpu.memory_space<vmem_shared>> -> memref<640x128xf32, #tpu.memory_space<vmem_shared>>
      tpu.wait_dma2 semaphore(%run_scoped3A : memref<!tpu.dma_semaphore, #tpu.memory_space<semaphore_mem>>) src(%dma_wait3A_67 : memref<640x128xf32, #tpu.memory_space<vmem_shared>>) dst(%dma_wait3A_65 : memref<640x128xf32, #tpu.memory_space<hbm>>)
      tpu.yield
    }) : () -> ()
    %mul3A_57 = arith.constant 10240 : i32
    %mul3A_58 = arith.muli %arg0, %mul3A_57 : i32
    %add3A_59 = arith.addi %mul3A_58, %mul3A_2 : i32
    "tpu.region"() ({
      %run_scoped3A = tpu.sem_alloc : memref<!tpu.dma_semaphore, #tpu.memory_space<semaphore_mem>>
      %dma_start3A = tpu.memref_slice %arg6[%add3A_59] : memref<20480xf32, #tpu.memory_space<hbm>> -> memref<640xf32, #tpu.memory_space<hbm>>
      %dma_start3A_60 = tpu.memref_slice %arg17[%mul3A_2] : memref<10240xf32, #tpu.memory_space<vmem_shared>> -> memref<640xf32, #tpu.memory_space<vmem_shared>>
      tpu.enqueue_dma source(%dma_start3A_60 : memref<640xf32, #tpu.memory_space<vmem_shared>>) target(%dma_start3A : memref<640xf32, #tpu.memory_space<hbm>>) target_semaphore(%run_scoped3A : memref<!tpu.dma_semaphore, #tpu.memory_space<semaphore_mem>>)
      %dma_wait3A = tpu.memref_slice %arg6[%add3A_59] : memref<20480xf32, #tpu.memory_space<hbm>> -> memref<640xf32, #tpu.memory_space<hbm>>
      %dma_wait3A_61 = tpu.memref_slice %arg17[%mul3A_2] : memref<10240xf32, #tpu.memory_space<vmem_shared>> -> memref<640xf32, #tpu.memory_space<vmem_shared>>
      tpu.wait_dma2 semaphore(%run_scoped3A : memref<!tpu.dma_semaphore, #tpu.memory_space<semaphore_mem>>) src(%dma_wait3A_61 : memref<640xf32, #tpu.memory_space<vmem_shared>>) dst(%dma_wait3A : memref<640xf32, #tpu.memory_space<hbm>>)
      tpu.yield
    }) : () -> ()
    return
  }
}

#map = affine_map<(d0, d1) -> (0, 0)>
#map1 = affine_map<(d0, d1) -> (0, 0, 0)>
module attributes {stable_mosaic.version = 14 : i64} {
  func.func @body(%arg0: i32, %arg1: i32, %arg2: memref<10240x128xf32, #tpu.memory_space<hbm>>, %arg3: memref<2560x128xi32, #tpu.memory_space<hbm>>, %arg4: memref<2560x128xi32, #tpu.memory_space<hbm>>, %arg5: memref<2x10240x128xf32, #tpu.memory_space<hbm>>, %arg6: memref<10240x128xf32, #tpu.memory_space<vmem_shared>>, %arg7: memref<16x128xi32, #tpu.memory_space<vmem>>, %arg8: memref<16x128xi32, #tpu.memory_space<vmem>>, %arg9: memref<128x128xf32, #tpu.memory_space<vmem>>, %arg10: memref<128x128xf32, #tpu.memory_space<vmem>>, %arg11: memref<32x128xf32, #tpu.memory_space<vmem>>, %arg12: memref<!tpu.dma_semaphore, #tpu.memory_space<semaphore_mem>>, %arg13: memref<!tpu.dma_semaphore, #tpu.memory_space<semaphore_mem>>, %arg14: memref<!tpu.dma_semaphore, #tpu.memory_space<semaphore_mem>>, %arg15: memref<!tpu.dma_semaphore, #tpu.memory_space<semaphore_mem>>) attributes {dimension_semantics = [#tpu.dimension_semantics<core_parallel>, #tpu.dimension_semantics<subcore_parallel>], iteration_bounds = array<i64: 2, 16>, scalar_prefetch = 0 : i64, scratch_operands = 10 : i64, tpu.core_type = #tpu.core_type<sc_vector_subcore>, window_params = [{transform_indices = #map}, {transform_indices = #map}, {transform_indices = #map}, {transform_indices = #map1}]} {
    %mul3A = arith.constant 16 : i32
    %mul3A_0 = arith.muli %arg0, %mul3A : i32
    %add3A = arith.addi %mul3A_0, %arg1 : i32
    %mul3A_1 = arith.constant 640 : i32
    %mul3A_2 = arith.muli %arg1, %mul3A_1 : i32
    %scan3A = arith.constant 0 : i32
    %scan3A_3 = arith.constant 32 : i32
    %scan3A_4 = arith.addi %scan3A, %scan3A_3 : i32
    %scan3A_5 = arith.constant 1 : i32
    scf.for %scan3A_42 = %scan3A to %scan3A_4 step %scan3A_5  : i32 {
      %mul3A_43 = arith.constant 1 : i32
      %mul3A_44 = arith.muli %scan3A_42, %mul3A_43 : i32
      %add3A_45 = arith.constant 0 : i32
      %add3A_46 = arith.addi %add3A_45, %mul3A_44 : i32
      %scan3A_47 = arith.constant 0 : i32
      %scan3A_48 = arith.constant 8 : i32
      %scan3A_49 = arith.addi %scan3A_47, %scan3A_48 : i32
      %scan3A_50 = arith.constant 1 : i32
      scf.for %scan3A_52 = %scan3A_47 to %scan3A_49 step %scan3A_50  : i32 {
        %mul3A_53 = arith.constant 16 : i32
        %mul3A_54 = arith.muli %scan3A_52, %mul3A_53 : i32
        %add3A_55 = arith.constant 0 : i32
        %add3A_56 = arith.addi %add3A_55, %mul3A_54 : i32
        %broadcast_in_dim3A = arith.constant 0.000000e+00 : f32
        %broadcast_in_dim3A_57 = vector.broadcast %broadcast_in_dim3A : f32 to vector<16xf32>
        %swap3A = arith.index_cast %add3A_46 : i32 to index
        %swap3A_58 = arith.index_cast %add3A_56 : i32 to index
        %swap3A_59 = tpu.vector_load %arg11[%swap3A, %swap3A_58] {strides = array<i32>} : memref<32x128xf32, #tpu.memory_space<vmem>>, vector<1x16xf32>,
        %swap3A_60 = vector.shape_cast %swap3A_59 : vector<1x16xf32> to vector<16xf32>
        %swap3A_61 = vector.shape_cast %broadcast_in_dim3A_57 : vector<16xf32> to vector<1x16xf32>
        tpu.vector_store %arg11[%swap3A, %swap3A_58], %swap3A_61 {strides = array<i32>} : memref<32x128xf32, #tpu.memory_space<vmem>>, vector<1x16xf32>,
      }
      %scan3A_51 = arith.constant 8 : i32
    }
    %scan3A_6 = arith.constant 32 : i32
    %scan3A_7 = arith.constant 0 : i32
    %scan3A_8 = arith.constant 20 : i32
    %scan3A_9 = arith.addi %scan3A_7, %scan3A_8 : i32
    %scan3A_10 = arith.constant 1 : i32
    scf.for %scan3A_42 = %scan3A_7 to %scan3A_9 step %scan3A_10  : i32 {
      %mul3A_43 = arith.constant 32 : i32
      %mul3A_44 = arith.muli %scan3A_42, %mul3A_43 : i32
      %add3A_45 = arith.constant 0 : i32
      %add3A_46 = arith.addi %add3A_45, %mul3A_44 : i32
      %add3A_47 = arith.addi %mul3A_2, %add3A_46 : i32
      "tpu.region"() ({
        %run_scoped3A = tpu.sem_alloc : memref<!tpu.dma_semaphore, #tpu.memory_space<semaphore_mem>>
        %dma_start3A = arith.constant 0 : i32
        %dma_start3A_48 = tpu.memref_slice %arg6[%add3A_47, %dma_start3A] : memref<10240x128xf32, #tpu.memory_space<vmem_shared>> -> memref<32x128xf32, #tpu.memory_space<vmem_shared>>
        %dma_start3A_49 = arith.constant 0 : i32
        %dma_start3A_50 = tpu.memref_slice %arg6[%add3A_47, %dma_start3A_49] : memref<10240x128xf32, #tpu.memory_space<vmem_shared>> -> memref<32x128xf32, #tpu.memory_space<vmem_shared>>
        tpu.enqueue_dma source(%arg11 : memref<32x128xf32, #tpu.memory_space<vmem>>) target(%dma_start3A_50 : memref<32x128xf32, #tpu.memory_space<vmem_shared>>) target_semaphore(%run_scoped3A : memref<!tpu.dma_semaphore, #tpu.memory_space<semaphore_mem>>)
        %dma_wait3A = arith.constant 0 : i32
        %dma_wait3A_51 = tpu.memref_slice %arg6[%add3A_47, %dma_wait3A] : memref<10240x128xf32, #tpu.memory_space<vmem_shared>> -> memref<32x128xf32, #tpu.memory_space<vmem_shared>>
        %dma_wait3A_52 = arith.constant 0 : i32
        %dma_wait3A_53 = tpu.memref_slice %arg6[%add3A_47, %dma_wait3A_52] : memref<10240x128xf32, #tpu.memory_space<vmem_shared>> -> memref<32x128xf32, #tpu.memory_space<vmem_shared>>
        tpu.wait_dma2 semaphore(%run_scoped3A : memref<!tpu.dma_semaphore, #tpu.memory_space<semaphore_mem>>) src(%arg11 : memref<32x128xf32, #tpu.memory_space<vmem>>) dst(%dma_wait3A_53 : memref<32x128xf32, #tpu.memory_space<vmem_shared>>)
        tpu.yield
      }) : () -> ()
    }
    %scan3A_11 = arith.constant 20 : i32
    %barrier3A = arith.constant 0 : index
    tpu.barrier barrier_id(%barrier3A)
    %eq3A = arith.constant 0 : i32
    %eq3A_12 = arith.cmpi eq, %arg0, %eq3A : i32
    %jit3A = arith.constant 9 : i32
    %jit3A_13 = arith.constant 1 : i32
    %select_n3A = arith.select %eq3A_12, %jit3A, %jit3A_13 : i32
    %eq3A_14 = arith.constant 0 : i32
    %eq3A_15 = arith.cmpi eq, %arg0, %eq3A_14 : i32
    %mul3A_16 = arith.constant 9 : i32
    %mul3A_17 = arith.muli %arg1, %mul3A_16 : i32
    %mul3A_18 = arith.constant 1 : i32
    %mul3A_19 = arith.muli %arg1, %mul3A_18 : i32
    %add3A_20 = arith.constant 144 : i32
    %add3A_21 = arith.addi %add3A_20, %mul3A_19 : i32
    %select_n3A_22 = arith.select %eq3A_15, %mul3A_17, %add3A_21 : i32
    %mul3A_23 = arith.constant 16 : i32
    %mul3A_24 = arith.muli %select_n3A_22, %mul3A_23 : i32
    %sub3A = arith.constant 0 : i32
    %sub3A_25 = arith.subi %select_n3A, %sub3A : i32
    %sub3A_26 = arith.constant 1 : i32
    %sub3A_27 = arith.constant 1 : i32
    %sub3A_28 = arith.subi %sub3A_26, %sub3A_27 : i32
    %add3A_29 = arith.addi %sub3A_25, %sub3A_28 : i32
    %div3A = arith.constant 1 : i32
    %div3A_30 = arith.divsi %add3A_29, %div3A : i32
    %while3A = arith.constant 1 : i32
    %while3A_31 = arith.constant 0 : i32
    %while3A_32 = arith.constant 0 : i32
    %while3A_33 = arith.subi %div3A_30, %while3A_32 : i32
    %while3A_34 = arith.addi %while3A_32, %while3A_33 : i32
    %while3A_35 = arith.constant 1 : i32
    %while3A_36 = arith.divsi %while3A_33, %while3A_35 : i32
    %while3A_37 = arith.muli %while3A_36, %while3A_35 : i32
    %while3A_38 = arith.addi %while3A_32, %while3A_37 : i32
    %while3A_39 = arith.constant 1 : i32
    scf.for %while3A_42 = %while3A_32 to %while3A_38 step %while3A_39  : i32 {
      %mul3A_43 = arith.muli %while3A_42, %while3A : i32
      %add3A_44 = arith.addi %while3A_31, %mul3A_43 : i32
      %mul3A_45 = arith.constant 16 : i32
      %mul3A_46 = arith.muli %add3A_44, %mul3A_45 : i32
      %add3A_47 = arith.addi %mul3A_24, %mul3A_46 : i32
      "tpu.region"() ({
        %run_scoped3A = tpu.sem_alloc : memref<!tpu.dma_semaphore, #tpu.memory_space<semaphore_mem>>
        %dma_start3A_494 = arith.constant 0 : i32
        %dma_start3A_495 = tpu.memref_slice %arg3[%add3A_47, %dma_start3A_494] : memref<2560x128xi32, #tpu.memory_space<hbm>> -> memref<16x128xi32, #tpu.memory_space<hbm>>
        %dma_start3A_496 = arith.constant 0 : i32
        %dma_start3A_497 = tpu.memref_slice %arg3[%add3A_47, %dma_start3A_496] : memref<2560x128xi32, #tpu.memory_space<hbm>> -> memref<16x128xi32, #tpu.memory_space<hbm>>
        tpu.enqueue_dma source(%dma_start3A_497 : memref<16x128xi32, #tpu.memory_space<hbm>>) target(%arg7 : memref<16x128xi32, #tpu.memory_space<vmem>>) target_semaphore(%run_scoped3A : memref<!tpu.dma_semaphore, #tpu.memory_space<semaphore_mem>>)
        %dma_wait3A_498 = arith.constant 0 : i32
        %dma_wait3A_499 = tpu.memref_slice %arg3[%add3A_47, %dma_wait3A_498] : memref<2560x128xi32, #tpu.memory_space<hbm>> -> memref<16x128xi32, #tpu.memory_space<hbm>>
        %dma_wait3A_500 = arith.constant 0 : i32
        %dma_wait3A_501 = tpu.memref_slice %arg3[%add3A_47, %dma_wait3A_500] : memref<2560x128xi32, #tpu.memory_space<hbm>> -> memref<16x128xi32, #tpu.memory_space<hbm>>
        tpu.wait_dma2 semaphore(%run_scoped3A : memref<!tpu.dma_semaphore, #tpu.memory_space<semaphore_mem>>) src(%dma_wait3A_501 : memref<16x128xi32, #tpu.memory_space<hbm>>) dst(%arg7 : memref<16x128xi32, #tpu.memory_space<vmem>>)
        tpu.yield
      }) : () -> ()
      "tpu.region"() ({
        %run_scoped3A = tpu.sem_alloc : memref<!tpu.dma_semaphore, #tpu.memory_space<semaphore_mem>>
        %dma_start3A_494 = arith.constant 0 : i32
        %dma_start3A_495 = tpu.memref_slice %arg4[%add3A_47, %dma_start3A_494] : memref<2560x128xi32, #tpu.memory_space<hbm>> -> memref<16x128xi32, #tpu.memory_space<hbm>>
        %dma_start3A_496 = arith.constant 0 : i32
        %dma_start3A_497 = tpu.memref_slice %arg4[%add3A_47, %dma_start3A_496] : memref<2560x128xi32, #tpu.memory_space<hbm>> -> memref<16x128xi32, #tpu.memory_space<hbm>>
        tpu.enqueue_dma source(%dma_start3A_497 : memref<16x128xi32, #tpu.memory_space<hbm>>) target(%arg8 : memref<16x128xi32, #tpu.memory_space<vmem>>) target_semaphore(%run_scoped3A : memref<!tpu.dma_semaphore, #tpu.memory_space<semaphore_mem>>)
        %dma_wait3A_498 = arith.constant 0 : i32
        %dma_wait3A_499 = tpu.memref_slice %arg4[%add3A_47, %dma_wait3A_498] : memref<2560x128xi32, #tpu.memory_space<hbm>> -> memref<16x128xi32, #tpu.memory_space<hbm>>
        %dma_wait3A_500 = arith.constant 0 : i32
        %dma_wait3A_501 = tpu.memref_slice %arg4[%add3A_47, %dma_wait3A_500] : memref<2560x128xi32, #tpu.memory_space<hbm>> -> memref<16x128xi32, #tpu.memory_space<hbm>>
        tpu.wait_dma2 semaphore(%run_scoped3A : memref<!tpu.dma_semaphore, #tpu.memory_space<semaphore_mem>>) src(%dma_wait3A_501 : memref<16x128xi32, #tpu.memory_space<hbm>>) dst(%arg8 : memref<16x128xi32, #tpu.memory_space<vmem>>)
        tpu.yield
      }) : () -> ()
      %dma_start3A = arith.constant 0 : i32
      %dma_start3A_48 = arith.constant 0 : i32
      %dma_start3A_49 = tpu.memref_slice %arg7[%dma_start3A, %dma_start3A_48] : memref<16x128xi32, #tpu.memory_space<vmem>> -> memref<1x128xi32, #tpu.memory_space<vmem>>
      %dma_start3A_50 = tpu.memref_squeeze %dma_start3A_49 : memref<1x128xi32, #tpu.memory_space<vmem>> -> memref<128xi32, #tpu.memory_space<vmem>>
      %dma_start3A_51 = arith.constant 0 : i32
      %dma_start3A_52 = arith.constant 0 : i32
      %dma_start3A_53 = tpu.memref_slice %arg2[%dma_start3A_51, %dma_start3A_52] : memref<10240x128xf32, #tpu.memory_space<hbm>> -> memref<10240x128xf32, #tpu.memory_space<hbm>>
      tpu.enqueue_indirect_dma source(%dma_start3A_53 : memref<10240x128xf32, #tpu.memory_space<hbm>>) target(%arg9 : memref<128x128xf32, #tpu.memory_space<vmem>>) offsets(%dma_start3A_50 : memref<128xi32, #tpu.memory_space<vmem>>) semaphore(%arg12 : memref<!tpu.dma_semaphore, #tpu.memory_space<semaphore_mem>>)
      %dma_start3A_54 = arith.constant 1 : i32
      %dma_start3A_55 = arith.constant 0 : i32
      %dma_start3A_56 = tpu.memref_slice %arg7[%dma_start3A_54, %dma_start3A_55] : memref<16x128xi32, #tpu.memory_space<vmem>> -> memref<1x128xi32, #tpu.memory_space<vmem>>
      %dma_start3A_57 = tpu.memref_squeeze %dma_start3A_56 : memref<1x128xi32, #tpu.memory_space<vmem>> -> memref<128xi32, #tpu.memory_space<vmem>>
      %dma_start3A_58 = arith.constant 0 : i32
      %dma_start3A_59 = arith.constant 0 : i32
      %dma_start3A_60 = tpu.memref_slice %arg2[%dma_start3A_58, %dma_start3A_59] : memref<10240x128xf32, #tpu.memory_space<hbm>> -> memref<10240x128xf32, #tpu.memory_space<hbm>>
      tpu.enqueue_indirect_dma source(%dma_start3A_60 : memref<10240x128xf32, #tpu.memory_space<hbm>>) target(%arg10 : memref<128x128xf32, #tpu.memory_space<vmem>>) offsets(%dma_start3A_57 : memref<128xi32, #tpu.memory_space<vmem>>) semaphore(%arg13 : memref<!tpu.dma_semaphore, #tpu.memory_space<semaphore_mem>>)
      %dma_wait3A = arith.constant 0 : i32
      %dma_wait3A_61 = arith.constant 0 : i32
      %dma_wait3A_62 = tpu.memref_slice %arg7[%dma_wait3A, %dma_wait3A_61] : memref<16x128xi32, #tpu.memory_space<vmem>> -> memref<1x128xi32, #tpu.memory_space<vmem>>
      %dma_wait3A_63 = tpu.memref_squeeze %dma_wait3A_62 : memref<1x128xi32, #tpu.memory_space<vmem>> -> memref<128xi32, #tpu.memory_space<vmem>>
      %dma_wait3A_64 = arith.constant 0 : i32
      %dma_wait3A_65 = arith.constant 0 : i32
      %dma_wait3A_66 = tpu.memref_slice %arg2[%dma_wait3A_64, %dma_wait3A_65] : memref<10240x128xf32, #tpu.memory_space<hbm>> -> memref<10240x128xf32, #tpu.memory_space<hbm>>
      tpu.wait_indirect_dma semaphore(%arg12 : memref<!tpu.dma_semaphore, #tpu.memory_space<semaphore_mem>>) src(%dma_wait3A_66 : memref<10240x128xf32, #tpu.memory_space<hbm>>) dst(%arg9 : memref<128x128xf32, #tpu.memory_space<vmem>>)
      %dma_start3A_67 = arith.constant 0 : i32
      %dma_start3A_68 = arith.constant 0 : i32
      %dma_start3A_69 = tpu.memref_slice %arg8[%dma_start3A_67, %dma_start3A_68] : memref<16x128xi32, #tpu.memory_space<vmem>> -> memref<1x128xi32, #tpu.memory_space<vmem>>
      %dma_start3A_70 = tpu.memref_squeeze %dma_start3A_69 : memref<1x128xi32, #tpu.memory_space<vmem>> -> memref<128xi32, #tpu.memory_space<vmem>>
      %dma_start3A_71 = arith.constant 0 : i32
      %dma_start3A_72 = arith.constant 0 : i32
      %dma_start3A_73 = tpu.memref_slice %arg6[%dma_start3A_71, %dma_start3A_72] : memref<10240x128xf32, #tpu.memory_space<vmem_shared>> -> memref<10240x128xf32, #tpu.memory_space<vmem_shared>>
      tpu.enqueue_indirect_dma source(%arg9 : memref<128x128xf32, #tpu.memory_space<vmem>>) target(%dma_start3A_73 : memref<10240x128xf32, #tpu.memory_space<vmem_shared>>) offsets(%dma_start3A_70 : memref<128xi32, #tpu.memory_space<vmem>>) semaphore(%arg14 : memref<!tpu.dma_semaphore, #tpu.memory_space<semaphore_mem>>) {add = true}
      %dma_wait3A_74 = arith.constant 1 : i32
      %dma_wait3A_75 = arith.constant 0 : i32
      %dma_wait3A_76 = tpu.memref_slice %arg7[%dma_wait3A_74, %dma_wait3A_75] : memref<16x128xi32, #tpu.memory_space<vmem>> -> memref<1x128xi32, #tpu.memory_space<vmem>>
      %dma_wait3A_77 = tpu.memref_squeeze %dma_wait3A_76 : memref<1x128xi32, #tpu.memory_space<vmem>> -> memref<128xi32, #tpu.memory_space<vmem>>
      %dma_wait3A_78 = arith.constant 0 : i32
      %dma_wait3A_79 = arith.constant 0 : i32
      %dma_wait3A_80 = tpu.memref_slice %arg2[%dma_wait3A_78, %dma_wait3A_79] : memref<10240x128xf32, #tpu.memory_space<hbm>> -> memref<10240x128xf32, #tpu.memory_space<hbm>>
      tpu.wait_indirect_dma semaphore(%arg13 : memref<!tpu.dma_semaphore, #tpu.memory_space<semaphore_mem>>) src(%dma_wait3A_80 : memref<10240x128xf32, #tpu.memory_space<hbm>>) dst(%arg10 : memref<128x128xf32, #tpu.memory_space<vmem>>)
      %dma_start3A_81 = arith.constant 1 : i32
      %dma_start3A_82 = arith.constant 0 : i32
      %dma_start3A_83 = tpu.memref_slice %arg8[%dma_start3A_81, %dma_start3A_82] : memref<16x128xi32, #tpu.memory_space<vmem>> -> memref<1x128xi32, #tpu.memory_space<vmem>>
      %dma_start3A_84 = tpu.memref_squeeze %dma_start3A_83 : memref<1x128xi32, #tpu.memory_space<vmem>> -> memref<128xi32, #tpu.memory_space<vmem>>
      %dma_start3A_85 = arith.constant 0 : i32
      %dma_start3A_86 = arith.constant 0 : i32
      %dma_start3A_87 = tpu.memref_slice %arg6[%dma_start3A_85, %dma_start3A_86] : memref<10240x128xf32, #tpu.memory_space<vmem_shared>> -> memref<10240x128xf32, #tpu.memory_space<vmem_shared>>
      tpu.enqueue_indirect_dma source(%arg10 : memref<128x128xf32, #tpu.memory_space<vmem>>) target(%dma_start3A_87 : memref<10240x128xf32, #tpu.memory_space<vmem_shared>>) offsets(%dma_start3A_84 : memref<128xi32, #tpu.memory_space<vmem>>) semaphore(%arg15 : memref<!tpu.dma_semaphore, #tpu.memory_space<semaphore_mem>>) {add = true}
      %dma_wait3A_88 = arith.constant 0 : i32
      %dma_wait3A_89 = arith.constant 0 : i32
      %dma_wait3A_90 = tpu.memref_slice %arg8[%dma_wait3A_88, %dma_wait3A_89] : memref<16x128xi32, #tpu.memory_space<vmem>> -> memref<1x128xi32, #tpu.memory_space<vmem>>
      %dma_wait3A_91 = tpu.memref_squeeze %dma_wait3A_90 : memref<1x128xi32, #tpu.memory_space<vmem>> -> memref<128xi32, #tpu.memory_space<vmem>>
      %dma_wait3A_92 = arith.constant 0 : i32
      %dma_wait3A_93 = arith.constant 0 : i32
      %dma_wait3A_94 = tpu.memref_slice %arg6[%dma_wait3A_92, %dma_wait3A_93] : memref<10240x128xf32, #tpu.memory_space<vmem_shared>> -> memref<10240x128xf32, #tpu.memory_space<vmem_shared>>
      tpu.wait_indirect_dma semaphore(%arg14 : memref<!tpu.dma_semaphore, #tpu.memory_space<semaphore_mem>>) src(%arg9 : memref<128x128xf32, #tpu.memory_space<vmem>>) dst(%dma_wait3A_94 : memref<10240x128xf32, #tpu.memory_space<vmem_shared>>)
      %dma_start3A_95 = arith.constant 2 : i32
      %dma_start3A_96 = arith.constant 0 : i32
      %dma_start3A_97 = tpu.memref_slice %arg7[%dma_start3A_95, %dma_start3A_96] : memref<16x128xi32, #tpu.memory_space<vmem>> -> memref<1x128xi32, #tpu.memory_space<vmem>>
      %dma_start3A_98 = tpu.memref_squeeze %dma_start3A_97 : memref<1x128xi32, #tpu.memory_space<vmem>> -> memref<128xi32, #tpu.memory_space<vmem>>
      %dma_start3A_99 = arith.constant 0 : i32
      %dma_start3A_100 = arith.constant 0 : i32
      %dma_start3A_101 = tpu.memref_slice %arg2[%dma_start3A_99, %dma_start3A_100] : memref<10240x128xf32, #tpu.memory_space<hbm>> -> memref<10240x128xf32, #tpu.memory_space<hbm>>
      tpu.enqueue_indirect_dma source(%dma_start3A_101 : memref<10240x128xf32, #tpu.memory_space<hbm>>) target(%arg9 : memref<128x128xf32, #tpu.memory_space<vmem>>) offsets(%dma_start3A_98 : memref<128xi32, #tpu.memory_space<vmem>>) semaphore(%arg12 : memref<!tpu.dma_semaphore, #tpu.memory_space<semaphore_mem>>)
      %dma_wait3A_102 = arith.constant 2 : i32
      %dma_wait3A_103 = arith.constant 0 : i32
      %dma_wait3A_104 = tpu.memref_slice %arg7[%dma_wait3A_102, %dma_wait3A_103] : memref<16x128xi32, #tpu.memory_space<vmem>> -> memref<1x128xi32, #tpu.memory_space<vmem>>
      %dma_wait3A_105 = tpu.memref_squeeze %dma_wait3A_104 : memref<1x128xi32, #tpu.memory_space<vmem>> -> memref<128xi32, #tpu.memory_space<vmem>>
      %dma_wait3A_106 = arith.constant 0 : i32
      %dma_wait3A_107 = arith.constant 0 : i32
      %dma_wait3A_108 = tpu.memref_slice %arg2[%dma_wait3A_106, %dma_wait3A_107] : memref<10240x128xf32, #tpu.memory_space<hbm>> -> memref<10240x128xf32, #tpu.memory_space<hbm>>
      tpu.wait_indirect_dma semaphore(%arg12 : memref<!tpu.dma_semaphore, #tpu.memory_space<semaphore_mem>>) src(%dma_wait3A_108 : memref<10240x128xf32, #tpu.memory_space<hbm>>) dst(%arg9 : memref<128x128xf32, #tpu.memory_space<vmem>>)
      %dma_start3A_109 = arith.constant 2 : i32
      %dma_start3A_110 = arith.constant 0 : i32
      %dma_start3A_111 = tpu.memref_slice %arg8[%dma_start3A_109, %dma_start3A_110] : memref<16x128xi32, #tpu.memory_space<vmem>> -> memref<1x128xi32, #tpu.memory_space<vmem>>
      %dma_start3A_112 = tpu.memref_squeeze %dma_start3A_111 : memref<1x128xi32, #tpu.memory_space<vmem>> -> memref<128xi32, #tpu.memory_space<vmem>>
      %dma_start3A_113 = arith.constant 0 : i32
      %dma_start3A_114 = arith.constant 0 : i32
      %dma_start3A_115 = tpu.memref_slice %arg6[%dma_start3A_113, %dma_start3A_114] : memref<10240x128xf32, #tpu.memory_space<vmem_shared>> -> memref<10240x128xf32, #tpu.memory_space<vmem_shared>>
      tpu.enqueue_indirect_dma source(%arg9 : memref<128x128xf32, #tpu.memory_space<vmem>>) target(%dma_start3A_115 : memref<10240x128xf32, #tpu.memory_space<vmem_shared>>) offsets(%dma_start3A_112 : memref<128xi32, #tpu.memory_space<vmem>>) semaphore(%arg14 : memref<!tpu.dma_semaphore, #tpu.memory_space<semaphore_mem>>) {add = true}
      %dma_wait3A_116 = arith.constant 1 : i32
      %dma_wait3A_117 = arith.constant 0 : i32
      %dma_wait3A_118 = tpu.memref_slice %arg8[%dma_wait3A_116, %dma_wait3A_117] : memref<16x128xi32, #tpu.memory_space<vmem>> -> memref<1x128xi32, #tpu.memory_space<vmem>>
      %dma_wait3A_119 = tpu.memref_squeeze %dma_wait3A_118 : memref<1x128xi32, #tpu.memory_space<vmem>> -> memref<128xi32, #tpu.memory_space<vmem>>
      %dma_wait3A_120 = arith.constant 0 : i32
      %dma_wait3A_121 = arith.constant 0 : i32
      %dma_wait3A_122 = tpu.memref_slice %arg6[%dma_wait3A_120, %dma_wait3A_121] : memref<10240x128xf32, #tpu.memory_space<vmem_shared>> -> memref<10240x128xf32, #tpu.memory_space<vmem_shared>>
      tpu.wait_indirect_dma semaphore(%arg15 : memref<!tpu.dma_semaphore, #tpu.memory_space<semaphore_mem>>) src(%arg10 : memref<128x128xf32, #tpu.memory_space<vmem>>) dst(%dma_wait3A_122 : memref<10240x128xf32, #tpu.memory_space<vmem_shared>>)
      %dma_start3A_123 = arith.constant 3 : i32
      %dma_start3A_124 = arith.constant 0 : i32
      %dma_start3A_125 = tpu.memref_slice %arg7[%dma_start3A_123, %dma_start3A_124] : memref<16x128xi32, #tpu.memory_space<vmem>> -> memref<1x128xi32, #tpu.memory_space<vmem>>
      %dma_start3A_126 = tpu.memref_squeeze %dma_start3A_125 : memref<1x128xi32, #tpu.memory_space<vmem>> -> memref<128xi32, #tpu.memory_space<vmem>>
      %dma_start3A_127 = arith.constant 0 : i32
      %dma_start3A_128 = arith.constant 0 : i32
      %dma_start3A_129 = tpu.memref_slice %arg2[%dma_start3A_127, %dma_start3A_128] : memref<10240x128xf32, #tpu.memory_space<hbm>> -> memref<10240x128xf32, #tpu.memory_space<hbm>>
      tpu.enqueue_indirect_dma source(%dma_start3A_129 : memref<10240x128xf32, #tpu.memory_space<hbm>>) target(%arg10 : memref<128x128xf32, #tpu.memory_space<vmem>>) offsets(%dma_start3A_126 : memref<128xi32, #tpu.memory_space<vmem>>) semaphore(%arg13 : memref<!tpu.dma_semaphore, #tpu.memory_space<semaphore_mem>>)
      %dma_wait3A_130 = arith.constant 3 : i32
      %dma_wait3A_131 = arith.constant 0 : i32
      %dma_wait3A_132 = tpu.memref_slice %arg7[%dma_wait3A_130, %dma_wait3A_131] : memref<16x128xi32, #tpu.memory_space<vmem>> -> memref<1x128xi32, #tpu.memory_space<vmem>>
      %dma_wait3A_133 = tpu.memref_squeeze %dma_wait3A_132 : memref<1x128xi32, #tpu.memory_space<vmem>> -> memref<128xi32, #tpu.memory_space<vmem>>
      %dma_wait3A_134 = arith.constant 0 : i32
      %dma_wait3A_135 = arith.constant 0 : i32
      %dma_wait3A_136 = tpu.memref_slice %arg2[%dma_wait3A_134, %dma_wait3A_135] : memref<10240x128xf32, #tpu.memory_space<hbm>> -> memref<10240x128xf32, #tpu.memory_space<hbm>>
      tpu.wait_indirect_dma semaphore(%arg13 : memref<!tpu.dma_semaphore, #tpu.memory_space<semaphore_mem>>) src(%dma_wait3A_136 : memref<10240x128xf32, #tpu.memory_space<hbm>>) dst(%arg10 : memref<128x128xf32, #tpu.memory_space<vmem>>)
      %dma_start3A_137 = arith.constant 3 : i32
      %dma_start3A_138 = arith.constant 0 : i32
      %dma_start3A_139 = tpu.memref_slice %arg8[%dma_start3A_137, %dma_start3A_138] : memref<16x128xi32, #tpu.memory_space<vmem>> -> memref<1x128xi32, #tpu.memory_space<vmem>>
      %dma_start3A_140 = tpu.memref_squeeze %dma_start3A_139 : memref<1x128xi32, #tpu.memory_space<vmem>> -> memref<128xi32, #tpu.memory_space<vmem>>
      %dma_start3A_141 = arith.constant 0 : i32
      %dma_start3A_142 = arith.constant 0 : i32
      %dma_start3A_143 = tpu.memref_slice %arg6[%dma_start3A_141, %dma_start3A_142] : memref<10240x128xf32, #tpu.memory_space<vmem_shared>> -> memref<10240x128xf32, #tpu.memory_space<vmem_shared>>
      tpu.enqueue_indirect_dma source(%arg10 : memref<128x128xf32, #tpu.memory_space<vmem>>) target(%dma_start3A_143 : memref<10240x128xf32, #tpu.memory_space<vmem_shared>>) offsets(%dma_start3A_140 : memref<128xi32, #tpu.memory_space<vmem>>) semaphore(%arg15 : memref<!tpu.dma_semaphore, #tpu.memory_space<semaphore_mem>>) {add = true}
      %dma_wait3A_144 = arith.constant 2 : i32
      %dma_wait3A_145 = arith.constant 0 : i32
      %dma_wait3A_146 = tpu.memref_slice %arg8[%dma_wait3A_144, %dma_wait3A_145] : memref<16x128xi32, #tpu.memory_space<vmem>> -> memref<1x128xi32, #tpu.memory_space<vmem>>
      %dma_wait3A_147 = tpu.memref_squeeze %dma_wait3A_146 : memref<1x128xi32, #tpu.memory_space<vmem>> -> memref<128xi32, #tpu.memory_space<vmem>>
      %dma_wait3A_148 = arith.constant 0 : i32
      %dma_wait3A_149 = arith.constant 0 : i32
      %dma_wait3A_150 = tpu.memref_slice %arg6[%dma_wait3A_148, %dma_wait3A_149] : memref<10240x128xf32, #tpu.memory_space<vmem_shared>> -> memref<10240x128xf32, #tpu.memory_space<vmem_shared>>
      tpu.wait_indirect_dma semaphore(%arg14 : memref<!tpu.dma_semaphore, #tpu.memory_space<semaphore_mem>>) src(%arg9 : memref<128x128xf32, #tpu.memory_space<vmem>>) dst(%dma_wait3A_150 : memref<10240x128xf32, #tpu.memory_space<vmem_shared>>)
      %dma_start3A_151 = arith.constant 4 : i32
      %dma_start3A_152 = arith.constant 0 : i32
      %dma_start3A_153 = tpu.memref_slice %arg7[%dma_start3A_151, %dma_start3A_152] : memref<16x128xi32, #tpu.memory_space<vmem>> -> memref<1x128xi32, #tpu.memory_space<vmem>>
      %dma_start3A_154 = tpu.memref_squeeze %dma_start3A_153 : memref<1x128xi32, #tpu.memory_space<vmem>> -> memref<128xi32, #tpu.memory_space<vmem>>
      %dma_start3A_155 = arith.constant 0 : i32
      %dma_start3A_156 = arith.constant 0 : i32
      %dma_start3A_157 = tpu.memref_slice %arg2[%dma_start3A_155, %dma_start3A_156] : memref<10240x128xf32, #tpu.memory_space<hbm>> -> memref<10240x128xf32, #tpu.memory_space<hbm>>
      tpu.enqueue_indirect_dma source(%dma_start3A_157 : memref<10240x128xf32, #tpu.memory_space<hbm>>) target(%arg9 : memref<128x128xf32, #tpu.memory_space<vmem>>) offsets(%dma_start3A_154 : memref<128xi32, #tpu.memory_space<vmem>>) semaphore(%arg12 : memref<!tpu.dma_semaphore, #tpu.memory_space<semaphore_mem>>)
      %dma_wait3A_158 = arith.constant 4 : i32
      %dma_wait3A_159 = arith.constant 0 : i32
      %dma_wait3A_160 = tpu.memref_slice %arg7[%dma_wait3A_158, %dma_wait3A_159] : memref<16x128xi32, #tpu.memory_space<vmem>> -> memref<1x128xi32, #tpu.memory_space<vmem>>
      %dma_wait3A_161 = tpu.memref_squeeze %dma_wait3A_160 : memref<1x128xi32, #tpu.memory_space<vmem>> -> memref<128xi32, #tpu.memory_space<vmem>>
      %dma_wait3A_162 = arith.constant 0 : i32
      %dma_wait3A_163 = arith.constant 0 : i32
      %dma_wait3A_164 = tpu.memref_slice %arg2[%dma_wait3A_162, %dma_wait3A_163] : memref<10240x128xf32, #tpu.memory_space<hbm>> -> memref<10240x128xf32, #tpu.memory_space<hbm>>
      tpu.wait_indirect_dma semaphore(%arg12 : memref<!tpu.dma_semaphore, #tpu.memory_space<semaphore_mem>>) src(%dma_wait3A_164 : memref<10240x128xf32, #tpu.memory_space<hbm>>) dst(%arg9 : memref<128x128xf32, #tpu.memory_space<vmem>>)
      %dma_start3A_165 = arith.constant 4 : i32
      %dma_start3A_166 = arith.constant 0 : i32
      %dma_start3A_167 = tpu.memref_slice %arg8[%dma_start3A_165, %dma_start3A_166] : memref<16x128xi32, #tpu.memory_space<vmem>> -> memref<1x128xi32, #tpu.memory_space<vmem>>
      %dma_start3A_168 = tpu.memref_squeeze %dma_start3A_167 : memref<1x128xi32, #tpu.memory_space<vmem>> -> memref<128xi32, #tpu.memory_space<vmem>>
      %dma_start3A_169 = arith.constant 0 : i32
      %dma_start3A_170 = arith.constant 0 : i32
      %dma_start3A_171 = tpu.memref_slice %arg6[%dma_start3A_169, %dma_start3A_170] : memref<10240x128xf32, #tpu.memory_space<vmem_shared>> -> memref<10240x128xf32, #tpu.memory_space<vmem_shared>>
      tpu.enqueue_indirect_dma source(%arg9 : memref<128x128xf32, #tpu.memory_space<vmem>>) target(%dma_start3A_171 : memref<10240x128xf32, #tpu.memory_space<vmem_shared>>) offsets(%dma_start3A_168 : memref<128xi32, #tpu.memory_space<vmem>>) semaphore(%arg14 : memref<!tpu.dma_semaphore, #tpu.memory_space<semaphore_mem>>) {add = true}
      %dma_wait3A_172 = arith.constant 3 : i32
      %dma_wait3A_173 = arith.constant 0 : i32
      %dma_wait3A_174 = tpu.memref_slice %arg8[%dma_wait3A_172, %dma_wait3A_173] : memref<16x128xi32, #tpu.memory_space<vmem>> -> memref<1x128xi32, #tpu.memory_space<vmem>>
      %dma_wait3A_175 = tpu.memref_squeeze %dma_wait3A_174 : memref<1x128xi32, #tpu.memory_space<vmem>> -> memref<128xi32, #tpu.memory_space<vmem>>
      %dma_wait3A_176 = arith.constant 0 : i32
      %dma_wait3A_177 = arith.constant 0 : i32
      %dma_wait3A_178 = tpu.memref_slice %arg6[%dma_wait3A_176, %dma_wait3A_177] : memref<10240x128xf32, #tpu.memory_space<vmem_shared>> -> memref<10240x128xf32, #tpu.memory_space<vmem_shared>>
      tpu.wait_indirect_dma semaphore(%arg15 : memref<!tpu.dma_semaphore, #tpu.memory_space<semaphore_mem>>) src(%arg10 : memref<128x128xf32, #tpu.memory_space<vmem>>) dst(%dma_wait3A_178 : memref<10240x128xf32, #tpu.memory_space<vmem_shared>>)
      %dma_start3A_179 = arith.constant 5 : i32
      %dma_start3A_180 = arith.constant 0 : i32
      %dma_start3A_181 = tpu.memref_slice %arg7[%dma_start3A_179, %dma_start3A_180] : memref<16x128xi32, #tpu.memory_space<vmem>> -> memref<1x128xi32, #tpu.memory_space<vmem>>
      %dma_start3A_182 = tpu.memref_squeeze %dma_start3A_181 : memref<1x128xi32, #tpu.memory_space<vmem>> -> memref<128xi32, #tpu.memory_space<vmem>>
      %dma_start3A_183 = arith.constant 0 : i32
      %dma_start3A_184 = arith.constant 0 : i32
      %dma_start3A_185 = tpu.memref_slice %arg2[%dma_start3A_183, %dma_start3A_184] : memref<10240x128xf32, #tpu.memory_space<hbm>> -> memref<10240x128xf32, #tpu.memory_space<hbm>>
      tpu.enqueue_indirect_dma source(%dma_start3A_185 : memref<10240x128xf32, #tpu.memory_space<hbm>>) target(%arg10 : memref<128x128xf32, #tpu.memory_space<vmem>>) offsets(%dma_start3A_182 : memref<128xi32, #tpu.memory_space<vmem>>) semaphore(%arg13 : memref<!tpu.dma_semaphore, #tpu.memory_space<semaphore_mem>>)
      %dma_wait3A_186 = arith.constant 5 : i32
      %dma_wait3A_187 = arith.constant 0 : i32
      %dma_wait3A_188 = tpu.memref_slice %arg7[%dma_wait3A_186, %dma_wait3A_187] : memref<16x128xi32, #tpu.memory_space<vmem>> -> memref<1x128xi32, #tpu.memory_space<vmem>>
      %dma_wait3A_189 = tpu.memref_squeeze %dma_wait3A_188 : memref<1x128xi32, #tpu.memory_space<vmem>> -> memref<128xi32, #tpu.memory_space<vmem>>
      %dma_wait3A_190 = arith.constant 0 : i32
      %dma_wait3A_191 = arith.constant 0 : i32
      %dma_wait3A_192 = tpu.memref_slice %arg2[%dma_wait3A_190, %dma_wait3A_191] : memref<10240x128xf32, #tpu.memory_space<hbm>> -> memref<10240x128xf32, #tpu.memory_space<hbm>>
      tpu.wait_indirect_dma semaphore(%arg13 : memref<!tpu.dma_semaphore, #tpu.memory_space<semaphore_mem>>) src(%dma_wait3A_192 : memref<10240x128xf32, #tpu.memory_space<hbm>>) dst(%arg10 : memref<128x128xf32, #tpu.memory_space<vmem>>)
      %dma_start3A_193 = arith.constant 5 : i32
      %dma_start3A_194 = arith.constant 0 : i32
      %dma_start3A_195 = tpu.memref_slice %arg8[%dma_start3A_193, %dma_start3A_194] : memref<16x128xi32, #tpu.memory_space<vmem>> -> memref<1x128xi32, #tpu.memory_space<vmem>>
      %dma_start3A_196 = tpu.memref_squeeze %dma_start3A_195 : memref<1x128xi32, #tpu.memory_space<vmem>> -> memref<128xi32, #tpu.memory_space<vmem>>
      %dma_start3A_197 = arith.constant 0 : i32
      %dma_start3A_198 = arith.constant 0 : i32
      %dma_start3A_199 = tpu.memref_slice %arg6[%dma_start3A_197, %dma_start3A_198] : memref<10240x128xf32, #tpu.memory_space<vmem_shared>> -> memref<10240x128xf32, #tpu.memory_space<vmem_shared>>
      tpu.enqueue_indirect_dma source(%arg10 : memref<128x128xf32, #tpu.memory_space<vmem>>) target(%dma_start3A_199 : memref<10240x128xf32, #tpu.memory_space<vmem_shared>>) offsets(%dma_start3A_196 : memref<128xi32, #tpu.memory_space<vmem>>) semaphore(%arg15 : memref<!tpu.dma_semaphore, #tpu.memory_space<semaphore_mem>>) {add = true}
      %dma_wait3A_200 = arith.constant 4 : i32
      %dma_wait3A_201 = arith.constant 0 : i32
      %dma_wait3A_202 = tpu.memref_slice %arg8[%dma_wait3A_200, %dma_wait3A_201] : memref<16x128xi32, #tpu.memory_space<vmem>> -> memref<1x128xi32, #tpu.memory_space<vmem>>
      %dma_wait3A_203 = tpu.memref_squeeze %dma_wait3A_202 : memref<1x128xi32, #tpu.memory_space<vmem>> -> memref<128xi32, #tpu.memory_space<vmem>>
      %dma_wait3A_204 = arith.constant 0 : i32
      %dma_wait3A_205 = arith.constant 0 : i32
      %dma_wait3A_206 = tpu.memref_slice %arg6[%dma_wait3A_204, %dma_wait3A_205] : memref<10240x128xf32, #tpu.memory_space<vmem_shared>> -> memref<10240x128xf32, #tpu.memory_space<vmem_shared>>
      tpu.wait_indirect_dma semaphore(%arg14 : memref<!tpu.dma_semaphore, #tpu.memory_space<semaphore_mem>>) src(%arg9 : memref<128x128xf32, #tpu.memory_space<vmem>>) dst(%dma_wait3A_206 : memref<10240x128xf32, #tpu.memory_space<vmem_shared>>)
      %dma_start3A_207 = arith.constant 6 : i32
      %dma_start3A_208 = arith.constant 0 : i32
      %dma_start3A_209 = tpu.memref_slice %arg7[%dma_start3A_207, %dma_start3A_208] : memref<16x128xi32, #tpu.memory_space<vmem>> -> memref<1x128xi32, #tpu.memory_space<vmem>>
      %dma_start3A_210 = tpu.memref_squeeze %dma_start3A_209 : memref<1x128xi32, #tpu.memory_space<vmem>> -> memref<128xi32, #tpu.memory_space<vmem>>
      %dma_start3A_211 = arith.constant 0 : i32
      %dma_start3A_212 = arith.constant 0 : i32
      %dma_start3A_213 = tpu.memref_slice %arg2[%dma_start3A_211, %dma_start3A_212] : memref<10240x128xf32, #tpu.memory_space<hbm>> -> memref<10240x128xf32, #tpu.memory_space<hbm>>
      tpu.enqueue_indirect_dma source(%dma_start3A_213 : memref<10240x128xf32, #tpu.memory_space<hbm>>) target(%arg9 : memref<128x128xf32, #tpu.memory_space<vmem>>) offsets(%dma_start3A_210 : memref<128xi32, #tpu.memory_space<vmem>>) semaphore(%arg12 : memref<!tpu.dma_semaphore, #tpu.memory_space<semaphore_mem>>)
      %dma_wait3A_214 = arith.constant 6 : i32
      %dma_wait3A_215 = arith.constant 0 : i32
      %dma_wait3A_216 = tpu.memref_slice %arg7[%dma_wait3A_214, %dma_wait3A_215] : memref<16x128xi32, #tpu.memory_space<vmem>> -> memref<1x128xi32, #tpu.memory_space<vmem>>
      %dma_wait3A_217 = tpu.memref_squeeze %dma_wait3A_216 : memref<1x128xi32, #tpu.memory_space<vmem>> -> memref<128xi32, #tpu.memory_space<vmem>>
      %dma_wait3A_218 = arith.constant 0 : i32
      %dma_wait3A_219 = arith.constant 0 : i32
      %dma_wait3A_220 = tpu.memref_slice %arg2[%dma_wait3A_218, %dma_wait3A_219] : memref<10240x128xf32, #tpu.memory_space<hbm>> -> memref<10240x128xf32, #tpu.memory_space<hbm>>
      tpu.wait_indirect_dma semaphore(%arg12 : memref<!tpu.dma_semaphore, #tpu.memory_space<semaphore_mem>>) src(%dma_wait3A_220 : memref<10240x128xf32, #tpu.memory_space<hbm>>) dst(%arg9 : memref<128x128xf32, #tpu.memory_space<vmem>>)
      %dma_start3A_221 = arith.constant 6 : i32
      %dma_start3A_222 = arith.constant 0 : i32
      %dma_start3A_223 = tpu.memref_slice %arg8[%dma_start3A_221, %dma_start3A_222] : memref<16x128xi32, #tpu.memory_space<vmem>> -> memref<1x128xi32, #tpu.memory_space<vmem>>
      %dma_start3A_224 = tpu.memref_squeeze %dma_start3A_223 : memref<1x128xi32, #tpu.memory_space<vmem>> -> memref<128xi32, #tpu.memory_space<vmem>>
      %dma_start3A_225 = arith.constant 0 : i32
      %dma_start3A_226 = arith.constant 0 : i32
      %dma_start3A_227 = tpu.memref_slice %arg6[%dma_start3A_225, %dma_start3A_226] : memref<10240x128xf32, #tpu.memory_space<vmem_shared>> -> memref<10240x128xf32, #tpu.memory_space<vmem_shared>>
      tpu.enqueue_indirect_dma source(%arg9 : memref<128x128xf32, #tpu.memory_space<vmem>>) target(%dma_start3A_227 : memref<10240x128xf32, #tpu.memory_space<vmem_shared>>) offsets(%dma_start3A_224 : memref<128xi32, #tpu.memory_space<vmem>>) semaphore(%arg14 : memref<!tpu.dma_semaphore, #tpu.memory_space<semaphore_mem>>) {add = true}
      %dma_wait3A_228 = arith.constant 5 : i32
      %dma_wait3A_229 = arith.constant 0 : i32
      %dma_wait3A_230 = tpu.memref_slice %arg8[%dma_wait3A_228, %dma_wait3A_229] : memref<16x128xi32, #tpu.memory_space<vmem>> -> memref<1x128xi32, #tpu.memory_space<vmem>>
      %dma_wait3A_231 = tpu.memref_squeeze %dma_wait3A_230 : memref<1x128xi32, #tpu.memory_space<vmem>> -> memref<128xi32, #tpu.memory_space<vmem>>
      %dma_wait3A_232 = arith.constant 0 : i32
      %dma_wait3A_233 = arith.constant 0 : i32
      %dma_wait3A_234 = tpu.memref_slice %arg6[%dma_wait3A_232, %dma_wait3A_233] : memref<10240x128xf32, #tpu.memory_space<vmem_shared>> -> memref<10240x128xf32, #tpu.memory_space<vmem_shared>>
      tpu.wait_indirect_dma semaphore(%arg15 : memref<!tpu.dma_semaphore, #tpu.memory_space<semaphore_mem>>) src(%arg10 : memref<128x128xf32, #tpu.memory_space<vmem>>) dst(%dma_wait3A_234 : memref<10240x128xf32, #tpu.memory_space<vmem_shared>>)
      %dma_start3A_235 = arith.constant 7 : i32
      %dma_start3A_236 = arith.constant 0 : i32
      %dma_start3A_237 = tpu.memref_slice %arg7[%dma_start3A_235, %dma_start3A_236] : memref<16x128xi32, #tpu.memory_space<vmem>> -> memref<1x128xi32, #tpu.memory_space<vmem>>
      %dma_start3A_238 = tpu.memref_squeeze %dma_start3A_237 : memref<1x128xi32, #tpu.memory_space<vmem>> -> memref<128xi32, #tpu.memory_space<vmem>>
      %dma_start3A_239 = arith.constant 0 : i32
      %dma_start3A_240 = arith.constant 0 : i32
      %dma_start3A_241 = tpu.memref_slice %arg2[%dma_start3A_239, %dma_start3A_240] : memref<10240x128xf32, #tpu.memory_space<hbm>> -> memref<10240x128xf32, #tpu.memory_space<hbm>>
      tpu.enqueue_indirect_dma source(%dma_start3A_241 : memref<10240x128xf32, #tpu.memory_space<hbm>>) target(%arg10 : memref<128x128xf32, #tpu.memory_space<vmem>>) offsets(%dma_start3A_238 : memref<128xi32, #tpu.memory_space<vmem>>) semaphore(%arg13 : memref<!tpu.dma_semaphore, #tpu.memory_space<semaphore_mem>>)
      %dma_wait3A_242 = arith.constant 7 : i32
      %dma_wait3A_243 = arith.constant 0 : i32
      %dma_wait3A_244 = tpu.memref_slice %arg7[%dma_wait3A_242, %dma_wait3A_243] : memref<16x128xi32, #tpu.memory_space<vmem>> -> memref<1x128xi32, #tpu.memory_space<vmem>>
      %dma_wait3A_245 = tpu.memref_squeeze %dma_wait3A_244 : memref<1x128xi32, #tpu.memory_space<vmem>> -> memref<128xi32, #tpu.memory_space<vmem>>
      %dma_wait3A_246 = arith.constant 0 : i32
      %dma_wait3A_247 = arith.constant 0 : i32
      %dma_wait3A_248 = tpu.memref_slice %arg2[%dma_wait3A_246, %dma_wait3A_247] : memref<10240x128xf32, #tpu.memory_space<hbm>> -> memref<10240x128xf32, #tpu.memory_space<hbm>>
      tpu.wait_indirect_dma semaphore(%arg13 : memref<!tpu.dma_semaphore, #tpu.memory_space<semaphore_mem>>) src(%dma_wait3A_248 : memref<10240x128xf32, #tpu.memory_space<hbm>>) dst(%arg10 : memref<128x128xf32, #tpu.memory_space<vmem>>)
      %dma_start3A_249 = arith.constant 7 : i32
      %dma_start3A_250 = arith.constant 0 : i32
      %dma_start3A_251 = tpu.memref_slice %arg8[%dma_start3A_249, %dma_start3A_250] : memref<16x128xi32, #tpu.memory_space<vmem>> -> memref<1x128xi32, #tpu.memory_space<vmem>>
      %dma_start3A_252 = tpu.memref_squeeze %dma_start3A_251 : memref<1x128xi32, #tpu.memory_space<vmem>> -> memref<128xi32, #tpu.memory_space<vmem>>
      %dma_start3A_253 = arith.constant 0 : i32
      %dma_start3A_254 = arith.constant 0 : i32
      %dma_start3A_255 = tpu.memref_slice %arg6[%dma_start3A_253, %dma_start3A_254] : memref<10240x128xf32, #tpu.memory_space<vmem_shared>> -> memref<10240x128xf32, #tpu.memory_space<vmem_shared>>
      tpu.enqueue_indirect_dma source(%arg10 : memref<128x128xf32, #tpu.memory_space<vmem>>) target(%dma_start3A_255 : memref<10240x128xf32, #tpu.memory_space<vmem_shared>>) offsets(%dma_start3A_252 : memref<128xi32, #tpu.memory_space<vmem>>) semaphore(%arg15 : memref<!tpu.dma_semaphore, #tpu.memory_space<semaphore_mem>>) {add = true}
      %dma_wait3A_256 = arith.constant 6 : i32
      %dma_wait3A_257 = arith.constant 0 : i32
      %dma_wait3A_258 = tpu.memref_slice %arg8[%dma_wait3A_256, %dma_wait3A_257] : memref<16x128xi32, #tpu.memory_space<vmem>> -> memref<1x128xi32, #tpu.memory_space<vmem>>
      %dma_wait3A_259 = tpu.memref_squeeze %dma_wait3A_258 : memref<1x128xi32, #tpu.memory_space<vmem>> -> memref<128xi32, #tpu.memory_space<vmem>>
      %dma_wait3A_260 = arith.constant 0 : i32
      %dma_wait3A_261 = arith.constant 0 : i32
      %dma_wait3A_262 = tpu.memref_slice %arg6[%dma_wait3A_260, %dma_wait3A_261] : memref<10240x128xf32, #tpu.memory_space<vmem_shared>> -> memref<10240x128xf32, #tpu.memory_space<vmem_shared>>
      tpu.wait_indirect_dma semaphore(%arg14 : memref<!tpu.dma_semaphore, #tpu.memory_space<semaphore_mem>>) src(%arg9 : memref<128x128xf32, #tpu.memory_space<vmem>>) dst(%dma_wait3A_262 : memref<10240x128xf32, #tpu.memory_space<vmem_shared>>)
      %dma_start3A_263 = arith.constant 8 : i32
      %dma_start3A_264 = arith.constant 0 : i32
      %dma_start3A_265 = tpu.memref_slice %arg7[%dma_start3A_263, %dma_start3A_264] : memref<16x128xi32, #tpu.memory_space<vmem>> -> memref<1x128xi32, #tpu.memory_space<vmem>>
      %dma_start3A_266 = tpu.memref_squeeze %dma_start3A_265 : memref<1x128xi32, #tpu.memory_space<vmem>> -> memref<128xi32, #tpu.memory_space<vmem>>
      %dma_start3A_267 = arith.constant 0 : i32
      %dma_start3A_268 = arith.constant 0 : i32
      %dma_start3A_269 = tpu.memref_slice %arg2[%dma_start3A_267, %dma_start3A_268] : memref<10240x128xf32, #tpu.memory_space<hbm>> -> memref<10240x128xf32, #tpu.memory_space<hbm>>
      tpu.enqueue_indirect_dma source(%dma_start3A_269 : memref<10240x128xf32, #tpu.memory_space<hbm>>) target(%arg9 : memref<128x128xf32, #tpu.memory_space<vmem>>) offsets(%dma_start3A_266 : memref<128xi32, #tpu.memory_space<vmem>>) semaphore(%arg12 : memref<!tpu.dma_semaphore, #tpu.memory_space<semaphore_mem>>)
      %dma_wait3A_270 = arith.constant 8 : i32
      %dma_wait3A_271 = arith.constant 0 : i32
      %dma_wait3A_272 = tpu.memref_slice %arg7[%dma_wait3A_270, %dma_wait3A_271] : memref<16x128xi32, #tpu.memory_space<vmem>> -> memref<1x128xi32, #tpu.memory_space<vmem>>
      %dma_wait3A_273 = tpu.memref_squeeze %dma_wait3A_272 : memref<1x128xi32, #tpu.memory_space<vmem>> -> memref<128xi32, #tpu.memory_space<vmem>>
      %dma_wait3A_274 = arith.constant 0 : i32
      %dma_wait3A_275 = arith.constant 0 : i32
      %dma_wait3A_276 = tpu.memref_slice %arg2[%dma_wait3A_274, %dma_wait3A_275] : memref<10240x128xf32, #tpu.memory_space<hbm>> -> memref<10240x128xf32, #tpu.memory_space<hbm>>
      tpu.wait_indirect_dma semaphore(%arg12 : memref<!tpu.dma_semaphore, #tpu.memory_space<semaphore_mem>>) src(%dma_wait3A_276 : memref<10240x128xf32, #tpu.memory_space<hbm>>) dst(%arg9 : memref<128x128xf32, #tpu.memory_space<vmem>>)
      %dma_start3A_277 = arith.constant 8 : i32
      %dma_start3A_278 = arith.constant 0 : i32
      %dma_start3A_279 = tpu.memref_slice %arg8[%dma_start3A_277, %dma_start3A_278] : memref<16x128xi32, #tpu.memory_space<vmem>> -> memref<1x128xi32, #tpu.memory_space<vmem>>
      %dma_start3A_280 = tpu.memref_squeeze %dma_start3A_279 : memref<1x128xi32, #tpu.memory_space<vmem>> -> memref<128xi32, #tpu.memory_space<vmem>>
      %dma_start3A_281 = arith.constant 0 : i32
      %dma_start3A_282 = arith.constant 0 : i32
      %dma_start3A_283 = tpu.memref_slice %arg6[%dma_start3A_281, %dma_start3A_282] : memref<10240x128xf32, #tpu.memory_space<vmem_shared>> -> memref<10240x128xf32, #tpu.memory_space<vmem_shared>>
      tpu.enqueue_indirect_dma source(%arg9 : memref<128x128xf32, #tpu.memory_space<vmem>>) target(%dma_start3A_283 : memref<10240x128xf32, #tpu.memory_space<vmem_shared>>) offsets(%dma_start3A_280 : memref<128xi32, #tpu.memory_space<vmem>>) semaphore(%arg14 : memref<!tpu.dma_semaphore, #tpu.memory_space<semaphore_mem>>) {add = true}
      %dma_wait3A_284 = arith.constant 7 : i32
      %dma_wait3A_285 = arith.constant 0 : i32
      %dma_wait3A_286 = tpu.memref_slice %arg8[%dma_wait3A_284, %dma_wait3A_285] : memref<16x128xi32, #tpu.memory_space<vmem>> -> memref<1x128xi32, #tpu.memory_space<vmem>>
      %dma_wait3A_287 = tpu.memref_squeeze %dma_wait3A_286 : memref<1x128xi32, #tpu.memory_space<vmem>> -> memref<128xi32, #tpu.memory_space<vmem>>
      %dma_wait3A_288 = arith.constant 0 : i32
      %dma_wait3A_289 = arith.constant 0 : i32
      %dma_wait3A_290 = tpu.memref_slice %arg6[%dma_wait3A_288, %dma_wait3A_289] : memref<10240x128xf32, #tpu.memory_space<vmem_shared>> -> memref<10240x128xf32, #tpu.memory_space<vmem_shared>>
      tpu.wait_indirect_dma semaphore(%arg15 : memref<!tpu.dma_semaphore, #tpu.memory_space<semaphore_mem>>) src(%arg10 : memref<128x128xf32, #tpu.memory_space<vmem>>) dst(%dma_wait3A_290 : memref<10240x128xf32, #tpu.memory_space<vmem_shared>>)
      %dma_start3A_291 = arith.constant 9 : i32
      %dma_start3A_292 = arith.constant 0 : i32
      %dma_start3A_293 = tpu.memref_slice %arg7[%dma_start3A_291, %dma_start3A_292] : memref<16x128xi32, #tpu.memory_space<vmem>> -> memref<1x128xi32, #tpu.memory_space<vmem>>
      %dma_start3A_294 = tpu.memref_squeeze %dma_start3A_293 : memref<1x128xi32, #tpu.memory_space<vmem>> -> memref<128xi32, #tpu.memory_space<vmem>>
      %dma_start3A_295 = arith.constant 0 : i32
      %dma_start3A_296 = arith.constant 0 : i32
      %dma_start3A_297 = tpu.memref_slice %arg2[%dma_start3A_295, %dma_start3A_296] : memref<10240x128xf32, #tpu.memory_space<hbm>> -> memref<10240x128xf32, #tpu.memory_space<hbm>>
      tpu.enqueue_indirect_dma source(%dma_start3A_297 : memref<10240x128xf32, #tpu.memory_space<hbm>>) target(%arg10 : memref<128x128xf32, #tpu.memory_space<vmem>>) offsets(%dma_start3A_294 : memref<128xi32, #tpu.memory_space<vmem>>) semaphore(%arg13 : memref<!tpu.dma_semaphore, #tpu.memory_space<semaphore_mem>>)
      %dma_wait3A_298 = arith.constant 9 : i32
      %dma_wait3A_299 = arith.constant 0 : i32
      %dma_wait3A_300 = tpu.memref_slice %arg7[%dma_wait3A_298, %dma_wait3A_299] : memref<16x128xi32, #tpu.memory_space<vmem>> -> memref<1x128xi32, #tpu.memory_space<vmem>>
      %dma_wait3A_301 = tpu.memref_squeeze %dma_wait3A_300 : memref<1x128xi32, #tpu.memory_space<vmem>> -> memref<128xi32, #tpu.memory_space<vmem>>
      %dma_wait3A_302 = arith.constant 0 : i32
      %dma_wait3A_303 = arith.constant 0 : i32
      %dma_wait3A_304 = tpu.memref_slice %arg2[%dma_wait3A_302, %dma_wait3A_303] : memref<10240x128xf32, #tpu.memory_space<hbm>> -> memref<10240x128xf32, #tpu.memory_space<hbm>>
      tpu.wait_indirect_dma semaphore(%arg13 : memref<!tpu.dma_semaphore, #tpu.memory_space<semaphore_mem>>) src(%dma_wait3A_304 : memref<10240x128xf32, #tpu.memory_space<hbm>>) dst(%arg10 : memref<128x128xf32, #tpu.memory_space<vmem>>)
      %dma_start3A_305 = arith.constant 9 : i32
      %dma_start3A_306 = arith.constant 0 : i32
      %dma_start3A_307 = tpu.memref_slice %arg8[%dma_start3A_305, %dma_start3A_306] : memref<16x128xi32, #tpu.memory_space<vmem>> -> memref<1x128xi32, #tpu.memory_space<vmem>>
      %dma_start3A_308 = tpu.memref_squeeze %dma_start3A_307 : memref<1x128xi32, #tpu.memory_space<vmem>> -> memref<128xi32, #tpu.memory_space<vmem>>
      %dma_start3A_309 = arith.constant 0 : i32
      %dma_start3A_310 = arith.constant 0 : i32
      %dma_start3A_311 = tpu.memref_slice %arg6[%dma_start3A_309, %dma_start3A_310] : memref<10240x128xf32, #tpu.memory_space<vmem_shared>> -> memref<10240x128xf32, #tpu.memory_space<vmem_shared>>
      tpu.enqueue_indirect_dma source(%arg10 : memref<128x128xf32, #tpu.memory_space<vmem>>) target(%dma_start3A_311 : memref<10240x128xf32, #tpu.memory_space<vmem_shared>>) offsets(%dma_start3A_308 : memref<128xi32, #tpu.memory_space<vmem>>) semaphore(%arg15 : memref<!tpu.dma_semaphore, #tpu.memory_space<semaphore_mem>>) {add = true}
      %dma_wait3A_312 = arith.constant 8 : i32
      %dma_wait3A_313 = arith.constant 0 : i32
      %dma_wait3A_314 = tpu.memref_slice %arg8[%dma_wait3A_312, %dma_wait3A_313] : memref<16x128xi32, #tpu.memory_space<vmem>> -> memref<1x128xi32, #tpu.memory_space<vmem>>
      %dma_wait3A_315 = tpu.memref_squeeze %dma_wait3A_314 : memref<1x128xi32, #tpu.memory_space<vmem>> -> memref<128xi32, #tpu.memory_space<vmem>>
      %dma_wait3A_316 = arith.constant 0 : i32
      %dma_wait3A_317 = arith.constant 0 : i32
      %dma_wait3A_318 = tpu.memref_slice %arg6[%dma_wait3A_316, %dma_wait3A_317] : memref<10240x128xf32, #tpu.memory_space<vmem_shared>> -> memref<10240x128xf32, #tpu.memory_space<vmem_shared>>
      tpu.wait_indirect_dma semaphore(%arg14 : memref<!tpu.dma_semaphore, #tpu.memory_space<semaphore_mem>>) src(%arg9 : memref<128x128xf32, #tpu.memory_space<vmem>>) dst(%dma_wait3A_318 : memref<10240x128xf32, #tpu.memory_space<vmem_shared>>)
      %dma_start3A_319 = arith.constant 10 : i32
      %dma_start3A_320 = arith.constant 0 : i32
      %dma_start3A_321 = tpu.memref_slice %arg7[%dma_start3A_319, %dma_start3A_320] : memref<16x128xi32, #tpu.memory_space<vmem>> -> memref<1x128xi32, #tpu.memory_space<vmem>>
      %dma_start3A_322 = tpu.memref_squeeze %dma_start3A_321 : memref<1x128xi32, #tpu.memory_space<vmem>> -> memref<128xi32, #tpu.memory_space<vmem>>
      %dma_start3A_323 = arith.constant 0 : i32
      %dma_start3A_324 = arith.constant 0 : i32
      %dma_start3A_325 = tpu.memref_slice %arg2[%dma_start3A_323, %dma_start3A_324] : memref<10240x128xf32, #tpu.memory_space<hbm>> -> memref<10240x128xf32, #tpu.memory_space<hbm>>
      tpu.enqueue_indirect_dma source(%dma_start3A_325 : memref<10240x128xf32, #tpu.memory_space<hbm>>) target(%arg9 : memref<128x128xf32, #tpu.memory_space<vmem>>) offsets(%dma_start3A_322 : memref<128xi32, #tpu.memory_space<vmem>>) semaphore(%arg12 : memref<!tpu.dma_semaphore, #tpu.memory_space<semaphore_mem>>)
      %dma_wait3A_326 = arith.constant 10 : i32
      %dma_wait3A_327 = arith.constant 0 : i32
      %dma_wait3A_328 = tpu.memref_slice %arg7[%dma_wait3A_326, %dma_wait3A_327] : memref<16x128xi32, #tpu.memory_space<vmem>> -> memref<1x128xi32, #tpu.memory_space<vmem>>
      %dma_wait3A_329 = tpu.memref_squeeze %dma_wait3A_328 : memref<1x128xi32, #tpu.memory_space<vmem>> -> memref<128xi32, #tpu.memory_space<vmem>>
      %dma_wait3A_330 = arith.constant 0 : i32
      %dma_wait3A_331 = arith.constant 0 : i32
      %dma_wait3A_332 = tpu.memref_slice %arg2[%dma_wait3A_330, %dma_wait3A_331] : memref<10240x128xf32, #tpu.memory_space<hbm>> -> memref<10240x128xf32, #tpu.memory_space<hbm>>
      tpu.wait_indirect_dma semaphore(%arg12 : memref<!tpu.dma_semaphore, #tpu.memory_space<semaphore_mem>>) src(%dma_wait3A_332 : memref<10240x128xf32, #tpu.memory_space<hbm>>) dst(%arg9 : memref<128x128xf32, #tpu.memory_space<vmem>>)
      %dma_start3A_333 = arith.constant 10 : i32
      %dma_start3A_334 = arith.constant 0 : i32
      %dma_start3A_335 = tpu.memref_slice %arg8[%dma_start3A_333, %dma_start3A_334] : memref<16x128xi32, #tpu.memory_space<vmem>> -> memref<1x128xi32, #tpu.memory_space<vmem>>
      %dma_start3A_336 = tpu.memref_squeeze %dma_start3A_335 : memref<1x128xi32, #tpu.memory_space<vmem>> -> memref<128xi32, #tpu.memory_space<vmem>>
      %dma_start3A_337 = arith.constant 0 : i32
      %dma_start3A_338 = arith.constant 0 : i32
      %dma_start3A_339 = tpu.memref_slice %arg6[%dma_start3A_337, %dma_start3A_338] : memref<10240x128xf32, #tpu.memory_space<vmem_shared>> -> memref<10240x128xf32, #tpu.memory_space<vmem_shared>>
      tpu.enqueue_indirect_dma source(%arg9 : memref<128x128xf32, #tpu.memory_space<vmem>>) target(%dma_start3A_339 : memref<10240x128xf32, #tpu.memory_space<vmem_shared>>) offsets(%dma_start3A_336 : memref<128xi32, #tpu.memory_space<vmem>>) semaphore(%arg14 : memref<!tpu.dma_semaphore, #tpu.memory_space<semaphore_mem>>) {add = true}
      %dma_wait3A_340 = arith.constant 9 : i32
      %dma_wait3A_341 = arith.constant 0 : i32
      %dma_wait3A_342 = tpu.memref_slice %arg8[%dma_wait3A_340, %dma_wait3A_341] : memref<16x128xi32, #tpu.memory_space<vmem>> -> memref<1x128xi32, #tpu.memory_space<vmem>>
      %dma_wait3A_343 = tpu.memref_squeeze %dma_wait3A_342 : memref<1x128xi32, #tpu.memory_space<vmem>> -> memref<128xi32, #tpu.memory_space<vmem>>
      %dma_wait3A_344 = arith.constant 0 : i32
      %dma_wait3A_345 = arith.constant 0 : i32
      %dma_wait3A_346 = tpu.memref_slice %arg6[%dma_wait3A_344, %dma_wait3A_345] : memref<10240x128xf32, #tpu.memory_space<vmem_shared>> -> memref<10240x128xf32, #tpu.memory_space<vmem_shared>>
      tpu.wait_indirect_dma semaphore(%arg15 : memref<!tpu.dma_semaphore, #tpu.memory_space<semaphore_mem>>) src(%arg10 : memref<128x128xf32, #tpu.memory_space<vmem>>) dst(%dma_wait3A_346 : memref<10240x128xf32, #tpu.memory_space<vmem_shared>>)
      %dma_start3A_347 = arith.constant 11 : i32
      %dma_start3A_348 = arith.constant 0 : i32
      %dma_start3A_349 = tpu.memref_slice %arg7[%dma_start3A_347, %dma_start3A_348] : memref<16x128xi32, #tpu.memory_space<vmem>> -> memref<1x128xi32, #tpu.memory_space<vmem>>
      %dma_start3A_350 = tpu.memref_squeeze %dma_start3A_349 : memref<1x128xi32, #tpu.memory_space<vmem>> -> memref<128xi32, #tpu.memory_space<vmem>>
      %dma_start3A_351 = arith.constant 0 : i32
      %dma_start3A_352 = arith.constant 0 : i32
      %dma_start3A_353 = tpu.memref_slice %arg2[%dma_start3A_351, %dma_start3A_352] : memref<10240x128xf32, #tpu.memory_space<hbm>> -> memref<10240x128xf32, #tpu.memory_space<hbm>>
      tpu.enqueue_indirect_dma source(%dma_start3A_353 : memref<10240x128xf32, #tpu.memory_space<hbm>>) target(%arg10 : memref<128x128xf32, #tpu.memory_space<vmem>>) offsets(%dma_start3A_350 : memref<128xi32, #tpu.memory_space<vmem>>) semaphore(%arg13 : memref<!tpu.dma_semaphore, #tpu.memory_space<semaphore_mem>>)
      %dma_wait3A_354 = arith.constant 11 : i32
      %dma_wait3A_355 = arith.constant 0 : i32
      %dma_wait3A_356 = tpu.memref_slice %arg7[%dma_wait3A_354, %dma_wait3A_355] : memref<16x128xi32, #tpu.memory_space<vmem>> -> memref<1x128xi32, #tpu.memory_space<vmem>>
      %dma_wait3A_357 = tpu.memref_squeeze %dma_wait3A_356 : memref<1x128xi32, #tpu.memory_space<vmem>> -> memref<128xi32, #tpu.memory_space<vmem>>
      %dma_wait3A_358 = arith.constant 0 : i32
      %dma_wait3A_359 = arith.constant 0 : i32
      %dma_wait3A_360 = tpu.memref_slice %arg2[%dma_wait3A_358, %dma_wait3A_359] : memref<10240x128xf32, #tpu.memory_space<hbm>> -> memref<10240x128xf32, #tpu.memory_space<hbm>>
      tpu.wait_indirect_dma semaphore(%arg13 : memref<!tpu.dma_semaphore, #tpu.memory_space<semaphore_mem>>) src(%dma_wait3A_360 : memref<10240x128xf32, #tpu.memory_space<hbm>>) dst(%arg10 : memref<128x128xf32, #tpu.memory_space<vmem>>)
      %dma_start3A_361 = arith.constant 11 : i32
      %dma_start3A_362 = arith.constant 0 : i32
      %dma_start3A_363 = tpu.memref_slice %arg8[%dma_start3A_361, %dma_start3A_362] : memref<16x128xi32, #tpu.memory_space<vmem>> -> memref<1x128xi32, #tpu.memory_space<vmem>>
      %dma_start3A_364 = tpu.memref_squeeze %dma_start3A_363 : memref<1x128xi32, #tpu.memory_space<vmem>> -> memref<128xi32, #tpu.memory_space<vmem>>
      %dma_start3A_365 = arith.constant 0 : i32
      %dma_start3A_366 = arith.constant 0 : i32
      %dma_start3A_367 = tpu.memref_slice %arg6[%dma_start3A_365, %dma_start3A_366] : memref<10240x128xf32, #tpu.memory_space<vmem_shared>> -> memref<10240x128xf32, #tpu.memory_space<vmem_shared>>
      tpu.enqueue_indirect_dma source(%arg10 : memref<128x128xf32, #tpu.memory_space<vmem>>) target(%dma_start3A_367 : memref<10240x128xf32, #tpu.memory_space<vmem_shared>>) offsets(%dma_start3A_364 : memref<128xi32, #tpu.memory_space<vmem>>) semaphore(%arg15 : memref<!tpu.dma_semaphore, #tpu.memory_space<semaphore_mem>>) {add = true}
      %dma_wait3A_368 = arith.constant 10 : i32
      %dma_wait3A_369 = arith.constant 0 : i32
      %dma_wait3A_370 = tpu.memref_slice %arg8[%dma_wait3A_368, %dma_wait3A_369] : memref<16x128xi32, #tpu.memory_space<vmem>> -> memref<1x128xi32, #tpu.memory_space<vmem>>
      %dma_wait3A_371 = tpu.memref_squeeze %dma_wait3A_370 : memref<1x128xi32, #tpu.memory_space<vmem>> -> memref<128xi32, #tpu.memory_space<vmem>>
      %dma_wait3A_372 = arith.constant 0 : i32
      %dma_wait3A_373 = arith.constant 0 : i32
      %dma_wait3A_374 = tpu.memref_slice %arg6[%dma_wait3A_372, %dma_wait3A_373] : memref<10240x128xf32, #tpu.memory_space<vmem_shared>> -> memref<10240x128xf32, #tpu.memory_space<vmem_shared>>
      tpu.wait_indirect_dma semaphore(%arg14 : memref<!tpu.dma_semaphore, #tpu.memory_space<semaphore_mem>>) src(%arg9 : memref<128x128xf32, #tpu.memory_space<vmem>>) dst(%dma_wait3A_374 : memref<10240x128xf32, #tpu.memory_space<vmem_shared>>)
      %dma_start3A_375 = arith.constant 12 : i32
      %dma_start3A_376 = arith.constant 0 : i32
      %dma_start3A_377 = tpu.memref_slice %arg7[%dma_start3A_375, %dma_start3A_376] : memref<16x128xi32, #tpu.memory_space<vmem>> -> memref<1x128xi32, #tpu.memory_space<vmem>>
      %dma_start3A_378 = tpu.memref_squeeze %dma_start3A_377 : memref<1x128xi32, #tpu.memory_space<vmem>> -> memref<128xi32, #tpu.memory_space<vmem>>
      %dma_start3A_379 = arith.constant 0 : i32
      %dma_start3A_380 = arith.constant 0 : i32
      %dma_start3A_381 = tpu.memref_slice %arg2[%dma_start3A_379, %dma_start3A_380] : memref<10240x128xf32, #tpu.memory_space<hbm>> -> memref<10240x128xf32, #tpu.memory_space<hbm>>
      tpu.enqueue_indirect_dma source(%dma_start3A_381 : memref<10240x128xf32, #tpu.memory_space<hbm>>) target(%arg9 : memref<128x128xf32, #tpu.memory_space<vmem>>) offsets(%dma_start3A_378 : memref<128xi32, #tpu.memory_space<vmem>>) semaphore(%arg12 : memref<!tpu.dma_semaphore, #tpu.memory_space<semaphore_mem>>)
      %dma_wait3A_382 = arith.constant 12 : i32
      %dma_wait3A_383 = arith.constant 0 : i32
      %dma_wait3A_384 = tpu.memref_slice %arg7[%dma_wait3A_382, %dma_wait3A_383] : memref<16x128xi32, #tpu.memory_space<vmem>> -> memref<1x128xi32, #tpu.memory_space<vmem>>
      %dma_wait3A_385 = tpu.memref_squeeze %dma_wait3A_384 : memref<1x128xi32, #tpu.memory_space<vmem>> -> memref<128xi32, #tpu.memory_space<vmem>>
      %dma_wait3A_386 = arith.constant 0 : i32
      %dma_wait3A_387 = arith.constant 0 : i32
      %dma_wait3A_388 = tpu.memref_slice %arg2[%dma_wait3A_386, %dma_wait3A_387] : memref<10240x128xf32, #tpu.memory_space<hbm>> -> memref<10240x128xf32, #tpu.memory_space<hbm>>
      tpu.wait_indirect_dma semaphore(%arg12 : memref<!tpu.dma_semaphore, #tpu.memory_space<semaphore_mem>>) src(%dma_wait3A_388 : memref<10240x128xf32, #tpu.memory_space<hbm>>) dst(%arg9 : memref<128x128xf32, #tpu.memory_space<vmem>>)
      %dma_start3A_389 = arith.constant 12 : i32
      %dma_start3A_390 = arith.constant 0 : i32
      %dma_start3A_391 = tpu.memref_slice %arg8[%dma_start3A_389, %dma_start3A_390] : memref<16x128xi32, #tpu.memory_space<vmem>> -> memref<1x128xi32, #tpu.memory_space<vmem>>
      %dma_start3A_392 = tpu.memref_squeeze %dma_start3A_391 : memref<1x128xi32, #tpu.memory_space<vmem>> -> memref<128xi32, #tpu.memory_space<vmem>>
      %dma_start3A_393 = arith.constant 0 : i32
      %dma_start3A_394 = arith.constant 0 : i32
      %dma_start3A_395 = tpu.memref_slice %arg6[%dma_start3A_393, %dma_start3A_394] : memref<10240x128xf32, #tpu.memory_space<vmem_shared>> -> memref<10240x128xf32, #tpu.memory_space<vmem_shared>>
      tpu.enqueue_indirect_dma source(%arg9 : memref<128x128xf32, #tpu.memory_space<vmem>>) target(%dma_start3A_395 : memref<10240x128xf32, #tpu.memory_space<vmem_shared>>) offsets(%dma_start3A_392 : memref<128xi32, #tpu.memory_space<vmem>>) semaphore(%arg14 : memref<!tpu.dma_semaphore, #tpu.memory_space<semaphore_mem>>) {add = true}
      %dma_wait3A_396 = arith.constant 11 : i32
      %dma_wait3A_397 = arith.constant 0 : i32
      %dma_wait3A_398 = tpu.memref_slice %arg8[%dma_wait3A_396, %dma_wait3A_397] : memref<16x128xi32, #tpu.memory_space<vmem>> -> memref<1x128xi32, #tpu.memory_space<vmem>>
      %dma_wait3A_399 = tpu.memref_squeeze %dma_wait3A_398 : memref<1x128xi32, #tpu.memory_space<vmem>> -> memref<128xi32, #tpu.memory_space<vmem>>
      %dma_wait3A_400 = arith.constant 0 : i32
      %dma_wait3A_401 = arith.constant 0 : i32
      %dma_wait3A_402 = tpu.memref_slice %arg6[%dma_wait3A_400, %dma_wait3A_401] : memref<10240x128xf32, #tpu.memory_space<vmem_shared>> -> memref<10240x128xf32, #tpu.memory_space<vmem_shared>>
      tpu.wait_indirect_dma semaphore(%arg15 : memref<!tpu.dma_semaphore, #tpu.memory_space<semaphore_mem>>) src(%arg10 : memref<128x128xf32, #tpu.memory_space<vmem>>) dst(%dma_wait3A_402 : memref<10240x128xf32, #tpu.memory_space<vmem_shared>>)
      %dma_start3A_403 = arith.constant 13 : i32
      %dma_start3A_404 = arith.constant 0 : i32
      %dma_start3A_405 = tpu.memref_slice %arg7[%dma_start3A_403, %dma_start3A_404] : memref<16x128xi32, #tpu.memory_space<vmem>> -> memref<1x128xi32, #tpu.memory_space<vmem>>
      %dma_start3A_406 = tpu.memref_squeeze %dma_start3A_405 : memref<1x128xi32, #tpu.memory_space<vmem>> -> memref<128xi32, #tpu.memory_space<vmem>>
      %dma_start3A_407 = arith.constant 0 : i32
      %dma_start3A_408 = arith.constant 0 : i32
      %dma_start3A_409 = tpu.memref_slice %arg2[%dma_start3A_407, %dma_start3A_408] : memref<10240x128xf32, #tpu.memory_space<hbm>> -> memref<10240x128xf32, #tpu.memory_space<hbm>>
      tpu.enqueue_indirect_dma source(%dma_start3A_409 : memref<10240x128xf32, #tpu.memory_space<hbm>>) target(%arg10 : memref<128x128xf32, #tpu.memory_space<vmem>>) offsets(%dma_start3A_406 : memref<128xi32, #tpu.memory_space<vmem>>) semaphore(%arg13 : memref<!tpu.dma_semaphore, #tpu.memory_space<semaphore_mem>>)
      %dma_wait3A_410 = arith.constant 13 : i32
      %dma_wait3A_411 = arith.constant 0 : i32
      %dma_wait3A_412 = tpu.memref_slice %arg7[%dma_wait3A_410, %dma_wait3A_411] : memref<16x128xi32, #tpu.memory_space<vmem>> -> memref<1x128xi32, #tpu.memory_space<vmem>>
      %dma_wait3A_413 = tpu.memref_squeeze %dma_wait3A_412 : memref<1x128xi32, #tpu.memory_space<vmem>> -> memref<128xi32, #tpu.memory_space<vmem>>
      %dma_wait3A_414 = arith.constant 0 : i32
      %dma_wait3A_415 = arith.constant 0 : i32
      %dma_wait3A_416 = tpu.memref_slice %arg2[%dma_wait3A_414, %dma_wait3A_415] : memref<10240x128xf32, #tpu.memory_space<hbm>> -> memref<10240x128xf32, #tpu.memory_space<hbm>>
      tpu.wait_indirect_dma semaphore(%arg13 : memref<!tpu.dma_semaphore, #tpu.memory_space<semaphore_mem>>) src(%dma_wait3A_416 : memref<10240x128xf32, #tpu.memory_space<hbm>>) dst(%arg10 : memref<128x128xf32, #tpu.memory_space<vmem>>)
      %dma_start3A_417 = arith.constant 13 : i32
      %dma_start3A_418 = arith.constant 0 : i32
      %dma_start3A_419 = tpu.memref_slice %arg8[%dma_start3A_417, %dma_start3A_418] : memref<16x128xi32, #tpu.memory_space<vmem>> -> memref<1x128xi32, #tpu.memory_space<vmem>>
      %dma_start3A_420 = tpu.memref_squeeze %dma_start3A_419 : memref<1x128xi32, #tpu.memory_space<vmem>> -> memref<128xi32, #tpu.memory_space<vmem>>
      %dma_start3A_421 = arith.constant 0 : i32
      %dma_start3A_422 = arith.constant 0 : i32
      %dma_start3A_423 = tpu.memref_slice %arg6[%dma_start3A_421, %dma_start3A_422] : memref<10240x128xf32, #tpu.memory_space<vmem_shared>> -> memref<10240x128xf32, #tpu.memory_space<vmem_shared>>
      tpu.enqueue_indirect_dma source(%arg10 : memref<128x128xf32, #tpu.memory_space<vmem>>) target(%dma_start3A_423 : memref<10240x128xf32, #tpu.memory_space<vmem_shared>>) offsets(%dma_start3A_420 : memref<128xi32, #tpu.memory_space<vmem>>) semaphore(%arg15 : memref<!tpu.dma_semaphore, #tpu.memory_space<semaphore_mem>>) {add = true}
      %dma_wait3A_424 = arith.constant 12 : i32
      %dma_wait3A_425 = arith.constant 0 : i32
      %dma_wait3A_426 = tpu.memref_slice %arg8[%dma_wait3A_424, %dma_wait3A_425] : memref<16x128xi32, #tpu.memory_space<vmem>> -> memref<1x128xi32, #tpu.memory_space<vmem>>
      %dma_wait3A_427 = tpu.memref_squeeze %dma_wait3A_426 : memref<1x128xi32, #tpu.memory_space<vmem>> -> memref<128xi32, #tpu.memory_space<vmem>>
      %dma_wait3A_428 = arith.constant 0 : i32
      %dma_wait3A_429 = arith.constant 0 : i32
      %dma_wait3A_430 = tpu.memref_slice %arg6[%dma_wait3A_428, %dma_wait3A_429] : memref<10240x128xf32, #tpu.memory_space<vmem_shared>> -> memref<10240x128xf32, #tpu.memory_space<vmem_shared>>
      tpu.wait_indirect_dma semaphore(%arg14 : memref<!tpu.dma_semaphore, #tpu.memory_space<semaphore_mem>>) src(%arg9 : memref<128x128xf32, #tpu.memory_space<vmem>>) dst(%dma_wait3A_430 : memref<10240x128xf32, #tpu.memory_space<vmem_shared>>)
      %dma_start3A_431 = arith.constant 14 : i32
      %dma_start3A_432 = arith.constant 0 : i32
      %dma_start3A_433 = tpu.memref_slice %arg7[%dma_start3A_431, %dma_start3A_432] : memref<16x128xi32, #tpu.memory_space<vmem>> -> memref<1x128xi32, #tpu.memory_space<vmem>>
      %dma_start3A_434 = tpu.memref_squeeze %dma_start3A_433 : memref<1x128xi32, #tpu.memory_space<vmem>> -> memref<128xi32, #tpu.memory_space<vmem>>
      %dma_start3A_435 = arith.constant 0 : i32
      %dma_start3A_436 = arith.constant 0 : i32
      %dma_start3A_437 = tpu.memref_slice %arg2[%dma_start3A_435, %dma_start3A_436] : memref<10240x128xf32, #tpu.memory_space<hbm>> -> memref<10240x128xf32, #tpu.memory_space<hbm>>
      tpu.enqueue_indirect_dma source(%dma_start3A_437 : memref<10240x128xf32, #tpu.memory_space<hbm>>) target(%arg9 : memref<128x128xf32, #tpu.memory_space<vmem>>) offsets(%dma_start3A_434 : memref<128xi32, #tpu.memory_space<vmem>>) semaphore(%arg12 : memref<!tpu.dma_semaphore, #tpu.memory_space<semaphore_mem>>)
      %dma_wait3A_438 = arith.constant 14 : i32
      %dma_wait3A_439 = arith.constant 0 : i32
      %dma_wait3A_440 = tpu.memref_slice %arg7[%dma_wait3A_438, %dma_wait3A_439] : memref<16x128xi32, #tpu.memory_space<vmem>> -> memref<1x128xi32, #tpu.memory_space<vmem>>
      %dma_wait3A_441 = tpu.memref_squeeze %dma_wait3A_440 : memref<1x128xi32, #tpu.memory_space<vmem>> -> memref<128xi32, #tpu.memory_space<vmem>>
      %dma_wait3A_442 = arith.constant 0 : i32
      %dma_wait3A_443 = arith.constant 0 : i32
      %dma_wait3A_444 = tpu.memref_slice %arg2[%dma_wait3A_442, %dma_wait3A_443] : memref<10240x128xf32, #tpu.memory_space<hbm>> -> memref<10240x128xf32, #tpu.memory_space<hbm>>
      tpu.wait_indirect_dma semaphore(%arg12 : memref<!tpu.dma_semaphore, #tpu.memory_space<semaphore_mem>>) src(%dma_wait3A_444 : memref<10240x128xf32, #tpu.memory_space<hbm>>) dst(%arg9 : memref<128x128xf32, #tpu.memory_space<vmem>>)
      %dma_start3A_445 = arith.constant 14 : i32
      %dma_start3A_446 = arith.constant 0 : i32
      %dma_start3A_447 = tpu.memref_slice %arg8[%dma_start3A_445, %dma_start3A_446] : memref<16x128xi32, #tpu.memory_space<vmem>> -> memref<1x128xi32, #tpu.memory_space<vmem>>
      %dma_start3A_448 = tpu.memref_squeeze %dma_start3A_447 : memref<1x128xi32, #tpu.memory_space<vmem>> -> memref<128xi32, #tpu.memory_space<vmem>>
      %dma_start3A_449 = arith.constant 0 : i32
      %dma_start3A_450 = arith.constant 0 : i32
      %dma_start3A_451 = tpu.memref_slice %arg6[%dma_start3A_449, %dma_start3A_450] : memref<10240x128xf32, #tpu.memory_space<vmem_shared>> -> memref<10240x128xf32, #tpu.memory_space<vmem_shared>>
      tpu.enqueue_indirect_dma source(%arg9 : memref<128x128xf32, #tpu.memory_space<vmem>>) target(%dma_start3A_451 : memref<10240x128xf32, #tpu.memory_space<vmem_shared>>) offsets(%dma_start3A_448 : memref<128xi32, #tpu.memory_space<vmem>>) semaphore(%arg14 : memref<!tpu.dma_semaphore, #tpu.memory_space<semaphore_mem>>) {add = true}
      %dma_wait3A_452 = arith.constant 13 : i32
      %dma_wait3A_453 = arith.constant 0 : i32
      %dma_wait3A_454 = tpu.memref_slice %arg8[%dma_wait3A_452, %dma_wait3A_453] : memref<16x128xi32, #tpu.memory_space<vmem>> -> memref<1x128xi32, #tpu.memory_space<vmem>>
      %dma_wait3A_455 = tpu.memref_squeeze %dma_wait3A_454 : memref<1x128xi32, #tpu.memory_space<vmem>> -> memref<128xi32, #tpu.memory_space<vmem>>
      %dma_wait3A_456 = arith.constant 0 : i32
      %dma_wait3A_457 = arith.constant 0 : i32
      %dma_wait3A_458 = tpu.memref_slice %arg6[%dma_wait3A_456, %dma_wait3A_457] : memref<10240x128xf32, #tpu.memory_space<vmem_shared>> -> memref<10240x128xf32, #tpu.memory_space<vmem_shared>>
      tpu.wait_indirect_dma semaphore(%arg15 : memref<!tpu.dma_semaphore, #tpu.memory_space<semaphore_mem>>) src(%arg10 : memref<128x128xf32, #tpu.memory_space<vmem>>) dst(%dma_wait3A_458 : memref<10240x128xf32, #tpu.memory_space<vmem_shared>>)
      %dma_start3A_459 = arith.constant 15 : i32
      %dma_start3A_460 = arith.constant 0 : i32
      %dma_start3A_461 = tpu.memref_slice %arg7[%dma_start3A_459, %dma_start3A_460] : memref<16x128xi32, #tpu.memory_space<vmem>> -> memref<1x128xi32, #tpu.memory_space<vmem>>
      %dma_start3A_462 = tpu.memref_squeeze %dma_start3A_461 : memref<1x128xi32, #tpu.memory_space<vmem>> -> memref<128xi32, #tpu.memory_space<vmem>>
      %dma_start3A_463 = arith.constant 0 : i32
      %dma_start3A_464 = arith.constant 0 : i32
      %dma_start3A_465 = tpu.memref_slice %arg2[%dma_start3A_463, %dma_start3A_464] : memref<10240x128xf32, #tpu.memory_space<hbm>> -> memref<10240x128xf32, #tpu.memory_space<hbm>>
      tpu.enqueue_indirect_dma source(%dma_start3A_465 : memref<10240x128xf32, #tpu.memory_space<hbm>>) target(%arg10 : memref<128x128xf32, #tpu.memory_space<vmem>>) offsets(%dma_start3A_462 : memref<128xi32, #tpu.memory_space<vmem>>) semaphore(%arg13 : memref<!tpu.dma_semaphore, #tpu.memory_space<semaphore_mem>>)
      %dma_wait3A_466 = arith.constant 15 : i32
      %dma_wait3A_467 = arith.constant 0 : i32
      %dma_wait3A_468 = tpu.memref_slice %arg7[%dma_wait3A_466, %dma_wait3A_467] : memref<16x128xi32, #tpu.memory_space<vmem>> -> memref<1x128xi32, #tpu.memory_space<vmem>>
      %dma_wait3A_469 = tpu.memref_squeeze %dma_wait3A_468 : memref<1x128xi32, #tpu.memory_space<vmem>> -> memref<128xi32, #tpu.memory_space<vmem>>
      %dma_wait3A_470 = arith.constant 0 : i32
      %dma_wait3A_471 = arith.constant 0 : i32
      %dma_wait3A_472 = tpu.memref_slice %arg2[%dma_wait3A_470, %dma_wait3A_471] : memref<10240x128xf32, #tpu.memory_space<hbm>> -> memref<10240x128xf32, #tpu.memory_space<hbm>>
      tpu.wait_indirect_dma semaphore(%arg13 : memref<!tpu.dma_semaphore, #tpu.memory_space<semaphore_mem>>) src(%dma_wait3A_472 : memref<10240x128xf32, #tpu.memory_space<hbm>>) dst(%arg10 : memref<128x128xf32, #tpu.memory_space<vmem>>)
      %dma_start3A_473 = arith.constant 15 : i32
      %dma_start3A_474 = arith.constant 0 : i32
      %dma_start3A_475 = tpu.memref_slice %arg8[%dma_start3A_473, %dma_start3A_474] : memref<16x128xi32, #tpu.memory_space<vmem>> -> memref<1x128xi32, #tpu.memory_space<vmem>>
      %dma_start3A_476 = tpu.memref_squeeze %dma_start3A_475 : memref<1x128xi32, #tpu.memory_space<vmem>> -> memref<128xi32, #tpu.memory_space<vmem>>
      %dma_start3A_477 = arith.constant 0 : i32
      %dma_start3A_478 = arith.constant 0 : i32
      %dma_start3A_479 = tpu.memref_slice %arg6[%dma_start3A_477, %dma_start3A_478] : memref<10240x128xf32, #tpu.memory_space<vmem_shared>> -> memref<10240x128xf32, #tpu.memory_space<vmem_shared>>
      tpu.enqueue_indirect_dma source(%arg10 : memref<128x128xf32, #tpu.memory_space<vmem>>) target(%dma_start3A_479 : memref<10240x128xf32, #tpu.memory_space<vmem_shared>>) offsets(%dma_start3A_476 : memref<128xi32, #tpu.memory_space<vmem>>) semaphore(%arg15 : memref<!tpu.dma_semaphore, #tpu.memory_space<semaphore_mem>>) {add = true}
      %dma_wait3A_480 = arith.constant 14 : i32
      %dma_wait3A_481 = arith.constant 0 : i32
      %dma_wait3A_482 = tpu.memref_slice %arg8[%dma_wait3A_480, %dma_wait3A_481] : memref<16x128xi32, #tpu.memory_space<vmem>> -> memref<1x128xi32, #tpu.memory_space<vmem>>
      %dma_wait3A_483 = tpu.memref_squeeze %dma_wait3A_482 : memref<1x128xi32, #tpu.memory_space<vmem>> -> memref<128xi32, #tpu.memory_space<vmem>>
      %dma_wait3A_484 = arith.constant 0 : i32
      %dma_wait3A_485 = arith.constant 0 : i32
      %dma_wait3A_486 = tpu.memref_slice %arg6[%dma_wait3A_484, %dma_wait3A_485] : memref<10240x128xf32, #tpu.memory_space<vmem_shared>> -> memref<10240x128xf32, #tpu.memory_space<vmem_shared>>
      tpu.wait_indirect_dma semaphore(%arg14 : memref<!tpu.dma_semaphore, #tpu.memory_space<semaphore_mem>>) src(%arg9 : memref<128x128xf32, #tpu.memory_space<vmem>>) dst(%dma_wait3A_486 : memref<10240x128xf32, #tpu.memory_space<vmem_shared>>)
      %dma_wait3A_487 = arith.constant 15 : i32
      %dma_wait3A_488 = arith.constant 0 : i32
      %dma_wait3A_489 = tpu.memref_slice %arg8[%dma_wait3A_487, %dma_wait3A_488] : memref<16x128xi32, #tpu.memory_space<vmem>> -> memref<1x128xi32, #tpu.memory_space<vmem>>
      %dma_wait3A_490 = tpu.memref_squeeze %dma_wait3A_489 : memref<1x128xi32, #tpu.memory_space<vmem>> -> memref<128xi32, #tpu.memory_space<vmem>>
      %dma_wait3A_491 = arith.constant 0 : i32
      %dma_wait3A_492 = arith.constant 0 : i32
      %dma_wait3A_493 = tpu.memref_slice %arg6[%dma_wait3A_491, %dma_wait3A_492] : memref<10240x128xf32, #tpu.memory_space<vmem_shared>> -> memref<10240x128xf32, #tpu.memory_space<vmem_shared>>
      tpu.wait_indirect_dma semaphore(%arg15 : memref<!tpu.dma_semaphore, #tpu.memory_space<semaphore_mem>>) src(%arg10 : memref<128x128xf32, #tpu.memory_space<vmem>>) dst(%dma_wait3A_493 : memref<10240x128xf32, #tpu.memory_space<vmem_shared>>)
    }
    %while3A_40 = arith.constant 1 : i32
    scf.for %while3A_42 = %while3A_38 to %while3A_34 step %while3A_40  : i32 {
      %mul3A_43 = arith.muli %while3A_42, %while3A : i32
      %add3A_44 = arith.addi %while3A_31, %mul3A_43 : i32
      %mul3A_45 = arith.constant 16 : i32
      %mul3A_46 = arith.muli %add3A_44, %mul3A_45 : i32
      %add3A_47 = arith.addi %mul3A_24, %mul3A_46 : i32
      "tpu.region"() ({
        %run_scoped3A = tpu.sem_alloc : memref<!tpu.dma_semaphore, #tpu.memory_space<semaphore_mem>>
        %dma_start3A_494 = arith.constant 0 : i32
        %dma_start3A_495 = tpu.memref_slice %arg3[%add3A_47, %dma_start3A_494] : memref<2560x128xi32, #tpu.memory_space<hbm>> -> memref<16x128xi32, #tpu.memory_space<hbm>>
        %dma_start3A_496 = arith.constant 0 : i32
        %dma_start3A_497 = tpu.memref_slice %arg3[%add3A_47, %dma_start3A_496] : memref<2560x128xi32, #tpu.memory_space<hbm>> -> memref<16x128xi32, #tpu.memory_space<hbm>>
        tpu.enqueue_dma source(%dma_start3A_497 : memref<16x128xi32, #tpu.memory_space<hbm>>) target(%arg7 : memref<16x128xi32, #tpu.memory_space<vmem>>) target_semaphore(%run_scoped3A : memref<!tpu.dma_semaphore, #tpu.memory_space<semaphore_mem>>)
        %dma_wait3A_498 = arith.constant 0 : i32
        %dma_wait3A_499 = tpu.memref_slice %arg3[%add3A_47, %dma_wait3A_498] : memref<2560x128xi32, #tpu.memory_space<hbm>> -> memref<16x128xi32, #tpu.memory_space<hbm>>
        %dma_wait3A_500 = arith.constant 0 : i32
        %dma_wait3A_501 = tpu.memref_slice %arg3[%add3A_47, %dma_wait3A_500] : memref<2560x128xi32, #tpu.memory_space<hbm>> -> memref<16x128xi32, #tpu.memory_space<hbm>>
        tpu.wait_dma2 semaphore(%run_scoped3A : memref<!tpu.dma_semaphore, #tpu.memory_space<semaphore_mem>>) src(%dma_wait3A_501 : memref<16x128xi32, #tpu.memory_space<hbm>>) dst(%arg7 : memref<16x128xi32, #tpu.memory_space<vmem>>)
        tpu.yield
      }) : () -> ()
      "tpu.region"() ({
        %run_scoped3A = tpu.sem_alloc : memref<!tpu.dma_semaphore, #tpu.memory_space<semaphore_mem>>
        %dma_start3A_494 = arith.constant 0 : i32
        %dma_start3A_495 = tpu.memref_slice %arg4[%add3A_47, %dma_start3A_494] : memref<2560x128xi32, #tpu.memory_space<hbm>> -> memref<16x128xi32, #tpu.memory_space<hbm>>
        %dma_start3A_496 = arith.constant 0 : i32
        %dma_start3A_497 = tpu.memref_slice %arg4[%add3A_47, %dma_start3A_496] : memref<2560x128xi32, #tpu.memory_space<hbm>> -> memref<16x128xi32, #tpu.memory_space<hbm>>
        tpu.enqueue_dma source(%dma_start3A_497 : memref<16x128xi32, #tpu.memory_space<hbm>>) target(%arg8 : memref<16x128xi32, #tpu.memory_space<vmem>>) target_semaphore(%run_scoped3A : memref<!tpu.dma_semaphore, #tpu.memory_space<semaphore_mem>>)
        %dma_wait3A_498 = arith.constant 0 : i32
        %dma_wait3A_499 = tpu.memref_slice %arg4[%add3A_47, %dma_wait3A_498] : memref<2560x128xi32, #tpu.memory_space<hbm>> -> memref<16x128xi32, #tpu.memory_space<hbm>>
        %dma_wait3A_500 = arith.constant 0 : i32
        %dma_wait3A_501 = tpu.memref_slice %arg4[%add3A_47, %dma_wait3A_500] : memref<2560x128xi32, #tpu.memory_space<hbm>> -> memref<16x128xi32, #tpu.memory_space<hbm>>
        tpu.wait_dma2 semaphore(%run_scoped3A : memref<!tpu.dma_semaphore, #tpu.memory_space<semaphore_mem>>) src(%dma_wait3A_501 : memref<16x128xi32, #tpu.memory_space<hbm>>) dst(%arg8 : memref<16x128xi32, #tpu.memory_space<vmem>>)
        tpu.yield
      }) : () -> ()
      %dma_start3A = arith.constant 0 : i32
      %dma_start3A_48 = arith.constant 0 : i32
      %dma_start3A_49 = tpu.memref_slice %arg7[%dma_start3A, %dma_start3A_48] : memref<16x128xi32, #tpu.memory_space<vmem>> -> memref<1x128xi32, #tpu.memory_space<vmem>>
      %dma_start3A_50 = tpu.memref_squeeze %dma_start3A_49 : memref<1x128xi32, #tpu.memory_space<vmem>> -> memref<128xi32, #tpu.memory_space<vmem>>
      %dma_start3A_51 = arith.constant 0 : i32
      %dma_start3A_52 = arith.constant 0 : i32
      %dma_start3A_53 = tpu.memref_slice %arg2[%dma_start3A_51, %dma_start3A_52] : memref<10240x128xf32, #tpu.memory_space<hbm>> -> memref<10240x128xf32, #tpu.memory_space<hbm>>
      tpu.enqueue_indirect_dma source(%dma_start3A_53 : memref<10240x128xf32, #tpu.memory_space<hbm>>) target(%arg9 : memref<128x128xf32, #tpu.memory_space<vmem>>) offsets(%dma_start3A_50 : memref<128xi32, #tpu.memory_space<vmem>>) semaphore(%arg12 : memref<!tpu.dma_semaphore, #tpu.memory_space<semaphore_mem>>)
      %dma_start3A_54 = arith.constant 1 : i32
      %dma_start3A_55 = arith.constant 0 : i32
      %dma_start3A_56 = tpu.memref_slice %arg7[%dma_start3A_54, %dma_start3A_55] : memref<16x128xi32, #tpu.memory_space<vmem>> -> memref<1x128xi32, #tpu.memory_space<vmem>>
      %dma_start3A_57 = tpu.memref_squeeze %dma_start3A_56 : memref<1x128xi32, #tpu.memory_space<vmem>> -> memref<128xi32, #tpu.memory_space<vmem>>
      %dma_start3A_58 = arith.constant 0 : i32
      %dma_start3A_59 = arith.constant 0 : i32
      %dma_start3A_60 = tpu.memref_slice %arg2[%dma_start3A_58, %dma_start3A_59] : memref<10240x128xf32, #tpu.memory_space<hbm>> -> memref<10240x128xf32, #tpu.memory_space<hbm>>
      tpu.enqueue_indirect_dma source(%dma_start3A_60 : memref<10240x128xf32, #tpu.memory_space<hbm>>) target(%arg10 : memref<128x128xf32, #tpu.memory_space<vmem>>) offsets(%dma_start3A_57 : memref<128xi32, #tpu.memory_space<vmem>>) semaphore(%arg13 : memref<!tpu.dma_semaphore, #tpu.memory_space<semaphore_mem>>)
      %dma_wait3A = arith.constant 0 : i32
      %dma_wait3A_61 = arith.constant 0 : i32
      %dma_wait3A_62 = tpu.memref_slice %arg7[%dma_wait3A, %dma_wait3A_61] : memref<16x128xi32, #tpu.memory_space<vmem>> -> memref<1x128xi32, #tpu.memory_space<vmem>>
      %dma_wait3A_63 = tpu.memref_squeeze %dma_wait3A_62 : memref<1x128xi32, #tpu.memory_space<vmem>> -> memref<128xi32, #tpu.memory_space<vmem>>
      %dma_wait3A_64 = arith.constant 0 : i32
      %dma_wait3A_65 = arith.constant 0 : i32
      %dma_wait3A_66 = tpu.memref_slice %arg2[%dma_wait3A_64, %dma_wait3A_65] : memref<10240x128xf32, #tpu.memory_space<hbm>> -> memref<10240x128xf32, #tpu.memory_space<hbm>>
      tpu.wait_indirect_dma semaphore(%arg12 : memref<!tpu.dma_semaphore, #tpu.memory_space<semaphore_mem>>) src(%dma_wait3A_66 : memref<10240x128xf32, #tpu.memory_space<hbm>>) dst(%arg9 : memref<128x128xf32, #tpu.memory_space<vmem>>)
      %dma_start3A_67 = arith.constant 0 : i32
      %dma_start3A_68 = arith.constant 0 : i32
      %dma_start3A_69 = tpu.memref_slice %arg8[%dma_start3A_67, %dma_start3A_68] : memref<16x128xi32, #tpu.memory_space<vmem>> -> memref<1x128xi32, #tpu.memory_space<vmem>>
      %dma_start3A_70 = tpu.memref_squeeze %dma_start3A_69 : memref<1x128xi32, #tpu.memory_space<vmem>> -> memref<128xi32, #tpu.memory_space<vmem>>
      %dma_start3A_71 = arith.constant 0 : i32
      %dma_start3A_72 = arith.constant 0 : i32
      %dma_start3A_73 = tpu.memref_slice %arg6[%dma_start3A_71, %dma_start3A_72] : memref<10240x128xf32, #tpu.memory_space<vmem_shared>> -> memref<10240x128xf32, #tpu.memory_space<vmem_shared>>
      tpu.enqueue_indirect_dma source(%arg9 : memref<128x128xf32, #tpu.memory_space<vmem>>) target(%dma_start3A_73 : memref<10240x128xf32, #tpu.memory_space<vmem_shared>>) offsets(%dma_start3A_70 : memref<128xi32, #tpu.memory_space<vmem>>) semaphore(%arg14 : memref<!tpu.dma_semaphore, #tpu.memory_space<semaphore_mem>>) {add = true}
      %dma_wait3A_74 = arith.constant 1 : i32
      %dma_wait3A_75 = arith.constant 0 : i32
      %dma_wait3A_76 = tpu.memref_slice %arg7[%dma_wait3A_74, %dma_wait3A_75] : memref<16x128xi32, #tpu.memory_space<vmem>> -> memref<1x128xi32, #tpu.memory_space<vmem>>
      %dma_wait3A_77 = tpu.memref_squeeze %dma_wait3A_76 : memref<1x128xi32, #tpu.memory_space<vmem>> -> memref<128xi32, #tpu.memory_space<vmem>>
      %dma_wait3A_78 = arith.constant 0 : i32
      %dma_wait3A_79 = arith.constant 0 : i32
      %dma_wait3A_80 = tpu.memref_slice %arg2[%dma_wait3A_78, %dma_wait3A_79] : memref<10240x128xf32, #tpu.memory_space<hbm>> -> memref<10240x128xf32, #tpu.memory_space<hbm>>
      tpu.wait_indirect_dma semaphore(%arg13 : memref<!tpu.dma_semaphore, #tpu.memory_space<semaphore_mem>>) src(%dma_wait3A_80 : memref<10240x128xf32, #tpu.memory_space<hbm>>) dst(%arg10 : memref<128x128xf32, #tpu.memory_space<vmem>>)
      %dma_start3A_81 = arith.constant 1 : i32
      %dma_start3A_82 = arith.constant 0 : i32
      %dma_start3A_83 = tpu.memref_slice %arg8[%dma_start3A_81, %dma_start3A_82] : memref<16x128xi32, #tpu.memory_space<vmem>> -> memref<1x128xi32, #tpu.memory_space<vmem>>
      %dma_start3A_84 = tpu.memref_squeeze %dma_start3A_83 : memref<1x128xi32, #tpu.memory_space<vmem>> -> memref<128xi32, #tpu.memory_space<vmem>>
      %dma_start3A_85 = arith.constant 0 : i32
      %dma_start3A_86 = arith.constant 0 : i32
      %dma_start3A_87 = tpu.memref_slice %arg6[%dma_start3A_85, %dma_start3A_86] : memref<10240x128xf32, #tpu.memory_space<vmem_shared>> -> memref<10240x128xf32, #tpu.memory_space<vmem_shared>>
      tpu.enqueue_indirect_dma source(%arg10 : memref<128x128xf32, #tpu.memory_space<vmem>>) target(%dma_start3A_87 : memref<10240x128xf32, #tpu.memory_space<vmem_shared>>) offsets(%dma_start3A_84 : memref<128xi32, #tpu.memory_space<vmem>>) semaphore(%arg15 : memref<!tpu.dma_semaphore, #tpu.memory_space<semaphore_mem>>) {add = true}
      %dma_wait3A_88 = arith.constant 0 : i32
      %dma_wait3A_89 = arith.constant 0 : i32
      %dma_wait3A_90 = tpu.memref_slice %arg8[%dma_wait3A_88, %dma_wait3A_89] : memref<16x128xi32, #tpu.memory_space<vmem>> -> memref<1x128xi32, #tpu.memory_space<vmem>>
      %dma_wait3A_91 = tpu.memref_squeeze %dma_wait3A_90 : memref<1x128xi32, #tpu.memory_space<vmem>> -> memref<128xi32, #tpu.memory_space<vmem>>
      %dma_wait3A_92 = arith.constant 0 : i32
      %dma_wait3A_93 = arith.constant 0 : i32
      %dma_wait3A_94 = tpu.memref_slice %arg6[%dma_wait3A_92, %dma_wait3A_93] : memref<10240x128xf32, #tpu.memory_space<vmem_shared>> -> memref<10240x128xf32, #tpu.memory_space<vmem_shared>>
      tpu.wait_indirect_dma semaphore(%arg14 : memref<!tpu.dma_semaphore, #tpu.memory_space<semaphore_mem>>) src(%arg9 : memref<128x128xf32, #tpu.memory_space<vmem>>) dst(%dma_wait3A_94 : memref<10240x128xf32, #tpu.memory_space<vmem_shared>>)
      %dma_start3A_95 = arith.constant 2 : i32
      %dma_start3A_96 = arith.constant 0 : i32
      %dma_start3A_97 = tpu.memref_slice %arg7[%dma_start3A_95, %dma_start3A_96] : memref<16x128xi32, #tpu.memory_space<vmem>> -> memref<1x128xi32, #tpu.memory_space<vmem>>
      %dma_start3A_98 = tpu.memref_squeeze %dma_start3A_97 : memref<1x128xi32, #tpu.memory_space<vmem>> -> memref<128xi32, #tpu.memory_space<vmem>>
      %dma_start3A_99 = arith.constant 0 : i32
      %dma_start3A_100 = arith.constant 0 : i32
      %dma_start3A_101 = tpu.memref_slice %arg2[%dma_start3A_99, %dma_start3A_100] : memref<10240x128xf32, #tpu.memory_space<hbm>> -> memref<10240x128xf32, #tpu.memory_space<hbm>>
      tpu.enqueue_indirect_dma source(%dma_start3A_101 : memref<10240x128xf32, #tpu.memory_space<hbm>>) target(%arg9 : memref<128x128xf32, #tpu.memory_space<vmem>>) offsets(%dma_start3A_98 : memref<128xi32, #tpu.memory_space<vmem>>) semaphore(%arg12 : memref<!tpu.dma_semaphore, #tpu.memory_space<semaphore_mem>>)
      %dma_wait3A_102 = arith.constant 2 : i32
      %dma_wait3A_103 = arith.constant 0 : i32
      %dma_wait3A_104 = tpu.memref_slice %arg7[%dma_wait3A_102, %dma_wait3A_103] : memref<16x128xi32, #tpu.memory_space<vmem>> -> memref<1x128xi32, #tpu.memory_space<vmem>>
      %dma_wait3A_105 = tpu.memref_squeeze %dma_wait3A_104 : memref<1x128xi32, #tpu.memory_space<vmem>> -> memref<128xi32, #tpu.memory_space<vmem>>
      %dma_wait3A_106 = arith.constant 0 : i32
      %dma_wait3A_107 = arith.constant 0 : i32
      %dma_wait3A_108 = tpu.memref_slice %arg2[%dma_wait3A_106, %dma_wait3A_107] : memref<10240x128xf32, #tpu.memory_space<hbm>> -> memref<10240x128xf32, #tpu.memory_space<hbm>>
      tpu.wait_indirect_dma semaphore(%arg12 : memref<!tpu.dma_semaphore, #tpu.memory_space<semaphore_mem>>) src(%dma_wait3A_108 : memref<10240x128xf32, #tpu.memory_space<hbm>>) dst(%arg9 : memref<128x128xf32, #tpu.memory_space<vmem>>)
      %dma_start3A_109 = arith.constant 2 : i32
      %dma_start3A_110 = arith.constant 0 : i32
      %dma_start3A_111 = tpu.memref_slice %arg8[%dma_start3A_109, %dma_start3A_110] : memref<16x128xi32, #tpu.memory_space<vmem>> -> memref<1x128xi32, #tpu.memory_space<vmem>>
      %dma_start3A_112 = tpu.memref_squeeze %dma_start3A_111 : memref<1x128xi32, #tpu.memory_space<vmem>> -> memref<128xi32, #tpu.memory_space<vmem>>
      %dma_start3A_113 = arith.constant 0 : i32
      %dma_start3A_114 = arith.constant 0 : i32
      %dma_start3A_115 = tpu.memref_slice %arg6[%dma_start3A_113, %dma_start3A_114] : memref<10240x128xf32, #tpu.memory_space<vmem_shared>> -> memref<10240x128xf32, #tpu.memory_space<vmem_shared>>
      tpu.enqueue_indirect_dma source(%arg9 : memref<128x128xf32, #tpu.memory_space<vmem>>) target(%dma_start3A_115 : memref<10240x128xf32, #tpu.memory_space<vmem_shared>>) offsets(%dma_start3A_112 : memref<128xi32, #tpu.memory_space<vmem>>) semaphore(%arg14 : memref<!tpu.dma_semaphore, #tpu.memory_space<semaphore_mem>>) {add = true}
      %dma_wait3A_116 = arith.constant 1 : i32
      %dma_wait3A_117 = arith.constant 0 : i32
      %dma_wait3A_118 = tpu.memref_slice %arg8[%dma_wait3A_116, %dma_wait3A_117] : memref<16x128xi32, #tpu.memory_space<vmem>> -> memref<1x128xi32, #tpu.memory_space<vmem>>
      %dma_wait3A_119 = tpu.memref_squeeze %dma_wait3A_118 : memref<1x128xi32, #tpu.memory_space<vmem>> -> memref<128xi32, #tpu.memory_space<vmem>>
      %dma_wait3A_120 = arith.constant 0 : i32
      %dma_wait3A_121 = arith.constant 0 : i32
      %dma_wait3A_122 = tpu.memref_slice %arg6[%dma_wait3A_120, %dma_wait3A_121] : memref<10240x128xf32, #tpu.memory_space<vmem_shared>> -> memref<10240x128xf32, #tpu.memory_space<vmem_shared>>
      tpu.wait_indirect_dma semaphore(%arg15 : memref<!tpu.dma_semaphore, #tpu.memory_space<semaphore_mem>>) src(%arg10 : memref<128x128xf32, #tpu.memory_space<vmem>>) dst(%dma_wait3A_122 : memref<10240x128xf32, #tpu.memory_space<vmem_shared>>)
      %dma_start3A_123 = arith.constant 3 : i32
      %dma_start3A_124 = arith.constant 0 : i32
      %dma_start3A_125 = tpu.memref_slice %arg7[%dma_start3A_123, %dma_start3A_124] : memref<16x128xi32, #tpu.memory_space<vmem>> -> memref<1x128xi32, #tpu.memory_space<vmem>>
      %dma_start3A_126 = tpu.memref_squeeze %dma_start3A_125 : memref<1x128xi32, #tpu.memory_space<vmem>> -> memref<128xi32, #tpu.memory_space<vmem>>
      %dma_start3A_127 = arith.constant 0 : i32
      %dma_start3A_128 = arith.constant 0 : i32
      %dma_start3A_129 = tpu.memref_slice %arg2[%dma_start3A_127, %dma_start3A_128] : memref<10240x128xf32, #tpu.memory_space<hbm>> -> memref<10240x128xf32, #tpu.memory_space<hbm>>
      tpu.enqueue_indirect_dma source(%dma_start3A_129 : memref<10240x128xf32, #tpu.memory_space<hbm>>) target(%arg10 : memref<128x128xf32, #tpu.memory_space<vmem>>) offsets(%dma_start3A_126 : memref<128xi32, #tpu.memory_space<vmem>>) semaphore(%arg13 : memref<!tpu.dma_semaphore, #tpu.memory_space<semaphore_mem>>)
      %dma_wait3A_130 = arith.constant 3 : i32
      %dma_wait3A_131 = arith.constant 0 : i32
      %dma_wait3A_132 = tpu.memref_slice %arg7[%dma_wait3A_130, %dma_wait3A_131] : memref<16x128xi32, #tpu.memory_space<vmem>> -> memref<1x128xi32, #tpu.memory_space<vmem>>
      %dma_wait3A_133 = tpu.memref_squeeze %dma_wait3A_132 : memref<1x128xi32, #tpu.memory_space<vmem>> -> memref<128xi32, #tpu.memory_space<vmem>>
      %dma_wait3A_134 = arith.constant 0 : i32
      %dma_wait3A_135 = arith.constant 0 : i32
      %dma_wait3A_136 = tpu.memref_slice %arg2[%dma_wait3A_134, %dma_wait3A_135] : memref<10240x128xf32, #tpu.memory_space<hbm>> -> memref<10240x128xf32, #tpu.memory_space<hbm>>
      tpu.wait_indirect_dma semaphore(%arg13 : memref<!tpu.dma_semaphore, #tpu.memory_space<semaphore_mem>>) src(%dma_wait3A_136 : memref<10240x128xf32, #tpu.memory_space<hbm>>) dst(%arg10 : memref<128x128xf32, #tpu.memory_space<vmem>>)
      %dma_start3A_137 = arith.constant 3 : i32
      %dma_start3A_138 = arith.constant 0 : i32
      %dma_start3A_139 = tpu.memref_slice %arg8[%dma_start3A_137, %dma_start3A_138] : memref<16x128xi32, #tpu.memory_space<vmem>> -> memref<1x128xi32, #tpu.memory_space<vmem>>
      %dma_start3A_140 = tpu.memref_squeeze %dma_start3A_139 : memref<1x128xi32, #tpu.memory_space<vmem>> -> memref<128xi32, #tpu.memory_space<vmem>>
      %dma_start3A_141 = arith.constant 0 : i32
      %dma_start3A_142 = arith.constant 0 : i32
      %dma_start3A_143 = tpu.memref_slice %arg6[%dma_start3A_141, %dma_start3A_142] : memref<10240x128xf32, #tpu.memory_space<vmem_shared>> -> memref<10240x128xf32, #tpu.memory_space<vmem_shared>>
      tpu.enqueue_indirect_dma source(%arg10 : memref<128x128xf32, #tpu.memory_space<vmem>>) target(%dma_start3A_143 : memref<10240x128xf32, #tpu.memory_space<vmem_shared>>) offsets(%dma_start3A_140 : memref<128xi32, #tpu.memory_space<vmem>>) semaphore(%arg15 : memref<!tpu.dma_semaphore, #tpu.memory_space<semaphore_mem>>) {add = true}
      %dma_wait3A_144 = arith.constant 2 : i32
      %dma_wait3A_145 = arith.constant 0 : i32
      %dma_wait3A_146 = tpu.memref_slice %arg8[%dma_wait3A_144, %dma_wait3A_145] : memref<16x128xi32, #tpu.memory_space<vmem>> -> memref<1x128xi32, #tpu.memory_space<vmem>>
      %dma_wait3A_147 = tpu.memref_squeeze %dma_wait3A_146 : memref<1x128xi32, #tpu.memory_space<vmem>> -> memref<128xi32, #tpu.memory_space<vmem>>
      %dma_wait3A_148 = arith.constant 0 : i32
      %dma_wait3A_149 = arith.constant 0 : i32
      %dma_wait3A_150 = tpu.memref_slice %arg6[%dma_wait3A_148, %dma_wait3A_149] : memref<10240x128xf32, #tpu.memory_space<vmem_shared>> -> memref<10240x128xf32, #tpu.memory_space<vmem_shared>>
      tpu.wait_indirect_dma semaphore(%arg14 : memref<!tpu.dma_semaphore, #tpu.memory_space<semaphore_mem>>) src(%arg9 : memref<128x128xf32, #tpu.memory_space<vmem>>) dst(%dma_wait3A_150 : memref<10240x128xf32, #tpu.memory_space<vmem_shared>>)
      %dma_start3A_151 = arith.constant 4 : i32
      %dma_start3A_152 = arith.constant 0 : i32
      %dma_start3A_153 = tpu.memref_slice %arg7[%dma_start3A_151, %dma_start3A_152] : memref<16x128xi32, #tpu.memory_space<vmem>> -> memref<1x128xi32, #tpu.memory_space<vmem>>
      %dma_start3A_154 = tpu.memref_squeeze %dma_start3A_153 : memref<1x128xi32, #tpu.memory_space<vmem>> -> memref<128xi32, #tpu.memory_space<vmem>>
      %dma_start3A_155 = arith.constant 0 : i32
      %dma_start3A_156 = arith.constant 0 : i32
      %dma_start3A_157 = tpu.memref_slice %arg2[%dma_start3A_155, %dma_start3A_156] : memref<10240x128xf32, #tpu.memory_space<hbm>> -> memref<10240x128xf32, #tpu.memory_space<hbm>>
      tpu.enqueue_indirect_dma source(%dma_start3A_157 : memref<10240x128xf32, #tpu.memory_space<hbm>>) target(%arg9 : memref<128x128xf32, #tpu.memory_space<vmem>>) offsets(%dma_start3A_154 : memref<128xi32, #tpu.memory_space<vmem>>) semaphore(%arg12 : memref<!tpu.dma_semaphore, #tpu.memory_space<semaphore_mem>>)
      %dma_wait3A_158 = arith.constant 4 : i32
      %dma_wait3A_159 = arith.constant 0 : i32
      %dma_wait3A_160 = tpu.memref_slice %arg7[%dma_wait3A_158, %dma_wait3A_159] : memref<16x128xi32, #tpu.memory_space<vmem>> -> memref<1x128xi32, #tpu.memory_space<vmem>>
      %dma_wait3A_161 = tpu.memref_squeeze %dma_wait3A_160 : memref<1x128xi32, #tpu.memory_space<vmem>> -> memref<128xi32, #tpu.memory_space<vmem>>
      %dma_wait3A_162 = arith.constant 0 : i32
      %dma_wait3A_163 = arith.constant 0 : i32
      %dma_wait3A_164 = tpu.memref_slice %arg2[%dma_wait3A_162, %dma_wait3A_163] : memref<10240x128xf32, #tpu.memory_space<hbm>> -> memref<10240x128xf32, #tpu.memory_space<hbm>>
      tpu.wait_indirect_dma semaphore(%arg12 : memref<!tpu.dma_semaphore, #tpu.memory_space<semaphore_mem>>) src(%dma_wait3A_164 : memref<10240x128xf32, #tpu.memory_space<hbm>>) dst(%arg9 : memref<128x128xf32, #tpu.memory_space<vmem>>)
      %dma_start3A_165 = arith.constant 4 : i32
      %dma_start3A_166 = arith.constant 0 : i32
      %dma_start3A_167 = tpu.memref_slice %arg8[%dma_start3A_165, %dma_start3A_166] : memref<16x128xi32, #tpu.memory_space<vmem>> -> memref<1x128xi32, #tpu.memory_space<vmem>>
      %dma_start3A_168 = tpu.memref_squeeze %dma_start3A_167 : memref<1x128xi32, #tpu.memory_space<vmem>> -> memref<128xi32, #tpu.memory_space<vmem>>
      %dma_start3A_169 = arith.constant 0 : i32
      %dma_start3A_170 = arith.constant 0 : i32
      %dma_start3A_171 = tpu.memref_slice %arg6[%dma_start3A_169, %dma_start3A_170] : memref<10240x128xf32, #tpu.memory_space<vmem_shared>> -> memref<10240x128xf32, #tpu.memory_space<vmem_shared>>
      tpu.enqueue_indirect_dma source(%arg9 : memref<128x128xf32, #tpu.memory_space<vmem>>) target(%dma_start3A_171 : memref<10240x128xf32, #tpu.memory_space<vmem_shared>>) offsets(%dma_start3A_168 : memref<128xi32, #tpu.memory_space<vmem>>) semaphore(%arg14 : memref<!tpu.dma_semaphore, #tpu.memory_space<semaphore_mem>>) {add = true}
      %dma_wait3A_172 = arith.constant 3 : i32
      %dma_wait3A_173 = arith.constant 0 : i32
      %dma_wait3A_174 = tpu.memref_slice %arg8[%dma_wait3A_172, %dma_wait3A_173] : memref<16x128xi32, #tpu.memory_space<vmem>> -> memref<1x128xi32, #tpu.memory_space<vmem>>
      %dma_wait3A_175 = tpu.memref_squeeze %dma_wait3A_174 : memref<1x128xi32, #tpu.memory_space<vmem>> -> memref<128xi32, #tpu.memory_space<vmem>>
      %dma_wait3A_176 = arith.constant 0 : i32
      %dma_wait3A_177 = arith.constant 0 : i32
      %dma_wait3A_178 = tpu.memref_slice %arg6[%dma_wait3A_176, %dma_wait3A_177] : memref<10240x128xf32, #tpu.memory_space<vmem_shared>> -> memref<10240x128xf32, #tpu.memory_space<vmem_shared>>
      tpu.wait_indirect_dma semaphore(%arg15 : memref<!tpu.dma_semaphore, #tpu.memory_space<semaphore_mem>>) src(%arg10 : memref<128x128xf32, #tpu.memory_space<vmem>>) dst(%dma_wait3A_178 : memref<10240x128xf32, #tpu.memory_space<vmem_shared>>)
      %dma_start3A_179 = arith.constant 5 : i32
      %dma_start3A_180 = arith.constant 0 : i32
      %dma_start3A_181 = tpu.memref_slice %arg7[%dma_start3A_179, %dma_start3A_180] : memref<16x128xi32, #tpu.memory_space<vmem>> -> memref<1x128xi32, #tpu.memory_space<vmem>>
      %dma_start3A_182 = tpu.memref_squeeze %dma_start3A_181 : memref<1x128xi32, #tpu.memory_space<vmem>> -> memref<128xi32, #tpu.memory_space<vmem>>
      %dma_start3A_183 = arith.constant 0 : i32
      %dma_start3A_184 = arith.constant 0 : i32
      %dma_start3A_185 = tpu.memref_slice %arg2[%dma_start3A_183, %dma_start3A_184] : memref<10240x128xf32, #tpu.memory_space<hbm>> -> memref<10240x128xf32, #tpu.memory_space<hbm>>
      tpu.enqueue_indirect_dma source(%dma_start3A_185 : memref<10240x128xf32, #tpu.memory_space<hbm>>) target(%arg10 : memref<128x128xf32, #tpu.memory_space<vmem>>) offsets(%dma_start3A_182 : memref<128xi32, #tpu.memory_space<vmem>>) semaphore(%arg13 : memref<!tpu.dma_semaphore, #tpu.memory_space<semaphore_mem>>)
      %dma_wait3A_186 = arith.constant 5 : i32
      %dma_wait3A_187 = arith.constant 0 : i32
      %dma_wait3A_188 = tpu.memref_slice %arg7[%dma_wait3A_186, %dma_wait3A_187] : memref<16x128xi32, #tpu.memory_space<vmem>> -> memref<1x128xi32, #tpu.memory_space<vmem>>
      %dma_wait3A_189 = tpu.memref_squeeze %dma_wait3A_188 : memref<1x128xi32, #tpu.memory_space<vmem>> -> memref<128xi32, #tpu.memory_space<vmem>>
      %dma_wait3A_190 = arith.constant 0 : i32
      %dma_wait3A_191 = arith.constant 0 : i32
      %dma_wait3A_192 = tpu.memref_slice %arg2[%dma_wait3A_190, %dma_wait3A_191] : memref<10240x128xf32, #tpu.memory_space<hbm>> -> memref<10240x128xf32, #tpu.memory_space<hbm>>
      tpu.wait_indirect_dma semaphore(%arg13 : memref<!tpu.dma_semaphore, #tpu.memory_space<semaphore_mem>>) src(%dma_wait3A_192 : memref<10240x128xf32, #tpu.memory_space<hbm>>) dst(%arg10 : memref<128x128xf32, #tpu.memory_space<vmem>>)
      %dma_start3A_193 = arith.constant 5 : i32
      %dma_start3A_194 = arith.constant 0 : i32
      %dma_start3A_195 = tpu.memref_slice %arg8[%dma_start3A_193, %dma_start3A_194] : memref<16x128xi32, #tpu.memory_space<vmem>> -> memref<1x128xi32, #tpu.memory_space<vmem>>
      %dma_start3A_196 = tpu.memref_squeeze %dma_start3A_195 : memref<1x128xi32, #tpu.memory_space<vmem>> -> memref<128xi32, #tpu.memory_space<vmem>>
      %dma_start3A_197 = arith.constant 0 : i32
      %dma_start3A_198 = arith.constant 0 : i32
      %dma_start3A_199 = tpu.memref_slice %arg6[%dma_start3A_197, %dma_start3A_198] : memref<10240x128xf32, #tpu.memory_space<vmem_shared>> -> memref<10240x128xf32, #tpu.memory_space<vmem_shared>>
      tpu.enqueue_indirect_dma source(%arg10 : memref<128x128xf32, #tpu.memory_space<vmem>>) target(%dma_start3A_199 : memref<10240x128xf32, #tpu.memory_space<vmem_shared>>) offsets(%dma_start3A_196 : memref<128xi32, #tpu.memory_space<vmem>>) semaphore(%arg15 : memref<!tpu.dma_semaphore, #tpu.memory_space<semaphore_mem>>) {add = true}
      %dma_wait3A_200 = arith.constant 4 : i32
      %dma_wait3A_201 = arith.constant 0 : i32
      %dma_wait3A_202 = tpu.memref_slice %arg8[%dma_wait3A_200, %dma_wait3A_201] : memref<16x128xi32, #tpu.memory_space<vmem>> -> memref<1x128xi32, #tpu.memory_space<vmem>>
      %dma_wait3A_203 = tpu.memref_squeeze %dma_wait3A_202 : memref<1x128xi32, #tpu.memory_space<vmem>> -> memref<128xi32, #tpu.memory_space<vmem>>
      %dma_wait3A_204 = arith.constant 0 : i32
      %dma_wait3A_205 = arith.constant 0 : i32
      %dma_wait3A_206 = tpu.memref_slice %arg6[%dma_wait3A_204, %dma_wait3A_205] : memref<10240x128xf32, #tpu.memory_space<vmem_shared>> -> memref<10240x128xf32, #tpu.memory_space<vmem_shared>>
      tpu.wait_indirect_dma semaphore(%arg14 : memref<!tpu.dma_semaphore, #tpu.memory_space<semaphore_mem>>) src(%arg9 : memref<128x128xf32, #tpu.memory_space<vmem>>) dst(%dma_wait3A_206 : memref<10240x128xf32, #tpu.memory_space<vmem_shared>>)
      %dma_start3A_207 = arith.constant 6 : i32
      %dma_start3A_208 = arith.constant 0 : i32
      %dma_start3A_209 = tpu.memref_slice %arg7[%dma_start3A_207, %dma_start3A_208] : memref<16x128xi32, #tpu.memory_space<vmem>> -> memref<1x128xi32, #tpu.memory_space<vmem>>
      %dma_start3A_210 = tpu.memref_squeeze %dma_start3A_209 : memref<1x128xi32, #tpu.memory_space<vmem>> -> memref<128xi32, #tpu.memory_space<vmem>>
      %dma_start3A_211 = arith.constant 0 : i32
      %dma_start3A_212 = arith.constant 0 : i32
      %dma_start3A_213 = tpu.memref_slice %arg2[%dma_start3A_211, %dma_start3A_212] : memref<10240x128xf32, #tpu.memory_space<hbm>> -> memref<10240x128xf32, #tpu.memory_space<hbm>>
      tpu.enqueue_indirect_dma source(%dma_start3A_213 : memref<10240x128xf32, #tpu.memory_space<hbm>>) target(%arg9 : memref<128x128xf32, #tpu.memory_space<vmem>>) offsets(%dma_start3A_210 : memref<128xi32, #tpu.memory_space<vmem>>) semaphore(%arg12 : memref<!tpu.dma_semaphore, #tpu.memory_space<semaphore_mem>>)
      %dma_wait3A_214 = arith.constant 6 : i32
      %dma_wait3A_215 = arith.constant 0 : i32
      %dma_wait3A_216 = tpu.memref_slice %arg7[%dma_wait3A_214, %dma_wait3A_215] : memref<16x128xi32, #tpu.memory_space<vmem>> -> memref<1x128xi32, #tpu.memory_space<vmem>>
      %dma_wait3A_217 = tpu.memref_squeeze %dma_wait3A_216 : memref<1x128xi32, #tpu.memory_space<vmem>> -> memref<128xi32, #tpu.memory_space<vmem>>
      %dma_wait3A_218 = arith.constant 0 : i32
      %dma_wait3A_219 = arith.constant 0 : i32
      %dma_wait3A_220 = tpu.memref_slice %arg2[%dma_wait3A_218, %dma_wait3A_219] : memref<10240x128xf32, #tpu.memory_space<hbm>> -> memref<10240x128xf32, #tpu.memory_space<hbm>>
      tpu.wait_indirect_dma semaphore(%arg12 : memref<!tpu.dma_semaphore, #tpu.memory_space<semaphore_mem>>) src(%dma_wait3A_220 : memref<10240x128xf32, #tpu.memory_space<hbm>>) dst(%arg9 : memref<128x128xf32, #tpu.memory_space<vmem>>)
      %dma_start3A_221 = arith.constant 6 : i32
      %dma_start3A_222 = arith.constant 0 : i32
      %dma_start3A_223 = tpu.memref_slice %arg8[%dma_start3A_221, %dma_start3A_222] : memref<16x128xi32, #tpu.memory_space<vmem>> -> memref<1x128xi32, #tpu.memory_space<vmem>>
      %dma_start3A_224 = tpu.memref_squeeze %dma_start3A_223 : memref<1x128xi32, #tpu.memory_space<vmem>> -> memref<128xi32, #tpu.memory_space<vmem>>
      %dma_start3A_225 = arith.constant 0 : i32
      %dma_start3A_226 = arith.constant 0 : i32
      %dma_start3A_227 = tpu.memref_slice %arg6[%dma_start3A_225, %dma_start3A_226] : memref<10240x128xf32, #tpu.memory_space<vmem_shared>> -> memref<10240x128xf32, #tpu.memory_space<vmem_shared>>
      tpu.enqueue_indirect_dma source(%arg9 : memref<128x128xf32, #tpu.memory_space<vmem>>) target(%dma_start3A_227 : memref<10240x128xf32, #tpu.memory_space<vmem_shared>>) offsets(%dma_start3A_224 : memref<128xi32, #tpu.memory_space<vmem>>) semaphore(%arg14 : memref<!tpu.dma_semaphore, #tpu.memory_space<semaphore_mem>>) {add = true}
      %dma_wait3A_228 = arith.constant 5 : i32
      %dma_wait3A_229 = arith.constant 0 : i32
      %dma_wait3A_230 = tpu.memref_slice %arg8[%dma_wait3A_228, %dma_wait3A_229] : memref<16x128xi32, #tpu.memory_space<vmem>> -> memref<1x128xi32, #tpu.memory_space<vmem>>
      %dma_wait3A_231 = tpu.memref_squeeze %dma_wait3A_230 : memref<1x128xi32, #tpu.memory_space<vmem>> -> memref<128xi32, #tpu.memory_space<vmem>>
      %dma_wait3A_232 = arith.constant 0 : i32
      %dma_wait3A_233 = arith.constant 0 : i32
      %dma_wait3A_234 = tpu.memref_slice %arg6[%dma_wait3A_232, %dma_wait3A_233] : memref<10240x128xf32, #tpu.memory_space<vmem_shared>> -> memref<10240x128xf32, #tpu.memory_space<vmem_shared>>
      tpu.wait_indirect_dma semaphore(%arg15 : memref<!tpu.dma_semaphore, #tpu.memory_space<semaphore_mem>>) src(%arg10 : memref<128x128xf32, #tpu.memory_space<vmem>>) dst(%dma_wait3A_234 : memref<10240x128xf32, #tpu.memory_space<vmem_shared>>)
      %dma_start3A_235 = arith.constant 7 : i32
      %dma_start3A_236 = arith.constant 0 : i32
      %dma_start3A_237 = tpu.memref_slice %arg7[%dma_start3A_235, %dma_start3A_236] : memref<16x128xi32, #tpu.memory_space<vmem>> -> memref<1x128xi32, #tpu.memory_space<vmem>>
      %dma_start3A_238 = tpu.memref_squeeze %dma_start3A_237 : memref<1x128xi32, #tpu.memory_space<vmem>> -> memref<128xi32, #tpu.memory_space<vmem>>
      %dma_start3A_239 = arith.constant 0 : i32
      %dma_start3A_240 = arith.constant 0 : i32
      %dma_start3A_241 = tpu.memref_slice %arg2[%dma_start3A_239, %dma_start3A_240] : memref<10240x128xf32, #tpu.memory_space<hbm>> -> memref<10240x128xf32, #tpu.memory_space<hbm>>
      tpu.enqueue_indirect_dma source(%dma_start3A_241 : memref<10240x128xf32, #tpu.memory_space<hbm>>) target(%arg10 : memref<128x128xf32, #tpu.memory_space<vmem>>) offsets(%dma_start3A_238 : memref<128xi32, #tpu.memory_space<vmem>>) semaphore(%arg13 : memref<!tpu.dma_semaphore, #tpu.memory_space<semaphore_mem>>)
      %dma_wait3A_242 = arith.constant 7 : i32
      %dma_wait3A_243 = arith.constant 0 : i32
      %dma_wait3A_244 = tpu.memref_slice %arg7[%dma_wait3A_242, %dma_wait3A_243] : memref<16x128xi32, #tpu.memory_space<vmem>> -> memref<1x128xi32, #tpu.memory_space<vmem>>
      %dma_wait3A_245 = tpu.memref_squeeze %dma_wait3A_244 : memref<1x128xi32, #tpu.memory_space<vmem>> -> memref<128xi32, #tpu.memory_space<vmem>>
      %dma_wait3A_246 = arith.constant 0 : i32
      %dma_wait3A_247 = arith.constant 0 : i32
      %dma_wait3A_248 = tpu.memref_slice %arg2[%dma_wait3A_246, %dma_wait3A_247] : memref<10240x128xf32, #tpu.memory_space<hbm>> -> memref<10240x128xf32, #tpu.memory_space<hbm>>
      tpu.wait_indirect_dma semaphore(%arg13 : memref<!tpu.dma_semaphore, #tpu.memory_space<semaphore_mem>>) src(%dma_wait3A_248 : memref<10240x128xf32, #tpu.memory_space<hbm>>) dst(%arg10 : memref<128x128xf32, #tpu.memory_space<vmem>>)
      %dma_start3A_249 = arith.constant 7 : i32
      %dma_start3A_250 = arith.constant 0 : i32
      %dma_start3A_251 = tpu.memref_slice %arg8[%dma_start3A_249, %dma_start3A_250] : memref<16x128xi32, #tpu.memory_space<vmem>> -> memref<1x128xi32, #tpu.memory_space<vmem>>
      %dma_start3A_252 = tpu.memref_squeeze %dma_start3A_251 : memref<1x128xi32, #tpu.memory_space<vmem>> -> memref<128xi32, #tpu.memory_space<vmem>>
      %dma_start3A_253 = arith.constant 0 : i32
      %dma_start3A_254 = arith.constant 0 : i32
      %dma_start3A_255 = tpu.memref_slice %arg6[%dma_start3A_253, %dma_start3A_254] : memref<10240x128xf32, #tpu.memory_space<vmem_shared>> -> memref<10240x128xf32, #tpu.memory_space<vmem_shared>>
      tpu.enqueue_indirect_dma source(%arg10 : memref<128x128xf32, #tpu.memory_space<vmem>>) target(%dma_start3A_255 : memref<10240x128xf32, #tpu.memory_space<vmem_shared>>) offsets(%dma_start3A_252 : memref<128xi32, #tpu.memory_space<vmem>>) semaphore(%arg15 : memref<!tpu.dma_semaphore, #tpu.memory_space<semaphore_mem>>) {add = true}
      %dma_wait3A_256 = arith.constant 6 : i32
      %dma_wait3A_257 = arith.constant 0 : i32
      %dma_wait3A_258 = tpu.memref_slice %arg8[%dma_wait3A_256, %dma_wait3A_257] : memref<16x128xi32, #tpu.memory_space<vmem>> -> memref<1x128xi32, #tpu.memory_space<vmem>>
      %dma_wait3A_259 = tpu.memref_squeeze %dma_wait3A_258 : memref<1x128xi32, #tpu.memory_space<vmem>> -> memref<128xi32, #tpu.memory_space<vmem>>
      %dma_wait3A_260 = arith.constant 0 : i32
      %dma_wait3A_261 = arith.constant 0 : i32
      %dma_wait3A_262 = tpu.memref_slice %arg6[%dma_wait3A_260, %dma_wait3A_261] : memref<10240x128xf32, #tpu.memory_space<vmem_shared>> -> memref<10240x128xf32, #tpu.memory_space<vmem_shared>>
      tpu.wait_indirect_dma semaphore(%arg14 : memref<!tpu.dma_semaphore, #tpu.memory_space<semaphore_mem>>) src(%arg9 : memref<128x128xf32, #tpu.memory_space<vmem>>) dst(%dma_wait3A_262 : memref<10240x128xf32, #tpu.memory_space<vmem_shared>>)
      %dma_start3A_263 = arith.constant 8 : i32
      %dma_start3A_264 = arith.constant 0 : i32
      %dma_start3A_265 = tpu.memref_slice %arg7[%dma_start3A_263, %dma_start3A_264] : memref<16x128xi32, #tpu.memory_space<vmem>> -> memref<1x128xi32, #tpu.memory_space<vmem>>
      %dma_start3A_266 = tpu.memref_squeeze %dma_start3A_265 : memref<1x128xi32, #tpu.memory_space<vmem>> -> memref<128xi32, #tpu.memory_space<vmem>>
      %dma_start3A_267 = arith.constant 0 : i32
      %dma_start3A_268 = arith.constant 0 : i32
      %dma_start3A_269 = tpu.memref_slice %arg2[%dma_start3A_267, %dma_start3A_268] : memref<10240x128xf32, #tpu.memory_space<hbm>> -> memref<10240x128xf32, #tpu.memory_space<hbm>>
      tpu.enqueue_indirect_dma source(%dma_start3A_269 : memref<10240x128xf32, #tpu.memory_space<hbm>>) target(%arg9 : memref<128x128xf32, #tpu.memory_space<vmem>>) offsets(%dma_start3A_266 : memref<128xi32, #tpu.memory_space<vmem>>) semaphore(%arg12 : memref<!tpu.dma_semaphore, #tpu.memory_space<semaphore_mem>>)
      %dma_wait3A_270 = arith.constant 8 : i32
      %dma_wait3A_271 = arith.constant 0 : i32
      %dma_wait3A_272 = tpu.memref_slice %arg7[%dma_wait3A_270, %dma_wait3A_271] : memref<16x128xi32, #tpu.memory_space<vmem>> -> memref<1x128xi32, #tpu.memory_space<vmem>>
      %dma_wait3A_273 = tpu.memref_squeeze %dma_wait3A_272 : memref<1x128xi32, #tpu.memory_space<vmem>> -> memref<128xi32, #tpu.memory_space<vmem>>
      %dma_wait3A_274 = arith.constant 0 : i32
      %dma_wait3A_275 = arith.constant 0 : i32
      %dma_wait3A_276 = tpu.memref_slice %arg2[%dma_wait3A_274, %dma_wait3A_275] : memref<10240x128xf32, #tpu.memory_space<hbm>> -> memref<10240x128xf32, #tpu.memory_space<hbm>>
      tpu.wait_indirect_dma semaphore(%arg12 : memref<!tpu.dma_semaphore, #tpu.memory_space<semaphore_mem>>) src(%dma_wait3A_276 : memref<10240x128xf32, #tpu.memory_space<hbm>>) dst(%arg9 : memref<128x128xf32, #tpu.memory_space<vmem>>)
      %dma_start3A_277 = arith.constant 8 : i32
      %dma_start3A_278 = arith.constant 0 : i32
      %dma_start3A_279 = tpu.memref_slice %arg8[%dma_start3A_277, %dma_start3A_278] : memref<16x128xi32, #tpu.memory_space<vmem>> -> memref<1x128xi32, #tpu.memory_space<vmem>>
      %dma_start3A_280 = tpu.memref_squeeze %dma_start3A_279 : memref<1x128xi32, #tpu.memory_space<vmem>> -> memref<128xi32, #tpu.memory_space<vmem>>
      %dma_start3A_281 = arith.constant 0 : i32
      %dma_start3A_282 = arith.constant 0 : i32
      %dma_start3A_283 = tpu.memref_slice %arg6[%dma_start3A_281, %dma_start3A_282] : memref<10240x128xf32, #tpu.memory_space<vmem_shared>> -> memref<10240x128xf32, #tpu.memory_space<vmem_shared>>
      tpu.enqueue_indirect_dma source(%arg9 : memref<128x128xf32, #tpu.memory_space<vmem>>) target(%dma_start3A_283 : memref<10240x128xf32, #tpu.memory_space<vmem_shared>>) offsets(%dma_start3A_280 : memref<128xi32, #tpu.memory_space<vmem>>) semaphore(%arg14 : memref<!tpu.dma_semaphore, #tpu.memory_space<semaphore_mem>>) {add = true}
      %dma_wait3A_284 = arith.constant 7 : i32
      %dma_wait3A_285 = arith.constant 0 : i32
      %dma_wait3A_286 = tpu.memref_slice %arg8[%dma_wait3A_284, %dma_wait3A_285] : memref<16x128xi32, #tpu.memory_space<vmem>> -> memref<1x128xi32, #tpu.memory_space<vmem>>
      %dma_wait3A_287 = tpu.memref_squeeze %dma_wait3A_286 : memref<1x128xi32, #tpu.memory_space<vmem>> -> memref<128xi32, #tpu.memory_space<vmem>>
      %dma_wait3A_288 = arith.constant 0 : i32
      %dma_wait3A_289 = arith.constant 0 : i32
      %dma_wait3A_290 = tpu.memref_slice %arg6[%dma_wait3A_288, %dma_wait3A_289] : memref<10240x128xf32, #tpu.memory_space<vmem_shared>> -> memref<10240x128xf32, #tpu.memory_space<vmem_shared>>
      tpu.wait_indirect_dma semaphore(%arg15 : memref<!tpu.dma_semaphore, #tpu.memory_space<semaphore_mem>>) src(%arg10 : memref<128x128xf32, #tpu.memory_space<vmem>>) dst(%dma_wait3A_290 : memref<10240x128xf32, #tpu.memory_space<vmem_shared>>)
      %dma_start3A_291 = arith.constant 9 : i32
      %dma_start3A_292 = arith.constant 0 : i32
      %dma_start3A_293 = tpu.memref_slice %arg7[%dma_start3A_291, %dma_start3A_292] : memref<16x128xi32, #tpu.memory_space<vmem>> -> memref<1x128xi32, #tpu.memory_space<vmem>>
      %dma_start3A_294 = tpu.memref_squeeze %dma_start3A_293 : memref<1x128xi32, #tpu.memory_space<vmem>> -> memref<128xi32, #tpu.memory_space<vmem>>
      %dma_start3A_295 = arith.constant 0 : i32
      %dma_start3A_296 = arith.constant 0 : i32
      %dma_start3A_297 = tpu.memref_slice %arg2[%dma_start3A_295, %dma_start3A_296] : memref<10240x128xf32, #tpu.memory_space<hbm>> -> memref<10240x128xf32, #tpu.memory_space<hbm>>
      tpu.enqueue_indirect_dma source(%dma_start3A_297 : memref<10240x128xf32, #tpu.memory_space<hbm>>) target(%arg10 : memref<128x128xf32, #tpu.memory_space<vmem>>) offsets(%dma_start3A_294 : memref<128xi32, #tpu.memory_space<vmem>>) semaphore(%arg13 : memref<!tpu.dma_semaphore, #tpu.memory_space<semaphore_mem>>)
      %dma_wait3A_298 = arith.constant 9 : i32
      %dma_wait3A_299 = arith.constant 0 : i32
      %dma_wait3A_300 = tpu.memref_slice %arg7[%dma_wait3A_298, %dma_wait3A_299] : memref<16x128xi32, #tpu.memory_space<vmem>> -> memref<1x128xi32, #tpu.memory_space<vmem>>
      %dma_wait3A_301 = tpu.memref_squeeze %dma_wait3A_300 : memref<1x128xi32, #tpu.memory_space<vmem>> -> memref<128xi32, #tpu.memory_space<vmem>>
      %dma_wait3A_302 = arith.constant 0 : i32
      %dma_wait3A_303 = arith.constant 0 : i32
      %dma_wait3A_304 = tpu.memref_slice %arg2[%dma_wait3A_302, %dma_wait3A_303] : memref<10240x128xf32, #tpu.memory_space<hbm>> -> memref<10240x128xf32, #tpu.memory_space<hbm>>
      tpu.wait_indirect_dma semaphore(%arg13 : memref<!tpu.dma_semaphore, #tpu.memory_space<semaphore_mem>>) src(%dma_wait3A_304 : memref<10240x128xf32, #tpu.memory_space<hbm>>) dst(%arg10 : memref<128x128xf32, #tpu.memory_space<vmem>>)
      %dma_start3A_305 = arith.constant 9 : i32
      %dma_start3A_306 = arith.constant 0 : i32
      %dma_start3A_307 = tpu.memref_slice %arg8[%dma_start3A_305, %dma_start3A_306] : memref<16x128xi32, #tpu.memory_space<vmem>> -> memref<1x128xi32, #tpu.memory_space<vmem>>
      %dma_start3A_308 = tpu.memref_squeeze %dma_start3A_307 : memref<1x128xi32, #tpu.memory_space<vmem>> -> memref<128xi32, #tpu.memory_space<vmem>>
      %dma_start3A_309 = arith.constant 0 : i32
      %dma_start3A_310 = arith.constant 0 : i32
      %dma_start3A_311 = tpu.memref_slice %arg6[%dma_start3A_309, %dma_start3A_310] : memref<10240x128xf32, #tpu.memory_space<vmem_shared>> -> memref<10240x128xf32, #tpu.memory_space<vmem_shared>>
      tpu.enqueue_indirect_dma source(%arg10 : memref<128x128xf32, #tpu.memory_space<vmem>>) target(%dma_start3A_311 : memref<10240x128xf32, #tpu.memory_space<vmem_shared>>) offsets(%dma_start3A_308 : memref<128xi32, #tpu.memory_space<vmem>>) semaphore(%arg15 : memref<!tpu.dma_semaphore, #tpu.memory_space<semaphore_mem>>) {add = true}
      %dma_wait3A_312 = arith.constant 8 : i32
      %dma_wait3A_313 = arith.constant 0 : i32
      %dma_wait3A_314 = tpu.memref_slice %arg8[%dma_wait3A_312, %dma_wait3A_313] : memref<16x128xi32, #tpu.memory_space<vmem>> -> memref<1x128xi32, #tpu.memory_space<vmem>>
      %dma_wait3A_315 = tpu.memref_squeeze %dma_wait3A_314 : memref<1x128xi32, #tpu.memory_space<vmem>> -> memref<128xi32, #tpu.memory_space<vmem>>
      %dma_wait3A_316 = arith.constant 0 : i32
      %dma_wait3A_317 = arith.constant 0 : i32
      %dma_wait3A_318 = tpu.memref_slice %arg6[%dma_wait3A_316, %dma_wait3A_317] : memref<10240x128xf32, #tpu.memory_space<vmem_shared>> -> memref<10240x128xf32, #tpu.memory_space<vmem_shared>>
      tpu.wait_indirect_dma semaphore(%arg14 : memref<!tpu.dma_semaphore, #tpu.memory_space<semaphore_mem>>) src(%arg9 : memref<128x128xf32, #tpu.memory_space<vmem>>) dst(%dma_wait3A_318 : memref<10240x128xf32, #tpu.memory_space<vmem_shared>>)
      %dma_start3A_319 = arith.constant 10 : i32
      %dma_start3A_320 = arith.constant 0 : i32
      %dma_start3A_321 = tpu.memref_slice %arg7[%dma_start3A_319, %dma_start3A_320] : memref<16x128xi32, #tpu.memory_space<vmem>> -> memref<1x128xi32, #tpu.memory_space<vmem>>
      %dma_start3A_322 = tpu.memref_squeeze %dma_start3A_321 : memref<1x128xi32, #tpu.memory_space<vmem>> -> memref<128xi32, #tpu.memory_space<vmem>>
      %dma_start3A_323 = arith.constant 0 : i32
      %dma_start3A_324 = arith.constant 0 : i32
      %dma_start3A_325 = tpu.memref_slice %arg2[%dma_start3A_323, %dma_start3A_324] : memref<10240x128xf32, #tpu.memory_space<hbm>> -> memref<10240x128xf32, #tpu.memory_space<hbm>>
      tpu.enqueue_indirect_dma source(%dma_start3A_325 : memref<10240x128xf32, #tpu.memory_space<hbm>>) target(%arg9 : memref<128x128xf32, #tpu.memory_space<vmem>>) offsets(%dma_start3A_322 : memref<128xi32, #tpu.memory_space<vmem>>) semaphore(%arg12 : memref<!tpu.dma_semaphore, #tpu.memory_space<semaphore_mem>>)
      %dma_wait3A_326 = arith.constant 10 : i32
      %dma_wait3A_327 = arith.constant 0 : i32
      %dma_wait3A_328 = tpu.memref_slice %arg7[%dma_wait3A_326, %dma_wait3A_327] : memref<16x128xi32, #tpu.memory_space<vmem>> -> memref<1x128xi32, #tpu.memory_space<vmem>>
      %dma_wait3A_329 = tpu.memref_squeeze %dma_wait3A_328 : memref<1x128xi32, #tpu.memory_space<vmem>> -> memref<128xi32, #tpu.memory_space<vmem>>
      %dma_wait3A_330 = arith.constant 0 : i32
      %dma_wait3A_331 = arith.constant 0 : i32
      %dma_wait3A_332 = tpu.memref_slice %arg2[%dma_wait3A_330, %dma_wait3A_331] : memref<10240x128xf32, #tpu.memory_space<hbm>> -> memref<10240x128xf32, #tpu.memory_space<hbm>>
      tpu.wait_indirect_dma semaphore(%arg12 : memref<!tpu.dma_semaphore, #tpu.memory_space<semaphore_mem>>) src(%dma_wait3A_332 : memref<10240x128xf32, #tpu.memory_space<hbm>>) dst(%arg9 : memref<128x128xf32, #tpu.memory_space<vmem>>)
      %dma_start3A_333 = arith.constant 10 : i32
      %dma_start3A_334 = arith.constant 0 : i32
      %dma_start3A_335 = tpu.memref_slice %arg8[%dma_start3A_333, %dma_start3A_334] : memref<16x128xi32, #tpu.memory_space<vmem>> -> memref<1x128xi32, #tpu.memory_space<vmem>>
      %dma_start3A_336 = tpu.memref_squeeze %dma_start3A_335 : memref<1x128xi32, #tpu.memory_space<vmem>> -> memref<128xi32, #tpu.memory_space<vmem>>
      %dma_start3A_337 = arith.constant 0 : i32
      %dma_start3A_338 = arith.constant 0 : i32
      %dma_start3A_339 = tpu.memref_slice %arg6[%dma_start3A_337, %dma_start3A_338] : memref<10240x128xf32, #tpu.memory_space<vmem_shared>> -> memref<10240x128xf32, #tpu.memory_space<vmem_shared>>
      tpu.enqueue_indirect_dma source(%arg9 : memref<128x128xf32, #tpu.memory_space<vmem>>) target(%dma_start3A_339 : memref<10240x128xf32, #tpu.memory_space<vmem_shared>>) offsets(%dma_start3A_336 : memref<128xi32, #tpu.memory_space<vmem>>) semaphore(%arg14 : memref<!tpu.dma_semaphore, #tpu.memory_space<semaphore_mem>>) {add = true}
      %dma_wait3A_340 = arith.constant 9 : i32
      %dma_wait3A_341 = arith.constant 0 : i32
      %dma_wait3A_342 = tpu.memref_slice %arg8[%dma_wait3A_340, %dma_wait3A_341] : memref<16x128xi32, #tpu.memory_space<vmem>> -> memref<1x128xi32, #tpu.memory_space<vmem>>
      %dma_wait3A_343 = tpu.memref_squeeze %dma_wait3A_342 : memref<1x128xi32, #tpu.memory_space<vmem>> -> memref<128xi32, #tpu.memory_space<vmem>>
      %dma_wait3A_344 = arith.constant 0 : i32
      %dma_wait3A_345 = arith.constant 0 : i32
      %dma_wait3A_346 = tpu.memref_slice %arg6[%dma_wait3A_344, %dma_wait3A_345] : memref<10240x128xf32, #tpu.memory_space<vmem_shared>> -> memref<10240x128xf32, #tpu.memory_space<vmem_shared>>
      tpu.wait_indirect_dma semaphore(%arg15 : memref<!tpu.dma_semaphore, #tpu.memory_space<semaphore_mem>>) src(%arg10 : memref<128x128xf32, #tpu.memory_space<vmem>>) dst(%dma_wait3A_346 : memref<10240x128xf32, #tpu.memory_space<vmem_shared>>)
      %dma_start3A_347 = arith.constant 11 : i32
      %dma_start3A_348 = arith.constant 0 : i32
      %dma_start3A_349 = tpu.memref_slice %arg7[%dma_start3A_347, %dma_start3A_348] : memref<16x128xi32, #tpu.memory_space<vmem>> -> memref<1x128xi32, #tpu.memory_space<vmem>>
      %dma_start3A_350 = tpu.memref_squeeze %dma_start3A_349 : memref<1x128xi32, #tpu.memory_space<vmem>> -> memref<128xi32, #tpu.memory_space<vmem>>
      %dma_start3A_351 = arith.constant 0 : i32
      %dma_start3A_352 = arith.constant 0 : i32
      %dma_start3A_353 = tpu.memref_slice %arg2[%dma_start3A_351, %dma_start3A_352] : memref<10240x128xf32, #tpu.memory_space<hbm>> -> memref<10240x128xf32, #tpu.memory_space<hbm>>
      tpu.enqueue_indirect_dma source(%dma_start3A_353 : memref<10240x128xf32, #tpu.memory_space<hbm>>) target(%arg10 : memref<128x128xf32, #tpu.memory_space<vmem>>) offsets(%dma_start3A_350 : memref<128xi32, #tpu.memory_space<vmem>>) semaphore(%arg13 : memref<!tpu.dma_semaphore, #tpu.memory_space<semaphore_mem>>)
      %dma_wait3A_354 = arith.constant 11 : i32
      %dma_wait3A_355 = arith.constant 0 : i32
      %dma_wait3A_356 = tpu.memref_slice %arg7[%dma_wait3A_354, %dma_wait3A_355] : memref<16x128xi32, #tpu.memory_space<vmem>> -> memref<1x128xi32, #tpu.memory_space<vmem>>
      %dma_wait3A_357 = tpu.memref_squeeze %dma_wait3A_356 : memref<1x128xi32, #tpu.memory_space<vmem>> -> memref<128xi32, #tpu.memory_space<vmem>>
      %dma_wait3A_358 = arith.constant 0 : i32
      %dma_wait3A_359 = arith.constant 0 : i32
      %dma_wait3A_360 = tpu.memref_slice %arg2[%dma_wait3A_358, %dma_wait3A_359] : memref<10240x128xf32, #tpu.memory_space<hbm>> -> memref<10240x128xf32, #tpu.memory_space<hbm>>
      tpu.wait_indirect_dma semaphore(%arg13 : memref<!tpu.dma_semaphore, #tpu.memory_space<semaphore_mem>>) src(%dma_wait3A_360 : memref<10240x128xf32, #tpu.memory_space<hbm>>) dst(%arg10 : memref<128x128xf32, #tpu.memory_space<vmem>>)
      %dma_start3A_361 = arith.constant 11 : i32
      %dma_start3A_362 = arith.constant 0 : i32
      %dma_start3A_363 = tpu.memref_slice %arg8[%dma_start3A_361, %dma_start3A_362] : memref<16x128xi32, #tpu.memory_space<vmem>> -> memref<1x128xi32, #tpu.memory_space<vmem>>
      %dma_start3A_364 = tpu.memref_squeeze %dma_start3A_363 : memref<1x128xi32, #tpu.memory_space<vmem>> -> memref<128xi32, #tpu.memory_space<vmem>>
      %dma_start3A_365 = arith.constant 0 : i32
      %dma_start3A_366 = arith.constant 0 : i32
      %dma_start3A_367 = tpu.memref_slice %arg6[%dma_start3A_365, %dma_start3A_366] : memref<10240x128xf32, #tpu.memory_space<vmem_shared>> -> memref<10240x128xf32, #tpu.memory_space<vmem_shared>>
      tpu.enqueue_indirect_dma source(%arg10 : memref<128x128xf32, #tpu.memory_space<vmem>>) target(%dma_start3A_367 : memref<10240x128xf32, #tpu.memory_space<vmem_shared>>) offsets(%dma_start3A_364 : memref<128xi32, #tpu.memory_space<vmem>>) semaphore(%arg15 : memref<!tpu.dma_semaphore, #tpu.memory_space<semaphore_mem>>) {add = true}
      %dma_wait3A_368 = arith.constant 10 : i32
      %dma_wait3A_369 = arith.constant 0 : i32
      %dma_wait3A_370 = tpu.memref_slice %arg8[%dma_wait3A_368, %dma_wait3A_369] : memref<16x128xi32, #tpu.memory_space<vmem>> -> memref<1x128xi32, #tpu.memory_space<vmem>>
      %dma_wait3A_371 = tpu.memref_squeeze %dma_wait3A_370 : memref<1x128xi32, #tpu.memory_space<vmem>> -> memref<128xi32, #tpu.memory_space<vmem>>
      %dma_wait3A_372 = arith.constant 0 : i32
      %dma_wait3A_373 = arith.constant 0 : i32
      %dma_wait3A_374 = tpu.memref_slice %arg6[%dma_wait3A_372, %dma_wait3A_373] : memref<10240x128xf32, #tpu.memory_space<vmem_shared>> -> memref<10240x128xf32, #tpu.memory_space<vmem_shared>>
      tpu.wait_indirect_dma semaphore(%arg14 : memref<!tpu.dma_semaphore, #tpu.memory_space<semaphore_mem>>) src(%arg9 : memref<128x128xf32, #tpu.memory_space<vmem>>) dst(%dma_wait3A_374 : memref<10240x128xf32, #tpu.memory_space<vmem_shared>>)
      %dma_start3A_375 = arith.constant 12 : i32
      %dma_start3A_376 = arith.constant 0 : i32
      %dma_start3A_377 = tpu.memref_slice %arg7[%dma_start3A_375, %dma_start3A_376] : memref<16x128xi32, #tpu.memory_space<vmem>> -> memref<1x128xi32, #tpu.memory_space<vmem>>
      %dma_start3A_378 = tpu.memref_squeeze %dma_start3A_377 : memref<1x128xi32, #tpu.memory_space<vmem>> -> memref<128xi32, #tpu.memory_space<vmem>>
      %dma_start3A_379 = arith.constant 0 : i32
      %dma_start3A_380 = arith.constant 0 : i32
      %dma_start3A_381 = tpu.memref_slice %arg2[%dma_start3A_379, %dma_start3A_380] : memref<10240x128xf32, #tpu.memory_space<hbm>> -> memref<10240x128xf32, #tpu.memory_space<hbm>>
      tpu.enqueue_indirect_dma source(%dma_start3A_381 : memref<10240x128xf32, #tpu.memory_space<hbm>>) target(%arg9 : memref<128x128xf32, #tpu.memory_space<vmem>>) offsets(%dma_start3A_378 : memref<128xi32, #tpu.memory_space<vmem>>) semaphore(%arg12 : memref<!tpu.dma_semaphore, #tpu.memory_space<semaphore_mem>>)
      %dma_wait3A_382 = arith.constant 12 : i32
      %dma_wait3A_383 = arith.constant 0 : i32
      %dma_wait3A_384 = tpu.memref_slice %arg7[%dma_wait3A_382, %dma_wait3A_383] : memref<16x128xi32, #tpu.memory_space<vmem>> -> memref<1x128xi32, #tpu.memory_space<vmem>>
      %dma_wait3A_385 = tpu.memref_squeeze %dma_wait3A_384 : memref<1x128xi32, #tpu.memory_space<vmem>> -> memref<128xi32, #tpu.memory_space<vmem>>
      %dma_wait3A_386 = arith.constant 0 : i32
      %dma_wait3A_387 = arith.constant 0 : i32
      %dma_wait3A_388 = tpu.memref_slice %arg2[%dma_wait3A_386, %dma_wait3A_387] : memref<10240x128xf32, #tpu.memory_space<hbm>> -> memref<10240x128xf32, #tpu.memory_space<hbm>>
      tpu.wait_indirect_dma semaphore(%arg12 : memref<!tpu.dma_semaphore, #tpu.memory_space<semaphore_mem>>) src(%dma_wait3A_388 : memref<10240x128xf32, #tpu.memory_space<hbm>>) dst(%arg9 : memref<128x128xf32, #tpu.memory_space<vmem>>)
      %dma_start3A_389 = arith.constant 12 : i32
      %dma_start3A_390 = arith.constant 0 : i32
      %dma_start3A_391 = tpu.memref_slice %arg8[%dma_start3A_389, %dma_start3A_390] : memref<16x128xi32, #tpu.memory_space<vmem>> -> memref<1x128xi32, #tpu.memory_space<vmem>>
      %dma_start3A_392 = tpu.memref_squeeze %dma_start3A_391 : memref<1x128xi32, #tpu.memory_space<vmem>> -> memref<128xi32, #tpu.memory_space<vmem>>
      %dma_start3A_393 = arith.constant 0 : i32
      %dma_start3A_394 = arith.constant 0 : i32
      %dma_start3A_395 = tpu.memref_slice %arg6[%dma_start3A_393, %dma_start3A_394] : memref<10240x128xf32, #tpu.memory_space<vmem_shared>> -> memref<10240x128xf32, #tpu.memory_space<vmem_shared>>
      tpu.enqueue_indirect_dma source(%arg9 : memref<128x128xf32, #tpu.memory_space<vmem>>) target(%dma_start3A_395 : memref<10240x128xf32, #tpu.memory_space<vmem_shared>>) offsets(%dma_start3A_392 : memref<128xi32, #tpu.memory_space<vmem>>) semaphore(%arg14 : memref<!tpu.dma_semaphore, #tpu.memory_space<semaphore_mem>>) {add = true}
      %dma_wait3A_396 = arith.constant 11 : i32
      %dma_wait3A_397 = arith.constant 0 : i32
      %dma_wait3A_398 = tpu.memref_slice %arg8[%dma_wait3A_396, %dma_wait3A_397] : memref<16x128xi32, #tpu.memory_space<vmem>> -> memref<1x128xi32, #tpu.memory_space<vmem>>
      %dma_wait3A_399 = tpu.memref_squeeze %dma_wait3A_398 : memref<1x128xi32, #tpu.memory_space<vmem>> -> memref<128xi32, #tpu.memory_space<vmem>>
      %dma_wait3A_400 = arith.constant 0 : i32
      %dma_wait3A_401 = arith.constant 0 : i32
      %dma_wait3A_402 = tpu.memref_slice %arg6[%dma_wait3A_400, %dma_wait3A_401] : memref<10240x128xf32, #tpu.memory_space<vmem_shared>> -> memref<10240x128xf32, #tpu.memory_space<vmem_shared>>
      tpu.wait_indirect_dma semaphore(%arg15 : memref<!tpu.dma_semaphore, #tpu.memory_space<semaphore_mem>>) src(%arg10 : memref<128x128xf32, #tpu.memory_space<vmem>>) dst(%dma_wait3A_402 : memref<10240x128xf32, #tpu.memory_space<vmem_shared>>)
      %dma_start3A_403 = arith.constant 13 : i32
      %dma_start3A_404 = arith.constant 0 : i32
      %dma_start3A_405 = tpu.memref_slice %arg7[%dma_start3A_403, %dma_start3A_404] : memref<16x128xi32, #tpu.memory_space<vmem>> -> memref<1x128xi32, #tpu.memory_space<vmem>>
      %dma_start3A_406 = tpu.memref_squeeze %dma_start3A_405 : memref<1x128xi32, #tpu.memory_space<vmem>> -> memref<128xi32, #tpu.memory_space<vmem>>
      %dma_start3A_407 = arith.constant 0 : i32
      %dma_start3A_408 = arith.constant 0 : i32
      %dma_start3A_409 = tpu.memref_slice %arg2[%dma_start3A_407, %dma_start3A_408] : memref<10240x128xf32, #tpu.memory_space<hbm>> -> memref<10240x128xf32, #tpu.memory_space<hbm>>
      tpu.enqueue_indirect_dma source(%dma_start3A_409 : memref<10240x128xf32, #tpu.memory_space<hbm>>) target(%arg10 : memref<128x128xf32, #tpu.memory_space<vmem>>) offsets(%dma_start3A_406 : memref<128xi32, #tpu.memory_space<vmem>>) semaphore(%arg13 : memref<!tpu.dma_semaphore, #tpu.memory_space<semaphore_mem>>)
      %dma_wait3A_410 = arith.constant 13 : i32
      %dma_wait3A_411 = arith.constant 0 : i32
      %dma_wait3A_412 = tpu.memref_slice %arg7[%dma_wait3A_410, %dma_wait3A_411] : memref<16x128xi32, #tpu.memory_space<vmem>> -> memref<1x128xi32, #tpu.memory_space<vmem>>
      %dma_wait3A_413 = tpu.memref_squeeze %dma_wait3A_412 : memref<1x128xi32, #tpu.memory_space<vmem>> -> memref<128xi32, #tpu.memory_space<vmem>>
      %dma_wait3A_414 = arith.constant 0 : i32
      %dma_wait3A_415 = arith.constant 0 : i32
      %dma_wait3A_416 = tpu.memref_slice %arg2[%dma_wait3A_414, %dma_wait3A_415] : memref<10240x128xf32, #tpu.memory_space<hbm>> -> memref<10240x128xf32, #tpu.memory_space<hbm>>
      tpu.wait_indirect_dma semaphore(%arg13 : memref<!tpu.dma_semaphore, #tpu.memory_space<semaphore_mem>>) src(%dma_wait3A_416 : memref<10240x128xf32, #tpu.memory_space<hbm>>) dst(%arg10 : memref<128x128xf32, #tpu.memory_space<vmem>>)
      %dma_start3A_417 = arith.constant 13 : i32
      %dma_start3A_418 = arith.constant 0 : i32
      %dma_start3A_419 = tpu.memref_slice %arg8[%dma_start3A_417, %dma_start3A_418] : memref<16x128xi32, #tpu.memory_space<vmem>> -> memref<1x128xi32, #tpu.memory_space<vmem>>
      %dma_start3A_420 = tpu.memref_squeeze %dma_start3A_419 : memref<1x128xi32, #tpu.memory_space<vmem>> -> memref<128xi32, #tpu.memory_space<vmem>>
      %dma_start3A_421 = arith.constant 0 : i32
      %dma_start3A_422 = arith.constant 0 : i32
      %dma_start3A_423 = tpu.memref_slice %arg6[%dma_start3A_421, %dma_start3A_422] : memref<10240x128xf32, #tpu.memory_space<vmem_shared>> -> memref<10240x128xf32, #tpu.memory_space<vmem_shared>>
      tpu.enqueue_indirect_dma source(%arg10 : memref<128x128xf32, #tpu.memory_space<vmem>>) target(%dma_start3A_423 : memref<10240x128xf32, #tpu.memory_space<vmem_shared>>) offsets(%dma_start3A_420 : memref<128xi32, #tpu.memory_space<vmem>>) semaphore(%arg15 : memref<!tpu.dma_semaphore, #tpu.memory_space<semaphore_mem>>) {add = true}
      %dma_wait3A_424 = arith.constant 12 : i32
      %dma_wait3A_425 = arith.constant 0 : i32
      %dma_wait3A_426 = tpu.memref_slice %arg8[%dma_wait3A_424, %dma_wait3A_425] : memref<16x128xi32, #tpu.memory_space<vmem>> -> memref<1x128xi32, #tpu.memory_space<vmem>>
      %dma_wait3A_427 = tpu.memref_squeeze %dma_wait3A_426 : memref<1x128xi32, #tpu.memory_space<vmem>> -> memref<128xi32, #tpu.memory_space<vmem>>
      %dma_wait3A_428 = arith.constant 0 : i32
      %dma_wait3A_429 = arith.constant 0 : i32
      %dma_wait3A_430 = tpu.memref_slice %arg6[%dma_wait3A_428, %dma_wait3A_429] : memref<10240x128xf32, #tpu.memory_space<vmem_shared>> -> memref<10240x128xf32, #tpu.memory_space<vmem_shared>>
      tpu.wait_indirect_dma semaphore(%arg14 : memref<!tpu.dma_semaphore, #tpu.memory_space<semaphore_mem>>) src(%arg9 : memref<128x128xf32, #tpu.memory_space<vmem>>) dst(%dma_wait3A_430 : memref<10240x128xf32, #tpu.memory_space<vmem_shared>>)
      %dma_start3A_431 = arith.constant 14 : i32
      %dma_start3A_432 = arith.constant 0 : i32
      %dma_start3A_433 = tpu.memref_slice %arg7[%dma_start3A_431, %dma_start3A_432] : memref<16x128xi32, #tpu.memory_space<vmem>> -> memref<1x128xi32, #tpu.memory_space<vmem>>
      %dma_start3A_434 = tpu.memref_squeeze %dma_start3A_433 : memref<1x128xi32, #tpu.memory_space<vmem>> -> memref<128xi32, #tpu.memory_space<vmem>>
      %dma_start3A_435 = arith.constant 0 : i32
      %dma_start3A_436 = arith.constant 0 : i32
      %dma_start3A_437 = tpu.memref_slice %arg2[%dma_start3A_435, %dma_start3A_436] : memref<10240x128xf32, #tpu.memory_space<hbm>> -> memref<10240x128xf32, #tpu.memory_space<hbm>>
      tpu.enqueue_indirect_dma source(%dma_start3A_437 : memref<10240x128xf32, #tpu.memory_space<hbm>>) target(%arg9 : memref<128x128xf32, #tpu.memory_space<vmem>>) offsets(%dma_start3A_434 : memref<128xi32, #tpu.memory_space<vmem>>) semaphore(%arg12 : memref<!tpu.dma_semaphore, #tpu.memory_space<semaphore_mem>>)
      %dma_wait3A_438 = arith.constant 14 : i32
      %dma_wait3A_439 = arith.constant 0 : i32
      %dma_wait3A_440 = tpu.memref_slice %arg7[%dma_wait3A_438, %dma_wait3A_439] : memref<16x128xi32, #tpu.memory_space<vmem>> -> memref<1x128xi32, #tpu.memory_space<vmem>>
      %dma_wait3A_441 = tpu.memref_squeeze %dma_wait3A_440 : memref<1x128xi32, #tpu.memory_space<vmem>> -> memref<128xi32, #tpu.memory_space<vmem>>
      %dma_wait3A_442 = arith.constant 0 : i32
      %dma_wait3A_443 = arith.constant 0 : i32
      %dma_wait3A_444 = tpu.memref_slice %arg2[%dma_wait3A_442, %dma_wait3A_443] : memref<10240x128xf32, #tpu.memory_space<hbm>> -> memref<10240x128xf32, #tpu.memory_space<hbm>>
      tpu.wait_indirect_dma semaphore(%arg12 : memref<!tpu.dma_semaphore, #tpu.memory_space<semaphore_mem>>) src(%dma_wait3A_444 : memref<10240x128xf32, #tpu.memory_space<hbm>>) dst(%arg9 : memref<128x128xf32, #tpu.memory_space<vmem>>)
      %dma_start3A_445 = arith.constant 14 : i32
      %dma_start3A_446 = arith.constant 0 : i32
      %dma_start3A_447 = tpu.memref_slice %arg8[%dma_start3A_445, %dma_start3A_446] : memref<16x128xi32, #tpu.memory_space<vmem>> -> memref<1x128xi32, #tpu.memory_space<vmem>>
      %dma_start3A_448 = tpu.memref_squeeze %dma_start3A_447 : memref<1x128xi32, #tpu.memory_space<vmem>> -> memref<128xi32, #tpu.memory_space<vmem>>
      %dma_start3A_449 = arith.constant 0 : i32
      %dma_start3A_450 = arith.constant 0 : i32
      %dma_start3A_451 = tpu.memref_slice %arg6[%dma_start3A_449, %dma_start3A_450] : memref<10240x128xf32, #tpu.memory_space<vmem_shared>> -> memref<10240x128xf32, #tpu.memory_space<vmem_shared>>
      tpu.enqueue_indirect_dma source(%arg9 : memref<128x128xf32, #tpu.memory_space<vmem>>) target(%dma_start3A_451 : memref<10240x128xf32, #tpu.memory_space<vmem_shared>>) offsets(%dma_start3A_448 : memref<128xi32, #tpu.memory_space<vmem>>) semaphore(%arg14 : memref<!tpu.dma_semaphore, #tpu.memory_space<semaphore_mem>>) {add = true}
      %dma_wait3A_452 = arith.constant 13 : i32
      %dma_wait3A_453 = arith.constant 0 : i32
      %dma_wait3A_454 = tpu.memref_slice %arg8[%dma_wait3A_452, %dma_wait3A_453] : memref<16x128xi32, #tpu.memory_space<vmem>> -> memref<1x128xi32, #tpu.memory_space<vmem>>
      %dma_wait3A_455 = tpu.memref_squeeze %dma_wait3A_454 : memref<1x128xi32, #tpu.memory_space<vmem>> -> memref<128xi32, #tpu.memory_space<vmem>>
      %dma_wait3A_456 = arith.constant 0 : i32
      %dma_wait3A_457 = arith.constant 0 : i32
      %dma_wait3A_458 = tpu.memref_slice %arg6[%dma_wait3A_456, %dma_wait3A_457] : memref<10240x128xf32, #tpu.memory_space<vmem_shared>> -> memref<10240x128xf32, #tpu.memory_space<vmem_shared>>
      tpu.wait_indirect_dma semaphore(%arg15 : memref<!tpu.dma_semaphore, #tpu.memory_space<semaphore_mem>>) src(%arg10 : memref<128x128xf32, #tpu.memory_space<vmem>>) dst(%dma_wait3A_458 : memref<10240x128xf32, #tpu.memory_space<vmem_shared>>)
      %dma_start3A_459 = arith.constant 15 : i32
      %dma_start3A_460 = arith.constant 0 : i32
      %dma_start3A_461 = tpu.memref_slice %arg7[%dma_start3A_459, %dma_start3A_460] : memref<16x128xi32, #tpu.memory_space<vmem>> -> memref<1x128xi32, #tpu.memory_space<vmem>>
      %dma_start3A_462 = tpu.memref_squeeze %dma_start3A_461 : memref<1x128xi32, #tpu.memory_space<vmem>> -> memref<128xi32, #tpu.memory_space<vmem>>
      %dma_start3A_463 = arith.constant 0 : i32
      %dma_start3A_464 = arith.constant 0 : i32
      %dma_start3A_465 = tpu.memref_slice %arg2[%dma_start3A_463, %dma_start3A_464] : memref<10240x128xf32, #tpu.memory_space<hbm>> -> memref<10240x128xf32, #tpu.memory_space<hbm>>
      tpu.enqueue_indirect_dma source(%dma_start3A_465 : memref<10240x128xf32, #tpu.memory_space<hbm>>) target(%arg10 : memref<128x128xf32, #tpu.memory_space<vmem>>) offsets(%dma_start3A_462 : memref<128xi32, #tpu.memory_space<vmem>>) semaphore(%arg13 : memref<!tpu.dma_semaphore, #tpu.memory_space<semaphore_mem>>)
      %dma_wait3A_466 = arith.constant 15 : i32
      %dma_wait3A_467 = arith.constant 0 : i32
      %dma_wait3A_468 = tpu.memref_slice %arg7[%dma_wait3A_466, %dma_wait3A_467] : memref<16x128xi32, #tpu.memory_space<vmem>> -> memref<1x128xi32, #tpu.memory_space<vmem>>
      %dma_wait3A_469 = tpu.memref_squeeze %dma_wait3A_468 : memref<1x128xi32, #tpu.memory_space<vmem>> -> memref<128xi32, #tpu.memory_space<vmem>>
      %dma_wait3A_470 = arith.constant 0 : i32
      %dma_wait3A_471 = arith.constant 0 : i32
      %dma_wait3A_472 = tpu.memref_slice %arg2[%dma_wait3A_470, %dma_wait3A_471] : memref<10240x128xf32, #tpu.memory_space<hbm>> -> memref<10240x128xf32, #tpu.memory_space<hbm>>
      tpu.wait_indirect_dma semaphore(%arg13 : memref<!tpu.dma_semaphore, #tpu.memory_space<semaphore_mem>>) src(%dma_wait3A_472 : memref<10240x128xf32, #tpu.memory_space<hbm>>) dst(%arg10 : memref<128x128xf32, #tpu.memory_space<vmem>>)
      %dma_start3A_473 = arith.constant 15 : i32
      %dma_start3A_474 = arith.constant 0 : i32
      %dma_start3A_475 = tpu.memref_slice %arg8[%dma_start3A_473, %dma_start3A_474] : memref<16x128xi32, #tpu.memory_space<vmem>> -> memref<1x128xi32, #tpu.memory_space<vmem>>
      %dma_start3A_476 = tpu.memref_squeeze %dma_start3A_475 : memref<1x128xi32, #tpu.memory_space<vmem>> -> memref<128xi32, #tpu.memory_space<vmem>>
      %dma_start3A_477 = arith.constant 0 : i32
      %dma_start3A_478 = arith.constant 0 : i32
      %dma_start3A_479 = tpu.memref_slice %arg6[%dma_start3A_477, %dma_start3A_478] : memref<10240x128xf32, #tpu.memory_space<vmem_shared>> -> memref<10240x128xf32, #tpu.memory_space<vmem_shared>>
      tpu.enqueue_indirect_dma source(%arg10 : memref<128x128xf32, #tpu.memory_space<vmem>>) target(%dma_start3A_479 : memref<10240x128xf32, #tpu.memory_space<vmem_shared>>) offsets(%dma_start3A_476 : memref<128xi32, #tpu.memory_space<vmem>>) semaphore(%arg15 : memref<!tpu.dma_semaphore, #tpu.memory_space<semaphore_mem>>) {add = true}
      %dma_wait3A_480 = arith.constant 14 : i32
      %dma_wait3A_481 = arith.constant 0 : i32
      %dma_wait3A_482 = tpu.memref_slice %arg8[%dma_wait3A_480, %dma_wait3A_481] : memref<16x128xi32, #tpu.memory_space<vmem>> -> memref<1x128xi32, #tpu.memory_space<vmem>>
      %dma_wait3A_483 = tpu.memref_squeeze %dma_wait3A_482 : memref<1x128xi32, #tpu.memory_space<vmem>> -> memref<128xi32, #tpu.memory_space<vmem>>
      %dma_wait3A_484 = arith.constant 0 : i32
      %dma_wait3A_485 = arith.constant 0 : i32
      %dma_wait3A_486 = tpu.memref_slice %arg6[%dma_wait3A_484, %dma_wait3A_485] : memref<10240x128xf32, #tpu.memory_space<vmem_shared>> -> memref<10240x128xf32, #tpu.memory_space<vmem_shared>>
      tpu.wait_indirect_dma semaphore(%arg14 : memref<!tpu.dma_semaphore, #tpu.memory_space<semaphore_mem>>) src(%arg9 : memref<128x128xf32, #tpu.memory_space<vmem>>) dst(%dma_wait3A_486 : memref<10240x128xf32, #tpu.memory_space<vmem_shared>>)
      %dma_wait3A_487 = arith.constant 15 : i32
      %dma_wait3A_488 = arith.constant 0 : i32
      %dma_wait3A_489 = tpu.memref_slice %arg8[%dma_wait3A_487, %dma_wait3A_488] : memref<16x128xi32, #tpu.memory_space<vmem>> -> memref<1x128xi32, #tpu.memory_space<vmem>>
      %dma_wait3A_490 = tpu.memref_squeeze %dma_wait3A_489 : memref<1x128xi32, #tpu.memory_space<vmem>> -> memref<128xi32, #tpu.memory_space<vmem>>
      %dma_wait3A_491 = arith.constant 0 : i32
      %dma_wait3A_492 = arith.constant 0 : i32
      %dma_wait3A_493 = tpu.memref_slice %arg6[%dma_wait3A_491, %dma_wait3A_492] : memref<10240x128xf32, #tpu.memory_space<vmem_shared>> -> memref<10240x128xf32, #tpu.memory_space<vmem_shared>>
      tpu.wait_indirect_dma semaphore(%arg15 : memref<!tpu.dma_semaphore, #tpu.memory_space<semaphore_mem>>) src(%arg10 : memref<128x128xf32, #tpu.memory_space<vmem>>) dst(%dma_wait3A_493 : memref<10240x128xf32, #tpu.memory_space<vmem_shared>>)
    }
    %barrier3A_41 = arith.constant 0 : index
    tpu.barrier barrier_id(%barrier3A_41)
    "tpu.region"() ({
      %run_scoped3A = tpu.sem_alloc : memref<!tpu.dma_semaphore, #tpu.memory_space<semaphore_mem>>
      %dma_start3A = arith.constant 0 : i32
      %dma_start3A_42 = tpu.memref_slice %arg5[%arg0, %mul3A_2, %dma_start3A] : memref<2x10240x128xf32, #tpu.memory_space<hbm>> -> memref<1x640x128xf32, #tpu.memory_space<hbm>>
      %dma_start3A_43 = tpu.memref_squeeze %dma_start3A_42 : memref<1x640x128xf32, #tpu.memory_space<hbm>> -> memref<640x128xf32, #tpu.memory_space<hbm>>
      %dma_start3A_44 = arith.constant 0 : i32
      %dma_start3A_45 = tpu.memref_slice %arg6[%mul3A_2, %dma_start3A_44] : memref<10240x128xf32, #tpu.memory_space<vmem_shared>> -> memref<640x128xf32, #tpu.memory_space<vmem_shared>>
      tpu.enqueue_dma source(%dma_start3A_45 : memref<640x128xf32, #tpu.memory_space<vmem_shared>>) target(%dma_start3A_43 : memref<640x128xf32, #tpu.memory_space<hbm>>) target_semaphore(%run_scoped3A : memref<!tpu.dma_semaphore, #tpu.memory_space<semaphore_mem>>)
      %dma_wait3A = arith.constant 0 : i32
      %dma_wait3A_46 = tpu.memref_slice %arg5[%arg0, %mul3A_2, %dma_wait3A] : memref<2x10240x128xf32, #tpu.memory_space<hbm>> -> memref<1x640x128xf32, #tpu.memory_space<hbm>>
      %dma_wait3A_47 = tpu.memref_squeeze %dma_wait3A_46 : memref<1x640x128xf32, #tpu.memory_space<hbm>> -> memref<640x128xf32, #tpu.memory_space<hbm>>
      %dma_wait3A_48 = arith.constant 0 : i32
      %dma_wait3A_49 = tpu.memref_slice %arg6[%mul3A_2, %dma_wait3A_48] : memref<10240x128xf32, #tpu.memory_space<vmem_shared>> -> memref<640x128xf32, #tpu.memory_space<vmem_shared>>
      tpu.wait_dma2 semaphore(%run_scoped3A : memref<!tpu.dma_semaphore, #tpu.memory_space<semaphore_mem>>) src(%dma_wait3A_49 : memref<640x128xf32, #tpu.memory_space<vmem_shared>>) dst(%dma_wait3A_47 : memref<640x128xf32, #tpu.memory_space<hbm>>)
      tpu.yield
    }) : () -> ()
    return
  }
}

module attributes {stable_mosaic.version = 14 : i64} {
  func.func @body(%arg0: i32, %arg1: memref<2x1024x128xf32, #tpu.memory_space<vmem>>, %arg2: memref<1024x2xf32, #tpu.memory_space<vmem>>, %arg3: memref<1024x128xf32, #tpu.memory_space<vmem>>, %arg4: memref<128x128xf32, #tpu.memory_space<vmem>>, %arg5: memref<128x128xf32, #tpu.memory_space<vmem>>, %arg6: memref<1x128xf32, #tpu.memory_space<vmem>>, %arg7: memref<1024x128xf32, #tpu.memory_space<vmem>>) attributes {dimension_semantics = [#tpu.dimension_semantics<arbitrary>], iteration_bounds = array<i64: 10>, scalar_prefetch = 0 : i64, scratch_operands = 0 : i64, tpu.core_type = #tpu.core_type<tc>, window_params = [{transform_indices = @transform_0, window_bounds = array<i64: 2, 1024, 128>}, {transform_indices = @transform_1, window_bounds = array<i64: 1024, 2>}, {transform_indices = @transform_2, window_bounds = array<i64: 1024, 128>}, {pipeline_mode = #tpu.pipeline_mode<synchronous>, transform_indices = @transform_3, window_bounds = array<i64: 128, 128>}, {pipeline_mode = #tpu.pipeline_mode<synchronous>, transform_indices = @transform_4, window_bounds = array<i64: 128, 128>}, {pipeline_mode = #tpu.pipeline_mode<synchronous>, transform_indices = @transform_5, window_bounds = array<i64: 1, 128>}, {transform_indices = @transform_6, window_bounds = array<i64: 1024, 128>}]} {
    %get3A = arith.constant 0 : index
    %get3A_0 = arith.constant 0 : index
    %get3A_1 = arith.constant 0 : index
    %get3A_2 = vector.load %arg1[%get3A, %get3A_0, %get3A_1] : memref<2x1024x128xf32, #tpu.memory_space<vmem>>, vector<1x1024x128xf32>
    %get3A_3 = vector.shape_cast %get3A_2 : vector<1x1024x128xf32> to vector<1024x128xf32>
    %get3A_4 = arith.constant 1 : index
    %get3A_5 = arith.constant 0 : index
    %get3A_6 = arith.constant 0 : index
    %get3A_7 = vector.load %arg1[%get3A_4, %get3A_5, %get3A_6] : memref<2x1024x128xf32, #tpu.memory_space<vmem>>, vector<1x1024x128xf32>
    %get3A_8 = vector.shape_cast %get3A_7 : vector<1x1024x128xf32> to vector<1024x128xf32>
    %add3A = arith.addf %get3A_3, %get3A_8 : vector<1024x128xf32>
    %get3A_9 = arith.constant 0 : index
    %get3A_10 = arith.constant 0 : index
    %get3A_11 = vector.load %arg2[%get3A_9, %get3A_10] : memref<1024x2xf32, #tpu.memory_space<vmem>>, vector<1024x1xf32>
    %get3A_12 = arith.constant 0 : index
    %get3A_13 = arith.constant 1 : index
    %get3A_14 = vector.load %arg2[%get3A_12, %get3A_13] : memref<1024x2xf32, #tpu.memory_space<vmem>>, vector<1024x1xf32>
    %add3A_15 = arith.addf %get3A_11, %get3A_14 : vector<1024x1xf32>
    %max3A = arith.constant 1.000000e+00 : f32
    %max3A_16 = vector.broadcast %max3A : f32 to vector<1024x1xf32>
    %max3A_17 = arith.maximumf %add3A_15, %max3A_16 : vector<1024x1xf32>
    %div3A = vector.broadcast %max3A_17 : vector<1024x1xf32> to vector<1024x128xf32>
    %div3A_18 = arith.divf %add3A, %div3A : vector<1024x128xf32>
    %get3A_19 = arith.constant 0 : index
    %get3A_20 = arith.constant 0 : index
    %get3A_21 = vector.load %arg4[%get3A_19, %get3A_20] : memref<128x128xf32, #tpu.memory_space<vmem>>, vector<128x128xf32>
    %dot_general3A = arith.constant dense<0.000000e+00> : vector<1024x128xf32>
    %dot_general3A_22 = tpu.matmul %div3A_18, %get3A_21, %dot_general3A {dimension_numbers = #tpu.dot_dimension_numbers<[1], [0], [0], [1], [0, 0, 1, 1], [], []>, transpose_lhs_hint = false} : vector<1024x128xf32>, vector<128x128xf32>, vector<1024x128xf32> -> vector<1024x128xf32>
    %get3A_23 = arith.constant 0 : index
    %get3A_24 = arith.constant 0 : index
    %get3A_25 = vector.load %arg3[%get3A_23, %get3A_24] : memref<1024x128xf32, #tpu.memory_space<vmem>>, vector<1024x128xf32>
    %get3A_26 = arith.constant 0 : index
    %get3A_27 = arith.constant 0 : index
    %get3A_28 = vector.load %arg5[%get3A_26, %get3A_27] : memref<128x128xf32, #tpu.memory_space<vmem>>, vector<128x128xf32>
    %dot_general3A_29 = arith.constant dense<0.000000e+00> : vector<1024x128xf32>
    %dot_general3A_30 = tpu.matmul %get3A_25, %get3A_28, %dot_general3A_29 {dimension_numbers = #tpu.dot_dimension_numbers<[1], [0], [0], [1], [0, 0, 1, 1], [], []>, transpose_lhs_hint = false} : vector<1024x128xf32>, vector<128x128xf32>, vector<1024x128xf32> -> vector<1024x128xf32>
    %add3A_31 = arith.addf %dot_general3A_22, %dot_general3A_30 : vector<1024x128xf32>
    %get3A_32 = arith.constant 0 : index
    %get3A_33 = arith.constant 0 : index
    %get3A_34 = vector.load %arg6[%get3A_32, %get3A_33] : memref<1x128xf32, #tpu.memory_space<vmem>>, vector<1x128xf32>
    %add3A_35 = vector.broadcast %get3A_34 : vector<1x128xf32> to vector<1024x128xf32>
    %add3A_36 = arith.addf %add3A_31, %add3A_35 : vector<1024x128xf32>
    %max3A_37 = arith.constant 0.000000e+00 : f32
    %max3A_38 = vector.broadcast %max3A_37 : f32 to vector<1024x128xf32>
    %max3A_39 = arith.maximumf %add3A_36, %max3A_38 : vector<1024x128xf32>
    %swap3A = arith.constant 0 : index
    %swap3A_40 = arith.constant 0 : index
    %swap3A_41 = vector.load %arg7[%swap3A, %swap3A_40] : memref<1024x128xf32, #tpu.memory_space<vmem>>, vector<1024x128xf32>
    tpu.vector_store %arg7[%swap3A, %swap3A_40], %max3A_39 {strides = array<i32>} : memref<1024x128xf32, #tpu.memory_space<vmem>>, vector<1024x128xf32>,
    return
  }
  func.func @transform_0(%arg0: i32) -> (i32, i32, i32) {
    %c0_i32 = arith.constant 0 : i32
    %c0_i32_0 = arith.constant 0 : i32
    %c0_i32_1 = arith.constant 0 : i32
    return %c0_i32, %arg0, %c0_i32_0 : i32, i32, i32
  }
  func.func @transform_1(%arg0: i32) -> (i32, i32) {
    %c0_i32 = arith.constant 0 : i32
    %c0_i32_0 = arith.constant 0 : i32
    return %arg0, %c0_i32 : i32, i32
  }
  func.func @transform_2(%arg0: i32) -> (i32, i32) {
    %c0_i32 = arith.constant 0 : i32
    %c0_i32_0 = arith.constant 0 : i32
    return %arg0, %c0_i32 : i32, i32
  }
  func.func @transform_3(%arg0: i32) -> (i32, i32) {
    %c0_i32 = arith.constant 0 : i32
    %c0_i32_0 = arith.constant 0 : i32
    %c0_i32_1 = arith.constant 0 : i32
    return %c0_i32, %c0_i32_0 : i32, i32
  }
  func.func @transform_4(%arg0: i32) -> (i32, i32) {
    %c0_i32 = arith.constant 0 : i32
    %c0_i32_0 = arith.constant 0 : i32
    %c0_i32_1 = arith.constant 0 : i32
    return %c0_i32, %c0_i32_0 : i32, i32
  }
  func.func @transform_5(%arg0: i32) -> (i32, i32) {
    %c0_i32 = arith.constant 0 : i32
    %c0_i32_0 = arith.constant 0 : i32
    %c0_i32_1 = arith.constant 0 : i32
    return %c0_i32, %c0_i32_0 : i32, i32
  }
  func.func @transform_6(%arg0: i32) -> (i32, i32) {
    %c0_i32 = arith.constant 0 : i32
    %c0_i32_0 = arith.constant 0 : i32
    return %arg0, %c0_i32 : i32, i32
  }
}

module attributes {stable_mosaic.version = 14 : i64} {
  func.func @body(%arg0: i32, %arg1: memref<2x1024x128xf32, #tpu.memory_space<vmem>>, %arg2: memref<1024x2xf32, #tpu.memory_space<vmem>>, %arg3: memref<1024x128xf32, #tpu.memory_space<vmem>>, %arg4: memref<128x128xf32, #tpu.memory_space<vmem>>, %arg5: memref<128x128xf32, #tpu.memory_space<vmem>>, %arg6: memref<1x128xf32, #tpu.memory_space<vmem>>, %arg7: memref<1024x128xf32, #tpu.memory_space<vmem>>) attributes {dimension_semantics = [#tpu.dimension_semantics<arbitrary>], iteration_bounds = array<i64: 10>, scalar_prefetch = 0 : i64, scratch_operands = 0 : i64, tpu.core_type = #tpu.core_type<tc>, window_params = [{transform_indices = @transform_0, window_bounds = array<i64: 2, 1024, 128>}, {transform_indices = @transform_1, window_bounds = array<i64: 1024, 2>}, {transform_indices = @transform_2, window_bounds = array<i64: 1024, 128>}, {pipeline_mode = #tpu.pipeline_mode<synchronous>, transform_indices = @transform_3, window_bounds = array<i64: 128, 128>}, {pipeline_mode = #tpu.pipeline_mode<synchronous>, transform_indices = @transform_4, window_bounds = array<i64: 128, 128>}, {pipeline_mode = #tpu.pipeline_mode<synchronous>, transform_indices = @transform_5, window_bounds = array<i64: 1, 128>}, {transform_indices = @transform_6, window_bounds = array<i64: 1024, 128>}]} {
    %get3A = arith.constant 0 : index
    %get3A_0 = arith.constant 0 : index
    %get3A_1 = arith.constant 0 : index
    %get3A_2 = vector.load %arg1[%get3A, %get3A_0, %get3A_1] : memref<2x1024x128xf32, #tpu.memory_space<vmem>>, vector<1x1024x128xf32>
    %get3A_3 = vector.shape_cast %get3A_2 : vector<1x1024x128xf32> to vector<1024x128xf32>
    %get3A_4 = arith.constant 1 : index
    %get3A_5 = arith.constant 0 : index
    %get3A_6 = arith.constant 0 : index
    %get3A_7 = vector.load %arg1[%get3A_4, %get3A_5, %get3A_6] : memref<2x1024x128xf32, #tpu.memory_space<vmem>>, vector<1x1024x128xf32>
    %get3A_8 = vector.shape_cast %get3A_7 : vector<1x1024x128xf32> to vector<1024x128xf32>
    %add3A = arith.addf %get3A_3, %get3A_8 : vector<1024x128xf32>
    %get3A_9 = arith.constant 0 : index
    %get3A_10 = arith.constant 0 : index
    %get3A_11 = vector.load %arg2[%get3A_9, %get3A_10] : memref<1024x2xf32, #tpu.memory_space<vmem>>, vector<1024x1xf32>
    %get3A_12 = arith.constant 0 : index
    %get3A_13 = arith.constant 1 : index
    %get3A_14 = vector.load %arg2[%get3A_12, %get3A_13] : memref<1024x2xf32, #tpu.memory_space<vmem>>, vector<1024x1xf32>
    %add3A_15 = arith.addf %get3A_11, %get3A_14 : vector<1024x1xf32>
    %max3A = arith.constant 1.000000e+00 : f32
    %max3A_16 = vector.broadcast %max3A : f32 to vector<1024x1xf32>
    %max3A_17 = arith.maximumf %add3A_15, %max3A_16 : vector<1024x1xf32>
    %div3A = vector.broadcast %max3A_17 : vector<1024x1xf32> to vector<1024x128xf32>
    %div3A_18 = arith.divf %add3A, %div3A : vector<1024x128xf32>
    %get3A_19 = arith.constant 0 : index
    %get3A_20 = arith.constant 0 : index
    %get3A_21 = vector.load %arg4[%get3A_19, %get3A_20] : memref<128x128xf32, #tpu.memory_space<vmem>>, vector<128x128xf32>
    %dot_general3A = arith.constant dense<0.000000e+00> : vector<1024x128xf32>
    %dot_general3A_22 = tpu.matmul %div3A_18, %get3A_21, %dot_general3A {dimension_numbers = #tpu.dot_dimension_numbers<[1], [0], [0], [1], [0, 0, 1, 1], [], []>, transpose_lhs_hint = false} : vector<1024x128xf32>, vector<128x128xf32>, vector<1024x128xf32> -> vector<1024x128xf32>
    %get3A_23 = arith.constant 0 : index
    %get3A_24 = arith.constant 0 : index
    %get3A_25 = vector.load %arg3[%get3A_23, %get3A_24] : memref<1024x128xf32, #tpu.memory_space<vmem>>, vector<1024x128xf32>
    %get3A_26 = arith.constant 0 : index
    %get3A_27 = arith.constant 0 : index
    %get3A_28 = vector.load %arg5[%get3A_26, %get3A_27] : memref<128x128xf32, #tpu.memory_space<vmem>>, vector<128x128xf32>
    %dot_general3A_29 = arith.constant dense<0.000000e+00> : vector<1024x128xf32>
    %dot_general3A_30 = tpu.matmul %get3A_25, %get3A_28, %dot_general3A_29 {dimension_numbers = #tpu.dot_dimension_numbers<[1], [0], [0], [1], [0, 0, 1, 1], [], []>, transpose_lhs_hint = false} : vector<1024x128xf32>, vector<128x128xf32>, vector<1024x128xf32> -> vector<1024x128xf32>
    %add3A_31 = arith.addf %dot_general3A_22, %dot_general3A_30 : vector<1024x128xf32>
    %get3A_32 = arith.constant 0 : index
    %get3A_33 = arith.constant 0 : index
    %get3A_34 = vector.load %arg6[%get3A_32, %get3A_33] : memref<1x128xf32, #tpu.memory_space<vmem>>, vector<1x128xf32>
    %add3A_35 = vector.broadcast %get3A_34 : vector<1x128xf32> to vector<1024x128xf32>
    %add3A_36 = arith.addf %add3A_31, %add3A_35 : vector<1024x128xf32>
    %swap3A = arith.constant 0 : index
    %swap3A_37 = arith.constant 0 : index
    %swap3A_38 = vector.load %arg7[%swap3A, %swap3A_37] : memref<1024x128xf32, #tpu.memory_space<vmem>>, vector<1024x128xf32>
    tpu.vector_store %arg7[%swap3A, %swap3A_37], %add3A_36 {strides = array<i32>} : memref<1024x128xf32, #tpu.memory_space<vmem>>, vector<1024x128xf32>,
    return
  }
  func.func @transform_0(%arg0: i32) -> (i32, i32, i32) {
    %c0_i32 = arith.constant 0 : i32
    %c0_i32_0 = arith.constant 0 : i32
    %c0_i32_1 = arith.constant 0 : i32
    return %c0_i32, %arg0, %c0_i32_0 : i32, i32, i32
  }
  func.func @transform_1(%arg0: i32) -> (i32, i32) {
    %c0_i32 = arith.constant 0 : i32
    %c0_i32_0 = arith.constant 0 : i32
    return %arg0, %c0_i32 : i32, i32
  }
  func.func @transform_2(%arg0: i32) -> (i32, i32) {
    %c0_i32 = arith.constant 0 : i32
    %c0_i32_0 = arith.constant 0 : i32
    return %arg0, %c0_i32 : i32, i32
  }
  func.func @transform_3(%arg0: i32) -> (i32, i32) {
    %c0_i32 = arith.constant 0 : i32
    %c0_i32_0 = arith.constant 0 : i32
    %c0_i32_1 = arith.constant 0 : i32
    return %c0_i32, %c0_i32_0 : i32, i32
  }
  func.func @transform_4(%arg0: i32) -> (i32, i32) {
    %c0_i32 = arith.constant 0 : i32
    %c0_i32_0 = arith.constant 0 : i32
    %c0_i32_1 = arith.constant 0 : i32
    return %c0_i32, %c0_i32_0 : i32, i32
  }
  func.func @transform_5(%arg0: i32) -> (i32, i32) {
    %c0_i32 = arith.constant 0 : i32
    %c0_i32_0 = arith.constant 0 : i32
    %c0_i32_1 = arith.constant 0 : i32
    return %c0_i32, %c0_i32_0 : i32, i32
  }
  func.func @transform_6(%arg0: i32) -> (i32, i32) {
    %c0_i32 = arith.constant 0 : i32
    %c0_i32_0 = arith.constant 0 : i32
    return %arg0, %c0_i32 : i32, i32
  }
}

</mosaic_0001>

<sc_bundles>
// kernel: kernel.6.cloned.1.call-start
scs
__scs_entry_jumppad:
0x0: {  	(pc) =	sbr.rel $0x88, $3  }
0x1: {  	(tag) =	ssettag $0x0;
	lr =	simm.s32 $0x1  }
0x2: {  	[smem:$0x3F97] =	sst lr;
	_ =	strace $0xD0000000  }
0x3: {  	_ = 	snop  }
0x4: {  	_ = 	snop  }
0x5: {  	_ = 	snop  }
0x6: {  	_ = 	snop  }
0x7: {  	_ = 	snop  }
__scs_overlays_trampoline_lowered:
0x8: {  	[smem:$0x3FA6] =	sst s0  }
0x9: {  	[smem:$0x3FA7] =	sst s1  }
0xa: {  	[smem:$0x3FA8] =	sst s2  }
0xb: {  	[smem:$0x3FA9] =	sst s3  }
0xc: {  	[smem:$0x3FAA] =	sst s4  }
0xd: {  	[smem:$0x3FAB] =	sst s5  }
0xe: {  	[smem:$0x3FAC] =	sst s6  }
0xf: {  	[smem:$0x3FAD] =	sst s7  }
0x10: {  	[smem:$0x3FAE] =	sst s8  }
0x11: {  	[smem:$0x3FAF] =	sst s9;
	s0 =	simm.s32 @!p0 $0x0  }
0x12: {  	s1 =	sld [smem:$0x3F95];
	s0 =	simm.s32 @p0 $0x1  }
0x13: {  	[smem:$0x3FB0] =	sst s0;
	s0 =	simm.s32 @!p1 $0x0  }
0x14: {  	s2 =	sld [smem:$0x3F94];
	s0 =	simm.s32 @p1 $0x1  }
0x15: {  	[smem:$0x3FB1] =	sst s0;
	s0 =	simm.s32 @!p2 $0x0  }
0x16: {  	s3 =	sld [smem:$0x3FDB];
	s0 =	simm.s32 @p2 $0x1  }
0x17: {  	s4 =	simm.s32 $0x1BF5;
	[smem:$0x3FB3] =	sst s0  }
0x18: {  	s0 =	sld [smem:$0x3F96];
	_ =	swait.ge [sflag:s4], $0x0  }
0x19: {  	s7 =	sld [smem:$0x3F97]  }
0x1a: {  	s8 =	sadd.s32 $0xFFFFE003, lr  }
0x1b: {  	s9 =	sadd.s32 $0xFFFFFEF7, lr;
	s5 =	simm.s32 $0xFFFFFFFF;
	p2 =	slt.u32 s8, $0xFFFFF086  }
0x1c: {  	p1 =	slt.u32 s9, $0xF7A;
	s5 =	simm.s32 @!p2 $0x0  }
0x1d: {  	s5 =	simm.s32 @p1 $0x1;
	p0 =	seq.s32 s7, s2  }
0x1e: {  	s7 =	smul.u32 @!p0 $0xF7A, s2;
	p2 =	seq.s32 @!p0 s5, $0x0  }
0x1f: {  	s9 =	smul.u32 $0xF7A, s1;
	s8 =	simm.s32 @!p0 $0x1BF5;
	p2 =	por !p2, p0  }
0x20: {  	[sflag:s8] =	ssyncset.s32 @!p0 $0xFFFFF086;
	s6 =	sadd.s32 @!p0 s3, s7;
	s7 =	simm.s32 @!p0 $0x108  }
0x21: {  	s3 =	sadd.s32 s3, s9;
	s6 =	sadd.s32 @!p0 $0x88, s6;
	s7 =	simm.s32 @p2 $0x1082  }
0x22: {  	[simem:s7], [sflag:s8] =	dma.local @!p0 [hbm:s6], $0xF7A  }
0x23: {  	s9 =	sor.u32 $0xD0000000, s2;
	s6 =	simm.s32 $0x108;
	_ =	swait.ge @!p0 [sflag:s8], $0x0  }
0x24: {  	s3 =	sadd.s32 $0x88, s3;
	s6 =	simm.s32 @!p1 $0x1082;
	[sflag:s4] =	ssyncset.s32 $0xFFFFF086  }
0x25: {  	[simem:s6], [sflag:s4] =	dma.local [hbm:s3], $0xF7A  }
0x26: {  	[smem:$0x3F97] =	sst s1;
	(tag) =	ssettag s2;
	_ =	strace s9  }
0x27: {  	s1 =	sld [smem:$0x3FA7]  }
0x28: {  	s2 =	sld [smem:$0x3FA8]  }
0x29: {  	s4 =	sld [smem:$0x3FAA]  }
0x2a: {  	p0 =	seq.s32 s5, $0x0;
	s5 =	sld [smem:$0x3FAB]  }
0x2b: {  	s6 =	sld [smem:$0x3FAC]  }
0x2c: {  	s7 =	sld [smem:$0x3FAD]  }
0x2d: {  	s3 =	simm.s32 $0x108;
	s8 =	sld [smem:$0x3FAE]  }
0x2e: {  	s3 =	simm.s32 @!p0 $0x1082;
	s9 =	sld [smem:$0x3FAF]  }
0x2f: {  	lr =	sadd.s32 s0, s3;
	s0 =	sld [smem:$0x3FA6]  }
0x30: {  	s3 =	sld [smem:$0x3FA9]  }
0x31: {  	[smem:$0x3FB2] =	sst s10  }
0x32: {  	s10 =	sld [smem:$0x3FB0];
	_ =	sdelay $0x3  }
0x33: {  	p0 =	seq.s32 s10, $0x1;
	s10 =	sld [smem:$0x3FB2];
	_ =	sdelay $0x3  }
0x34: {  	[smem:$0x3FB2] =	sst s10  }
0x35: {  	s10 =	sld [smem:$0x3FB1];
	_ =	sdelay $0x3  }
0x36: {  	p1 =	seq.s32 s10, $0x1;
	s10 =	sld [smem:$0x3FB2];
	_ =	sdelay $0x3  }
0x37: {  	[smem:$0x3FB2] =	sst s10  }
0x38: {  	s10 =	sld [smem:$0x3FB3]  }
0x39: {  	_ = 	snop;
	(pc) =	sbr.ind lr, $3  }
0x3a: {  	_ = 	snop  }
0x3b: {  	_ = 	snop  }
0x3c: {  	p2 =	seq.s32 s10, $0x1;
	s10 =	sld [smem:$0x3FB2]  }
0x3d: {  	_ =	shalt  }
0x3e: {  	_ =	shalt  }
0x3f: {  	_ =	shalt  }
0x40: {  	_ =	shalt  }
0x41: {  	_ =	shalt  }
0x42: {  	_ =	shalt  }
0x43: {  	_ =	shalt  }
0x44: {  	_ =	shalt  }
0x45: {  	_ =	shalt  }
0x46: {  	_ =	shalt  }
0x47: {  	_ =	shalt  }
0x48: {  	_ =	shalt  }
0x49: {  	_ =	shalt  }
0x4a: {  	_ =	shalt  }
0x4b: {  	_ =	shalt  }
0x4c: {  	_ =	shalt  }
0x4d: {  	_ =	shalt  }
0x4e: {  	_ =	shalt  }
0x4f: {  	_ =	shalt  }
0x50: {  	_ =	shalt  }
0x51: {  	_ =	shalt  }
0x52: {  	_ =	shalt  }
0x53: {  	_ =	shalt  }
0x54: {  	_ =	shalt  }
0x55: {  	_ =	shalt  }
0x56: {  	_ =	shalt  }
0x57: {  	_ =	shalt  }
0x58: {  	_ =	shalt  }
0x59: {  	_ =	shalt  }
0x5a: {  	_ =	shalt  }
0x5b: {  	_ =	shalt  }
0x5c: {  	_ =	shalt  }
0x5d: {  	_ =	shalt  }
0x5e: {  	_ =	shalt  }
0x5f: {  	_ =	shalt  }
0x60: {  	_ =	shalt  }
0x61: {  	_ =	shalt  }
0x62: {  	_ =	shalt  }
0x63: {  	_ =	shalt  }
0x64: {  	_ =	shalt  }
0x65: {  	_ =	shalt  }
0x66: {  	_ =	shalt  }
0x67: {  	_ =	shalt  }
0x68: {  	_ =	shalt  }
0x69: {  	_ =	shalt  }
0x6a: {  	_ =	shalt  }
0x6b: {  	_ =	shalt  }
0x6c: {  	_ =	shalt  }
0x6d: {  	_ =	shalt  }
0x6e: {  	_ =	shalt  }
0x6f: {  	_ =	shalt  }
0x70: {  	_ =	shalt  }
0x71: {  	_ =	shalt  }
0x72: {  	_ =	shalt  }
0x73: {  	_ =	shalt  }
0x74: {  	_ =	shalt  }
0x75: {  	_ =	shalt  }
0x76: {  	_ =	shalt  }
0x77: {  	_ =	shalt  }
0x78: {  	_ =	shalt  }
0x79: {  	_ =	shalt  }
0x7a: {  	_ =	shalt  }
0x7b: {  	_ =	shalt  }
0x7c: {  	_ =	shalt  }
0x7d: {  	_ =	shalt  }
0x7e: {  	_ =	shalt  }
0x7f: {  	_ =	shalt  }
0x80: {  	_ =	shalt  }
0x81: {  	_ =	shalt  }
0x82: {  	_ =	shalt  }
0x83: {  	_ =	shalt  }
0x84: {  	_ =	shalt  }
0x85: {  	_ =	shalt  }
0x86: {  	_ =	shalt  }
0x87: {  	_ =	shalt  }
.Lfunc_end0:
.L_simem_size_0:
called_computation_lowered:
.L_overlay_start_0:
0x88: {  	s2 =	sld [smem:$0x3FD9]  }
0x89: {  	s3 =	sld [smem:$0x3FFE];
	_ =	sdelay $0x1  }
0x8a: {  	s1 =	srdreg.scid  }
0x8b: {  	s0 =	sand.u32 $0x1, s1  }
0x8c: {  	s17 =	sshll.u32 s0, $0xA;
	s2 =	sadd.s32 s3, s2  }
0x8d: {  	s2 =	sadd.s32 s2, s17  }
0x8e: {  	[smem:$0x3FBE] =	sst s2  }
0x8f: {  	_ = 	snop  }
0x90: {  	s2 =	sld [smem:$0x3FC9]  }
0x91: {  	s18 =	sld [smem:$0x3FD0];
	(tm) =	ssettm $0x1  }
0x92: {  	s4 =	sld [smem:$0x3FFB];
	_ =	sdelay $0x3  }
0x93: {  	_ =	strace s4  }
0x94: {  	s4 =	sld [smem:$0x3FFC];
	_ =	sdelay $0x3  }
0x95: {  	_ =	strace s4  }
0x96: {  	s4 =	sld [smem:$0x3FFD];
	_ =	sdelay $0x3  }
0x97: {  	_ =	strace s4  }
0x98: {  	_ =	strace $0x8FFFFFFF  }
0x99: {  	s19 =	sld [smem:$0x3FDB];
	_ =	sdelay $0x1  }
0x9a: {  	s5 =	simm.s32 $_scs_section_size  }
0x9b: {  	s6 =	simm.s32 $_size__tile_overlayer_lowered;
	s7 =	simm.s32 $_tile_overlayer_lowered  }
0x9c: {  	s22 =	simm.s32 $0x1BFF;
	s21 =	sshll.u32 s7, $0x1;
	s4 =	sadd.s32 s5, s19  }
0x9d: {  	s8 =	simm.s32 $0x0;
	s20 =	sshll.u32 s6, $0x1;
	s6 =	sadd.s32 s21, s4  }
0x9e: {  	[timem:s8], [sflag:s22] =	dma.local [hbm:s6], s20  }
0x9f: {  	_ =	swait.ge [sflag:s22], s20  }
0xa0: {  	s5 =	ssub.s32 $0x0, s20;
	[sflag:s22] =	ssyncset.done $0x0  }
0xa1: {  	[sflag:s22] =	ssyncadd.s32 s5;
	_ =	sdelay $0x1  }
0xa2: {  	s23 =	simm.s32 $0x1B8B  }
0xa3: {  	_ =	swait.ge [sflag:s23], $0x1  }
0xa4: {  	[sflag:s23] =	ssyncset.done $0x0  }
0xa5: {  	s25 =	simm.s32 $0x1B8E;
	s24 =	sld [smem:$0x3FFE];
	[sflag:s23] =	ssyncadd.s32 $0xFFFFFFFF  }
0xa6: {  	s26 =	simm.s32 $execute0_lowered;
	[smem:$0x3FD2] =	sst s25  }
0xa7: {  	s6 =	sshll.u32 s26, $0x1;
	_ =	strace $0x80000046;
	[dreg:$0x1] =	wrdreg $0xFFFFFFFF  }
0xa8: {  	s28 =	simm.s32 $_size_execute0_lowered;
	s4 =	sadd.s32 s4, s6;
	[dreg:$0x0] =	wrdreg $0x0  }
0xa9: {  	s6 =	sshll.u32 s28, $0x1;
	[dreg:$0x2] =	wrdreg s4  }
0xaa: {  	[dreg:$0x3] =	wrdreg s6  }
0xab: {  	[dreg:$0x4] =	wrdreg $0xC0  }
0xac: {  	_ =	task [dreg:s8], $0x5FFFF  }
0xad: {  	[dreg:$0x1] =	wrdreg $0xFFFFFFFF  }
0xae: {  	[dreg:$0x0] =	wrdreg $0x60  }
0xaf: {  	[dreg:$0x2] =	wrdreg s2  }
0xb0: {  	[dreg:$0x3] =	wrdreg s24  }
0xb1: {  	[dreg:$0x4] =	wrdreg s18  }
0xb2: {  	[dreg:$0x5] =	wrdreg $0x0  }
0xb3: {  	[dreg:$0x6] =	wrdreg $0x1E0000  }
0xb4: {  	[dreg:$0x7] =	wrdreg $0x9  }
0xb5: {  	_ =	task.clear_ibuf [dreg:s8], $0x8FFFF;
	_ =	strace $0x90000046  }
0xb6: {  	s29 =	simm.s32 $0x9;
	_ =	strace $0x80000048  }
0xb7: {  	_ =	swait.ge [sflag:s29], $0x1  }
0xb8: {  	[sflag:s29] =	ssyncadd.s32 $0xFFFFFFFF  }
0xb9: {  	_ =	strace $0x90000048  }
0xba: {  	_ =	sfence  }
0xbb: {  	s30 =	sld [smem:$0x0];
	_ =	sdelay $0x2  }
0xbc: {  	s31 =	sshll.u32 s1, $0xD;
	s1 =	sshrl.u32 s1, $0x2  }
0xbd: {  	s3 =	sand.u32 $0x4000, s31;
	s1 =	sadd.s32 s1, s30  }
0xbe: {  	s0 =	sor.u32 s3, s0;
	s1 =	sshll.u32 s1, $0x11  }
0xbf: {  	s0 =	sor.u32 s1, s0  }
0xc0: {  	s0 =	sadd.s32 $0x8F2B, s0  }
0xc1: {  	[sflag:s0] =	ssyncadd.remote.s32 $0x1  }
0xc2: {  	_ =	sfence.sel $0xFFFF  }
0xc3: {  	[dreg:$0x0] =	wrdreg $0xFFFFFFFF;
	(pc) =	sbr.abs _section_cstart, $3  }
0xc4: {  	[dreg:$0x1] =	wrdreg $0xFFFFFFFF  }
0xc5: {  	_ =	task.clear_ibuf [dreg:s8], $0x2FFFF;
	_ =	strace $0x9FFFFFFF  }
0xc6: {  	(tm) =	ssettm $0x7FFFFFFF  }
0xc7: {  	_ =	shalt  }
tec
execute0_lowered:
.L_overlay_start_1:
0x0: {  	(tag) =	ssettag $0x1  }
0x1: {  	s1 =	rddreg [dreg:$0x0]  }
0x2: {  	s0 =	rddreg [dreg:$0x1]  }
0x3: {  	s2 =	rddreg [dreg:$0x2];
	s12 =	stileid.u32  }
0x4: {  	s3 =	rddreg [dreg:$0x3];
	s6 =	smul.u32 $0x9, s12  }
0x5: {  	s4 =	rddreg [dreg:$0x4];
	s9 =	smul.u32 $0x14000, s12  }
0x6: {  	s5 =	srdreg.scid;
	s26 =	smul.u32 $0x280, s12  }
0x7: {  	s7 =	simm.s32 $0x0;
	s8 =	sor.u32 $0x90, s12;
	s12 =	smul.u32 $0x50000, s12  }
0x8: {  	s28 =	simm.s32 $0x4;
	s29 =	simm.s32 $0x14D00;
	s5 =	sand.u32 $0x1, s5  }
0x9: {  	[smem:$0x7FF] =	sst s7;
	s25 =	smul.u32 $0x140000, s5;
	s15 =	sshrl.u32 s12, $0x2  }
0xa: {  	p0 =	seq.s32 s5, $0x0;
	s13 =	smul.u32 $0x2800, s5;
	s23 =	sadd.s32 s15, s3  }
0xb: {  	_ =	strace $0x80000047;
	s18 =	sadd.s32 $0x1000, s23;
	[dreg:$0x6] =	wrdreg s23  }
0xc: {  	s11 =	ssub.s32 $0x2, s5;
	s19 =	sadd.s32 $0x2000, s23;
	[dreg:$0xb] =	wrdreg s18  }
0xd: {  	s8 =	smov.u32 @p0 s6;
	s20 =	sadd.s32 $0x3000, s23;
	[dreg:$0xc] =	wrdreg s19  }
0xe: {  	s7 =	sadd.s32 s9, s25;
	s21 =	sadd.s32 $0x4000, s23;
	[dreg:$0xd] =	wrdreg s20  }
0xf: {  	s9 =	sadd.s32 s26, s13;
	s22 =	sadd.s32 $0x5000, s23;
	[dreg:$0xe] =	wrdreg s21  }
0x10: {  	s13 =	sshrl.u32 s11, $0x1;
	s24 =	sadd.s32 $0x6000, s23;
	[dreg:$0xf] =	wrdreg s22  }
0x11: {  	s14 =	ssub.s32 s11, s13;
	s25 =	sadd.s32 $0x7000, s23;
	[dreg:$0x10] =	wrdreg s24  }
0x12: {  	s11 =	sadd.s32 s26, s4;
	s26 =	sadd.s32 $0x8000, s23;
	[dreg:$0x11] =	wrdreg s25  }
0x13: {  	s8 =	sshll.u32 s8, $0x8;
	s6 =	sadd.s32 $0x9000, s23;
	[dreg:$0x12] =	wrdreg s26  }
0x14: {  	s30 =	simm.s32 $0x14F00;
	s12 =	sadd.s32 s8, s2;
	[dreg:$0x13] =	wrdreg s6  }
0x15: {  	s10 =	sadd.s32 s8, s0;
	s13 =	sadd.s32 $0xC000, s23;
	[dreg:$0x16] =	wrdreg s12  }
0x16: {  	s7 =	sshrl.u32 s7, $0x3;
	s9 =	sshrl.u32 s9, $0x3;
	[dreg:$0x17] =	wrdreg s13  }
0x17: {  	s7 =	sadd.s32 s7, s0;
	s17 =	smax.u32 s14, $0x1;
	[dreg:$0x7] =	wrdreg s11  }
0x18: {  	s0 =	sadd.s32 s9, s0;
	s9 =	sadd.s32 $0xB000, s23;
	[dreg:$0xa] =	wrdreg s17  }
0x19: {  	s31 =	simm.s32 $0x14F80;
	s14 =	sadd.s32 $0xD000, s23;
	[dreg:$0x15] =	wrdreg s9  }
0x1a: {  	p0 =	sne.s32 s5, $0x0;
	s15 =	sadd.s32 $0x2200, s10;
	[dreg:$0x18] =	wrdreg s14  }
0x1b: {  	s8 =	simm.s32 $0x14C00;
	s18 =	sadd.s32 $0x10000, s23;
	[dreg:$0x19] =	wrdreg s15  }
0x1c: {  	s19 =	sadd.s32 $0x11000, s23;
	s20 =	sadd.s32 $0x12000, s23;
	[dreg:$0x1c] =	wrdreg s18  }
0x1d: {  	s21 =	sadd.s32 $0x13000, s23;
	s22 =	sadd.s32 $0x80, s11;
	[dreg:$0x1d] =	wrdreg s19  }
0x1e: {  	s24 =	sadd.s32 $0x100, s11;
	s25 =	sadd.s32 $0x180, s11;
	[dreg:$0x1e] =	wrdreg s20  }
0x1f: {  	s26 =	sadd.s32 $0x200, s11;
	s12 =	simm.s32 $0x6;
	[dreg:$0x1f] =	wrdreg s21  }
0x20: {  	s13 =	simm.s32 $0x1E280;
	s6 =	simm.s32 $0x14C80;
	[smem:$0x7FA] =	sst s22  }
0x21: {  	s10 =	simm.s32 $0x14D80;
	s16 =	sadd.s32 $0xCC00, s7;
	[smem:$0x7FB] =	sst s24  }
0x22: {  	s0 =	sadd.s32 $0xC200, s0;
	s7 =	sadd.s32 $0xA000, s23;
	[smem:$0x7FC] =	sst s25  }
0x23: {  	s17 =	sadd.s32 $0xF000, s23;
	[smem:$0x7FD] =	sst s26;
	s19 =	simm.s32 $0x19000  }
0x24: {  	s20 =	simm.s32 $0x1;
	s21 =	simm.s32 $0x2;
	s24 =	simm.s32 $0x3  }
0x25: {  	s18 =	simm.s32 $0x5;
	s22 =	simm.s32 $0x14B00;
	[dreg:$0x8] =	wrdreg s16  }
0x26: {  	s25 =	simm.s32 $0x14B80;
	s15 =	simm.s32 $0x14E80;
	[dreg:$0x9] =	wrdreg s0  }
0x27: {  	s9 =	simm.s32 $0x14000;
	[dreg:$0x14] =	wrdreg s7;
	s16 =	sadd.s32 $0xE000, s23  }
0x28: {  	[dreg:$0x1b] =	wrdreg s17;
	s17 =	simm.s32 $0x15000;
	s0 =	simm.s32 $0x0  }
0x29: {  	v0 =	vimm.f32 $0.0e+00;
	v1 =	vimm.f32 $1.000000000e+00;
	s7 =	simm.s32 $0x14A00;
	[dreg:$0x1a] =	wrdreg s16;
	s16 =	simm.s32 $0x80  }
.LBB2_1:
0x2a: {  	[smem:$0x7F9] =	sst s0;
	s5 =	simm.s32 $0x0;
	s14 =	simm.s32 $0x200  }
.LBB2_2:
0x2b: {  	p1 =	sne.s32 s14, $0x3E00;
	[tilespmem:s5+$0x1D070] =	vst v0  }
0x2c: {  	[tilespmem:s5+$0x1D000] =	vst v0  }
0x2d: {  	[tilespmem:s5+$0x1D010] =	vst v0  }
.Ltmp0:
0x2e: {  	[tilespmem:s5+$0x1D020] =	vst v0;
	(pc) =	sbr.rel @p1 .LBB2_2-.Ltmp0, $4  }
0x2f: {  	[tilespmem:s5+$0x1D030] =	vst v0  }
0x30: {  	[tilespmem:s5+$0x1D040] =	vst v0  }
0x31: {  	[tilespmem:s5+$0x1D050] =	vst v0  }
0x32: {  	[tilespmem:s5+$0x1D060] =	vst v0;
	s5 =	sshra.s32 s14, $0x2;
	s14 =	sadd.s32 $0x200, s14  }
0x33: {  	[tilespmem:s5+$0x1D070] =	vst v0  }
0x34: {  	[tilespmem:s5+$0x1D000] =	vst v0  }
0x35: {  	[tilespmem:s5+$0x1D010] =	vst v0  }
0x36: {  	[tilespmem:s5+$0x1D020] =	vst v0  }
0x37: {  	[tilespmem:s5+$0x1D030] =	vst v0  }
0x38: {  	[tilespmem:s5+$0x1D040] =	vst v0  }
0x39: {  	[tilespmem:s5+$0x1D050] =	vst v0  }
0x3a: {  	[tilespmem:s5+$0x1D060] =	vst v0;
	s14 =	simm.s32 $0x1D000  }
0x3b: {  	[spmem:s23] =	stream.linear.scatter [tilespmem:s14], [sflag:$0x6], $0x1000, $0x38;
	[tilespmem:$0x1E300] =	vst v63  }
0x3c: {  	_ =	swait.ge [sflag:s12], $0x1000  }
0x3d: {  	[sflag:s12] =	ssyncset.done $0x0  }
0x3e: {  	s26 =	rddreg [dreg:$0xb];
	[sflag:s12] =	ssyncadd.s32 $0xFFFFF000  }
0x3f: {  	[spmem:s26] =	stream.linear.scatter [tilespmem:s14], [sflag:$0x6], $0x1000, $0x38;
	[tilespmem:$0x1E300] =	vst v63  }
0x40: {  	_ =	swait.ge [sflag:s12], $0x1000  }
0x41: {  	[sflag:s12] =	ssyncset.done $0x0  }
0x42: {  	s0 =	rddreg [dreg:$0xc];
	[sflag:s12] =	ssyncadd.s32 $0xFFFFF000  }
0x43: {  	[spmem:s0] =	stream.linear.scatter [tilespmem:s14], [sflag:$0x6], $0x1000, $0x38;
	[tilespmem:$0x1E300] =	vst v63  }
0x44: {  	_ =	swait.ge [sflag:s12], $0x1000  }
0x45: {  	[sflag:s12] =	ssyncset.done $0x0  }
0x46: {  	s2 =	rddreg [dreg:$0xd];
	[sflag:s12] =	ssyncadd.s32 $0xFFFFF000  }
0x47: {  	[spmem:s2] =	stream.linear.scatter [tilespmem:s14], [sflag:$0x6], $0x1000, $0x38;
	[tilespmem:$0x1E300] =	vst v63  }
0x48: {  	_ =	swait.ge [sflag:s12], $0x1000  }
0x49: {  	[sflag:s12] =	ssyncset.done $0x0  }
0x4a: {  	s23 =	rddreg [dreg:$0xe];
	[sflag:s12] =	ssyncadd.s32 $0xFFFFF000  }
0x4b: {  	[spmem:s23] =	stream.linear.scatter [tilespmem:s14], [sflag:$0x6], $0x1000, $0x38;
	[tilespmem:$0x1E300] =	vst v63  }
0x4c: {  	_ =	swait.ge [sflag:s12], $0x1000  }
0x4d: {  	[sflag:s12] =	ssyncset.done $0x0  }
0x4e: {  	s26 =	rddreg [dreg:$0xf];
	[sflag:s12] =	ssyncadd.s32 $0xFFFFF000  }
0x4f: {  	[spmem:s26] =	stream.linear.scatter [tilespmem:s14], [sflag:$0x6], $0x1000, $0x38;
	[tilespmem:$0x1E300] =	vst v63  }
0x50: {  	_ =	swait.ge [sflag:s12], $0x1000  }
0x51: {  	[sflag:s12] =	ssyncset.done $0x0  }
0x52: {  	s0 =	rddreg [dreg:$0x10];
	[sflag:s12] =	ssyncadd.s32 $0xFFFFF000  }
0x53: {  	[spmem:s0] =	stream.linear.scatter [tilespmem:s14], [sflag:$0x6], $0x1000, $0x38;
	[tilespmem:$0x1E300] =	vst v63  }
0x54: {  	_ =	swait.ge [sflag:s12], $0x1000  }
0x55: {  	[sflag:s12] =	ssyncset.done $0x0  }
0x56: {  	s2 =	rddreg [dreg:$0x11];
	[sflag:s12] =	ssyncadd.s32 $0xFFFFF000  }
0x57: {  	[spmem:s2] =	stream.linear.scatter [tilespmem:s14], [sflag:$0x6], $0x1000, $0x38;
	[tilespmem:$0x1E300] =	vst v63  }
0x58: {  	_ =	swait.ge [sflag:s12], $0x1000  }
0x59: {  	[sflag:s12] =	ssyncset.done $0x0  }
0x5a: {  	s23 =	rddreg [dreg:$0x12];
	[sflag:s12] =	ssyncadd.s32 $0xFFFFF000  }
0x5b: {  	[spmem:s23] =	stream.linear.scatter [tilespmem:s14], [sflag:$0x6], $0x1000, $0x38;
	[tilespmem:$0x1E300] =	vst v63  }
0x5c: {  	_ =	swait.ge [sflag:s12], $0x1000  }
0x5d: {  	[sflag:s12] =	ssyncset.done $0x0  }
0x5e: {  	s26 =	rddreg [dreg:$0x13];
	[sflag:s12] =	ssyncadd.s32 $0xFFFFF000  }
0x5f: {  	[spmem:s26] =	stream.linear.scatter [tilespmem:s14], [sflag:$0x6], $0x1000, $0x38;
	[tilespmem:$0x1E300] =	vst v63  }
0x60: {  	_ =	swait.ge [sflag:s12], $0x1000  }
0x61: {  	[sflag:s12] =	ssyncset.done $0x0  }
0x62: {  	s0 =	rddreg [dreg:$0x14];
	[sflag:s12] =	ssyncadd.s32 $0xFFFFF000  }
0x63: {  	[spmem:s0] =	stream.linear.scatter [tilespmem:s14], [sflag:$0x6], $0x1000, $0x38;
	[tilespmem:$0x1E300] =	vst v63  }
0x64: {  	_ =	swait.ge [sflag:s12], $0x1000  }
0x65: {  	[sflag:s12] =	ssyncset.done $0x0  }
0x66: {  	s2 =	rddreg [dreg:$0x15];
	[sflag:s12] =	ssyncadd.s32 $0xFFFFF000  }
0x67: {  	[spmem:s2] =	stream.linear.scatter [tilespmem:s14], [sflag:$0x6], $0x1000, $0x38;
	[tilespmem:$0x1E300] =	vst v63  }
0x68: {  	_ =	swait.ge [sflag:s12], $0x1000  }
0x69: {  	[sflag:s12] =	ssyncset.done $0x0  }
0x6a: {  	s23 =	rddreg [dreg:$0x17];
	[sflag:s12] =	ssyncadd.s32 $0xFFFFF000  }
0x6b: {  	[spmem:s23] =	stream.linear.scatter [tilespmem:s14], [sflag:$0x6], $0x1000, $0x38;
	[tilespmem:$0x1E300] =	vst v63  }
0x6c: {  	_ =	swait.ge [sflag:s12], $0x1000  }
0x6d: {  	[sflag:s12] =	ssyncset.done $0x0  }
0x6e: {  	s26 =	rddreg [dreg:$0x18];
	[sflag:s12] =	ssyncadd.s32 $0xFFFFF000  }
0x6f: {  	[spmem:s26] =	stream.linear.scatter [tilespmem:s14], [sflag:$0x6], $0x1000, $0x38;
	[tilespmem:$0x1E300] =	vst v63  }
0x70: {  	_ =	swait.ge [sflag:s12], $0x1000  }
0x71: {  	[sflag:s12] =	ssyncset.done $0x0  }
0x72: {  	s0 =	rddreg [dreg:$0x1a];
	[sflag:s12] =	ssyncadd.s32 $0xFFFFF000  }
0x73: {  	[spmem:s0] =	stream.linear.scatter [tilespmem:s14], [sflag:$0x6], $0x1000, $0x38;
	[tilespmem:$0x1E300] =	vst v63  }
0x74: {  	_ =	swait.ge [sflag:s12], $0x1000  }
0x75: {  	[sflag:s12] =	ssyncset.done $0x0  }
0x76: {  	s2 =	rddreg [dreg:$0x1b];
	[sflag:s12] =	ssyncadd.s32 $0xFFFFF000  }
0x77: {  	[spmem:s2] =	stream.linear.scatter [tilespmem:s14], [sflag:$0x6], $0x1000, $0x38;
	[tilespmem:$0x1E300] =	vst v63  }
0x78: {  	_ =	swait.ge [sflag:s12], $0x1000  }
0x79: {  	[sflag:s12] =	ssyncset.done $0x0  }
0x7a: {  	s23 =	rddreg [dreg:$0x1c];
	[sflag:s12] =	ssyncadd.s32 $0xFFFFF000  }
0x7b: {  	[spmem:s23] =	stream.linear.scatter [tilespmem:s14], [sflag:$0x6], $0x1000, $0x38;
	[tilespmem:$0x1E300] =	vst v63  }
0x7c: {  	_ =	swait.ge [sflag:s12], $0x1000  }
0x7d: {  	[sflag:s12] =	ssyncset.done $0x0  }
0x7e: {  	s26 =	rddreg [dreg:$0x1d];
	[sflag:s12] =	ssyncadd.s32 $0xFFFFF000  }
0x7f: {  	[spmem:s26] =	stream.linear.scatter [tilespmem:s14], [sflag:$0x6], $0x1000, $0x38;
	[tilespmem:$0x1E300] =	vst v63  }
0x80: {  	_ =	swait.ge [sflag:s12], $0x1000  }
0x81: {  	[sflag:s12] =	ssyncset.done $0x0  }
0x82: {  	s0 =	rddreg [dreg:$0x1e];
	[sflag:s12] =	ssyncadd.s32 $0xFFFFF000  }
0x83: {  	[spmem:s0] =	stream.linear.scatter [tilespmem:s14], [sflag:$0x6], $0x1000, $0x38;
	[tilespmem:$0x1E300] =	vst v63  }
0x84: {  	_ =	swait.ge [sflag:s12], $0x1000  }
0x85: {  	[sflag:s12] =	ssyncset.done $0x0  }
0x86: {  	s2 =	rddreg [dreg:$0x1f];
	[sflag:s12] =	ssyncadd.s32 $0xFFFFF000  }
0x87: {  	[spmem:s2] =	stream.linear.scatter [tilespmem:s14], [sflag:$0x6], $0x1000, $0x38;
	[tilespmem:$0x1E300] =	vst v63  }
0x88: {  	_ =	swait.ge [sflag:s12], $0x1000  }
0x89: {  	[sflag:s12] =	ssyncset.done $0x0  }
0x8a: {  	[sflag:s12] =	ssyncadd.s32 $0xFFFFF000  }
0x8b: {  	[tilespmem:$0x1E280] =	vst v0  }
0x8c: {  	[tilespmem:$0x1E290] =	vst v0  }
0x8d: {  	[tilespmem:$0x1E2A0] =	vst v0  }
0x8e: {  	[tilespmem:$0x1E2B0] =	vst v0  }
0x8f: {  	[tilespmem:$0x1E2C0] =	vst v0  }
0x90: {  	[tilespmem:$0x1E2D0] =	vst v0  }
0x91: {  	[tilespmem:$0x1E2E0] =	vst v0  }
0x92: {  	[tilespmem:$0x1E2F0] =	vst v0  }
0x93: {  	[spmem:s11] =	stream.linear.scatter [tilespmem:s13], [sflag:$0x6], $0x80, $0x38;
	[tilespmem:$0x1E300] =	vst v63  }
0x94: {  	_ =	swait.ge [sflag:s12], $0x80  }
0x95: {  	s11 =	sld [smem:$0x7FA]  }
0x96: {  	[sflag:s12] =	ssyncset.done $0x0  }
0x97: {  	[sflag:s12] =	ssyncadd.s32 $0xFFFFFF80  }
0x98: {  	[spmem:s11] =	stream.linear.scatter [tilespmem:s13], [sflag:$0x6], $0x80, $0x38;
	[tilespmem:$0x1E300] =	vst v63  }
0x99: {  	_ =	swait.ge [sflag:s12], $0x80  }
0x9a: {  	s14 =	sld [smem:$0x7FB]  }
0x9b: {  	[sflag:s12] =	ssyncset.done $0x0  }
0x9c: {  	[sflag:s12] =	ssyncadd.s32 $0xFFFFFF80  }
0x9d: {  	[spmem:s14] =	stream.linear.scatter [tilespmem:s13], [sflag:$0x6], $0x80, $0x38;
	[tilespmem:$0x1E300] =	vst v63  }
0x9e: {  	_ =	swait.ge [sflag:s12], $0x80  }
0x9f: {  	s23 =	sld [smem:$0x7FC]  }
0xa0: {  	[sflag:s12] =	ssyncset.done $0x0  }
0xa1: {  	[sflag:s12] =	ssyncadd.s32 $0xFFFFFF80  }
0xa2: {  	[spmem:s23] =	stream.linear.scatter [tilespmem:s13], [sflag:$0x6], $0x80, $0x38;
	[tilespmem:$0x1E300] =	vst v63  }
0xa3: {  	_ =	swait.ge [sflag:s12], $0x80  }
0xa4: {  	s26 =	sld [smem:$0x7FD]  }
0xa5: {  	[sflag:s12] =	ssyncset.done $0x0  }
0xa6: {  	[sflag:s12] =	ssyncadd.s32 $0xFFFFFF80  }
0xa7: {  	[spmem:s26] =	stream.linear.scatter [tilespmem:s13], [sflag:$0x6], $0x80, $0x38;
	[tilespmem:$0x1E300] =	vst v63  }
0xa8: {  	_ =	swait.ge [sflag:s12], $0x80  }
0xa9: {  	[sflag:s12] =	ssyncset.done $0x0  }
0xaa: {  	[sflag:s12] =	ssyncadd.s32 $0xFFFFFF80  }
0xab: {  	[tilespmem:$0x1E280] =	vst v1  }
0xac: {  	[tilespmem:$0x1E290] =	vst v1  }
0xad: {  	[tilespmem:$0x1E2A0] =	vst v1  }
0xae: {  	[tilespmem:$0x1E2B0] =	vst v1  }
0xaf: {  	[tilespmem:$0x1E2C0] =	vst v1  }
0xb0: {  	[tilespmem:$0x1E2D0] =	vst v1  }
0xb1: {  	[tilespmem:$0x1E2E0] =	vst v1  }
0xb2: {  	[tilespmem:$0x1E2F0] =	vst v1  }
0xb3: {  	[bflag:$0x0] =	sbarrier.arrive $0xFFFF  }
0xb4: {  	s0 =	simm.s32 $0x14E00;
	s11 =	simm.s32 $0x14A80;
	s5 =	rddreg [dreg:$0x19]  }
0xb5: {  	s23 =	simm.s32 $0x0;
	s26 =	simm.s32 $0x14800;
	s14 =	rddreg [dreg:$0x16]  }
.LBB2_4:
0xb6: {  	s2 =	simm.s32 $0x0  }
0xb7: {  	[tilespmem:s9], [sflag:$0x6] =	stream.linear.gather [hbm4b:s5+s2], $0x800, $0x38;
	[tilespmem:$0x1E300] =	vst v63  }
0xb8: {  	_ =	swait.ge [sflag:s12], $0x800  }
0xb9: {  	[sflag:s12] =	ssyncset.done $0x0  }
0xba: {  	[sflag:s12] =	ssyncadd.s32 $0xFFFFF800  }
0xbb: {  	[tilespmem:s26], [sflag:$0x6] =	stream.linear.gather [hbm4b:s14+s2], $0x800, $0x38;
	[tilespmem:$0x1E300] =	vst v63  }
0xbc: {  	_ =	swait.ge [sflag:s12], $0x800  }
0xbd: {  	[sflag:s12] =	ssyncset.done $0x0  }
0xbe: {  	[sflag:s12] =	ssyncadd.s32 $0xFFFFF800  }
0xbf: {  	[tilespmem:s17], [sflag:$0x1] =	stream.indirect.gather [hbm4b:s1+s16], $0x80, s9, s16, $0xb8;
	[tilespmem:$0x1E300] =	vst v63  }
0xc0: {  	s2 =	simm.s32 $0x14080  }
0xc1: {  	[tilespmem:s19], [sflag:$0x2] =	stream.indirect.gather [hbm4b:s1+s16], $0x80, s2, s16, $0xb8;
	[tilespmem:$0x1E300] =	vst v63  }
0xc2: {  	_ =	swait.ge [sflag:s20], $0x4000  }
0xc3: {  	[sflag:s20] =	ssyncset.done $0x0  }
0xc4: {  	[sflag:s20] =	ssyncadd.s32 $0xFFFFC000  }
0xc5: {  	[spmem:s3] =	stream.indirect.scatter.add.f32 [tilespmem:s17], [sflag:$0x3], $0x80, s26, s16, $0xb8;
	[tilespmem:$0x1E300] =	vst v63  }
0xc6: {  	_ = 	snop  }
0xc7: {  	[spmem:s4] =	stream.indirect.scatter.add.f32 [tilespmem:s13], [sflag:$0x5], $0x1, s26, s16, $0xb8;
	[tilespmem:$0x1E300] =	vst v63  }
0xc8: {  	_ =	swait.ge [sflag:s21], $0x4000  }
0xc9: {  	[sflag:s21] =	ssyncset.done $0x0  }
0xca: {  	s2 =	simm.s32 $0x14880;
	[sflag:s21] =	ssyncadd.s32 $0xFFFFC000  }
0xcb: {  	[spmem:s3] =	stream.indirect.scatter.add.f32 [tilespmem:s19], [sflag:$0x4], $0x80, s2, s16, $0xb8;
	[tilespmem:$0x1E300] =	vst v63  }
0xcc: {  	_ = 	snop  }
0xcd: {  	[spmem:s4] =	stream.indirect.scatter.add.f32 [tilespmem:s13], [sflag:$0x5], $0x1, s2, s16, $0xb8;
	[tilespmem:$0x1E300] =	vst v63  }
0xce: {  	_ =	swait.ge [sflag:s24], $0x4000  }
0xcf: {  	[sflag:s24] =	ssyncset.done $0x0  }
0xd0: {  	s2 =	simm.s32 $0x14100;
	[sflag:s24] =	ssyncadd.s32 $0xFFFFC000  }
0xd1: {  	[tilespmem:s17], [sflag:$0x1] =	stream.indirect.gather [hbm4b:s1+s16], $0x80, s2, s16, $0xb8;
	[tilespmem:$0x1E300] =	vst v63  }
0xd2: {  	_ =	swait.ge [sflag:s20], $0x4000  }
0xd3: {  	[sflag:s20] =	ssyncset.done $0x0  }
0xd4: {  	s2 =	simm.s32 $0x14900;
	[sflag:s20] =	ssyncadd.s32 $0xFFFFC000  }
0xd5: {  	[spmem:s3] =	stream.indirect.scatter.add.f32 [tilespmem:s17], [sflag:$0x3], $0x80, s2, s16, $0xb8;
	[tilespmem:$0x1E300] =	vst v63  }
0xd6: {  	_ = 	snop  }
0xd7: {  	[spmem:s4] =	stream.indirect.scatter.add.f32 [tilespmem:s13], [sflag:$0x5], $0x1, s2, s16, $0xb8;
	[tilespmem:$0x1E300] =	vst v63  }
0xd8: {  	_ =	swait.ge [sflag:s28], $0x4000  }
0xd9: {  	[sflag:s28] =	ssyncset.done $0x0  }
0xda: {  	s2 =	simm.s32 $0x14180;
	[sflag:s28] =	ssyncadd.s32 $0xFFFFC000  }
0xdb: {  	[tilespmem:s19], [sflag:$0x2] =	stream.indirect.gather [hbm4b:s1+s16], $0x80, s2, s16, $0xb8;
	[tilespmem:$0x1E300] =	vst v63  }
0xdc: {  	_ =	swait.ge [sflag:s21], $0x4000  }
0xdd: {  	[sflag:s21] =	ssyncset.done $0x0  }
0xde: {  	s2 =	simm.s32 $0x14980;
	[sflag:s21] =	ssyncadd.s32 $0xFFFFC000  }
0xdf: {  	[spmem:s3] =	stream.indirect.scatter.add.f32 [tilespmem:s19], [sflag:$0x4], $0x80, s2, s16, $0xb8;
	[tilespmem:$0x1E300] =	vst v63  }
0xe0: {  	_ = 	snop  }
0xe1: {  	[spmem:s4] =	stream.indirect.scatter.add.f32 [tilespmem:s13], [sflag:$0x5], $0x1, s2, s16, $0xb8;
	[tilespmem:$0x1E300] =	vst v63  }
0xe2: {  	_ =	swait.ge [sflag:s24], $0x4000  }
0xe3: {  	[sflag:s24] =	ssyncset.done $0x0  }
0xe4: {  	s2 =	simm.s32 $0x14200;
	[sflag:s24] =	ssyncadd.s32 $0xFFFFC000  }
0xe5: {  	[tilespmem:s17], [sflag:$0x1] =	stream.indirect.gather [hbm4b:s1+s16], $0x80, s2, s16, $0xb8;
	[tilespmem:$0x1E300] =	vst v63  }
0xe6: {  	_ =	swait.ge [sflag:s20], $0x4000  }
0xe7: {  	[sflag:s20] =	ssyncset.done $0x0  }
0xe8: {  	[sflag:s20] =	ssyncadd.s32 $0xFFFFC000  }
0xe9: {  	[spmem:s3] =	stream.indirect.scatter.add.f32 [tilespmem:s17], [sflag:$0x3], $0x80, s7, s16, $0xb8;
	[tilespmem:$0x1E300] =	vst v63  }
0xea: {  	_ = 	snop  }
0xeb: {  	[spmem:s4] =	stream.indirect.scatter.add.f32 [tilespmem:s13], [sflag:$0x5], $0x1, s7, s16, $0xb8;
	[tilespmem:$0x1E300] =	vst v63  }
0xec: {  	_ =	swait.ge [sflag:s28], $0x4000  }
0xed: {  	[sflag:s28] =	ssyncset.done $0x0  }
0xee: {  	s2 =	simm.s32 $0x14280;
	[sflag:s28] =	ssyncadd.s32 $0xFFFFC000  }
0xef: {  	[tilespmem:s19], [sflag:$0x2] =	stream.indirect.gather [hbm4b:s1+s16], $0x80, s2, s16, $0xb8;
	[tilespmem:$0x1E300] =	vst v63  }
0xf0: {  	_ =	swait.ge [sflag:s21], $0x4000  }
0xf1: {  	[sflag:s21] =	ssyncset.done $0x0  }
0xf2: {  	[sflag:s21] =	ssyncadd.s32 $0xFFFFC000  }
0xf3: {  	[spmem:s3] =	stream.indirect.scatter.add.f32 [tilespmem:s19], [sflag:$0x4], $0x80, s11, s16, $0xb8;
	[tilespmem:$0x1E300] =	vst v63  }
0xf4: {  	_ = 	snop  }
0xf5: {  	[spmem:s4] =	stream.indirect.scatter.add.f32 [tilespmem:s13], [sflag:$0x5], $0x1, s11, s16, $0xb8;
	[tilespmem:$0x1E300] =	vst v63  }
0xf6: {  	_ =	swait.ge [sflag:s24], $0x4000  }
0xf7: {  	[sflag:s24] =	ssyncset.done $0x0  }
0xf8: {  	s2 =	simm.s32 $0x14300;
	[sflag:s24] =	ssyncadd.s32 $0xFFFFC000  }
0xf9: {  	[tilespmem:s17], [sflag:$0x1] =	stream.indirect.gather [hbm4b:s1+s16], $0x80, s2, s16, $0xb8;
	[tilespmem:$0x1E300] =	vst v63  }
0xfa: {  	_ =	swait.ge [sflag:s20], $0x4000  }
0xfb: {  	[sflag:s20] =	ssyncset.done $0x0  }
0xfc: {  	[sflag:s20] =	ssyncadd.s32 $0xFFFFC000  }
0xfd: {  	[spmem:s3] =	stream.indirect.scatter.add.f32 [tilespmem:s17], [sflag:$0x3], $0x80, s22, s16, $0xb8;
	[tilespmem:$0x1E300] =	vst v63  }
0xfe: {  	_ = 	snop  }
0xff: {  	[spmem:s4] =	stream.indirect.scatter.add.f32 [tilespmem:s13], [sflag:$0x5], $0x1, s22, s16, $0xb8;
	[tilespmem:$0x1E300] =	vst v63  }
0x100: {  	_ =	swait.ge [sflag:s28], $0x4000  }
0x101: {  	[sflag:s28] =	ssyncset.done $0x0  }
0x102: {  	s2 =	simm.s32 $0x14380;
	[sflag:s28] =	ssyncadd.s32 $0xFFFFC000  }
0x103: {  	[tilespmem:s19], [sflag:$0x2] =	stream.indirect.gather [hbm4b:s1+s16], $0x80, s2, s16, $0xb8;
	[tilespmem:$0x1E300] =	vst v63  }
0x104: {  	_ =	swait.ge [sflag:s21], $0x4000  }
0x105: {  	[sflag:s21] =	ssyncset.done $0x0  }
0x106: {  	[sflag:s21] =	ssyncadd.s32 $0xFFFFC000  }
0x107: {  	[spmem:s3] =	stream.indirect.scatter.add.f32 [tilespmem:s19], [sflag:$0x4], $0x80, s25, s16, $0xb8;
	[tilespmem:$0x1E300] =	vst v63  }
0x108: {  	_ = 	snop  }
0x109: {  	[spmem:s4] =	stream.indirect.scatter.add.f32 [tilespmem:s13], [sflag:$0x5], $0x1, s25, s16, $0xb8;
	[tilespmem:$0x1E300] =	vst v63  }
0x10a: {  	_ =	swait.ge [sflag:s24], $0x4000  }
0x10b: {  	[sflag:s24] =	ssyncset.done $0x0  }
0x10c: {  	s2 =	simm.s32 $0x14400;
	[sflag:s24] =	ssyncadd.s32 $0xFFFFC000  }
0x10d: {  	[tilespmem:s17], [sflag:$0x1] =	stream.indirect.gather [hbm4b:s1+s16], $0x80, s2, s16, $0xb8;
	[tilespmem:$0x1E300] =	vst v63  }
0x10e: {  	_ =	swait.ge [sflag:s20], $0x4000  }
0x10f: {  	[sflag:s20] =	ssyncset.done $0x0  }
0x110: {  	[sflag:s20] =	ssyncadd.s32 $0xFFFFC000  }
0x111: {  	[spmem:s3] =	stream.indirect.scatter.add.f32 [tilespmem:s17], [sflag:$0x3], $0x80, s8, s16, $0xb8;
	[tilespmem:$0x1E300] =	vst v63  }
0x112: {  	_ = 	snop  }
0x113: {  	[spmem:s4] =	stream.indirect.scatter.add.f32 [tilespmem:s13], [sflag:$0x5], $0x1, s8, s16, $0xb8;
	[tilespmem:$0x1E300] =	vst v63  }
0x114: {  	_ =	swait.ge [sflag:s28], $0x4000  }
0x115: {  	[sflag:s28] =	ssyncset.done $0x0  }
0x116: {  	s2 =	simm.s32 $0x14480;
	[sflag:s28] =	ssyncadd.s32 $0xFFFFC000  }
0x117: {  	[tilespmem:s19], [sflag:$0x2] =	stream.indirect.gather [hbm4b:s1+s16], $0x80, s2, s16, $0xb8;
	[tilespmem:$0x1E300] =	vst v63  }
0x118: {  	_ =	swait.ge [sflag:s21], $0x4000  }
0x119: {  	[sflag:s21] =	ssyncset.done $0x0  }
0x11a: {  	[sflag:s21] =	ssyncadd.s32 $0xFFFFC000  }
0x11b: {  	[spmem:s3] =	stream.indirect.scatter.add.f32 [tilespmem:s19], [sflag:$0x4], $0x80, s6, s16, $0xb8;
	[tilespmem:$0x1E300] =	vst v63  }
0x11c: {  	_ = 	snop  }
0x11d: {  	[spmem:s4] =	stream.indirect.scatter.add.f32 [tilespmem:s13], [sflag:$0x5], $0x1, s6, s16, $0xb8;
	[tilespmem:$0x1E300] =	vst v63  }
0x11e: {  	_ =	swait.ge [sflag:s24], $0x4000  }
0x11f: {  	[sflag:s24] =	ssyncset.done $0x0  }
0x120: {  	s2 =	simm.s32 $0x14500;
	[sflag:s24] =	ssyncadd.s32 $0xFFFFC000  }
0x121: {  	[tilespmem:s17], [sflag:$0x1] =	stream.indirect.gather [hbm4b:s1+s16], $0x80, s2, s16, $0xb8;
	[tilespmem:$0x1E300] =	vst v63  }
0x122: {  	_ =	swait.ge [sflag:s20], $0x4000  }
0x123: {  	[sflag:s20] =	ssyncset.done $0x0  }
0x124: {  	[sflag:s20] =	ssyncadd.s32 $0xFFFFC000  }
0x125: {  	[spmem:s3] =	stream.indirect.scatter.add.f32 [tilespmem:s17], [sflag:$0x3], $0x80, s29, s16, $0xb8;
	[tilespmem:$0x1E300] =	vst v63  }
0x126: {  	_ = 	snop  }
0x127: {  	[spmem:s4] =	stream.indirect.scatter.add.f32 [tilespmem:s13], [sflag:$0x5], $0x1, s29, s16, $0xb8;
	[tilespmem:$0x1E300] =	vst v63  }
0x128: {  	_ =	swait.ge [sflag:s28], $0x4000  }
0x129: {  	[sflag:s28] =	ssyncset.done $0x0  }
0x12a: {  	s2 =	simm.s32 $0x14580;
	[sflag:s28] =	ssyncadd.s32 $0xFFFFC000  }
0x12b: {  	[tilespmem:s19], [sflag:$0x2] =	stream.indirect.gather [hbm4b:s1+s16], $0x80, s2, s16, $0xb8;
	[tilespmem:$0x1E300] =	vst v63  }
0x12c: {  	_ =	swait.ge [sflag:s21], $0x4000  }
0x12d: {  	[sflag:s21] =	ssyncset.done $0x0  }
0x12e: {  	[sflag:s21] =	ssyncadd.s32 $0xFFFFC000  }
0x12f: {  	[spmem:s3] =	stream.indirect.scatter.add.f32 [tilespmem:s19], [sflag:$0x4], $0x80, s10, s16, $0xb8;
	[tilespmem:$0x1E300] =	vst v63  }
0x130: {  	_ = 	snop  }
0x131: {  	[spmem:s4] =	stream.indirect.scatter.add.f32 [tilespmem:s13], [sflag:$0x5], $0x1, s10, s16, $0xb8;
	[tilespmem:$0x1E300] =	vst v63  }
0x132: {  	_ =	swait.ge [sflag:s24], $0x4000  }
0x133: {  	[sflag:s24] =	ssyncset.done $0x0  }
0x134: {  	s2 =	simm.s32 $0x14600;
	[sflag:s24] =	ssyncadd.s32 $0xFFFFC000  }
0x135: {  	[tilespmem:s17], [sflag:$0x1] =	stream.indirect.gather [hbm4b:s1+s16], $0x80, s2, s16, $0xb8;
	[tilespmem:$0x1E300] =	vst v63  }
0x136: {  	_ =	swait.ge [sflag:s20], $0x4000  }
0x137: {  	[sflag:s20] =	ssyncset.done $0x0  }
0x138: {  	[sflag:s20] =	ssyncadd.s32 $0xFFFFC000  }
0x139: {  	[spmem:s3] =	stream.indirect.scatter.add.f32 [tilespmem:s17], [sflag:$0x3], $0x80, s0, s16, $0xb8;
	[tilespmem:$0x1E300] =	vst v63  }
0x13a: {  	_ = 	snop  }
0x13b: {  	[spmem:s4] =	stream.indirect.scatter.add.f32 [tilespmem:s13], [sflag:$0x5], $0x1, s0, s16, $0xb8;
	[tilespmem:$0x1E300] =	vst v63  }
0x13c: {  	_ =	swait.ge [sflag:s28], $0x4000  }
0x13d: {  	[sflag:s28] =	ssyncset.done $0x0  }
0x13e: {  	s2 =	simm.s32 $0x14680;
	[sflag:s28] =	ssyncadd.s32 $0xFFFFC000  }
0x13f: {  	[tilespmem:s19], [sflag:$0x2] =	stream.indirect.gather [hbm4b:s1+s16], $0x80, s2, s16, $0xb8;
	[tilespmem:$0x1E300] =	vst v63  }
0x140: {  	_ =	swait.ge [sflag:s21], $0x4000  }
0x141: {  	[sflag:s21] =	ssyncset.done $0x0  }
0x142: {  	[sflag:s21] =	ssyncadd.s32 $0xFFFFC000  }
0x143: {  	[spmem:s3] =	stream.indirect.scatter.add.f32 [tilespmem:s19], [sflag:$0x4], $0x80, s15, s16, $0xb8;
	[tilespmem:$0x1E300] =	vst v63  }
0x144: {  	_ = 	snop  }
0x145: {  	[spmem:s4] =	stream.indirect.scatter.add.f32 [tilespmem:s13], [sflag:$0x5], $0x1, s15, s16, $0xb8;
	[tilespmem:$0x1E300] =	vst v63  }
0x146: {  	_ =	swait.ge [sflag:s24], $0x4000  }
0x147: {  	[sflag:s24] =	ssyncset.done $0x0  }
0x148: {  	s2 =	simm.s32 $0x14700;
	[sflag:s24] =	ssyncadd.s32 $0xFFFFC000  }
0x149: {  	[tilespmem:s17], [sflag:$0x1] =	stream.indirect.gather [hbm4b:s1+s16], $0x80, s2, s16, $0xb8;
	[tilespmem:$0x1E300] =	vst v63  }
0x14a: {  	_ =	swait.ge [sflag:s20], $0x4000  }
0x14b: {  	[sflag:s20] =	ssyncset.done $0x0  }
0x14c: {  	[sflag:s20] =	ssyncadd.s32 $0xFFFFC000  }
0x14d: {  	[spmem:s3] =	stream.indirect.scatter.add.f32 [tilespmem:s17], [sflag:$0x3], $0x80, s30, s16, $0xb8;
	[tilespmem:$0x1E300] =	vst v63  }
0x14e: {  	_ = 	snop  }
0x14f: {  	[spmem:s4] =	stream.indirect.scatter.add.f32 [tilespmem:s13], [sflag:$0x5], $0x1, s30, s16, $0xb8;
	[tilespmem:$0x1E300] =	vst v63  }
0x150: {  	_ =	swait.ge [sflag:s28], $0x4000  }
0x151: {  	[sflag:s28] =	ssyncset.done $0x0  }
0x152: {  	s2 =	simm.s32 $0x14780;
	[sflag:s28] =	ssyncadd.s32 $0xFFFFC000  }
0x153: {  	[tilespmem:s19], [sflag:$0x2] =	stream.indirect.gather [hbm4b:s1+s16], $0x80, s2, s16, $0xb8;
	[tilespmem:$0x1E300] =	vst v63  }
0x154: {  	_ =	swait.ge [sflag:s21], $0x4000  }
0x155: {  	[sflag:s21] =	ssyncset.done $0x0  }
0x156: {  	[sflag:s21] =	ssyncadd.s32 $0xFFFFC000  }
0x157: {  	[spmem:s3] =	stream.indirect.scatter.add.f32 [tilespmem:s19], [sflag:$0x4], $0x80, s31, s16, $0xb8;
	[tilespmem:$0x1E300] =	vst v63  }
0x158: {  	_ = 	snop  }
0x159: {  	[spmem:s4] =	stream.indirect.scatter.add.f32 [tilespmem:s13], [sflag:$0x5], $0x1, s31, s16, $0xb8;
	[tilespmem:$0x1E300] =	vst v63  }
0x15a: {  	_ =	swait.ge [sflag:s24], $0x4000  }
0x15b: {  	[sflag:s24] =	ssyncset.done $0x0  }
0x15c: {  	[sflag:s24] =	ssyncadd.s32 $0xFFFFC000  }
0x15d: {  	_ =	swait.ge [sflag:s28], $0x4000  }
0x15e: {  	[sflag:s28] =	ssyncset.done $0x0  }
0x15f: {  	[sflag:s28] =	ssyncadd.s32 $0xFFFFC000  }
0x160: {  	_ =	swait.ge [sflag:s18], $0x80  }
0x161: {  	[sflag:s18] =	ssyncset.done $0x0  }
0x162: {  	[sflag:s18] =	ssyncadd.s32 $0xFFFFFF80  }
0x163: {  	_ =	swait.ge [sflag:s18], $0x80  }
0x164: {  	[sflag:s18] =	ssyncset.done $0x0  }
0x165: {  	[sflag:s18] =	ssyncadd.s32 $0xFFFFFF80  }
0x166: {  	_ =	swait.ge [sflag:s18], $0x80  }
0x167: {  	[sflag:s18] =	ssyncset.done $0x0  }
0x168: {  	[sflag:s18] =	ssyncadd.s32 $0xFFFFFF80  }
0x169: {  	_ =	swait.ge [sflag:s18], $0x80  }
0x16a: {  	[sflag:s18] =	ssyncset.done $0x0  }
0x16b: {  	[sflag:s18] =	ssyncadd.s32 $0xFFFFFF80  }
0x16c: {  	_ =	swait.ge [sflag:s18], $0x80  }
0x16d: {  	[sflag:s18] =	ssyncset.done $0x0  }
0x16e: {  	[sflag:s18] =	ssyncadd.s32 $0xFFFFFF80  }
0x16f: {  	_ =	swait.ge [sflag:s18], $0x80  }
0x170: {  	[sflag:s18] =	ssyncset.done $0x0  }
0x171: {  	[sflag:s18] =	ssyncadd.s32 $0xFFFFFF80  }
0x172: {  	_ =	swait.ge [sflag:s18], $0x80  }
0x173: {  	[sflag:s18] =	ssyncset.done $0x0  }
0x174: {  	[sflag:s18] =	ssyncadd.s32 $0xFFFFFF80  }
0x175: {  	_ =	swait.ge [sflag:s18], $0x80  }
0x176: {  	[sflag:s18] =	ssyncset.done $0x0  }
0x177: {  	[sflag:s18] =	ssyncadd.s32 $0xFFFFFF80  }
0x178: {  	_ =	swait.ge [sflag:s18], $0x80  }
0x179: {  	[sflag:s18] =	ssyncset.done $0x0  }
0x17a: {  	[sflag:s18] =	ssyncadd.s32 $0xFFFFFF80  }
0x17b: {  	_ =	swait.ge [sflag:s18], $0x80  }
0x17c: {  	[sflag:s18] =	ssyncset.done $0x0  }
0x17d: {  	[sflag:s18] =	ssyncadd.s32 $0xFFFFFF80  }
0x17e: {  	_ =	swait.ge [sflag:s18], $0x80  }
0x17f: {  	[sflag:s18] =	ssyncset.done $0x0  }
0x180: {  	[sflag:s18] =	ssyncadd.s32 $0xFFFFFF80  }
0x181: {  	_ =	swait.ge [sflag:s18], $0x80  }
0x182: {  	[sflag:s18] =	ssyncset.done $0x0  }
0x183: {  	[sflag:s18] =	ssyncadd.s32 $0xFFFFFF80  }
0x184: {  	_ =	swait.ge [sflag:s18], $0x80  }
0x185: {  	[sflag:s18] =	ssyncset.done $0x0  }
0x186: {  	[sflag:s18] =	ssyncadd.s32 $0xFFFFFF80  }
0x187: {  	_ =	swait.ge [sflag:s18], $0x80  }
0x188: {  	[sflag:s18] =	ssyncset.done $0x0  }
0x189: {  	p1 =	slt.u32 @!p0 s23, $0x8;
	[sflag:s18] =	ssyncadd.s32 $0xFFFFFF80  }
0x18a: {  	p1 =	por p0, !p1;
	_ =	swait.ge [sflag:s18], $0x80  }
.Ltmp1:
0x18b: {  	[sflag:s18] =	ssyncset.done $0x0;
	(pc) =	sbr.rel @!p1 .LBB2_4-.Ltmp1, $4  }
0x18c: {  	[sflag:s18] =	ssyncadd.s32 $0xFFFFFF80  }
0x18d: {  	_ =	swait.ge [sflag:s18], $0x80  }
0x18e: {  	s23 =	sadd.s32 $0x1, s23;
	[sflag:s18] =	ssyncset.done $0x0  }
0x18f: {  	s5 =	sadd.s32 $0x100, s5;
	s14 =	sadd.s32 $0x100, s14;
	[sflag:s18] =	ssyncadd.s32 $0xFFFFFF80  }
0x190: {  	s5 =	stileid.u32;
	[bflag:$0x0] =	sbarrier.arrive $0xFFFF  }
0x191: {  	s5 =	sshll.u32 s5, $0x6;
	s23 =	rddreg [dreg:$0x6]  }
0x192: {  	s26 =	rddreg [dreg:$0x8];
	s5 =	sor.u32 $0x1C06, s5;
	s14 =	sshrl.u32 s23, $0x3  }
0x193: {  	[hbm:s26], [sflag:s5] =	dma.local [spmem:s14], $0x2800  }
0x194: {  	_ =	swait.ge [sflag:s12], $0x2800  }
0x195: {  	[sflag:s12] =	ssyncset.done $0x0;
	s11 =	rddreg [dreg:$0x7]  }
0x196: {  	s2 =	rddreg [dreg:$0x9];
	[sflag:s12] =	ssyncadd.s32 $0xFFFFD800;
	s0 =	sshrl.u32 s11, $0x3  }
0x197: {  	[hbm:s2], [sflag:s5] =	dma.local [spmem:s0], $0x50  }
0x198: {  	_ =	swait.ge [sflag:s12], $0x50  }
0x199: {  	s0 =	sld [smem:$0x7F9];
	_ =	sdelay $0x2  }
0x19a: {  	s26 =	rddreg [dreg:$0xa];
	s0 =	sadd.s32 $0x1, s0  }
0x19b: {  	p1 =	sne.s32 s0, s26  }
.Ltmp2:
0x19c: {  	_ = 	snop;
	(pc) =	sbr.rel @p1 .LBB2_1-.Ltmp2, $3  }
0x19d: {  	_ =	sdelay $0x1  }
0x19e: {  	[sflag:s12] =	ssyncset.done $0x0  }
0x19f: {  	[sflag:s12] =	ssyncadd.s32 $0xFFFFFFB0  }
0x1a0: {  	_ =	sfence.sel $0x180000  }
0x1a1: {  	[bflag:$0x0] =	sbarrier.arrive $0xFFFF  }
0x1a2: {  	_ =	strace $0x90000047  }
0x1a3: {  	s0 =	stileid.u32;
	[bflag:$0x2] =	sbarrier.arrive $0xFFFF  }
0x1a4: {  	p0 =	sne.s32 s0, $0x0;
	s0 =	rddreg [dreg:$0x5]  }
0x1a5: {  	s0 =	sadd.s32 @!p0 $0x100000, s0  }
0x1a6: {  	[sflag:s0] =	ssyncadd.tile.s32 @!p0 $0x1;
	_ =	shalt  }
.Lfunc_end2:
_tile_overlayer_lowered:
.L_overlay_start_2:
0x1a7: {  	(tag) =	ssettag $0x2  }
0x1a8: {  	s0 =	rddreg [dreg:$0x0];
	s2 =	stileid.u32  }
0x1a9: {  	s1 =	rddreg [dreg:$0x1];
	p0 =	sne.s32 s2, $0x0  }
0x1aa: {  	s3 =	rddreg [dreg:$0x2];
	[bflag:$0x3] =	sbarrier.arrive $0xFFFF;
	s2 =	simm.s32 @!p0 $0x1C06  }
0x1ab: {  	[timem:s3], [sflag:s2] =	dma.local @!p0 [hbm:s0], s1  }
0x1ac: {  	s0 =	simm.s32 @!p0 $0x6  }
0x1ad: {  	_ =	swait.ge @!p0 [sflag:s0], s1  }
0x1ae: {  	s1 =	ssub.s32 @!p0 $0x0, s1;
	[sflag:s0] =	ssyncset.done @!p0 $0x0  }
0x1af: {  	[sflag:s0] =	ssyncadd.s32 @!p0 s1  }
0x1b0: {  	[bflag:$0x3] =	sbarrier.arrive $0xFFFF  }
0x1b1: {  	_ =	shalt  }

// kernel: kernel.9.cloned.1.call-start
scs
__scs_entry_jumppad:
0x0: {  	(pc) =	sbr.rel $0x88, $3  }
0x1: {  	(tag) =	ssettag $0x0;
	lr =	simm.s32 $0x1  }
0x2: {  	[smem:$0x3F97] =	sst lr;
	_ =	strace $0xD0000000  }
0x3: {  	_ = 	snop  }
0x4: {  	_ = 	snop  }
0x5: {  	_ = 	snop  }
0x6: {  	_ = 	snop  }
0x7: {  	_ = 	snop  }
__scs_overlays_trampoline_lowered:
0x8: {  	[smem:$0x3FA6] =	sst s0  }
0x9: {  	[smem:$0x3FA7] =	sst s1  }
0xa: {  	[smem:$0x3FA8] =	sst s2  }
0xb: {  	[smem:$0x3FA9] =	sst s3  }
0xc: {  	[smem:$0x3FAA] =	sst s4  }
0xd: {  	[smem:$0x3FAB] =	sst s5  }
0xe: {  	[smem:$0x3FAC] =	sst s6  }
0xf: {  	[smem:$0x3FAD] =	sst s7  }
0x10: {  	[smem:$0x3FAE] =	sst s8  }
0x11: {  	[smem:$0x3FAF] =	sst s9;
	s0 =	simm.s32 @!p0 $0x0  }
0x12: {  	s1 =	sld [smem:$0x3F95];
	s0 =	simm.s32 @p0 $0x1  }
0x13: {  	[smem:$0x3FB0] =	sst s0;
	s0 =	simm.s32 @!p1 $0x0  }
0x14: {  	s2 =	sld [smem:$0x3F94];
	s0 =	simm.s32 @p1 $0x1  }
0x15: {  	[smem:$0x3FB1] =	sst s0;
	s0 =	simm.s32 @!p2 $0x0  }
0x16: {  	s3 =	sld [smem:$0x3FDB];
	s0 =	simm.s32 @p2 $0x1  }
0x17: {  	s4 =	simm.s32 $0x1BF5;
	[smem:$0x3FB3] =	sst s0  }
0x18: {  	s0 =	sld [smem:$0x3F96];
	_ =	swait.ge [sflag:s4], $0x0  }
0x19: {  	s7 =	sld [smem:$0x3F97]  }
0x1a: {  	s8 =	sadd.s32 $0xFFFFE003, lr  }
0x1b: {  	s9 =	sadd.s32 $0xFFFFFEF7, lr;
	s5 =	simm.s32 $0xFFFFFFFF;
	p2 =	slt.u32 s8, $0xFFFFF086  }
0x1c: {  	p1 =	slt.u32 s9, $0xF7A;
	s5 =	simm.s32 @!p2 $0x0  }
0x1d: {  	s5 =	simm.s32 @p1 $0x1;
	p0 =	seq.s32 s7, s2  }
0x1e: {  	s7 =	smul.u32 @!p0 $0xF7A, s2;
	p2 =	seq.s32 @!p0 s5, $0x0  }
0x1f: {  	s9 =	smul.u32 $0xF7A, s1;
	s8 =	simm.s32 @!p0 $0x1BF5;
	p2 =	por !p2, p0  }
0x20: {  	[sflag:s8] =	ssyncset.s32 @!p0 $0xFFFFF086;
	s6 =	sadd.s32 @!p0 s3, s7;
	s7 =	simm.s32 @!p0 $0x108  }
0x21: {  	s3 =	sadd.s32 s3, s9;
	s6 =	sadd.s32 @!p0 $0x88, s6;
	s7 =	simm.s32 @p2 $0x1082  }
0x22: {  	[simem:s7], [sflag:s8] =	dma.local @!p0 [hbm:s6], $0xF7A  }
0x23: {  	s9 =	sor.u32 $0xD0000000, s2;
	s6 =	simm.s32 $0x108;
	_ =	swait.ge @!p0 [sflag:s8], $0x0  }
0x24: {  	s3 =	sadd.s32 $0x88, s3;
	s6 =	simm.s32 @!p1 $0x1082;
	[sflag:s4] =	ssyncset.s32 $0xFFFFF086  }
0x25: {  	[simem:s6], [sflag:s4] =	dma.local [hbm:s3], $0xF7A  }
0x26: {  	[smem:$0x3F97] =	sst s1;
	(tag) =	ssettag s2;
	_ =	strace s9  }
0x27: {  	s1 =	sld [smem:$0x3FA7]  }
0x28: {  	s2 =	sld [smem:$0x3FA8]  }
0x29: {  	s4 =	sld [smem:$0x3FAA]  }
0x2a: {  	p0 =	seq.s32 s5, $0x0;
	s5 =	sld [smem:$0x3FAB]  }
0x2b: {  	s6 =	sld [smem:$0x3FAC]  }
0x2c: {  	s7 =	sld [smem:$0x3FAD]  }
0x2d: {  	s3 =	simm.s32 $0x108;
	s8 =	sld [smem:$0x3FAE]  }
0x2e: {  	s3 =	simm.s32 @!p0 $0x1082;
	s9 =	sld [smem:$0x3FAF]  }
0x2f: {  	lr =	sadd.s32 s0, s3;
	s0 =	sld [smem:$0x3FA6]  }
0x30: {  	s3 =	sld [smem:$0x3FA9]  }
0x31: {  	[smem:$0x3FB2] =	sst s10  }
0x32: {  	s10 =	sld [smem:$0x3FB0];
	_ =	sdelay $0x3  }
0x33: {  	p0 =	seq.s32 s10, $0x1;
	s10 =	sld [smem:$0x3FB2];
	_ =	sdelay $0x3  }
0x34: {  	[smem:$0x3FB2] =	sst s10  }
0x35: {  	s10 =	sld [smem:$0x3FB1];
	_ =	sdelay $0x3  }
0x36: {  	p1 =	seq.s32 s10, $0x1;
	s10 =	sld [smem:$0x3FB2];
	_ =	sdelay $0x3  }
0x37: {  	[smem:$0x3FB2] =	sst s10  }
0x38: {  	s10 =	sld [smem:$0x3FB3]  }
0x39: {  	_ = 	snop;
	(pc) =	sbr.ind lr, $3  }
0x3a: {  	_ = 	snop  }
0x3b: {  	_ = 	snop  }
0x3c: {  	p2 =	seq.s32 s10, $0x1;
	s10 =	sld [smem:$0x3FB2]  }
0x3d: {  	_ =	shalt  }
0x3e: {  	_ =	shalt  }
0x3f: {  	_ =	shalt  }
0x40: {  	_ =	shalt  }
0x41: {  	_ =	shalt  }
0x42: {  	_ =	shalt  }
0x43: {  	_ =	shalt  }
0x44: {  	_ =	shalt  }
0x45: {  	_ =	shalt  }
0x46: {  	_ =	shalt  }
0x47: {  	_ =	shalt  }
0x48: {  	_ =	shalt  }
0x49: {  	_ =	shalt  }
0x4a: {  	_ =	shalt  }
0x4b: {  	_ =	shalt  }
0x4c: {  	_ =	shalt  }
0x4d: {  	_ =	shalt  }
0x4e: {  	_ =	shalt  }
0x4f: {  	_ =	shalt  }
0x50: {  	_ =	shalt  }
0x51: {  	_ =	shalt  }
0x52: {  	_ =	shalt  }
0x53: {  	_ =	shalt  }
0x54: {  	_ =	shalt  }
0x55: {  	_ =	shalt  }
0x56: {  	_ =	shalt  }
0x57: {  	_ =	shalt  }
0x58: {  	_ =	shalt  }
0x59: {  	_ =	shalt  }
0x5a: {  	_ =	shalt  }
0x5b: {  	_ =	shalt  }
0x5c: {  	_ =	shalt  }
0x5d: {  	_ =	shalt  }
0x5e: {  	_ =	shalt  }
0x5f: {  	_ =	shalt  }
0x60: {  	_ =	shalt  }
0x61: {  	_ =	shalt  }
0x62: {  	_ =	shalt  }
0x63: {  	_ =	shalt  }
0x64: {  	_ =	shalt  }
0x65: {  	_ =	shalt  }
0x66: {  	_ =	shalt  }
0x67: {  	_ =	shalt  }
0x68: {  	_ =	shalt  }
0x69: {  	_ =	shalt  }
0x6a: {  	_ =	shalt  }
0x6b: {  	_ =	shalt  }
0x6c: {  	_ =	shalt  }
0x6d: {  	_ =	shalt  }
0x6e: {  	_ =	shalt  }
0x6f: {  	_ =	shalt  }
0x70: {  	_ =	shalt  }
0x71: {  	_ =	shalt  }
0x72: {  	_ =	shalt  }
0x73: {  	_ =	shalt  }
0x74: {  	_ =	shalt  }
0x75: {  	_ =	shalt  }
0x76: {  	_ =	shalt  }
0x77: {  	_ =	shalt  }
0x78: {  	_ =	shalt  }
0x79: {  	_ =	shalt  }
0x7a: {  	_ =	shalt  }
0x7b: {  	_ =	shalt  }
0x7c: {  	_ =	shalt  }
0x7d: {  	_ =	shalt  }
0x7e: {  	_ =	shalt  }
0x7f: {  	_ =	shalt  }
0x80: {  	_ =	shalt  }
0x81: {  	_ =	shalt  }
0x82: {  	_ =	shalt  }
0x83: {  	_ =	shalt  }
0x84: {  	_ =	shalt  }
0x85: {  	_ =	shalt  }
0x86: {  	_ =	shalt  }
0x87: {  	_ =	shalt  }
.Lfunc_end0:
.L_simem_size_0:
called_computation.1_lowered:
.L_overlay_start_0:
0x88: {  	s2 =	sld [smem:$0x3FD9]  }
0x89: {  	s3 =	sld [smem:$0x3FFE];
	_ =	sdelay $0x1  }
0x8a: {  	s1 =	srdreg.scid  }
0x8b: {  	s0 =	sand.u32 $0x1, s1  }
0x8c: {  	s17 =	sshll.u32 s0, $0xA;
	s2 =	sadd.s32 s3, s2  }
0x8d: {  	s2 =	sadd.s32 s2, s17  }
0x8e: {  	[smem:$0x3FBE] =	sst s2  }
0x8f: {  	_ = 	snop  }
0x90: {  	s2 =	sld [smem:$0x3FD0];
	(tm) =	ssettm $0x1  }
0x91: {  	s18 =	sld [smem:$0x3FFB];
	_ =	sdelay $0x3  }
0x92: {  	_ =	strace s18  }
0x93: {  	s3 =	sld [smem:$0x3FFC];
	_ =	sdelay $0x3  }
0x94: {  	_ =	strace s3  }
0x95: {  	s3 =	sld [smem:$0x3FFD];
	_ =	sdelay $0x3  }
0x96: {  	_ =	strace s3  }
0x97: {  	_ =	strace $0x8FFFFFFF  }
0x98: {  	s19 =	sld [smem:$0x3FDB];
	_ =	sdelay $0x1  }
0x99: {  	s4 =	simm.s32 $_scs_section_size  }
0x9a: {  	s5 =	simm.s32 $_size__tile_overlayer_lowered;
	s6 =	simm.s32 $_tile_overlayer_lowered  }
0x9b: {  	s22 =	simm.s32 $0x1BFF;
	s21 =	sshll.u32 s6, $0x1;
	s3 =	sadd.s32 s4, s19  }
0x9c: {  	s7 =	simm.s32 $0x0;
	s20 =	sshll.u32 s5, $0x1;
	s5 =	sadd.s32 s21, s3  }
0x9d: {  	[timem:s7], [sflag:s22] =	dma.local [hbm:s5], s20  }
0x9e: {  	_ =	swait.ge [sflag:s22], s20  }
0x9f: {  	s4 =	ssub.s32 $0x0, s20;
	[sflag:s22] =	ssyncset.done $0x0  }
0xa0: {  	[sflag:s22] =	ssyncadd.s32 s4;
	_ =	sdelay $0x1  }
0xa1: {  	s23 =	simm.s32 $0x1B8B  }
0xa2: {  	_ =	swait.ge [sflag:s23], $0x1  }
0xa3: {  	[sflag:s23] =	ssyncset.done $0x0  }
0xa4: {  	s25 =	simm.s32 $0x1B8E;
	s24 =	sld [smem:$0x3FFE];
	[sflag:s23] =	ssyncadd.s32 $0xFFFFFFFF  }
0xa5: {  	s26 =	simm.s32 $execute0_lowered;
	[smem:$0x3FD2] =	sst s25  }
0xa6: {  	s5 =	sshll.u32 s26, $0x1;
	_ =	strace $0x80000049;
	[dreg:$0x1] =	wrdreg $0xFFFFFFFF  }
0xa7: {  	s28 =	simm.s32 $_size_execute0_lowered;
	s3 =	sadd.s32 s3, s5;
	[dreg:$0x0] =	wrdreg $0x0  }
0xa8: {  	s5 =	sshll.u32 s28, $0x1;
	[dreg:$0x2] =	wrdreg s3  }
0xa9: {  	[dreg:$0x3] =	wrdreg s5  }
0xaa: {  	[dreg:$0x4] =	wrdreg $0xC0  }
0xab: {  	_ =	task [dreg:s7], $0x5FFFF  }
0xac: {  	[dreg:$0x1] =	wrdreg $0xFFFFFFFF  }
0xad: {  	[dreg:$0x0] =	wrdreg $0x60  }
0xae: {  	[dreg:$0x2] =	wrdreg s24  }
0xaf: {  	[dreg:$0x3] =	wrdreg s2  }
0xb0: {  	[dreg:$0x4] =	wrdreg $0x0  }
0xb1: {  	[dreg:$0x5] =	wrdreg $0x9  }
0xb2: {  	_ =	task.clear_ibuf [dreg:s7], $0x6FFFF;
	_ =	strace $0x90000049  }
0xb3: {  	s29 =	simm.s32 $0x9;
	_ =	strace $0x8000004B  }
0xb4: {  	_ =	swait.ge [sflag:s29], $0x1  }
0xb5: {  	[sflag:s29] =	ssyncadd.s32 $0xFFFFFFFF  }
0xb6: {  	_ =	strace $0x9000004B  }
0xb7: {  	_ =	sfence  }
0xb8: {  	s30 =	sld [smem:$0x0];
	_ =	sdelay $0x2  }
0xb9: {  	s31 =	sshll.u32 s1, $0xD;
	s1 =	sshrl.u32 s1, $0x2  }
0xba: {  	s3 =	sand.u32 $0x4000, s31;
	s1 =	sadd.s32 s1, s30  }
0xbb: {  	s0 =	sor.u32 s3, s0;
	s1 =	sshll.u32 s1, $0x11  }
0xbc: {  	s0 =	sor.u32 s1, s0  }
0xbd: {  	s0 =	sadd.s32 $0x8F2B, s0  }
0xbe: {  	[sflag:s0] =	ssyncadd.remote.s32 $0x1  }
0xbf: {  	_ =	sfence.sel $0xFFFF  }
0xc0: {  	[dreg:$0x0] =	wrdreg $0xFFFFFFFF;
	(pc) =	sbr.abs _section_cstart, $3  }
0xc1: {  	[dreg:$0x1] =	wrdreg $0xFFFFFFFF  }
0xc2: {  	_ =	task.clear_ibuf [dreg:s7], $0x2FFFF;
	_ =	strace $0x9FFFFFFF  }
0xc3: {  	(tm) =	ssettm $0x7FFFFFFF  }
tec
execute0_lowered:
.L_overlay_start_1:
0x0: {  	(tag) =	ssettag $0x1  }
0x1: {  	s4 =	srdreg.scid;
	s9 =	stileid.u32  }
0x2: {  	s5 =	sand.u32 $0x1, s4;
	s4 =	smul.u32 $0x9, s9  }
0x3: {  	s0 =	rddreg [dreg:$0x0];
	s8 =	smul.u32 $0x14000, s9  }
0x4: {  	s1 =	rddreg [dreg:$0x1];
	s6 =	sor.u32 $0x90, s9;
	s9 =	smul.u32 $0x50000, s9  }
0x5: {  	s2 =	rddreg [dreg:$0x2];
	s3 =	simm.s32 $0x0;
	s26 =	ssub.s32 $0x2, s5  }
0x6: {  	[smem:$0x7FF] =	sst s3;
	s11 =	sshrl.u32 s26, $0x1;
	s9 =	sshrl.u32 s9, $0x2  }
0x7: {  	s7 =	smul.u32 $0x140000, s5;
	s28 =	ssub.s32 s26, s11;
	s3 =	sadd.s32 s9, s2  }
0x8: {  	_ =	strace $0x8000004A;
	s29 =	smax.u32 s28, $0x1;
	[dreg:$0x4] =	wrdreg s3  }
0x9: {  	s7 =	sadd.s32 s8, s7;
	s8 =	sadd.s32 $0x2000, s3;
	[dreg:$0x6] =	wrdreg s29  }
0xa: {  	s9 =	sadd.s32 $0x3000, s3;
	[dreg:$0x8] =	wrdreg s8  }
0xb: {  	s11 =	sadd.s32 $0x4000, s3;
	[dreg:$0x9] =	wrdreg s9  }
0xc: {  	s31 =	simm.s32 $0x5;
	s12 =	sadd.s32 $0x5000, s3;
	[dreg:$0xa] =	wrdreg s11  }
0xd: {  	s30 =	simm.s32 $0x14C80;
	s13 =	sadd.s32 $0x6000, s3;
	[dreg:$0xb] =	wrdreg s12  }
0xe: {  	p0 =	seq.s32 s5, $0x0;
	s14 =	sadd.s32 $0x7000, s3;
	[dreg:$0xc] =	wrdreg s13  }
0xf: {  	s6 =	smov.u32 @p0 s4;
	s15 =	sadd.s32 $0x8000, s3;
	[dreg:$0xd] =	wrdreg s14  }
0x10: {  	s4 =	sadd.s32 $0xC200, s0;
	s16 =	sadd.s32 $0x9000, s3;
	[dreg:$0xe] =	wrdreg s15  }
0x11: {  	p0 =	sne.s32 s5, $0x0;
	s17 =	sadd.s32 $0xA000, s3;
	[dreg:$0xf] =	wrdreg s16  }
0x12: {  	s5 =	simm.s32 $0x14480;
	s18 =	sadd.s32 $0xB000, s3;
	[dreg:$0x10] =	wrdreg s17  }
0x13: {  	s6 =	sshll.u32 s6, $0x8;
	s19 =	sadd.s32 $0xC000, s3;
	[dreg:$0x11] =	wrdreg s18  }
0x14: {  	s10 =	sadd.s32 s6, s0;
	s20 =	sadd.s32 $0xD000, s3;
	[dreg:$0x12] =	wrdreg s19  }
0x15: {  	s7 =	sshrl.u32 s7, $0x3;
	s21 =	sadd.s32 $0xE000, s3;
	[dreg:$0x13] =	wrdreg s20  }
0x16: {  	s22 =	sadd.s32 s6, s1;
	s23 =	sadd.s32 $0xF000, s3;
	[dreg:$0x14] =	wrdreg s21  }
0x17: {  	s24 =	sadd.s32 $0x10000, s3;
	s26 =	sadd.s32 $0x11000, s3;
	[dreg:$0x15] =	wrdreg s22  }
0x18: {  	s28 =	sadd.s32 $0x12000, s3;
	s6 =	simm.s32 $0x80;
	[dreg:$0x16] =	wrdreg s23  }
0x19: {  	s1 =	simm.s32 $0x14000;
	s0 =	sadd.s32 s7, s0;
	[dreg:$0x17] =	wrdreg s24  }
0x1a: {  	s7 =	sadd.s32 $0x1000, s3;
	s25 =	sadd.s32 $0x2200, s10;
	[dreg:$0x19] =	wrdreg s26  }
0x1b: {  	[dreg:$0x1a] =	wrdreg s28;
	s29 =	sadd.s32 $0x13000, s3;
	s9 =	simm.s32 $0x19000  }
0x1c: {  	s10 =	simm.s32 $0x1;
	s11 =	simm.s32 $0x2;
	s13 =	simm.s32 $0x3  }
0x1d: {  	s16 =	simm.s32 $0x4;
	s8 =	simm.s32 $0x14500;
	s12 =	simm.s32 $0x14D00  }
0x1e: {  	s14 =	simm.s32 $0x14580;
	s15 =	simm.s32 $0x14D80;
	s17 =	simm.s32 $0x14600  }
0x1f: {  	s18 =	simm.s32 $0x14E00;
	s19 =	simm.s32 $0x14680;
	s20 =	simm.s32 $0x14E80  }
0x20: {  	s21 =	simm.s32 $0x14700;
	s23 =	simm.s32 $0x14F00;
	[dreg:$0x7] =	wrdreg s7  }
0x21: {  	s24 =	simm.s32 $0x14780;
	s22 =	simm.s32 $0x14F80;
	[dreg:$0x18] =	wrdreg s25  }
0x22: {  	s0 =	sadd.s32 $0x34200, s0;
	[dreg:$0x1b] =	wrdreg s29;
	s7 =	simm.s32 $0x15000  }
0x23: {  	v0 =	vimm.f32 $0.0e+00;
	s25 =	simm.s32 $0x14800;
	[dreg:$0x5] =	wrdreg s0;
	s0 =	simm.s32 $0x0  }
.LBB2_1:
0x24: {  	[dreg:$0x1c] =	wrdreg s0;
	s26 =	simm.s32 $0x0;
	s28 =	simm.s32 $0x200  }
.LBB2_2:
0x25: {  	p1 =	sne.s32 s28, $0x3E00;
	[tilespmem:s26+$0x1D070] =	vst v0  }
0x26: {  	[tilespmem:s26+$0x1D000] =	vst v0  }
0x27: {  	[tilespmem:s26+$0x1D010] =	vst v0  }
.Ltmp0:
0x28: {  	[tilespmem:s26+$0x1D020] =	vst v0;
	(pc) =	sbr.rel @p1 .LBB2_2-.Ltmp0, $4  }
0x29: {  	[tilespmem:s26+$0x1D030] =	vst v0  }
0x2a: {  	[tilespmem:s26+$0x1D040] =	vst v0  }
0x2b: {  	[tilespmem:s26+$0x1D050] =	vst v0  }
0x2c: {  	[tilespmem:s26+$0x1D060] =	vst v0;
	s26 =	sshra.s32 s28, $0x2;
	s28 =	sadd.s32 $0x200, s28  }
0x2d: {  	[tilespmem:s26+$0x1D070] =	vst v0  }
0x2e: {  	[tilespmem:s26+$0x1D000] =	vst v0  }
0x2f: {  	[tilespmem:s26+$0x1D010] =	vst v0  }
0x30: {  	[tilespmem:s26+$0x1D020] =	vst v0  }
0x31: {  	[tilespmem:s26+$0x1D030] =	vst v0  }
0x32: {  	[tilespmem:s26+$0x1D040] =	vst v0  }
0x33: {  	[tilespmem:s26+$0x1D050] =	vst v0  }
0x34: {  	[tilespmem:s26+$0x1D060] =	vst v0;
	s28 =	simm.s32 $0x1D000  }
0x35: {  	[spmem:s3] =	stream.linear.scatter [tilespmem:s28], [sflag:$0x5], $0x1000, $0x38;
	[tilespmem:$0x1E000] =	vst v63  }
0x36: {  	_ =	swait.ge [sflag:s31], $0x1000  }
0x37: {  	[sflag:s31] =	ssyncset.done $0x0  }
0x38: {  	s3 =	rddreg [dreg:$0x7];
	[sflag:s31] =	ssyncadd.s32 $0xFFFFF000  }
0x39: {  	[spmem:s3] =	stream.linear.scatter [tilespmem:s28], [sflag:$0x5], $0x1000, $0x38;
	[tilespmem:$0x1E000] =	vst v63  }
0x3a: {  	_ =	swait.ge [sflag:s31], $0x1000  }
0x3b: {  	[sflag:s31] =	ssyncset.done $0x0  }
0x3c: {  	s0 =	rddreg [dreg:$0x8];
	[sflag:s31] =	ssyncadd.s32 $0xFFFFF000  }
0x3d: {  	[spmem:s0] =	stream.linear.scatter [tilespmem:s28], [sflag:$0x5], $0x1000, $0x38;
	[tilespmem:$0x1E000] =	vst v63  }
0x3e: {  	_ =	swait.ge [sflag:s31], $0x1000  }
0x3f: {  	[sflag:s31] =	ssyncset.done $0x0  }
0x40: {  	s3 =	rddreg [dreg:$0x9];
	[sflag:s31] =	ssyncadd.s32 $0xFFFFF000  }
0x41: {  	[spmem:s3] =	stream.linear.scatter [tilespmem:s28], [sflag:$0x5], $0x1000, $0x38;
	[tilespmem:$0x1E000] =	vst v63  }
0x42: {  	_ =	swait.ge [sflag:s31], $0x1000  }
0x43: {  	[sflag:s31] =	ssyncset.done $0x0  }
0x44: {  	s0 =	rddreg [dreg:$0xa];
	[sflag:s31] =	ssyncadd.s32 $0xFFFFF000  }
0x45: {  	[spmem:s0] =	stream.linear.scatter [tilespmem:s28], [sflag:$0x5], $0x1000, $0x38;
	[tilespmem:$0x1E000] =	vst v63  }
0x46: {  	_ =	swait.ge [sflag:s31], $0x1000  }
0x47: {  	[sflag:s31] =	ssyncset.done $0x0  }
0x48: {  	s3 =	rddreg [dreg:$0xb];
	[sflag:s31] =	ssyncadd.s32 $0xFFFFF000  }
0x49: {  	[spmem:s3] =	stream.linear.scatter [tilespmem:s28], [sflag:$0x5], $0x1000, $0x38;
	[tilespmem:$0x1E000] =	vst v63  }
0x4a: {  	_ =	swait.ge [sflag:s31], $0x1000  }
0x4b: {  	[sflag:s31] =	ssyncset.done $0x0  }
0x4c: {  	s0 =	rddreg [dreg:$0xc];
	[sflag:s31] =	ssyncadd.s32 $0xFFFFF000  }
0x4d: {  	[spmem:s0] =	stream.linear.scatter [tilespmem:s28], [sflag:$0x5], $0x1000, $0x38;
	[tilespmem:$0x1E000] =	vst v63  }
0x4e: {  	_ =	swait.ge [sflag:s31], $0x1000  }
0x4f: {  	[sflag:s31] =	ssyncset.done $0x0  }
0x50: {  	s3 =	rddreg [dreg:$0xd];
	[sflag:s31] =	ssyncadd.s32 $0xFFFFF000  }
0x51: {  	[spmem:s3] =	stream.linear.scatter [tilespmem:s28], [sflag:$0x5], $0x1000, $0x38;
	[tilespmem:$0x1E000] =	vst v63  }
0x52: {  	_ =	swait.ge [sflag:s31], $0x1000  }
0x53: {  	[sflag:s31] =	ssyncset.done $0x0  }
0x54: {  	s0 =	rddreg [dreg:$0xe];
	[sflag:s31] =	ssyncadd.s32 $0xFFFFF000  }
0x55: {  	[spmem:s0] =	stream.linear.scatter [tilespmem:s28], [sflag:$0x5], $0x1000, $0x38;
	[tilespmem:$0x1E000] =	vst v63  }
0x56: {  	_ =	swait.ge [sflag:s31], $0x1000  }
0x57: {  	[sflag:s31] =	ssyncset.done $0x0  }
0x58: {  	s3 =	rddreg [dreg:$0xf];
	[sflag:s31] =	ssyncadd.s32 $0xFFFFF000  }
0x59: {  	[spmem:s3] =	stream.linear.scatter [tilespmem:s28], [sflag:$0x5], $0x1000, $0x38;
	[tilespmem:$0x1E000] =	vst v63  }
0x5a: {  	_ =	swait.ge [sflag:s31], $0x1000  }
0x5b: {  	[sflag:s31] =	ssyncset.done $0x0  }
0x5c: {  	s0 =	rddreg [dreg:$0x10];
	[sflag:s31] =	ssyncadd.s32 $0xFFFFF000  }
0x5d: {  	[spmem:s0] =	stream.linear.scatter [tilespmem:s28], [sflag:$0x5], $0x1000, $0x38;
	[tilespmem:$0x1E000] =	vst v63  }
0x5e: {  	_ =	swait.ge [sflag:s31], $0x1000  }
0x5f: {  	[sflag:s31] =	ssyncset.done $0x0  }
0x60: {  	s3 =	rddreg [dreg:$0x11];
	[sflag:s31] =	ssyncadd.s32 $0xFFFFF000  }
0x61: {  	[spmem:s3] =	stream.linear.scatter [tilespmem:s28], [sflag:$0x5], $0x1000, $0x38;
	[tilespmem:$0x1E000] =	vst v63  }
0x62: {  	_ =	swait.ge [sflag:s31], $0x1000  }
0x63: {  	[sflag:s31] =	ssyncset.done $0x0  }
0x64: {  	s0 =	rddreg [dreg:$0x12];
	[sflag:s31] =	ssyncadd.s32 $0xFFFFF000  }
0x65: {  	[spmem:s0] =	stream.linear.scatter [tilespmem:s28], [sflag:$0x5], $0x1000, $0x38;
	[tilespmem:$0x1E000] =	vst v63  }
0x66: {  	_ =	swait.ge [sflag:s31], $0x1000  }
0x67: {  	[sflag:s31] =	ssyncset.done $0x0  }
0x68: {  	s3 =	rddreg [dreg:$0x13];
	[sflag:s31] =	ssyncadd.s32 $0xFFFFF000  }
0x69: {  	[spmem:s3] =	stream.linear.scatter [tilespmem:s28], [sflag:$0x5], $0x1000, $0x38;
	[tilespmem:$0x1E000] =	vst v63  }
0x6a: {  	_ =	swait.ge [sflag:s31], $0x1000  }
0x6b: {  	[sflag:s31] =	ssyncset.done $0x0  }
0x6c: {  	s0 =	rddreg [dreg:$0x14];
	[sflag:s31] =	ssyncadd.s32 $0xFFFFF000  }
0x6d: {  	[spmem:s0] =	stream.linear.scatter [tilespmem:s28], [sflag:$0x5], $0x1000, $0x38;
	[tilespmem:$0x1E000] =	vst v63  }
0x6e: {  	_ =	swait.ge [sflag:s31], $0x1000  }
0x6f: {  	[sflag:s31] =	ssyncset.done $0x0  }
0x70: {  	s3 =	rddreg [dreg:$0x16];
	[sflag:s31] =	ssyncadd.s32 $0xFFFFF000  }
0x71: {  	[spmem:s3] =	stream.linear.scatter [tilespmem:s28], [sflag:$0x5], $0x1000, $0x38;
	[tilespmem:$0x1E000] =	vst v63  }
0x72: {  	_ =	swait.ge [sflag:s31], $0x1000  }
0x73: {  	[sflag:s31] =	ssyncset.done $0x0  }
0x74: {  	s0 =	rddreg [dreg:$0x17];
	[sflag:s31] =	ssyncadd.s32 $0xFFFFF000  }
0x75: {  	[spmem:s0] =	stream.linear.scatter [tilespmem:s28], [sflag:$0x5], $0x1000, $0x38;
	[tilespmem:$0x1E000] =	vst v63  }
0x76: {  	_ =	swait.ge [sflag:s31], $0x1000  }
0x77: {  	[sflag:s31] =	ssyncset.done $0x0  }
0x78: {  	s3 =	rddreg [dreg:$0x19];
	[sflag:s31] =	ssyncadd.s32 $0xFFFFF000  }
0x79: {  	[spmem:s3] =	stream.linear.scatter [tilespmem:s28], [sflag:$0x5], $0x1000, $0x38;
	[tilespmem:$0x1E000] =	vst v63  }
0x7a: {  	_ =	swait.ge [sflag:s31], $0x1000  }
0x7b: {  	[sflag:s31] =	ssyncset.done $0x0  }
0x7c: {  	s0 =	rddreg [dreg:$0x1a];
	[sflag:s31] =	ssyncadd.s32 $0xFFFFF000  }
0x7d: {  	[spmem:s0] =	stream.linear.scatter [tilespmem:s28], [sflag:$0x5], $0x1000, $0x38;
	[tilespmem:$0x1E000] =	vst v63  }
0x7e: {  	_ =	swait.ge [sflag:s31], $0x1000  }
0x7f: {  	[sflag:s31] =	ssyncset.done $0x0  }
0x80: {  	s3 =	rddreg [dreg:$0x1b];
	[sflag:s31] =	ssyncadd.s32 $0xFFFFF000  }
0x81: {  	[spmem:s3] =	stream.linear.scatter [tilespmem:s28], [sflag:$0x5], $0x1000, $0x38;
	[tilespmem:$0x1E000] =	vst v63  }
0x82: {  	_ =	swait.ge [sflag:s31], $0x1000  }
0x83: {  	[sflag:s31] =	ssyncset.done $0x0  }
0x84: {  	[sflag:s31] =	ssyncadd.s32 $0xFFFFF000  }
0x85: {  	[bflag:$0x0] =	sbarrier.arrive $0xFFFF  }
0x86: {  	s26 =	rddreg [dreg:$0x18]  }
0x87: {  	s29 =	simm.s32 $0x0;
	s0 =	simm.s32 $0x0;
	s28 =	rddreg [dreg:$0x15]  }
.LBB2_4:
0x88: {  	[tilespmem:s1], [sflag:$0x5] =	stream.linear.gather [hbm4b:s26+s0], $0x800, $0x38;
	[tilespmem:$0x1E000] =	vst v63  }
0x89: {  	_ =	swait.ge [sflag:s31], $0x800  }
0x8a: {  	[sflag:s31] =	ssyncset.done $0x0  }
0x8b: {  	[sflag:s31] =	ssyncadd.s32 $0xFFFFF800  }
0x8c: {  	[tilespmem:s25], [sflag:$0x5] =	stream.linear.gather [hbm4b:s28+s0], $0x800, $0x38;
	[tilespmem:$0x1E000] =	vst v63  }
0x8d: {  	_ =	swait.ge [sflag:s31], $0x800  }
0x8e: {  	[sflag:s31] =	ssyncset.done $0x0  }
0x8f: {  	[sflag:s31] =	ssyncadd.s32 $0xFFFFF800  }
0x90: {  	[tilespmem:s7], [sflag:$0x1] =	stream.indirect.gather [hbm4b:s4+s6], $0x80, s1, s6, $0xb8;
	[tilespmem:$0x1E000] =	vst v63  }
0x91: {  	s3 =	simm.s32 $0x14080  }
0x92: {  	[tilespmem:s9], [sflag:$0x2] =	stream.indirect.gather [hbm4b:s4+s6], $0x80, s3, s6, $0xb8;
	[tilespmem:$0x1E000] =	vst v63  }
0x93: {  	_ =	swait.ge [sflag:s10], $0x4000  }
0x94: {  	[sflag:s10] =	ssyncset.done $0x0  }
0x95: {  	[sflag:s10] =	ssyncadd.s32 $0xFFFFC000  }
0x96: {  	[spmem:s2] =	stream.indirect.scatter.add.f32 [tilespmem:s7], [sflag:$0x3], $0x80, s25, s6, $0xb8;
	[tilespmem:$0x1E000] =	vst v63  }
0x97: {  	_ =	swait.ge [sflag:s11], $0x4000  }
0x98: {  	[sflag:s11] =	ssyncset.done $0x0  }
0x99: {  	s3 =	simm.s32 $0x14880;
	[sflag:s11] =	ssyncadd.s32 $0xFFFFC000  }
0x9a: {  	[spmem:s2] =	stream.indirect.scatter.add.f32 [tilespmem:s9], [sflag:$0x4], $0x80, s3, s6, $0xb8;
	[tilespmem:$0x1E000] =	vst v63  }
0x9b: {  	_ =	swait.ge [sflag:s13], $0x4000  }
0x9c: {  	[sflag:s13] =	ssyncset.done $0x0  }
0x9d: {  	s3 =	simm.s32 $0x14100;
	[sflag:s13] =	ssyncadd.s32 $0xFFFFC000  }
0x9e: {  	[tilespmem:s7], [sflag:$0x1] =	stream.indirect.gather [hbm4b:s4+s6], $0x80, s3, s6, $0xb8;
	[tilespmem:$0x1E000] =	vst v63  }
0x9f: {  	_ =	swait.ge [sflag:s10], $0x4000  }
0xa0: {  	[sflag:s10] =	ssyncset.done $0x0  }
0xa1: {  	s3 =	simm.s32 $0x14900;
	[sflag:s10] =	ssyncadd.s32 $0xFFFFC000  }
0xa2: {  	[spmem:s2] =	stream.indirect.scatter.add.f32 [tilespmem:s7], [sflag:$0x3], $0x80, s3, s6, $0xb8;
	[tilespmem:$0x1E000] =	vst v63  }
0xa3: {  	_ =	swait.ge [sflag:s16], $0x4000  }
0xa4: {  	[sflag:s16] =	ssyncset.done $0x0  }
0xa5: {  	s3 =	simm.s32 $0x14180;
	[sflag:s16] =	ssyncadd.s32 $0xFFFFC000  }
0xa6: {  	[tilespmem:s9], [sflag:$0x2] =	stream.indirect.gather [hbm4b:s4+s6], $0x80, s3, s6, $0xb8;
	[tilespmem:$0x1E000] =	vst v63  }
0xa7: {  	_ =	swait.ge [sflag:s11], $0x4000  }
0xa8: {  	[sflag:s11] =	ssyncset.done $0x0  }
0xa9: {  	s3 =	simm.s32 $0x14980;
	[sflag:s11] =	ssyncadd.s32 $0xFFFFC000  }
0xaa: {  	[spmem:s2] =	stream.indirect.scatter.add.f32 [tilespmem:s9], [sflag:$0x4], $0x80, s3, s6, $0xb8;
	[tilespmem:$0x1E000] =	vst v63  }
0xab: {  	_ =	swait.ge [sflag:s13], $0x4000  }
0xac: {  	[sflag:s13] =	ssyncset.done $0x0  }
0xad: {  	s3 =	simm.s32 $0x14200;
	[sflag:s13] =	ssyncadd.s32 $0xFFFFC000  }
0xae: {  	[tilespmem:s7], [sflag:$0x1] =	stream.indirect.gather [hbm4b:s4+s6], $0x80, s3, s6, $0xb8;
	[tilespmem:$0x1E000] =	vst v63  }
0xaf: {  	_ =	swait.ge [sflag:s10], $0x4000  }
0xb0: {  	[sflag:s10] =	ssyncset.done $0x0  }
0xb1: {  	s3 =	simm.s32 $0x14A00;
	[sflag:s10] =	ssyncadd.s32 $0xFFFFC000  }
0xb2: {  	[spmem:s2] =	stream.indirect.scatter.add.f32 [tilespmem:s7], [sflag:$0x3], $0x80, s3, s6, $0xb8;
	[tilespmem:$0x1E000] =	vst v63  }
0xb3: {  	_ =	swait.ge [sflag:s16], $0x4000  }
0xb4: {  	[sflag:s16] =	ssyncset.done $0x0  }
0xb5: {  	s3 =	simm.s32 $0x14280;
	[sflag:s16] =	ssyncadd.s32 $0xFFFFC000  }
0xb6: {  	[tilespmem:s9], [sflag:$0x2] =	stream.indirect.gather [hbm4b:s4+s6], $0x80, s3, s6, $0xb8;
	[tilespmem:$0x1E000] =	vst v63  }
0xb7: {  	_ =	swait.ge [sflag:s11], $0x4000  }
0xb8: {  	[sflag:s11] =	ssyncset.done $0x0  }
0xb9: {  	s3 =	simm.s32 $0x14A80;
	[sflag:s11] =	ssyncadd.s32 $0xFFFFC000  }
0xba: {  	[spmem:s2] =	stream.indirect.scatter.add.f32 [tilespmem:s9], [sflag:$0x4], $0x80, s3, s6, $0xb8;
	[tilespmem:$0x1E000] =	vst v63  }
0xbb: {  	_ =	swait.ge [sflag:s13], $0x4000  }
0xbc: {  	[sflag:s13] =	ssyncset.done $0x0  }
0xbd: {  	s3 =	simm.s32 $0x14300;
	[sflag:s13] =	ssyncadd.s32 $0xFFFFC000  }
0xbe: {  	[tilespmem:s7], [sflag:$0x1] =	stream.indirect.gather [hbm4b:s4+s6], $0x80, s3, s6, $0xb8;
	[tilespmem:$0x1E000] =	vst v63  }
0xbf: {  	_ =	swait.ge [sflag:s10], $0x4000  }
0xc0: {  	[sflag:s10] =	ssyncset.done $0x0  }
0xc1: {  	s3 =	simm.s32 $0x14B00;
	[sflag:s10] =	ssyncadd.s32 $0xFFFFC000  }
0xc2: {  	[spmem:s2] =	stream.indirect.scatter.add.f32 [tilespmem:s7], [sflag:$0x3], $0x80, s3, s6, $0xb8;
	[tilespmem:$0x1E000] =	vst v63  }
0xc3: {  	_ =	swait.ge [sflag:s16], $0x4000  }
0xc4: {  	[sflag:s16] =	ssyncset.done $0x0  }
0xc5: {  	s3 =	simm.s32 $0x14380;
	[sflag:s16] =	ssyncadd.s32 $0xFFFFC000  }
0xc6: {  	[tilespmem:s9], [sflag:$0x2] =	stream.indirect.gather [hbm4b:s4+s6], $0x80, s3, s6, $0xb8;
	[tilespmem:$0x1E000] =	vst v63  }
0xc7: {  	_ =	swait.ge [sflag:s11], $0x4000  }
0xc8: {  	[sflag:s11] =	ssyncset.done $0x0  }
0xc9: {  	s3 =	simm.s32 $0x14B80;
	[sflag:s11] =	ssyncadd.s32 $0xFFFFC000  }
0xca: {  	[spmem:s2] =	stream.indirect.scatter.add.f32 [tilespmem:s9], [sflag:$0x4], $0x80, s3, s6, $0xb8;
	[tilespmem:$0x1E000] =	vst v63  }
0xcb: {  	_ =	swait.ge [sflag:s13], $0x4000  }
0xcc: {  	[sflag:s13] =	ssyncset.done $0x0  }
0xcd: {  	s3 =	simm.s32 $0x14400;
	[sflag:s13] =	ssyncadd.s32 $0xFFFFC000  }
0xce: {  	[tilespmem:s7], [sflag:$0x1] =	stream.indirect.gather [hbm4b:s4+s6], $0x80, s3, s6, $0xb8;
	[tilespmem:$0x1E000] =	vst v63  }
0xcf: {  	_ =	swait.ge [sflag:s10], $0x4000  }
0xd0: {  	[sflag:s10] =	ssyncset.done $0x0  }
0xd1: {  	s3 =	simm.s32 $0x14C00;
	[sflag:s10] =	ssyncadd.s32 $0xFFFFC000  }
0xd2: {  	[spmem:s2] =	stream.indirect.scatter.add.f32 [tilespmem:s7], [sflag:$0x3], $0x80, s3, s6, $0xb8;
	[tilespmem:$0x1E000] =	vst v63  }
0xd3: {  	_ =	swait.ge [sflag:s16], $0x4000  }
0xd4: {  	[sflag:s16] =	ssyncset.done $0x0  }
0xd5: {  	[sflag:s16] =	ssyncadd.s32 $0xFFFFC000  }
0xd6: {  	[tilespmem:s9], [sflag:$0x2] =	stream.indirect.gather [hbm4b:s4+s6], $0x80, s5, s6, $0xb8;
	[tilespmem:$0x1E000] =	vst v63  }
0xd7: {  	_ =	swait.ge [sflag:s11], $0x4000  }
0xd8: {  	[sflag:s11] =	ssyncset.done $0x0  }
0xd9: {  	[sflag:s11] =	ssyncadd.s32 $0xFFFFC000  }
0xda: {  	[spmem:s2] =	stream.indirect.scatter.add.f32 [tilespmem:s9], [sflag:$0x4], $0x80, s30, s6, $0xb8;
	[tilespmem:$0x1E000] =	vst v63  }
0xdb: {  	_ =	swait.ge [sflag:s13], $0x4000  }
0xdc: {  	[sflag:s13] =	ssyncset.done $0x0  }
0xdd: {  	[sflag:s13] =	ssyncadd.s32 $0xFFFFC000  }
0xde: {  	[tilespmem:s7], [sflag:$0x1] =	stream.indirect.gather [hbm4b:s4+s6], $0x80, s8, s6, $0xb8;
	[tilespmem:$0x1E000] =	vst v63  }
0xdf: {  	_ =	swait.ge [sflag:s10], $0x4000  }
0xe0: {  	[sflag:s10] =	ssyncset.done $0x0  }
0xe1: {  	[sflag:s10] =	ssyncadd.s32 $0xFFFFC000  }
0xe2: {  	[spmem:s2] =	stream.indirect.scatter.add.f32 [tilespmem:s7], [sflag:$0x3], $0x80, s12, s6, $0xb8;
	[tilespmem:$0x1E000] =	vst v63  }
0xe3: {  	_ =	swait.ge [sflag:s16], $0x4000  }
0xe4: {  	[sflag:s16] =	ssyncset.done $0x0  }
0xe5: {  	[sflag:s16] =	ssyncadd.s32 $0xFFFFC000  }
0xe6: {  	[tilespmem:s9], [sflag:$0x2] =	stream.indirect.gather [hbm4b:s4+s6], $0x80, s14, s6, $0xb8;
	[tilespmem:$0x1E000] =	vst v63  }
0xe7: {  	_ =	swait.ge [sflag:s11], $0x4000  }
0xe8: {  	[sflag:s11] =	ssyncset.done $0x0  }
0xe9: {  	[sflag:s11] =	ssyncadd.s32 $0xFFFFC000  }
0xea: {  	[spmem:s2] =	stream.indirect.scatter.add.f32 [tilespmem:s9], [sflag:$0x4], $0x80, s15, s6, $0xb8;
	[tilespmem:$0x1E000] =	vst v63  }
0xeb: {  	_ =	swait.ge [sflag:s13], $0x4000  }
0xec: {  	[sflag:s13] =	ssyncset.done $0x0  }
0xed: {  	[sflag:s13] =	ssyncadd.s32 $0xFFFFC000  }
0xee: {  	[tilespmem:s7], [sflag:$0x1] =	stream.indirect.gather [hbm4b:s4+s6], $0x80, s17, s6, $0xb8;
	[tilespmem:$0x1E000] =	vst v63  }
0xef: {  	_ =	swait.ge [sflag:s10], $0x4000  }
0xf0: {  	[sflag:s10] =	ssyncset.done $0x0  }
0xf1: {  	[sflag:s10] =	ssyncadd.s32 $0xFFFFC000  }
0xf2: {  	[spmem:s2] =	stream.indirect.scatter.add.f32 [tilespmem:s7], [sflag:$0x3], $0x80, s18, s6, $0xb8;
	[tilespmem:$0x1E000] =	vst v63  }
0xf3: {  	_ =	swait.ge [sflag:s16], $0x4000  }
0xf4: {  	[sflag:s16] =	ssyncset.done $0x0  }
0xf5: {  	[sflag:s16] =	ssyncadd.s32 $0xFFFFC000  }
0xf6: {  	[tilespmem:s9], [sflag:$0x2] =	stream.indirect.gather [hbm4b:s4+s6], $0x80, s19, s6, $0xb8;
	[tilespmem:$0x1E000] =	vst v63  }
0xf7: {  	_ =	swait.ge [sflag:s11], $0x4000  }
0xf8: {  	[sflag:s11] =	ssyncset.done $0x0  }
0xf9: {  	[sflag:s11] =	ssyncadd.s32 $0xFFFFC000  }
0xfa: {  	[spmem:s2] =	stream.indirect.scatter.add.f32 [tilespmem:s9], [sflag:$0x4], $0x80, s20, s6, $0xb8;
	[tilespmem:$0x1E000] =	vst v63  }
0xfb: {  	_ =	swait.ge [sflag:s13], $0x4000  }
0xfc: {  	[sflag:s13] =	ssyncset.done $0x0  }
0xfd: {  	[sflag:s13] =	ssyncadd.s32 $0xFFFFC000  }
0xfe: {  	[tilespmem:s7], [sflag:$0x1] =	stream.indirect.gather [hbm4b:s4+s6], $0x80, s21, s6, $0xb8;
	[tilespmem:$0x1E000] =	vst v63  }
0xff: {  	_ =	swait.ge [sflag:s10], $0x4000  }
0x100: {  	[sflag:s10] =	ssyncset.done $0x0  }
0x101: {  	[sflag:s10] =	ssyncadd.s32 $0xFFFFC000  }
0x102: {  	[spmem:s2] =	stream.indirect.scatter.add.f32 [tilespmem:s7], [sflag:$0x3], $0x80, s23, s6, $0xb8;
	[tilespmem:$0x1E000] =	vst v63  }
0x103: {  	_ =	swait.ge [sflag:s16], $0x4000  }
0x104: {  	[sflag:s16] =	ssyncset.done $0x0  }
0x105: {  	[sflag:s16] =	ssyncadd.s32 $0xFFFFC000  }
0x106: {  	[tilespmem:s9], [sflag:$0x2] =	stream.indirect.gather [hbm4b:s4+s6], $0x80, s24, s6, $0xb8;
	[tilespmem:$0x1E000] =	vst v63  }
0x107: {  	_ =	swait.ge [sflag:s11], $0x4000  }
0x108: {  	[sflag:s11] =	ssyncset.done $0x0  }
0x109: {  	p1 =	slt.u32 @!p0 s29, $0x8;
	[sflag:s11] =	ssyncadd.s32 $0xFFFFC000  }
0x10a: {  	[spmem:s2] =	stream.indirect.scatter.add.f32 [tilespmem:s9], [sflag:$0x4], $0x80, s22, s6, $0xb8;
	[tilespmem:$0x1E000] =	vst v63  }
0x10b: {  	p1 =	por p0, !p1;
	_ =	swait.ge [sflag:s13], $0x4000  }
.Ltmp1:
0x10c: {  	[sflag:s13] =	ssyncset.done $0x0;
	(pc) =	sbr.rel @!p1 .LBB2_4-.Ltmp1, $4  }
0x10d: {  	[sflag:s13] =	ssyncadd.s32 $0xFFFFC000  }
0x10e: {  	_ =	swait.ge [sflag:s16], $0x4000  }
0x10f: {  	s29 =	sadd.s32 $0x1, s29;
	[sflag:s16] =	ssyncset.done $0x0  }
0x110: {  	s26 =	sadd.s32 $0x100, s26;
	s28 =	sadd.s32 $0x100, s28;
	[sflag:s16] =	ssyncadd.s32 $0xFFFFC000  }
0x111: {  	s26 =	stileid.u32;
	[bflag:$0x0] =	sbarrier.arrive $0xFFFF  }
0x112: {  	s26 =	sshll.u32 s26, $0x6;
	s3 =	rddreg [dreg:$0x4]  }
0x113: {  	s29 =	rddreg [dreg:$0x5];
	s26 =	sor.u32 $0x1C05, s26;
	s28 =	sshrl.u32 s3, $0x3  }
0x114: {  	[hbm:s29], [sflag:s26] =	dma.local [spmem:s28], $0x2800  }
0x115: {  	_ =	swait.ge [sflag:s31], $0x2800  }
0x116: {  	s0 =	rddreg [dreg:$0x1c]  }
0x117: {  	s29 =	rddreg [dreg:$0x6];
	s0 =	sadd.s32 $0x1, s0  }
0x118: {  	p1 =	sne.s32 s0, s29  }
.Ltmp2:
0x119: {  	_ = 	snop;
	(pc) =	sbr.rel @p1 .LBB2_1-.Ltmp2, $3  }
0x11a: {  	_ =	sdelay $0x1  }
0x11b: {  	[sflag:s31] =	ssyncset.done $0x0  }
0x11c: {  	[sflag:s31] =	ssyncadd.s32 $0xFFFFD800  }
0x11d: {  	_ =	sfence.sel $0x180000  }
0x11e: {  	[bflag:$0x0] =	sbarrier.arrive $0xFFFF  }
0x11f: {  	_ =	strace $0x9000004A  }
0x120: {  	s0 =	stileid.u32;
	[bflag:$0x2] =	sbarrier.arrive $0xFFFF  }
0x121: {  	p0 =	sne.s32 s0, $0x0;
	s0 =	rddreg [dreg:$0x3]  }
0x122: {  	s0 =	sadd.s32 @!p0 $0x100000, s0  }
0x123: {  	[sflag:s0] =	ssyncadd.tile.s32 @!p0 $0x1;
	_ =	shalt  }
.Lfunc_end2:
_tile_overlayer_lowered:
.L_overlay_start_2:
0x124: {  	(tag) =	ssettag $0x2  }
0x125: {  	s0 =	rddreg [dreg:$0x0];
	s2 =	stileid.u32  }
0x126: {  	s1 =	rddreg [dreg:$0x1];
	p0 =	sne.s32 s2, $0x0  }
0x127: {  	s3 =	rddreg [dreg:$0x2];
	[bflag:$0x3] =	sbarrier.arrive $0xFFFF;
	s2 =	simm.s32 @!p0 $0x1C05  }
0x128: {  	[timem:s3], [sflag:s2] =	dma.local @!p0 [hbm:s0], s1  }
0x129: {  	s0 =	simm.s32 @!p0 $0x5  }
0x12a: {  	_ =	swait.ge @!p0 [sflag:s0], s1  }
0x12b: {  	s1 =	ssub.s32 @!p0 $0x0, s1;
	[sflag:s0] =	ssyncset.done @!p0 $0x0  }
0x12c: {  	[sflag:s0] =	ssyncadd.s32 @!p0 s1  }
0x12d: {  	[bflag:$0x3] =	sbarrier.arrive $0xFFFF  }
0x12e: {  	_ =	shalt  }

</sc_bundles>
